<compile_context>
chip_gen: v7x
topology: tpu7x:2x2x1
jax: 0.10.2.dev20260603
libtpu: 0.0.44.dev20260713+nightly
codegen_flags: <defaults>
</compile_context>

<pallas_src>
import functools

import jax
import jax.numpy as jnp
from jax import lax
from jax.experimental import pallas as pl
from jax.experimental.pallas import tpu as pltpu
from jax.experimental.pallas import tpu_sc as plsc

PATCH = 16
K = 1024
NUM_CLASSES = 10
CPAD = 16
NC, NS = 2, 16


def _tok_body(x_ref, c_ref, o_ref):
    nb = x_ref.shape[0]
    p = PATCH
    gg = x_ref.shape[1] // p
    pp = gg * gg
    x = x_ref[...]
    patches = (x.reshape(nb, gg, p, gg, p)
               .transpose(0, 1, 3, 2, 4)
               .reshape(nb * pp, p * p))
    c = c_ref[...]
    xc = lax.dot_general(c, patches, (((1,), (1,)), ((), ())),
                         preferred_element_type=jnp.float32)
    c2 = jnp.sum(c * c, axis=1)
    dist = c2[:, None] - 2.0 * xc
    tok = jnp.argmin(dist, axis=0).astype(jnp.int32)
    g = lax.broadcasted_iota(jnp.int32, (nb * pp,), 0)
    idx = tok + (g % pp) * K
    o_ref[...] = idx.reshape(1, 1, nb * pp)


IMGS_BLK = 4


def _tc_tokens(inputs, centers, half, n_halves):
    b, hh, ww = inputs.shape
    pp = (hh // PATCH) * (ww // PATCH)
    bh = b // n_halves
    grid = bh // IMGS_BLK
    base = half * grid
    npr = IMGS_BLK * pp
    out = pl.pallas_call(
        _tok_body,
        grid=(grid,),
        in_specs=[
            pl.BlockSpec((IMGS_BLK, hh, ww), lambda i: (i + base, 0, 0)),
            pl.BlockSpec(centers.shape, lambda i: (0, 0)),
        ],
        out_specs=pl.BlockSpec((1, 1, npr), lambda i: (i, 0, 0)),
        out_shape=jax.ShapeDtypeStruct((grid, 1, npr), jnp.int32),
    )(inputs, centers)
    return out.reshape(bh * pp)


_PK = 196 * K
_VALID = 196


def _sc_body(idx_hbm, table_hbm, out_hbm, idx_v, idxc_v, rows_v, acc_v, sem):
    cid = lax.axis_index("c")
    sid = lax.axis_index("s")
    wid = sid * NC + cid
    n_b = idx_hbm.shape[0]
    b_per_w = n_b // (NC * NS)
    lane = lax.iota(jnp.int32, CPAD)

    nch = 13

    def src_chunk(i, j):
        if j < 8:
            return idx_v[i, 0, pl.ds(16 * j, 16)]
        return idx_v[i, 1, pl.ds(16 * (j - 8), 16)]

    def build_and_fire(i):
        b = wid * b_per_w + i
        pltpu.sync_copy(idx_hbm.at[b], idx_v.at[i])
        for c in range(NUM_CLASSES):
            off = jnp.full((CPAD,), c * _PK, jnp.int32)
            for j in range(nch):
                idxc_v[i, pl.ds(c * 16 * nch + 16 * j, 16)] = (
                    src_chunk(i, j) + off)
        half = NUM_CLASSES * 16 * nch // 2
        return [
            pltpu.async_copy(table_hbm.at[idxc_v.at[i, pl.ds(0, half)]],
                             rows_v.at[i, pl.ds(0, half)], sem),
            pltpu.async_copy(table_hbm.at[idxc_v.at[i, pl.ds(half, half)]],
                             rows_v.at[i, pl.ds(half, half)], sem),
        ]

    def reduce_and_store(i, cps):
        b = wid * b_per_w + i
        for cp in cps:
            cp.wait()
        out_acc = jnp.zeros((CPAD,), jnp.float32)
        for c in range(NUM_CLASSES):
            a0 = jnp.zeros((CPAD,), jnp.float32)
            a1 = jnp.zeros((CPAD,), jnp.float32)
            base = c * 16 * nch
            for j in range(0, nch - 1, 2):
                a0 = a0 + rows_v[i, pl.ds(base + 16 * j, 16)]
                a1 = a1 + rows_v[i, pl.ds(base + 16 * (j + 1), 16)]
            tail = rows_v[i, pl.ds(base + 16 * (nch - 1), 16)]
            a1 = a1 + jnp.where(lane < _VALID - 16 * (nch - 1), tail, 0.0)
            s = jnp.sum(a0 + a1)
            out_acc = out_acc + jnp.where(lane == c, s, 0.0)
        acc_v[...] = out_acc
        pltpu.sync_copy(acc_v, out_hbm.at[b])

    cps = [build_and_fire(i) for i in range(b_per_w)]
    for i in range(b_per_w):
        reduce_and_store(i, cps[i])


def _sc_logits(idx, table_flat):
    n_b = idx.shape[0]
    b_per_w = n_b // (NC * NS)
    mesh = plsc.VectorSubcoreMesh(core_axis_name="c", subcore_axis_name="s")
    f = functools.partial(
        pl.kernel,
        mesh=mesh,
        out_type=jax.ShapeDtypeStruct((n_b, CPAD), jnp.float32),
        scratch_types=[
            pltpu.VMEM((b_per_w, 2, 128), jnp.int32),
            pltpu.VMEM((b_per_w, NUM_CLASSES * 16 * 13), jnp.int32),
            pltpu.VMEM((b_per_w, NUM_CLASSES * 16 * 13), jnp.float32),
            pltpu.VMEM((CPAD,), jnp.float32),
            pltpu.SemaphoreType.DMA,
        ],
        compiler_params=pltpu.CompilerParams(use_tc_tiling_on_sc=False,
                                             needs_layout_passes=False),
    )(_sc_body)
    return f(idx, table_flat)


def kernel(inputs, centers, class_log_probs):
    b, h, w = inputs.shape
    pp = (h // PATCH) * (w // PATCH)
    nh = 2
    bh = b // nh
    flat = class_log_probs.reshape(-1)
    outs = []
    for half in range(nh):
        idx = _tc_tokens(inputs, centers, half, nh)
        idx = jnp.pad(idx.reshape(bh, pp),
                      ((0, 0), (0, 256 - pp))).reshape(bh, 2, 128)
        outs.append(_sc_logits(idx, flat))
    return jnp.concatenate(outs, axis=0)[:, :NUM_CLASSES]

# --- scband reference (transcript-rebuilt; emitter-appended) ---
"""Pipeline reference for scband-cclsystem-63934883168721 (READ-ONLY COPY).

The authoritative reference and input builder live on the scoring server;
editing this copy changes nothing except your own understanding.
"""

import jax, jax.numpy as jnp
import numpy as np

K = 1024
PATCH = 16
NUM_CLASSES = 10
B = 64
HW = 224

def setup_inputs(seed: int = 0) -> dict:
    key = jax.random.key(seed)
    k1, k2, k3 = jax.random.split(key, 3)
    inputs = jax.random.uniform(k1, (B, HW, HW), dtype=jnp.float32)
    # learned k-means centers over flattened 16x16 patches (code_dim = 256)
    centers = jax.random.normal(k2, (K, PATCH * PATCH), dtype=jnp.float32) * 0.1 + 0.5
    # per-class token count models: log p(token | class, grid position)
    P = (HW // PATCH) * (HW // PATCH)
    class_log_probs = jax.nn.log_softmax(
        jax.random.normal(k3, (NUM_CLASSES, P, K), dtype=jnp.float32), axis=-1)
    return {"inputs": inputs, "centers": centers, "class_log_probs": class_log_probs}

def reference(inputs, centers, class_log_probs):
    # --- PatchKMeansVQ.tokenize: non-overlapping patch extraction + nearest-center VQ ---
    Bn, H, W = inputs.shape
    p = PATCH
    gh, gw = H // p, W // p
    patches = inputs.reshape(Bn, gh, p, gw, p).transpose(0, 1, 3, 2, 4).reshape(Bn, gh * gw, p * p)
    x2 = jnp.sum(patches * patches, axis=-1, keepdims=True)            # [B, P, 1]
    c2 = jnp.sum(centers * centers, axis=-1)[None, None, :]            # [1, 1, K]
    xc = jnp.einsum('bpd,kd->bpk', patches, centers)                   # [B, P, K]
    dist = x2 - 2.0 * xc + c2
    tokens = jnp.argmin(dist, axis=-1)                                 # [B, P] int
    # --- loglik_grids per ClassCountsModel: sum of per-position token log-probs ---
    # class_log_probs: [C, P, K]; gather log p(token) per class per position
    lg = jnp.take_along_axis(class_log_probs[None], tokens[:, None, :, None], axis=3)  # [B, C, P, 1]
    logits = jnp.sum(lg[..., 0], axis=-1).astype(jnp.float32)          # [B, C]
    return logits

if __name__ == "__main__":
    import jax
    _d = setup_inputs()
    print(jax.jit(kernel)(*tuple(_d.values())))

</pallas_src>

<mosaic_0001>
#map = affine_map<(d0, d1) -> (0, 0, 0)>
#map1 = affine_map<(d0, d1) -> (0)>
#map2 = affine_map<(d0, d1) -> (0, 0)>
module attributes {stable_mosaic.version = 14 : i64} {
  func.func @_sc_body(%arg0: i32, %arg1: i32, %arg2: memref<32x2x128xi32, #tpu.memory_space<hbm>>, %arg3: memref<2007040xf32, #tpu.memory_space<hbm>>, %arg4: memref<32x16xf32, #tpu.memory_space<hbm>>, %arg5: memref<1x2x128xi32, #tpu.memory_space<vmem>>, %arg6: memref<1x2080xi32, #tpu.memory_space<vmem>>, %arg7: memref<1x2080xf32, #tpu.memory_space<vmem>>, %arg8: memref<16xf32, #tpu.memory_space<vmem>>, %arg9: memref<!tpu.dma_semaphore, #tpu.memory_space<semaphore_mem>>) attributes {dimension_semantics = [#tpu.dimension_semantics<core_parallel>, #tpu.dimension_semantics<subcore_parallel>], iteration_bounds = array<i64: 2, 16>, scalar_prefetch = 0 : i64, scratch_operands = 5 : i64, tpu.core_type = #tpu.core_type<sc_vector_subcore>, window_params = [{transform_indices = #map}, {transform_indices = #map1}, {transform_indices = #map2}]} {
    %mul3A = arith.constant 2 : i32
    %mul3A_0 = arith.muli %arg1, %mul3A : i32
    %add3A = arith.addi %mul3A_0, %arg0 : i32
    %iota3A = tpu.iota {dimensions = array<i32: 0>} : vector<16xi32>
    %mul3A_1 = arith.constant 1 : i32
    %mul3A_2 = arith.muli %add3A, %mul3A_1 : i32
    %add3A_3 = arith.constant 0 : i32
    %add3A_4 = arith.addi %mul3A_2, %add3A_3 : i32
    %run_scoped3A = arith.constant 0 : i32
    "tpu.region"() ({
      %run_scoped3A_2373 = tpu.sem_alloc : memref<!tpu.dma_semaphore, #tpu.memory_space<semaphore_mem>>
      %dma_start3A_2374 = arith.constant 0 : i32
      %dma_start3A_2375 = arith.constant 0 : i32
      %dma_start3A_2376 = tpu.memref_slice %arg5[%run_scoped3A, %dma_start3A_2374, %dma_start3A_2375] : memref<1x2x128xi32, #tpu.memory_space<vmem>> -> memref<1x2x128xi32, #tpu.memory_space<vmem>>
      %dma_start3A_2377 = tpu.memref_squeeze %dma_start3A_2376 : memref<1x2x128xi32, #tpu.memory_space<vmem>> -> memref<2x128xi32, #tpu.memory_space<vmem>>
      %dma_start3A_2378 = arith.constant 0 : i32
      %dma_start3A_2379 = arith.constant 0 : i32
      %dma_start3A_2380 = tpu.memref_slice %arg2[%add3A_4, %dma_start3A_2378, %dma_start3A_2379] : memref<32x2x128xi32, #tpu.memory_space<hbm>> -> memref<1x2x128xi32, #tpu.memory_space<hbm>>
      %dma_start3A_2381 = tpu.memref_squeeze %dma_start3A_2380 : memref<1x2x128xi32, #tpu.memory_space<hbm>> -> memref<2x128xi32, #tpu.memory_space<hbm>>
      %dma_start3A_2382 = arith.constant 0 : i32
      %dma_start3A_2383 = arith.constant 0 : i32
      %dma_start3A_2384 = tpu.memref_slice %arg5[%run_scoped3A, %dma_start3A_2382, %dma_start3A_2383] : memref<1x2x128xi32, #tpu.memory_space<vmem>> -> memref<1x2x128xi32, #tpu.memory_space<vmem>>
      %dma_start3A_2385 = tpu.memref_squeeze %dma_start3A_2384 : memref<1x2x128xi32, #tpu.memory_space<vmem>> -> memref<2x128xi32, #tpu.memory_space<vmem>>
      %dma_start3A_2386 = arith.constant 0 : i32
      %dma_start3A_2387 = arith.constant 0 : i32
      %dma_start3A_2388 = tpu.memref_slice %arg2[%add3A_4, %dma_start3A_2386, %dma_start3A_2387] : memref<32x2x128xi32, #tpu.memory_space<hbm>> -> memref<1x2x128xi32, #tpu.memory_space<hbm>>
      %dma_start3A_2389 = tpu.memref_squeeze %dma_start3A_2388 : memref<1x2x128xi32, #tpu.memory_space<hbm>> -> memref<2x128xi32, #tpu.memory_space<hbm>>
      tpu.enqueue_dma source(%dma_start3A_2389 : memref<2x128xi32, #tpu.memory_space<hbm>>) target(%dma_start3A_2385 : memref<2x128xi32, #tpu.memory_space<vmem>>) target_semaphore(%run_scoped3A_2373 : memref<!tpu.dma_semaphore, #tpu.memory_space<semaphore_mem>>)
      %dma_wait3A_2390 = arith.constant 0 : i32
      %dma_wait3A_2391 = arith.constant 0 : i32
      %dma_wait3A_2392 = tpu.memref_slice %arg5[%run_scoped3A, %dma_wait3A_2390, %dma_wait3A_2391] : memref<1x2x128xi32, #tpu.memory_space<vmem>> -> memref<1x2x128xi32, #tpu.memory_space<vmem>>
      %dma_wait3A_2393 = tpu.memref_squeeze %dma_wait3A_2392 : memref<1x2x128xi32, #tpu.memory_space<vmem>> -> memref<2x128xi32, #tpu.memory_space<vmem>>
      %dma_wait3A_2394 = arith.constant 0 : i32
      %dma_wait3A_2395 = arith.constant 0 : i32
      %dma_wait3A_2396 = tpu.memref_slice %arg2[%add3A_4, %dma_wait3A_2394, %dma_wait3A_2395] : memref<32x2x128xi32, #tpu.memory_space<hbm>> -> memref<1x2x128xi32, #tpu.memory_space<hbm>>
      %dma_wait3A_2397 = tpu.memref_squeeze %dma_wait3A_2396 : memref<1x2x128xi32, #tpu.memory_space<hbm>> -> memref<2x128xi32, #tpu.memory_space<hbm>>
      %dma_wait3A_2398 = arith.constant 0 : i32
      %dma_wait3A_2399 = arith.constant 0 : i32
      %dma_wait3A_2400 = tpu.memref_slice %arg5[%run_scoped3A, %dma_wait3A_2398, %dma_wait3A_2399] : memref<1x2x128xi32, #tpu.memory_space<vmem>> -> memref<1x2x128xi32, #tpu.memory_space<vmem>>
      %dma_wait3A_2401 = tpu.memref_squeeze %dma_wait3A_2400 : memref<1x2x128xi32, #tpu.memory_space<vmem>> -> memref<2x128xi32, #tpu.memory_space<vmem>>
      %dma_wait3A_2402 = arith.constant 0 : i32
      %dma_wait3A_2403 = arith.constant 0 : i32
      %dma_wait3A_2404 = tpu.memref_slice %arg2[%add3A_4, %dma_wait3A_2402, %dma_wait3A_2403] : memref<32x2x128xi32, #tpu.memory_space<hbm>> -> memref<1x2x128xi32, #tpu.memory_space<hbm>>
      %dma_wait3A_2405 = tpu.memref_squeeze %dma_wait3A_2404 : memref<1x2x128xi32, #tpu.memory_space<hbm>> -> memref<2x128xi32, #tpu.memory_space<hbm>>
      tpu.wait_dma2 semaphore(%run_scoped3A_2373 : memref<!tpu.dma_semaphore, #tpu.memory_space<semaphore_mem>>) src(%dma_wait3A_2405 : memref<2x128xi32, #tpu.memory_space<hbm>>) dst(%dma_wait3A_2401 : memref<2x128xi32, #tpu.memory_space<vmem>>)
      tpu.yield
    }) : () -> ()
    %broadcast_in_dim3A = arith.constant 0 : i32
    %broadcast_in_dim3A_5 = vector.broadcast %broadcast_in_dim3A : i32 to vector<16xi32>
    %get3A = arith.constant 0 : i32
    %get3A_6 = arith.constant 0 : i32
    %get3A_7 = arith.index_cast %get3A : i32 to index
    %get3A_8 = arith.index_cast %get3A_6 : i32 to index
    %get3A_9 = arith.constant 0 : index
    %get3A_10 = tpu.vector_load %arg5[%get3A_7, %get3A_8, %get3A_9] {strides = array<i32>} : memref<1x2x128xi32, #tpu.memory_space<vmem>>, vector<16xi32>,
    %add3A_11 = arith.addi %get3A_10, %broadcast_in_dim3A_5 : vector<16xi32>
    %swap3A = arith.constant 0 : i32
    %swap3A_12 = arith.index_cast %swap3A : i32 to index
    %swap3A_13 = arith.constant 0 : index
    %swap3A_14 = tpu.vector_load %arg6[%swap3A_12, %swap3A_13] {strides = array<i32>} : memref<1x2080xi32, #tpu.memory_space<vmem>>, vector<16xi32>,
    tpu.vector_store %arg6[%swap3A_12, %swap3A_13], %add3A_11 {strides = array<i32>} : memref<1x2080xi32, #tpu.memory_space<vmem>>, vector<16xi32>,
    %get3A_15 = arith.constant 0 : i32
    %get3A_16 = arith.constant 0 : i32
    %get3A_17 = arith.index_cast %get3A_15 : i32 to index
    %get3A_18 = arith.index_cast %get3A_16 : i32 to index
    %get3A_19 = arith.constant 16 : index
    %get3A_20 = tpu.vector_load %arg5[%get3A_17, %get3A_18, %get3A_19] {strides = array<i32>} : memref<1x2x128xi32, #tpu.memory_space<vmem>>, vector<16xi32>,
    %add3A_21 = arith.addi %get3A_20, %broadcast_in_dim3A_5 : vector<16xi32>
    %swap3A_22 = arith.constant 0 : i32
    %swap3A_23 = arith.index_cast %swap3A_22 : i32 to index
    %swap3A_24 = arith.constant 16 : index
    %swap3A_25 = tpu.vector_load %arg6[%swap3A_23, %swap3A_24] {strides = array<i32>} : memref<1x2080xi32, #tpu.memory_space<vmem>>, vector<16xi32>,
    tpu.vector_store %arg6[%swap3A_23, %swap3A_24], %add3A_21 {strides = array<i32>} : memref<1x2080xi32, #tpu.memory_space<vmem>>, vector<16xi32>,
    %get3A_26 = arith.constant 0 : i32
    %get3A_27 = arith.constant 0 : i32
    %get3A_28 = arith.index_cast %get3A_26 : i32 to index
    %get3A_29 = arith.index_cast %get3A_27 : i32 to index
    %get3A_30 = arith.constant 32 : index
    %get3A_31 = tpu.vector_load %arg5[%get3A_28, %get3A_29, %get3A_30] {strides = array<i32>} : memref<1x2x128xi32, #tpu.memory_space<vmem>>, vector<16xi32>,
    %add3A_32 = arith.addi %get3A_31, %broadcast_in_dim3A_5 : vector<16xi32>
    %swap3A_33 = arith.constant 0 : i32
    %swap3A_34 = arith.index_cast %swap3A_33 : i32 to index
    %swap3A_35 = arith.constant 32 : index
    %swap3A_36 = tpu.vector_load %arg6[%swap3A_34, %swap3A_35] {strides = array<i32>} : memref<1x2080xi32, #tpu.memory_space<vmem>>, vector<16xi32>,
    tpu.vector_store %arg6[%swap3A_34, %swap3A_35], %add3A_32 {strides = array<i32>} : memref<1x2080xi32, #tpu.memory_space<vmem>>, vector<16xi32>,
    %get3A_37 = arith.constant 0 : i32
    %get3A_38 = arith.constant 0 : i32
    %get3A_39 = arith.index_cast %get3A_37 : i32 to index
    %get3A_40 = arith.index_cast %get3A_38 : i32 to index
    %get3A_41 = arith.constant 48 : index
    %get3A_42 = tpu.vector_load %arg5[%get3A_39, %get3A_40, %get3A_41] {strides = array<i32>} : memref<1x2x128xi32, #tpu.memory_space<vmem>>, vector<16xi32>,
    %add3A_43 = arith.addi %get3A_42, %broadcast_in_dim3A_5 : vector<16xi32>
    %swap3A_44 = arith.constant 0 : i32
    %swap3A_45 = arith.index_cast %swap3A_44 : i32 to index
    %swap3A_46 = arith.constant 48 : index
    %swap3A_47 = tpu.vector_load %arg6[%swap3A_45, %swap3A_46] {strides = array<i32>} : memref<1x2080xi32, #tpu.memory_space<vmem>>, vector<16xi32>,
    tpu.vector_store %arg6[%swap3A_45, %swap3A_46], %add3A_43 {strides = array<i32>} : memref<1x2080xi32, #tpu.memory_space<vmem>>, vector<16xi32>,
    %get3A_48 = arith.constant 0 : i32
    %get3A_49 = arith.constant 0 : i32
    %get3A_50 = arith.index_cast %get3A_48 : i32 to index
    %get3A_51 = arith.index_cast %get3A_49 : i32 to index
    %get3A_52 = arith.constant 64 : index
    %get3A_53 = tpu.vector_load %arg5[%get3A_50, %get3A_51, %get3A_52] {strides = array<i32>} : memref<1x2x128xi32, #tpu.memory_space<vmem>>, vector<16xi32>,
    %add3A_54 = arith.addi %get3A_53, %broadcast_in_dim3A_5 : vector<16xi32>
    %swap3A_55 = arith.constant 0 : i32
    %swap3A_56 = arith.index_cast %swap3A_55 : i32 to index
    %swap3A_57 = arith.constant 64 : index
    %swap3A_58 = tpu.vector_load %arg6[%swap3A_56, %swap3A_57] {strides = array<i32>} : memref<1x2080xi32, #tpu.memory_space<vmem>>, vector<16xi32>,
    tpu.vector_store %arg6[%swap3A_56, %swap3A_57], %add3A_54 {strides = array<i32>} : memref<1x2080xi32, #tpu.memory_space<vmem>>, vector<16xi32>,
    %get3A_59 = arith.constant 0 : i32
    %get3A_60 = arith.constant 0 : i32
    %get3A_61 = arith.index_cast %get3A_59 : i32 to index
    %get3A_62 = arith.index_cast %get3A_60 : i32 to index
    %get3A_63 = arith.constant 80 : index
    %get3A_64 = tpu.vector_load %arg5[%get3A_61, %get3A_62, %get3A_63] {strides = array<i32>} : memref<1x2x128xi32, #tpu.memory_space<vmem>>, vector<16xi32>,
    %add3A_65 = arith.addi %get3A_64, %broadcast_in_dim3A_5 : vector<16xi32>
    %swap3A_66 = arith.constant 0 : i32
    %swap3A_67 = arith.index_cast %swap3A_66 : i32 to index
    %swap3A_68 = arith.constant 80 : index
    %swap3A_69 = tpu.vector_load %arg6[%swap3A_67, %swap3A_68] {strides = array<i32>} : memref<1x2080xi32, #tpu.memory_space<vmem>>, vector<16xi32>,
    tpu.vector_store %arg6[%swap3A_67, %swap3A_68], %add3A_65 {strides = array<i32>} : memref<1x2080xi32, #tpu.memory_space<vmem>>, vector<16xi32>,
    %get3A_70 = arith.constant 0 : i32
    %get3A_71 = arith.constant 0 : i32
    %get3A_72 = arith.index_cast %get3A_70 : i32 to index
    %get3A_73 = arith.index_cast %get3A_71 : i32 to index
    %get3A_74 = arith.constant 96 : index
    %get3A_75 = tpu.vector_load %arg5[%get3A_72, %get3A_73, %get3A_74] {strides = array<i32>} : memref<1x2x128xi32, #tpu.memory_space<vmem>>, vector<16xi32>,
    %add3A_76 = arith.addi %get3A_75, %broadcast_in_dim3A_5 : vector<16xi32>
    %swap3A_77 = arith.constant 0 : i32
    %swap3A_78 = arith.index_cast %swap3A_77 : i32 to index
    %swap3A_79 = arith.constant 96 : index
    %swap3A_80 = tpu.vector_load %arg6[%swap3A_78, %swap3A_79] {strides = array<i32>} : memref<1x2080xi32, #tpu.memory_space<vmem>>, vector<16xi32>,
    tpu.vector_store %arg6[%swap3A_78, %swap3A_79], %add3A_76 {strides = array<i32>} : memref<1x2080xi32, #tpu.memory_space<vmem>>, vector<16xi32>,
    %get3A_81 = arith.constant 0 : i32
    %get3A_82 = arith.constant 0 : i32
    %get3A_83 = arith.index_cast %get3A_81 : i32 to index
    %get3A_84 = arith.index_cast %get3A_82 : i32 to index
    %get3A_85 = arith.constant 112 : index
    %get3A_86 = tpu.vector_load %arg5[%get3A_83, %get3A_84, %get3A_85] {strides = array<i32>} : memref<1x2x128xi32, #tpu.memory_space<vmem>>, vector<16xi32>,
    %add3A_87 = arith.addi %get3A_86, %broadcast_in_dim3A_5 : vector<16xi32>
    %swap3A_88 = arith.constant 0 : i32
    %swap3A_89 = arith.index_cast %swap3A_88 : i32 to index
    %swap3A_90 = arith.constant 112 : index
    %swap3A_91 = tpu.vector_load %arg6[%swap3A_89, %swap3A_90] {strides = array<i32>} : memref<1x2080xi32, #tpu.memory_space<vmem>>, vector<16xi32>,
    tpu.vector_store %arg6[%swap3A_89, %swap3A_90], %add3A_87 {strides = array<i32>} : memref<1x2080xi32, #tpu.memory_space<vmem>>, vector<16xi32>,
    %get3A_92 = arith.constant 0 : i32
    %get3A_93 = arith.constant 1 : i32
    %get3A_94 = arith.index_cast %get3A_92 : i32 to index
    %get3A_95 = arith.index_cast %get3A_93 : i32 to index
    %get3A_96 = arith.constant 0 : index
    %get3A_97 = tpu.vector_load %arg5[%get3A_94, %get3A_95, %get3A_96] {strides = array<i32>} : memref<1x2x128xi32, #tpu.memory_space<vmem>>, vector<16xi32>,
    %add3A_98 = arith.addi %get3A_97, %broadcast_in_dim3A_5 : vector<16xi32>
    %swap3A_99 = arith.constant 0 : i32
    %swap3A_100 = arith.index_cast %swap3A_99 : i32 to index
    %swap3A_101 = arith.constant 128 : index
    %swap3A_102 = tpu.vector_load %arg6[%swap3A_100, %swap3A_101] {strides = array<i32>} : memref<1x2080xi32, #tpu.memory_space<vmem>>, vector<16xi32>,
    tpu.vector_store %arg6[%swap3A_100, %swap3A_101], %add3A_98 {strides = array<i32>} : memref<1x2080xi32, #tpu.memory_space<vmem>>, vector<16xi32>,
    %get3A_103 = arith.constant 0 : i32
    %get3A_104 = arith.constant 1 : i32
    %get3A_105 = arith.index_cast %get3A_103 : i32 to index
    %get3A_106 = arith.index_cast %get3A_104 : i32 to index
    %get3A_107 = arith.constant 16 : index
    %get3A_108 = tpu.vector_load %arg5[%get3A_105, %get3A_106, %get3A_107] {strides = array<i32>} : memref<1x2x128xi32, #tpu.memory_space<vmem>>, vector<16xi32>,
    %add3A_109 = arith.addi %get3A_108, %broadcast_in_dim3A_5 : vector<16xi32>
    %swap3A_110 = arith.constant 0 : i32
    %swap3A_111 = arith.index_cast %swap3A_110 : i32 to index
    %swap3A_112 = arith.constant 144 : index
    %swap3A_113 = tpu.vector_load %arg6[%swap3A_111, %swap3A_112] {strides = array<i32>} : memref<1x2080xi32, #tpu.memory_space<vmem>>, vector<16xi32>,
    tpu.vector_store %arg6[%swap3A_111, %swap3A_112], %add3A_109 {strides = array<i32>} : memref<1x2080xi32, #tpu.memory_space<vmem>>, vector<16xi32>,
    %get3A_114 = arith.constant 0 : i32
    %get3A_115 = arith.constant 1 : i32
    %get3A_116 = arith.index_cast %get3A_114 : i32 to index
    %get3A_117 = arith.index_cast %get3A_115 : i32 to index
    %get3A_118 = arith.constant 32 : index
    %get3A_119 = tpu.vector_load %arg5[%get3A_116, %get3A_117, %get3A_118] {strides = array<i32>} : memref<1x2x128xi32, #tpu.memory_space<vmem>>, vector<16xi32>,
    %add3A_120 = arith.addi %get3A_119, %broadcast_in_dim3A_5 : vector<16xi32>
    %swap3A_121 = arith.constant 0 : i32
    %swap3A_122 = arith.index_cast %swap3A_121 : i32 to index
    %swap3A_123 = arith.constant 160 : index
    %swap3A_124 = tpu.vector_load %arg6[%swap3A_122, %swap3A_123] {strides = array<i32>} : memref<1x2080xi32, #tpu.memory_space<vmem>>, vector<16xi32>,
    tpu.vector_store %arg6[%swap3A_122, %swap3A_123], %add3A_120 {strides = array<i32>} : memref<1x2080xi32, #tpu.memory_space<vmem>>, vector<16xi32>,
    %get3A_125 = arith.constant 0 : i32
    %get3A_126 = arith.constant 1 : i32
    %get3A_127 = arith.index_cast %get3A_125 : i32 to index
    %get3A_128 = arith.index_cast %get3A_126 : i32 to index
    %get3A_129 = arith.constant 48 : index
    %get3A_130 = tpu.vector_load %arg5[%get3A_127, %get3A_128, %get3A_129] {strides = array<i32>} : memref<1x2x128xi32, #tpu.memory_space<vmem>>, vector<16xi32>,
    %add3A_131 = arith.addi %get3A_130, %broadcast_in_dim3A_5 : vector<16xi32>
    %swap3A_132 = arith.constant 0 : i32
    %swap3A_133 = arith.index_cast %swap3A_132 : i32 to index
    %swap3A_134 = arith.constant 176 : index
    %swap3A_135 = tpu.vector_load %arg6[%swap3A_133, %swap3A_134] {strides = array<i32>} : memref<1x2080xi32, #tpu.memory_space<vmem>>, vector<16xi32>,
    tpu.vector_store %arg6[%swap3A_133, %swap3A_134], %add3A_131 {strides = array<i32>} : memref<1x2080xi32, #tpu.memory_space<vmem>>, vector<16xi32>,
    %get3A_136 = arith.constant 0 : i32
    %get3A_137 = arith.constant 1 : i32
    %get3A_138 = arith.index_cast %get3A_136 : i32 to index
    %get3A_139 = arith.index_cast %get3A_137 : i32 to index
    %get3A_140 = arith.constant 64 : index
    %get3A_141 = tpu.vector_load %arg5[%get3A_138, %get3A_139, %get3A_140] {strides = array<i32>} : memref<1x2x128xi32, #tpu.memory_space<vmem>>, vector<16xi32>,
    %add3A_142 = arith.addi %get3A_141, %broadcast_in_dim3A_5 : vector<16xi32>
    %swap3A_143 = arith.constant 0 : i32
    %swap3A_144 = arith.index_cast %swap3A_143 : i32 to index
    %swap3A_145 = arith.constant 192 : index
    %swap3A_146 = tpu.vector_load %arg6[%swap3A_144, %swap3A_145] {strides = array<i32>} : memref<1x2080xi32, #tpu.memory_space<vmem>>, vector<16xi32>,
    tpu.vector_store %arg6[%swap3A_144, %swap3A_145], %add3A_142 {strides = array<i32>} : memref<1x2080xi32, #tpu.memory_space<vmem>>, vector<16xi32>,
    %broadcast_in_dim3A_147 = arith.constant 200704 : i32
    %broadcast_in_dim3A_148 = vector.broadcast %broadcast_in_dim3A_147 : i32 to vector<16xi32>
    %get3A_149 = arith.constant 0 : i32
    %get3A_150 = arith.constant 0 : i32
    %get3A_151 = arith.index_cast %get3A_149 : i32 to index
    %get3A_152 = arith.index_cast %get3A_150 : i32 to index
    %get3A_153 = arith.constant 0 : index
    %get3A_154 = tpu.vector_load %arg5[%get3A_151, %get3A_152, %get3A_153] {strides = array<i32>} : memref<1x2x128xi32, #tpu.memory_space<vmem>>, vector<16xi32>,
    %add3A_155 = arith.addi %get3A_154, %broadcast_in_dim3A_148 : vector<16xi32>
    %swap3A_156 = arith.constant 0 : i32
    %swap3A_157 = arith.index_cast %swap3A_156 : i32 to index
    %swap3A_158 = arith.constant 208 : index
    %swap3A_159 = tpu.vector_load %arg6[%swap3A_157, %swap3A_158] {strides = array<i32>} : memref<1x2080xi32, #tpu.memory_space<vmem>>, vector<16xi32>,
    tpu.vector_store %arg6[%swap3A_157, %swap3A_158], %add3A_155 {strides = array<i32>} : memref<1x2080xi32, #tpu.memory_space<vmem>>, vector<16xi32>,
    %get3A_160 = arith.constant 0 : i32
    %get3A_161 = arith.constant 0 : i32
    %get3A_162 = arith.index_cast %get3A_160 : i32 to index
    %get3A_163 = arith.index_cast %get3A_161 : i32 to index
    %get3A_164 = arith.constant 16 : index
    %get3A_165 = tpu.vector_load %arg5[%get3A_162, %get3A_163, %get3A_164] {strides = array<i32>} : memref<1x2x128xi32, #tpu.memory_space<vmem>>, vector<16xi32>,
    %add3A_166 = arith.addi %get3A_165, %broadcast_in_dim3A_148 : vector<16xi32>
    %swap3A_167 = arith.constant 0 : i32
    %swap3A_168 = arith.index_cast %swap3A_167 : i32 to index
    %swap3A_169 = arith.constant 224 : index
    %swap3A_170 = tpu.vector_load %arg6[%swap3A_168, %swap3A_169] {strides = array<i32>} : memref<1x2080xi32, #tpu.memory_space<vmem>>, vector<16xi32>,
    tpu.vector_store %arg6[%swap3A_168, %swap3A_169], %add3A_166 {strides = array<i32>} : memref<1x2080xi32, #tpu.memory_space<vmem>>, vector<16xi32>,
    %get3A_171 = arith.constant 0 : i32
    %get3A_172 = arith.constant 0 : i32
    %get3A_173 = arith.index_cast %get3A_171 : i32 to index
    %get3A_174 = arith.index_cast %get3A_172 : i32 to index
    %get3A_175 = arith.constant 32 : index
    %get3A_176 = tpu.vector_load %arg5[%get3A_173, %get3A_174, %get3A_175] {strides = array<i32>} : memref<1x2x128xi32, #tpu.memory_space<vmem>>, vector<16xi32>,
    %add3A_177 = arith.addi %get3A_176, %broadcast_in_dim3A_148 : vector<16xi32>
    %swap3A_178 = arith.constant 0 : i32
    %swap3A_179 = arith.index_cast %swap3A_178 : i32 to index
    %swap3A_180 = arith.constant 240 : index
    %swap3A_181 = tpu.vector_load %arg6[%swap3A_179, %swap3A_180] {strides = array<i32>} : memref<1x2080xi32, #tpu.memory_space<vmem>>, vector<16xi32>,
    tpu.vector_store %arg6[%swap3A_179, %swap3A_180], %add3A_177 {strides = array<i32>} : memref<1x2080xi32, #tpu.memory_space<vmem>>, vector<16xi32>,
    %get3A_182 = arith.constant 0 : i32
    %get3A_183 = arith.constant 0 : i32
    %get3A_184 = arith.index_cast %get3A_182 : i32 to index
    %get3A_185 = arith.index_cast %get3A_183 : i32 to index
    %get3A_186 = arith.constant 48 : index
    %get3A_187 = tpu.vector_load %arg5[%get3A_184, %get3A_185, %get3A_186] {strides = array<i32>} : memref<1x2x128xi32, #tpu.memory_space<vmem>>, vector<16xi32>,
    %add3A_188 = arith.addi %get3A_187, %broadcast_in_dim3A_148 : vector<16xi32>
    %swap3A_189 = arith.constant 0 : i32
    %swap3A_190 = arith.index_cast %swap3A_189 : i32 to index
    %swap3A_191 = arith.constant 256 : index
    %swap3A_192 = tpu.vector_load %arg6[%swap3A_190, %swap3A_191] {strides = array<i32>} : memref<1x2080xi32, #tpu.memory_space<vmem>>, vector<16xi32>,
    tpu.vector_store %arg6[%swap3A_190, %swap3A_191], %add3A_188 {strides = array<i32>} : memref<1x2080xi32, #tpu.memory_space<vmem>>, vector<16xi32>,
    %get3A_193 = arith.constant 0 : i32
    %get3A_194 = arith.constant 0 : i32
    %get3A_195 = arith.index_cast %get3A_193 : i32 to index
    %get3A_196 = arith.index_cast %get3A_194 : i32 to index
    %get3A_197 = arith.constant 64 : index
    %get3A_198 = tpu.vector_load %arg5[%get3A_195, %get3A_196, %get3A_197] {strides = array<i32>} : memref<1x2x128xi32, #tpu.memory_space<vmem>>, vector<16xi32>,
    %add3A_199 = arith.addi %get3A_198, %broadcast_in_dim3A_148 : vector<16xi32>
    %swap3A_200 = arith.constant 0 : i32
    %swap3A_201 = arith.index_cast %swap3A_200 : i32 to index
    %swap3A_202 = arith.constant 272 : index
    %swap3A_203 = tpu.vector_load %arg6[%swap3A_201, %swap3A_202] {strides = array<i32>} : memref<1x2080xi32, #tpu.memory_space<vmem>>, vector<16xi32>,
    tpu.vector_store %arg6[%swap3A_201, %swap3A_202], %add3A_199 {strides = array<i32>} : memref<1x2080xi32, #tpu.memory_space<vmem>>, vector<16xi32>,
    %get3A_204 = arith.constant 0 : i32
    %get3A_205 = arith.constant 0 : i32
    %get3A_206 = arith.index_cast %get3A_204 : i32 to index
    %get3A_207 = arith.index_cast %get3A_205 : i32 to index
    %get3A_208 = arith.constant 80 : index
    %get3A_209 = tpu.vector_load %arg5[%get3A_206, %get3A_207, %get3A_208] {strides = array<i32>} : memref<1x2x128xi32, #tpu.memory_space<vmem>>, vector<16xi32>,
    %add3A_210 = arith.addi %get3A_209, %broadcast_in_dim3A_148 : vector<16xi32>
    %swap3A_211 = arith.constant 0 : i32
    %swap3A_212 = arith.index_cast %swap3A_211 : i32 to index
    %swap3A_213 = arith.constant 288 : index
    %swap3A_214 = tpu.vector_load %arg6[%swap3A_212, %swap3A_213] {strides = array<i32>} : memref<1x2080xi32, #tpu.memory_space<vmem>>, vector<16xi32>,
    tpu.vector_store %arg6[%swap3A_212, %swap3A_213], %add3A_210 {strides = array<i32>} : memref<1x2080xi32, #tpu.memory_space<vmem>>, vector<16xi32>,
    %get3A_215 = arith.constant 0 : i32
    %get3A_216 = arith.constant 0 : i32
    %get3A_217 = arith.index_cast %get3A_215 : i32 to index
    %get3A_218 = arith.index_cast %get3A_216 : i32 to index
    %get3A_219 = arith.constant 96 : index
    %get3A_220 = tpu.vector_load %arg5[%get3A_217, %get3A_218, %get3A_219] {strides = array<i32>} : memref<1x2x128xi32, #tpu.memory_space<vmem>>, vector<16xi32>,
    %add3A_221 = arith.addi %get3A_220, %broadcast_in_dim3A_148 : vector<16xi32>
    %swap3A_222 = arith.constant 0 : i32
    %swap3A_223 = arith.index_cast %swap3A_222 : i32 to index
    %swap3A_224 = arith.constant 304 : index
    %swap3A_225 = tpu.vector_load %arg6[%swap3A_223, %swap3A_224] {strides = array<i32>} : memref<1x2080xi32, #tpu.memory_space<vmem>>, vector<16xi32>,
    tpu.vector_store %arg6[%swap3A_223, %swap3A_224], %add3A_221 {strides = array<i32>} : memref<1x2080xi32, #tpu.memory_space<vmem>>, vector<16xi32>,
    %get3A_226 = arith.constant 0 : i32
    %get3A_227 = arith.constant 0 : i32
    %get3A_228 = arith.index_cast %get3A_226 : i32 to index
    %get3A_229 = arith.index_cast %get3A_227 : i32 to index
    %get3A_230 = arith.constant 112 : index
    %get3A_231 = tpu.vector_load %arg5[%get3A_228, %get3A_229, %get3A_230] {strides = array<i32>} : memref<1x2x128xi32, #tpu.memory_space<vmem>>, vector<16xi32>,
    %add3A_232 = arith.addi %get3A_231, %broadcast_in_dim3A_148 : vector<16xi32>
    %swap3A_233 = arith.constant 0 : i32
    %swap3A_234 = arith.index_cast %swap3A_233 : i32 to index
    %swap3A_235 = arith.constant 320 : index
    %swap3A_236 = tpu.vector_load %arg6[%swap3A_234, %swap3A_235] {strides = array<i32>} : memref<1x2080xi32, #tpu.memory_space<vmem>>, vector<16xi32>,
    tpu.vector_store %arg6[%swap3A_234, %swap3A_235], %add3A_232 {strides = array<i32>} : memref<1x2080xi32, #tpu.memory_space<vmem>>, vector<16xi32>,
    %get3A_237 = arith.constant 0 : i32
    %get3A_238 = arith.constant 1 : i32
    %get3A_239 = arith.index_cast %get3A_237 : i32 to index
    %get3A_240 = arith.index_cast %get3A_238 : i32 to index
    %get3A_241 = arith.constant 0 : index
    %get3A_242 = tpu.vector_load %arg5[%get3A_239, %get3A_240, %get3A_241] {strides = array<i32>} : memref<1x2x128xi32, #tpu.memory_space<vmem>>, vector<16xi32>,
    %add3A_243 = arith.addi %get3A_242, %broadcast_in_dim3A_148 : vector<16xi32>
    %swap3A_244 = arith.constant 0 : i32
    %swap3A_245 = arith.index_cast %swap3A_244 : i32 to index
    %swap3A_246 = arith.constant 336 : index
    %swap3A_247 = tpu.vector_load %arg6[%swap3A_245, %swap3A_246] {strides = array<i32>} : memref<1x2080xi32, #tpu.memory_space<vmem>>, vector<16xi32>,
    tpu.vector_store %arg6[%swap3A_245, %swap3A_246], %add3A_243 {strides = array<i32>} : memref<1x2080xi32, #tpu.memory_space<vmem>>, vector<16xi32>,
    %get3A_248 = arith.constant 0 : i32
    %get3A_249 = arith.constant 1 : i32
    %get3A_250 = arith.index_cast %get3A_248 : i32 to index
    %get3A_251 = arith.index_cast %get3A_249 : i32 to index
    %get3A_252 = arith.constant 16 : index
    %get3A_253 = tpu.vector_load %arg5[%get3A_250, %get3A_251, %get3A_252] {strides = array<i32>} : memref<1x2x128xi32, #tpu.memory_space<vmem>>, vector<16xi32>,
    %add3A_254 = arith.addi %get3A_253, %broadcast_in_dim3A_148 : vector<16xi32>
    %swap3A_255 = arith.constant 0 : i32
    %swap3A_256 = arith.index_cast %swap3A_255 : i32 to index
    %swap3A_257 = arith.constant 352 : index
    %swap3A_258 = tpu.vector_load %arg6[%swap3A_256, %swap3A_257] {strides = array<i32>} : memref<1x2080xi32, #tpu.memory_space<vmem>>, vector<16xi32>,
    tpu.vector_store %arg6[%swap3A_256, %swap3A_257], %add3A_254 {strides = array<i32>} : memref<1x2080xi32, #tpu.memory_space<vmem>>, vector<16xi32>,
    %get3A_259 = arith.constant 0 : i32
    %get3A_260 = arith.constant 1 : i32
    %get3A_261 = arith.index_cast %get3A_259 : i32 to index
    %get3A_262 = arith.index_cast %get3A_260 : i32 to index
    %get3A_263 = arith.constant 32 : index
    %get3A_264 = tpu.vector_load %arg5[%get3A_261, %get3A_262, %get3A_263] {strides = array<i32>} : memref<1x2x128xi32, #tpu.memory_space<vmem>>, vector<16xi32>,
    %add3A_265 = arith.addi %get3A_264, %broadcast_in_dim3A_148 : vector<16xi32>
    %swap3A_266 = arith.constant 0 : i32
    %swap3A_267 = arith.index_cast %swap3A_266 : i32 to index
    %swap3A_268 = arith.constant 368 : index
    %swap3A_269 = tpu.vector_load %arg6[%swap3A_267, %swap3A_268] {strides = array<i32>} : memref<1x2080xi32, #tpu.memory_space<vmem>>, vector<16xi32>,
    tpu.vector_store %arg6[%swap3A_267, %swap3A_268], %add3A_265 {strides = array<i32>} : memref<1x2080xi32, #tpu.memory_space<vmem>>, vector<16xi32>,
    %get3A_270 = arith.constant 0 : i32
    %get3A_271 = arith.constant 1 : i32
    %get3A_272 = arith.index_cast %get3A_270 : i32 to index
    %get3A_273 = arith.index_cast %get3A_271 : i32 to index
    %get3A_274 = arith.constant 48 : index
    %get3A_275 = tpu.vector_load %arg5[%get3A_272, %get3A_273, %get3A_274] {strides = array<i32>} : memref<1x2x128xi32, #tpu.memory_space<vmem>>, vector<16xi32>,
    %add3A_276 = arith.addi %get3A_275, %broadcast_in_dim3A_148 : vector<16xi32>
    %swap3A_277 = arith.constant 0 : i32
    %swap3A_278 = arith.index_cast %swap3A_277 : i32 to index
    %swap3A_279 = arith.constant 384 : index
    %swap3A_280 = tpu.vector_load %arg6[%swap3A_278, %swap3A_279] {strides = array<i32>} : memref<1x2080xi32, #tpu.memory_space<vmem>>, vector<16xi32>,
    tpu.vector_store %arg6[%swap3A_278, %swap3A_279], %add3A_276 {strides = array<i32>} : memref<1x2080xi32, #tpu.memory_space<vmem>>, vector<16xi32>,
    %get3A_281 = arith.constant 0 : i32
    %get3A_282 = arith.constant 1 : i32
    %get3A_283 = arith.index_cast %get3A_281 : i32 to index
    %get3A_284 = arith.index_cast %get3A_282 : i32 to index
    %get3A_285 = arith.constant 64 : index
    %get3A_286 = tpu.vector_load %arg5[%get3A_283, %get3A_284, %get3A_285] {strides = array<i32>} : memref<1x2x128xi32, #tpu.memory_space<vmem>>, vector<16xi32>,
    %add3A_287 = arith.addi %get3A_286, %broadcast_in_dim3A_148 : vector<16xi32>
    %swap3A_288 = arith.constant 0 : i32
    %swap3A_289 = arith.index_cast %swap3A_288 : i32 to index
    %swap3A_290 = arith.constant 400 : index
    %swap3A_291 = tpu.vector_load %arg6[%swap3A_289, %swap3A_290] {strides = array<i32>} : memref<1x2080xi32, #tpu.memory_space<vmem>>, vector<16xi32>,
    tpu.vector_store %arg6[%swap3A_289, %swap3A_290], %add3A_287 {strides = array<i32>} : memref<1x2080xi32, #tpu.memory_space<vmem>>, vector<16xi32>,
    %broadcast_in_dim3A_292 = arith.constant 401408 : i32
    %broadcast_in_dim3A_293 = vector.broadcast %broadcast_in_dim3A_292 : i32 to vector<16xi32>
    %get3A_294 = arith.constant 0 : i32
    %get3A_295 = arith.constant 0 : i32
    %get3A_296 = arith.index_cast %get3A_294 : i32 to index
    %get3A_297 = arith.index_cast %get3A_295 : i32 to index
    %get3A_298 = arith.constant 0 : index
    %get3A_299 = tpu.vector_load %arg5[%get3A_296, %get3A_297, %get3A_298] {strides = array<i32>} : memref<1x2x128xi32, #tpu.memory_space<vmem>>, vector<16xi32>,
    %add3A_300 = arith.addi %get3A_299, %broadcast_in_dim3A_293 : vector<16xi32>
    %swap3A_301 = arith.constant 0 : i32
    %swap3A_302 = arith.index_cast %swap3A_301 : i32 to index
    %swap3A_303 = arith.constant 416 : index
    %swap3A_304 = tpu.vector_load %arg6[%swap3A_302, %swap3A_303] {strides = array<i32>} : memref<1x2080xi32, #tpu.memory_space<vmem>>, vector<16xi32>,
    tpu.vector_store %arg6[%swap3A_302, %swap3A_303], %add3A_300 {strides = array<i32>} : memref<1x2080xi32, #tpu.memory_space<vmem>>, vector<16xi32>,
    %get3A_305 = arith.constant 0 : i32
    %get3A_306 = arith.constant 0 : i32
    %get3A_307 = arith.index_cast %get3A_305 : i32 to index
    %get3A_308 = arith.index_cast %get3A_306 : i32 to index
    %get3A_309 = arith.constant 16 : index
    %get3A_310 = tpu.vector_load %arg5[%get3A_307, %get3A_308, %get3A_309] {strides = array<i32>} : memref<1x2x128xi32, #tpu.memory_space<vmem>>, vector<16xi32>,
    %add3A_311 = arith.addi %get3A_310, %broadcast_in_dim3A_293 : vector<16xi32>
    %swap3A_312 = arith.constant 0 : i32
    %swap3A_313 = arith.index_cast %swap3A_312 : i32 to index
    %swap3A_314 = arith.constant 432 : index
    %swap3A_315 = tpu.vector_load %arg6[%swap3A_313, %swap3A_314] {strides = array<i32>} : memref<1x2080xi32, #tpu.memory_space<vmem>>, vector<16xi32>,
    tpu.vector_store %arg6[%swap3A_313, %swap3A_314], %add3A_311 {strides = array<i32>} : memref<1x2080xi32, #tpu.memory_space<vmem>>, vector<16xi32>,
    %get3A_316 = arith.constant 0 : i32
    %get3A_317 = arith.constant 0 : i32
    %get3A_318 = arith.index_cast %get3A_316 : i32 to index
    %get3A_319 = arith.index_cast %get3A_317 : i32 to index
    %get3A_320 = arith.constant 32 : index
    %get3A_321 = tpu.vector_load %arg5[%get3A_318, %get3A_319, %get3A_320] {strides = array<i32>} : memref<1x2x128xi32, #tpu.memory_space<vmem>>, vector<16xi32>,
    %add3A_322 = arith.addi %get3A_321, %broadcast_in_dim3A_293 : vector<16xi32>
    %swap3A_323 = arith.constant 0 : i32
    %swap3A_324 = arith.index_cast %swap3A_323 : i32 to index
    %swap3A_325 = arith.constant 448 : index
    %swap3A_326 = tpu.vector_load %arg6[%swap3A_324, %swap3A_325] {strides = array<i32>} : memref<1x2080xi32, #tpu.memory_space<vmem>>, vector<16xi32>,
    tpu.vector_store %arg6[%swap3A_324, %swap3A_325], %add3A_322 {strides = array<i32>} : memref<1x2080xi32, #tpu.memory_space<vmem>>, vector<16xi32>,
    %get3A_327 = arith.constant 0 : i32
    %get3A_328 = arith.constant 0 : i32
    %get3A_329 = arith.index_cast %get3A_327 : i32 to index
    %get3A_330 = arith.index_cast %get3A_328 : i32 to index
    %get3A_331 = arith.constant 48 : index
    %get3A_332 = tpu.vector_load %arg5[%get3A_329, %get3A_330, %get3A_331] {strides = array<i32>} : memref<1x2x128xi32, #tpu.memory_space<vmem>>, vector<16xi32>,
    %add3A_333 = arith.addi %get3A_332, %broadcast_in_dim3A_293 : vector<16xi32>
    %swap3A_334 = arith.constant 0 : i32
    %swap3A_335 = arith.index_cast %swap3A_334 : i32 to index
    %swap3A_336 = arith.constant 464 : index
    %swap3A_337 = tpu.vector_load %arg6[%swap3A_335, %swap3A_336] {strides = array<i32>} : memref<1x2080xi32, #tpu.memory_space<vmem>>, vector<16xi32>,
    tpu.vector_store %arg6[%swap3A_335, %swap3A_336], %add3A_333 {strides = array<i32>} : memref<1x2080xi32, #tpu.memory_space<vmem>>, vector<16xi32>,
    %get3A_338 = arith.constant 0 : i32
    %get3A_339 = arith.constant 0 : i32
    %get3A_340 = arith.index_cast %get3A_338 : i32 to index
    %get3A_341 = arith.index_cast %get3A_339 : i32 to index
    %get3A_342 = arith.constant 64 : index
    %get3A_343 = tpu.vector_load %arg5[%get3A_340, %get3A_341, %get3A_342] {strides = array<i32>} : memref<1x2x128xi32, #tpu.memory_space<vmem>>, vector<16xi32>,
    %add3A_344 = arith.addi %get3A_343, %broadcast_in_dim3A_293 : vector<16xi32>
    %swap3A_345 = arith.constant 0 : i32
    %swap3A_346 = arith.index_cast %swap3A_345 : i32 to index
    %swap3A_347 = arith.constant 480 : index
    %swap3A_348 = tpu.vector_load %arg6[%swap3A_346, %swap3A_347] {strides = array<i32>} : memref<1x2080xi32, #tpu.memory_space<vmem>>, vector<16xi32>,
    tpu.vector_store %arg6[%swap3A_346, %swap3A_347], %add3A_344 {strides = array<i32>} : memref<1x2080xi32, #tpu.memory_space<vmem>>, vector<16xi32>,
    %get3A_349 = arith.constant 0 : i32
    %get3A_350 = arith.constant 0 : i32
    %get3A_351 = arith.index_cast %get3A_349 : i32 to index
    %get3A_352 = arith.index_cast %get3A_350 : i32 to index
    %get3A_353 = arith.constant 80 : index
    %get3A_354 = tpu.vector_load %arg5[%get3A_351, %get3A_352, %get3A_353] {strides = array<i32>} : memref<1x2x128xi32, #tpu.memory_space<vmem>>, vector<16xi32>,
    %add3A_355 = arith.addi %get3A_354, %broadcast_in_dim3A_293 : vector<16xi32>
    %swap3A_356 = arith.constant 0 : i32
    %swap3A_357 = arith.index_cast %swap3A_356 : i32 to index
    %swap3A_358 = arith.constant 496 : index
    %swap3A_359 = tpu.vector_load %arg6[%swap3A_357, %swap3A_358] {strides = array<i32>} : memref<1x2080xi32, #tpu.memory_space<vmem>>, vector<16xi32>,
    tpu.vector_store %arg6[%swap3A_357, %swap3A_358], %add3A_355 {strides = array<i32>} : memref<1x2080xi32, #tpu.memory_space<vmem>>, vector<16xi32>,
    %get3A_360 = arith.constant 0 : i32
    %get3A_361 = arith.constant 0 : i32
    %get3A_362 = arith.index_cast %get3A_360 : i32 to index
    %get3A_363 = arith.index_cast %get3A_361 : i32 to index
    %get3A_364 = arith.constant 96 : index
    %get3A_365 = tpu.vector_load %arg5[%get3A_362, %get3A_363, %get3A_364] {strides = array<i32>} : memref<1x2x128xi32, #tpu.memory_space<vmem>>, vector<16xi32>,
    %add3A_366 = arith.addi %get3A_365, %broadcast_in_dim3A_293 : vector<16xi32>
    %swap3A_367 = arith.constant 0 : i32
    %swap3A_368 = arith.index_cast %swap3A_367 : i32 to index
    %swap3A_369 = arith.constant 512 : index
    %swap3A_370 = tpu.vector_load %arg6[%swap3A_368, %swap3A_369] {strides = array<i32>} : memref<1x2080xi32, #tpu.memory_space<vmem>>, vector<16xi32>,
    tpu.vector_store %arg6[%swap3A_368, %swap3A_369], %add3A_366 {strides = array<i32>} : memref<1x2080xi32, #tpu.memory_space<vmem>>, vector<16xi32>,
    %get3A_371 = arith.constant 0 : i32
    %get3A_372 = arith.constant 0 : i32
    %get3A_373 = arith.index_cast %get3A_371 : i32 to index
    %get3A_374 = arith.index_cast %get3A_372 : i32 to index
    %get3A_375 = arith.constant 112 : index
    %get3A_376 = tpu.vector_load %arg5[%get3A_373, %get3A_374, %get3A_375] {strides = array<i32>} : memref<1x2x128xi32, #tpu.memory_space<vmem>>, vector<16xi32>,
    %add3A_377 = arith.addi %get3A_376, %broadcast_in_dim3A_293 : vector<16xi32>
    %swap3A_378 = arith.constant 0 : i32
    %swap3A_379 = arith.index_cast %swap3A_378 : i32 to index
    %swap3A_380 = arith.constant 528 : index
    %swap3A_381 = tpu.vector_load %arg6[%swap3A_379, %swap3A_380] {strides = array<i32>} : memref<1x2080xi32, #tpu.memory_space<vmem>>, vector<16xi32>,
    tpu.vector_store %arg6[%swap3A_379, %swap3A_380], %add3A_377 {strides = array<i32>} : memref<1x2080xi32, #tpu.memory_space<vmem>>, vector<16xi32>,
    %get3A_382 = arith.constant 0 : i32
    %get3A_383 = arith.constant 1 : i32
    %get3A_384 = arith.index_cast %get3A_382 : i32 to index
    %get3A_385 = arith.index_cast %get3A_383 : i32 to index
    %get3A_386 = arith.constant 0 : index
    %get3A_387 = tpu.vector_load %arg5[%get3A_384, %get3A_385, %get3A_386] {strides = array<i32>} : memref<1x2x128xi32, #tpu.memory_space<vmem>>, vector<16xi32>,
    %add3A_388 = arith.addi %get3A_387, %broadcast_in_dim3A_293 : vector<16xi32>
    %swap3A_389 = arith.constant 0 : i32
    %swap3A_390 = arith.index_cast %swap3A_389 : i32 to index
    %swap3A_391 = arith.constant 544 : index
    %swap3A_392 = tpu.vector_load %arg6[%swap3A_390, %swap3A_391] {strides = array<i32>} : memref<1x2080xi32, #tpu.memory_space<vmem>>, vector<16xi32>,
    tpu.vector_store %arg6[%swap3A_390, %swap3A_391], %add3A_388 {strides = array<i32>} : memref<1x2080xi32, #tpu.memory_space<vmem>>, vector<16xi32>,
    %get3A_393 = arith.constant 0 : i32
    %get3A_394 = arith.constant 1 : i32
    %get3A_395 = arith.index_cast %get3A_393 : i32 to index
    %get3A_396 = arith.index_cast %get3A_394 : i32 to index
    %get3A_397 = arith.constant 16 : index
    %get3A_398 = tpu.vector_load %arg5[%get3A_395, %get3A_396, %get3A_397] {strides = array<i32>} : memref<1x2x128xi32, #tpu.memory_space<vmem>>, vector<16xi32>,
    %add3A_399 = arith.addi %get3A_398, %broadcast_in_dim3A_293 : vector<16xi32>
    %swap3A_400 = arith.constant 0 : i32
    %swap3A_401 = arith.index_cast %swap3A_400 : i32 to index
    %swap3A_402 = arith.constant 560 : index
    %swap3A_403 = tpu.vector_load %arg6[%swap3A_401, %swap3A_402] {strides = array<i32>} : memref<1x2080xi32, #tpu.memory_space<vmem>>, vector<16xi32>,
    tpu.vector_store %arg6[%swap3A_401, %swap3A_402], %add3A_399 {strides = array<i32>} : memref<1x2080xi32, #tpu.memory_space<vmem>>, vector<16xi32>,
    %get3A_404 = arith.constant 0 : i32
    %get3A_405 = arith.constant 1 : i32
    %get3A_406 = arith.index_cast %get3A_404 : i32 to index
    %get3A_407 = arith.index_cast %get3A_405 : i32 to index
    %get3A_408 = arith.constant 32 : index
    %get3A_409 = tpu.vector_load %arg5[%get3A_406, %get3A_407, %get3A_408] {strides = array<i32>} : memref<1x2x128xi32, #tpu.memory_space<vmem>>, vector<16xi32>,
    %add3A_410 = arith.addi %get3A_409, %broadcast_in_dim3A_293 : vector<16xi32>
    %swap3A_411 = arith.constant 0 : i32
    %swap3A_412 = arith.index_cast %swap3A_411 : i32 to index
    %swap3A_413 = arith.constant 576 : index
    %swap3A_414 = tpu.vector_load %arg6[%swap3A_412, %swap3A_413] {strides = array<i32>} : memref<1x2080xi32, #tpu.memory_space<vmem>>, vector<16xi32>,
    tpu.vector_store %arg6[%swap3A_412, %swap3A_413], %add3A_410 {strides = array<i32>} : memref<1x2080xi32, #tpu.memory_space<vmem>>, vector<16xi32>,
    %get3A_415 = arith.constant 0 : i32
    %get3A_416 = arith.constant 1 : i32
    %get3A_417 = arith.index_cast %get3A_415 : i32 to index
    %get3A_418 = arith.index_cast %get3A_416 : i32 to index
    %get3A_419 = arith.constant 48 : index
    %get3A_420 = tpu.vector_load %arg5[%get3A_417, %get3A_418, %get3A_419] {strides = array<i32>} : memref<1x2x128xi32, #tpu.memory_space<vmem>>, vector<16xi32>,
    %add3A_421 = arith.addi %get3A_420, %broadcast_in_dim3A_293 : vector<16xi32>
    %swap3A_422 = arith.constant 0 : i32
    %swap3A_423 = arith.index_cast %swap3A_422 : i32 to index
    %swap3A_424 = arith.constant 592 : index
    %swap3A_425 = tpu.vector_load %arg6[%swap3A_423, %swap3A_424] {strides = array<i32>} : memref<1x2080xi32, #tpu.memory_space<vmem>>, vector<16xi32>,
    tpu.vector_store %arg6[%swap3A_423, %swap3A_424], %add3A_421 {strides = array<i32>} : memref<1x2080xi32, #tpu.memory_space<vmem>>, vector<16xi32>,
    %get3A_426 = arith.constant 0 : i32
    %get3A_427 = arith.constant 1 : i32
    %get3A_428 = arith.index_cast %get3A_426 : i32 to index
    %get3A_429 = arith.index_cast %get3A_427 : i32 to index
    %get3A_430 = arith.constant 64 : index
    %get3A_431 = tpu.vector_load %arg5[%get3A_428, %get3A_429, %get3A_430] {strides = array<i32>} : memref<1x2x128xi32, #tpu.memory_space<vmem>>, vector<16xi32>,
    %add3A_432 = arith.addi %get3A_431, %broadcast_in_dim3A_293 : vector<16xi32>
    %swap3A_433 = arith.constant 0 : i32
    %swap3A_434 = arith.index_cast %swap3A_433 : i32 to index
    %swap3A_435 = arith.constant 608 : index
    %swap3A_436 = tpu.vector_load %arg6[%swap3A_434, %swap3A_435] {strides = array<i32>} : memref<1x2080xi32, #tpu.memory_space<vmem>>, vector<16xi32>,
    tpu.vector_store %arg6[%swap3A_434, %swap3A_435], %add3A_432 {strides = array<i32>} : memref<1x2080xi32, #tpu.memory_space<vmem>>, vector<16xi32>,
    %broadcast_in_dim3A_437 = arith.constant 602112 : i32
    %broadcast_in_dim3A_438 = vector.broadcast %broadcast_in_dim3A_437 : i32 to vector<16xi32>
    %get3A_439 = arith.constant 0 : i32
    %get3A_440 = arith.constant 0 : i32
    %get3A_441 = arith.index_cast %get3A_439 : i32 to index
    %get3A_442 = arith.index_cast %get3A_440 : i32 to index
    %get3A_443 = arith.constant 0 : index
    %get3A_444 = tpu.vector_load %arg5[%get3A_441, %get3A_442, %get3A_443] {strides = array<i32>} : memref<1x2x128xi32, #tpu.memory_space<vmem>>, vector<16xi32>,
    %add3A_445 = arith.addi %get3A_444, %broadcast_in_dim3A_438 : vector<16xi32>
    %swap3A_446 = arith.constant 0 : i32
    %swap3A_447 = arith.index_cast %swap3A_446 : i32 to index
    %swap3A_448 = arith.constant 624 : index
    %swap3A_449 = tpu.vector_load %arg6[%swap3A_447, %swap3A_448] {strides = array<i32>} : memref<1x2080xi32, #tpu.memory_space<vmem>>, vector<16xi32>,
    tpu.vector_store %arg6[%swap3A_447, %swap3A_448], %add3A_445 {strides = array<i32>} : memref<1x2080xi32, #tpu.memory_space<vmem>>, vector<16xi32>,
    %get3A_450 = arith.constant 0 : i32
    %get3A_451 = arith.constant 0 : i32
    %get3A_452 = arith.index_cast %get3A_450 : i32 to index
    %get3A_453 = arith.index_cast %get3A_451 : i32 to index
    %get3A_454 = arith.constant 16 : index
    %get3A_455 = tpu.vector_load %arg5[%get3A_452, %get3A_453, %get3A_454] {strides = array<i32>} : memref<1x2x128xi32, #tpu.memory_space<vmem>>, vector<16xi32>,
    %add3A_456 = arith.addi %get3A_455, %broadcast_in_dim3A_438 : vector<16xi32>
    %swap3A_457 = arith.constant 0 : i32
    %swap3A_458 = arith.index_cast %swap3A_457 : i32 to index
    %swap3A_459 = arith.constant 640 : index
    %swap3A_460 = tpu.vector_load %arg6[%swap3A_458, %swap3A_459] {strides = array<i32>} : memref<1x2080xi32, #tpu.memory_space<vmem>>, vector<16xi32>,
    tpu.vector_store %arg6[%swap3A_458, %swap3A_459], %add3A_456 {strides = array<i32>} : memref<1x2080xi32, #tpu.memory_space<vmem>>, vector<16xi32>,
    %get3A_461 = arith.constant 0 : i32
    %get3A_462 = arith.constant 0 : i32
    %get3A_463 = arith.index_cast %get3A_461 : i32 to index
    %get3A_464 = arith.index_cast %get3A_462 : i32 to index
    %get3A_465 = arith.constant 32 : index
    %get3A_466 = tpu.vector_load %arg5[%get3A_463, %get3A_464, %get3A_465] {strides = array<i32>} : memref<1x2x128xi32, #tpu.memory_space<vmem>>, vector<16xi32>,
    %add3A_467 = arith.addi %get3A_466, %broadcast_in_dim3A_438 : vector<16xi32>
    %swap3A_468 = arith.constant 0 : i32
    %swap3A_469 = arith.index_cast %swap3A_468 : i32 to index
    %swap3A_470 = arith.constant 656 : index
    %swap3A_471 = tpu.vector_load %arg6[%swap3A_469, %swap3A_470] {strides = array<i32>} : memref<1x2080xi32, #tpu.memory_space<vmem>>, vector<16xi32>,
    tpu.vector_store %arg6[%swap3A_469, %swap3A_470], %add3A_467 {strides = array<i32>} : memref<1x2080xi32, #tpu.memory_space<vmem>>, vector<16xi32>,
    %get3A_472 = arith.constant 0 : i32
    %get3A_473 = arith.constant 0 : i32
    %get3A_474 = arith.index_cast %get3A_472 : i32 to index
    %get3A_475 = arith.index_cast %get3A_473 : i32 to index
    %get3A_476 = arith.constant 48 : index
    %get3A_477 = tpu.vector_load %arg5[%get3A_474, %get3A_475, %get3A_476] {strides = array<i32>} : memref<1x2x128xi32, #tpu.memory_space<vmem>>, vector<16xi32>,
    %add3A_478 = arith.addi %get3A_477, %broadcast_in_dim3A_438 : vector<16xi32>
    %swap3A_479 = arith.constant 0 : i32
    %swap3A_480 = arith.index_cast %swap3A_479 : i32 to index
    %swap3A_481 = arith.constant 672 : index
    %swap3A_482 = tpu.vector_load %arg6[%swap3A_480, %swap3A_481] {strides = array<i32>} : memref<1x2080xi32, #tpu.memory_space<vmem>>, vector<16xi32>,
    tpu.vector_store %arg6[%swap3A_480, %swap3A_481], %add3A_478 {strides = array<i32>} : memref<1x2080xi32, #tpu.memory_space<vmem>>, vector<16xi32>,
    %get3A_483 = arith.constant 0 : i32
    %get3A_484 = arith.constant 0 : i32
    %get3A_485 = arith.index_cast %get3A_483 : i32 to index
    %get3A_486 = arith.index_cast %get3A_484 : i32 to index
    %get3A_487 = arith.constant 64 : index
    %get3A_488 = tpu.vector_load %arg5[%get3A_485, %get3A_486, %get3A_487] {strides = array<i32>} : memref<1x2x128xi32, #tpu.memory_space<vmem>>, vector<16xi32>,
    %add3A_489 = arith.addi %get3A_488, %broadcast_in_dim3A_438 : vector<16xi32>
    %swap3A_490 = arith.constant 0 : i32
    %swap3A_491 = arith.index_cast %swap3A_490 : i32 to index
    %swap3A_492 = arith.constant 688 : index
    %swap3A_493 = tpu.vector_load %arg6[%swap3A_491, %swap3A_492] {strides = array<i32>} : memref<1x2080xi32, #tpu.memory_space<vmem>>, vector<16xi32>,
    tpu.vector_store %arg6[%swap3A_491, %swap3A_492], %add3A_489 {strides = array<i32>} : memref<1x2080xi32, #tpu.memory_space<vmem>>, vector<16xi32>,
    %get3A_494 = arith.constant 0 : i32
    %get3A_495 = arith.constant 0 : i32
    %get3A_496 = arith.index_cast %get3A_494 : i32 to index
    %get3A_497 = arith.index_cast %get3A_495 : i32 to index
    %get3A_498 = arith.constant 80 : index
    %get3A_499 = tpu.vector_load %arg5[%get3A_496, %get3A_497, %get3A_498] {strides = array<i32>} : memref<1x2x128xi32, #tpu.memory_space<vmem>>, vector<16xi32>,
    %add3A_500 = arith.addi %get3A_499, %broadcast_in_dim3A_438 : vector<16xi32>
    %swap3A_501 = arith.constant 0 : i32
    %swap3A_502 = arith.index_cast %swap3A_501 : i32 to index
    %swap3A_503 = arith.constant 704 : index
    %swap3A_504 = tpu.vector_load %arg6[%swap3A_502, %swap3A_503] {strides = array<i32>} : memref<1x2080xi32, #tpu.memory_space<vmem>>, vector<16xi32>,
    tpu.vector_store %arg6[%swap3A_502, %swap3A_503], %add3A_500 {strides = array<i32>} : memref<1x2080xi32, #tpu.memory_space<vmem>>, vector<16xi32>,
    %get3A_505 = arith.constant 0 : i32
    %get3A_506 = arith.constant 0 : i32
    %get3A_507 = arith.index_cast %get3A_505 : i32 to index
    %get3A_508 = arith.index_cast %get3A_506 : i32 to index
    %get3A_509 = arith.constant 96 : index
    %get3A_510 = tpu.vector_load %arg5[%get3A_507, %get3A_508, %get3A_509] {strides = array<i32>} : memref<1x2x128xi32, #tpu.memory_space<vmem>>, vector<16xi32>,
    %add3A_511 = arith.addi %get3A_510, %broadcast_in_dim3A_438 : vector<16xi32>
    %swap3A_512 = arith.constant 0 : i32
    %swap3A_513 = arith.index_cast %swap3A_512 : i32 to index
    %swap3A_514 = arith.constant 720 : index
    %swap3A_515 = tpu.vector_load %arg6[%swap3A_513, %swap3A_514] {strides = array<i32>} : memref<1x2080xi32, #tpu.memory_space<vmem>>, vector<16xi32>,
    tpu.vector_store %arg6[%swap3A_513, %swap3A_514], %add3A_511 {strides = array<i32>} : memref<1x2080xi32, #tpu.memory_space<vmem>>, vector<16xi32>,
    %get3A_516 = arith.constant 0 : i32
    %get3A_517 = arith.constant 0 : i32
    %get3A_518 = arith.index_cast %get3A_516 : i32 to index
    %get3A_519 = arith.index_cast %get3A_517 : i32 to index
    %get3A_520 = arith.constant 112 : index
    %get3A_521 = tpu.vector_load %arg5[%get3A_518, %get3A_519, %get3A_520] {strides = array<i32>} : memref<1x2x128xi32, #tpu.memory_space<vmem>>, vector<16xi32>,
    %add3A_522 = arith.addi %get3A_521, %broadcast_in_dim3A_438 : vector<16xi32>
    %swap3A_523 = arith.constant 0 : i32
    %swap3A_524 = arith.index_cast %swap3A_523 : i32 to index
    %swap3A_525 = arith.constant 736 : index
    %swap3A_526 = tpu.vector_load %arg6[%swap3A_524, %swap3A_525] {strides = array<i32>} : memref<1x2080xi32, #tpu.memory_space<vmem>>, vector<16xi32>,
    tpu.vector_store %arg6[%swap3A_524, %swap3A_525], %add3A_522 {strides = array<i32>} : memref<1x2080xi32, #tpu.memory_space<vmem>>, vector<16xi32>,
    %get3A_527 = arith.constant 0 : i32
    %get3A_528 = arith.constant 1 : i32
    %get3A_529 = arith.index_cast %get3A_527 : i32 to index
    %get3A_530 = arith.index_cast %get3A_528 : i32 to index
    %get3A_531 = arith.constant 0 : index
    %get3A_532 = tpu.vector_load %arg5[%get3A_529, %get3A_530, %get3A_531] {strides = array<i32>} : memref<1x2x128xi32, #tpu.memory_space<vmem>>, vector<16xi32>,
    %add3A_533 = arith.addi %get3A_532, %broadcast_in_dim3A_438 : vector<16xi32>
    %swap3A_534 = arith.constant 0 : i32
    %swap3A_535 = arith.index_cast %swap3A_534 : i32 to index
    %swap3A_536 = arith.constant 752 : index
    %swap3A_537 = tpu.vector_load %arg6[%swap3A_535, %swap3A_536] {strides = array<i32>} : memref<1x2080xi32, #tpu.memory_space<vmem>>, vector<16xi32>,
    tpu.vector_store %arg6[%swap3A_535, %swap3A_536], %add3A_533 {strides = array<i32>} : memref<1x2080xi32, #tpu.memory_space<vmem>>, vector<16xi32>,
    %get3A_538 = arith.constant 0 : i32
    %get3A_539 = arith.constant 1 : i32
    %get3A_540 = arith.index_cast %get3A_538 : i32 to index
    %get3A_541 = arith.index_cast %get3A_539 : i32 to index
    %get3A_542 = arith.constant 16 : index
    %get3A_543 = tpu.vector_load %arg5[%get3A_540, %get3A_541, %get3A_542] {strides = array<i32>} : memref<1x2x128xi32, #tpu.memory_space<vmem>>, vector<16xi32>,
    %add3A_544 = arith.addi %get3A_543, %broadcast_in_dim3A_438 : vector<16xi32>
    %swap3A_545 = arith.constant 0 : i32
    %swap3A_546 = arith.index_cast %swap3A_545 : i32 to index
    %swap3A_547 = arith.constant 768 : index
    %swap3A_548 = tpu.vector_load %arg6[%swap3A_546, %swap3A_547] {strides = array<i32>} : memref<1x2080xi32, #tpu.memory_space<vmem>>, vector<16xi32>,
    tpu.vector_store %arg6[%swap3A_546, %swap3A_547], %add3A_544 {strides = array<i32>} : memref<1x2080xi32, #tpu.memory_space<vmem>>, vector<16xi32>,
    %get3A_549 = arith.constant 0 : i32
    %get3A_550 = arith.constant 1 : i32
    %get3A_551 = arith.index_cast %get3A_549 : i32 to index
    %get3A_552 = arith.index_cast %get3A_550 : i32 to index
    %get3A_553 = arith.constant 32 : index
    %get3A_554 = tpu.vector_load %arg5[%get3A_551, %get3A_552, %get3A_553] {strides = array<i32>} : memref<1x2x128xi32, #tpu.memory_space<vmem>>, vector<16xi32>,
    %add3A_555 = arith.addi %get3A_554, %broadcast_in_dim3A_438 : vector<16xi32>
    %swap3A_556 = arith.constant 0 : i32
    %swap3A_557 = arith.index_cast %swap3A_556 : i32 to index
    %swap3A_558 = arith.constant 784 : index
    %swap3A_559 = tpu.vector_load %arg6[%swap3A_557, %swap3A_558] {strides = array<i32>} : memref<1x2080xi32, #tpu.memory_space<vmem>>, vector<16xi32>,
    tpu.vector_store %arg6[%swap3A_557, %swap3A_558], %add3A_555 {strides = array<i32>} : memref<1x2080xi32, #tpu.memory_space<vmem>>, vector<16xi32>,
    %get3A_560 = arith.constant 0 : i32
    %get3A_561 = arith.constant 1 : i32
    %get3A_562 = arith.index_cast %get3A_560 : i32 to index
    %get3A_563 = arith.index_cast %get3A_561 : i32 to index
    %get3A_564 = arith.constant 48 : index
    %get3A_565 = tpu.vector_load %arg5[%get3A_562, %get3A_563, %get3A_564] {strides = array<i32>} : memref<1x2x128xi32, #tpu.memory_space<vmem>>, vector<16xi32>,
    %add3A_566 = arith.addi %get3A_565, %broadcast_in_dim3A_438 : vector<16xi32>
    %swap3A_567 = arith.constant 0 : i32
    %swap3A_568 = arith.index_cast %swap3A_567 : i32 to index
    %swap3A_569 = arith.constant 800 : index
    %swap3A_570 = tpu.vector_load %arg6[%swap3A_568, %swap3A_569] {strides = array<i32>} : memref<1x2080xi32, #tpu.memory_space<vmem>>, vector<16xi32>,
    tpu.vector_store %arg6[%swap3A_568, %swap3A_569], %add3A_566 {strides = array<i32>} : memref<1x2080xi32, #tpu.memory_space<vmem>>, vector<16xi32>,
    %get3A_571 = arith.constant 0 : i32
    %get3A_572 = arith.constant 1 : i32
    %get3A_573 = arith.index_cast %get3A_571 : i32 to index
    %get3A_574 = arith.index_cast %get3A_572 : i32 to index
    %get3A_575 = arith.constant 64 : index
    %get3A_576 = tpu.vector_load %arg5[%get3A_573, %get3A_574, %get3A_575] {strides = array<i32>} : memref<1x2x128xi32, #tpu.memory_space<vmem>>, vector<16xi32>,
    %add3A_577 = arith.addi %get3A_576, %broadcast_in_dim3A_438 : vector<16xi32>
    %swap3A_578 = arith.constant 0 : i32
    %swap3A_579 = arith.index_cast %swap3A_578 : i32 to index
    %swap3A_580 = arith.constant 816 : index
    %swap3A_581 = tpu.vector_load %arg6[%swap3A_579, %swap3A_580] {strides = array<i32>} : memref<1x2080xi32, #tpu.memory_space<vmem>>, vector<16xi32>,
    tpu.vector_store %arg6[%swap3A_579, %swap3A_580], %add3A_577 {strides = array<i32>} : memref<1x2080xi32, #tpu.memory_space<vmem>>, vector<16xi32>,
    %broadcast_in_dim3A_582 = arith.constant 802816 : i32
    %broadcast_in_dim3A_583 = vector.broadcast %broadcast_in_dim3A_582 : i32 to vector<16xi32>
    %get3A_584 = arith.constant 0 : i32
    %get3A_585 = arith.constant 0 : i32
    %get3A_586 = arith.index_cast %get3A_584 : i32 to index
    %get3A_587 = arith.index_cast %get3A_585 : i32 to index
    %get3A_588 = arith.constant 0 : index
    %get3A_589 = tpu.vector_load %arg5[%get3A_586, %get3A_587, %get3A_588] {strides = array<i32>} : memref<1x2x128xi32, #tpu.memory_space<vmem>>, vector<16xi32>,
    %add3A_590 = arith.addi %get3A_589, %broadcast_in_dim3A_583 : vector<16xi32>
    %swap3A_591 = arith.constant 0 : i32
    %swap3A_592 = arith.index_cast %swap3A_591 : i32 to index
    %swap3A_593 = arith.constant 832 : index
    %swap3A_594 = tpu.vector_load %arg6[%swap3A_592, %swap3A_593] {strides = array<i32>} : memref<1x2080xi32, #tpu.memory_space<vmem>>, vector<16xi32>,
    tpu.vector_store %arg6[%swap3A_592, %swap3A_593], %add3A_590 {strides = array<i32>} : memref<1x2080xi32, #tpu.memory_space<vmem>>, vector<16xi32>,
    %get3A_595 = arith.constant 0 : i32
    %get3A_596 = arith.constant 0 : i32
    %get3A_597 = arith.index_cast %get3A_595 : i32 to index
    %get3A_598 = arith.index_cast %get3A_596 : i32 to index
    %get3A_599 = arith.constant 16 : index
    %get3A_600 = tpu.vector_load %arg5[%get3A_597, %get3A_598, %get3A_599] {strides = array<i32>} : memref<1x2x128xi32, #tpu.memory_space<vmem>>, vector<16xi32>,
    %add3A_601 = arith.addi %get3A_600, %broadcast_in_dim3A_583 : vector<16xi32>
    %swap3A_602 = arith.constant 0 : i32
    %swap3A_603 = arith.index_cast %swap3A_602 : i32 to index
    %swap3A_604 = arith.constant 848 : index
    %swap3A_605 = tpu.vector_load %arg6[%swap3A_603, %swap3A_604] {strides = array<i32>} : memref<1x2080xi32, #tpu.memory_space<vmem>>, vector<16xi32>,
    tpu.vector_store %arg6[%swap3A_603, %swap3A_604], %add3A_601 {strides = array<i32>} : memref<1x2080xi32, #tpu.memory_space<vmem>>, vector<16xi32>,
    %get3A_606 = arith.constant 0 : i32
    %get3A_607 = arith.constant 0 : i32
    %get3A_608 = arith.index_cast %get3A_606 : i32 to index
    %get3A_609 = arith.index_cast %get3A_607 : i32 to index
    %get3A_610 = arith.constant 32 : index
    %get3A_611 = tpu.vector_load %arg5[%get3A_608, %get3A_609, %get3A_610] {strides = array<i32>} : memref<1x2x128xi32, #tpu.memory_space<vmem>>, vector<16xi32>,
    %add3A_612 = arith.addi %get3A_611, %broadcast_in_dim3A_583 : vector<16xi32>
    %swap3A_613 = arith.constant 0 : i32
    %swap3A_614 = arith.index_cast %swap3A_613 : i32 to index
    %swap3A_615 = arith.constant 864 : index
    %swap3A_616 = tpu.vector_load %arg6[%swap3A_614, %swap3A_615] {strides = array<i32>} : memref<1x2080xi32, #tpu.memory_space<vmem>>, vector<16xi32>,
    tpu.vector_store %arg6[%swap3A_614, %swap3A_615], %add3A_612 {strides = array<i32>} : memref<1x2080xi32, #tpu.memory_space<vmem>>, vector<16xi32>,
    %get3A_617 = arith.constant 0 : i32
    %get3A_618 = arith.constant 0 : i32
    %get3A_619 = arith.index_cast %get3A_617 : i32 to index
    %get3A_620 = arith.index_cast %get3A_618 : i32 to index
    %get3A_621 = arith.constant 48 : index
    %get3A_622 = tpu.vector_load %arg5[%get3A_619, %get3A_620, %get3A_621] {strides = array<i32>} : memref<1x2x128xi32, #tpu.memory_space<vmem>>, vector<16xi32>,
    %add3A_623 = arith.addi %get3A_622, %broadcast_in_dim3A_583 : vector<16xi32>
    %swap3A_624 = arith.constant 0 : i32
    %swap3A_625 = arith.index_cast %swap3A_624 : i32 to index
    %swap3A_626 = arith.constant 880 : index
    %swap3A_627 = tpu.vector_load %arg6[%swap3A_625, %swap3A_626] {strides = array<i32>} : memref<1x2080xi32, #tpu.memory_space<vmem>>, vector<16xi32>,
    tpu.vector_store %arg6[%swap3A_625, %swap3A_626], %add3A_623 {strides = array<i32>} : memref<1x2080xi32, #tpu.memory_space<vmem>>, vector<16xi32>,
    %get3A_628 = arith.constant 0 : i32
    %get3A_629 = arith.constant 0 : i32
    %get3A_630 = arith.index_cast %get3A_628 : i32 to index
    %get3A_631 = arith.index_cast %get3A_629 : i32 to index
    %get3A_632 = arith.constant 64 : index
    %get3A_633 = tpu.vector_load %arg5[%get3A_630, %get3A_631, %get3A_632] {strides = array<i32>} : memref<1x2x128xi32, #tpu.memory_space<vmem>>, vector<16xi32>,
    %add3A_634 = arith.addi %get3A_633, %broadcast_in_dim3A_583 : vector<16xi32>
    %swap3A_635 = arith.constant 0 : i32
    %swap3A_636 = arith.index_cast %swap3A_635 : i32 to index
    %swap3A_637 = arith.constant 896 : index
    %swap3A_638 = tpu.vector_load %arg6[%swap3A_636, %swap3A_637] {strides = array<i32>} : memref<1x2080xi32, #tpu.memory_space<vmem>>, vector<16xi32>,
    tpu.vector_store %arg6[%swap3A_636, %swap3A_637], %add3A_634 {strides = array<i32>} : memref<1x2080xi32, #tpu.memory_space<vmem>>, vector<16xi32>,
    %get3A_639 = arith.constant 0 : i32
    %get3A_640 = arith.constant 0 : i32
    %get3A_641 = arith.index_cast %get3A_639 : i32 to index
    %get3A_642 = arith.index_cast %get3A_640 : i32 to index
    %get3A_643 = arith.constant 80 : index
    %get3A_644 = tpu.vector_load %arg5[%get3A_641, %get3A_642, %get3A_643] {strides = array<i32>} : memref<1x2x128xi32, #tpu.memory_space<vmem>>, vector<16xi32>,
    %add3A_645 = arith.addi %get3A_644, %broadcast_in_dim3A_583 : vector<16xi32>
    %swap3A_646 = arith.constant 0 : i32
    %swap3A_647 = arith.index_cast %swap3A_646 : i32 to index
    %swap3A_648 = arith.constant 912 : index
    %swap3A_649 = tpu.vector_load %arg6[%swap3A_647, %swap3A_648] {strides = array<i32>} : memref<1x2080xi32, #tpu.memory_space<vmem>>, vector<16xi32>,
    tpu.vector_store %arg6[%swap3A_647, %swap3A_648], %add3A_645 {strides = array<i32>} : memref<1x2080xi32, #tpu.memory_space<vmem>>, vector<16xi32>,
    %get3A_650 = arith.constant 0 : i32
    %get3A_651 = arith.constant 0 : i32
    %get3A_652 = arith.index_cast %get3A_650 : i32 to index
    %get3A_653 = arith.index_cast %get3A_651 : i32 to index
    %get3A_654 = arith.constant 96 : index
    %get3A_655 = tpu.vector_load %arg5[%get3A_652, %get3A_653, %get3A_654] {strides = array<i32>} : memref<1x2x128xi32, #tpu.memory_space<vmem>>, vector<16xi32>,
    %add3A_656 = arith.addi %get3A_655, %broadcast_in_dim3A_583 : vector<16xi32>
    %swap3A_657 = arith.constant 0 : i32
    %swap3A_658 = arith.index_cast %swap3A_657 : i32 to index
    %swap3A_659 = arith.constant 928 : index
    %swap3A_660 = tpu.vector_load %arg6[%swap3A_658, %swap3A_659] {strides = array<i32>} : memref<1x2080xi32, #tpu.memory_space<vmem>>, vector<16xi32>,
    tpu.vector_store %arg6[%swap3A_658, %swap3A_659], %add3A_656 {strides = array<i32>} : memref<1x2080xi32, #tpu.memory_space<vmem>>, vector<16xi32>,
    %get3A_661 = arith.constant 0 : i32
    %get3A_662 = arith.constant 0 : i32
    %get3A_663 = arith.index_cast %get3A_661 : i32 to index
    %get3A_664 = arith.index_cast %get3A_662 : i32 to index
    %get3A_665 = arith.constant 112 : index
    %get3A_666 = tpu.vector_load %arg5[%get3A_663, %get3A_664, %get3A_665] {strides = array<i32>} : memref<1x2x128xi32, #tpu.memory_space<vmem>>, vector<16xi32>,
    %add3A_667 = arith.addi %get3A_666, %broadcast_in_dim3A_583 : vector<16xi32>
    %swap3A_668 = arith.constant 0 : i32
    %swap3A_669 = arith.index_cast %swap3A_668 : i32 to index
    %swap3A_670 = arith.constant 944 : index
    %swap3A_671 = tpu.vector_load %arg6[%swap3A_669, %swap3A_670] {strides = array<i32>} : memref<1x2080xi32, #tpu.memory_space<vmem>>, vector<16xi32>,
    tpu.vector_store %arg6[%swap3A_669, %swap3A_670], %add3A_667 {strides = array<i32>} : memref<1x2080xi32, #tpu.memory_space<vmem>>, vector<16xi32>,
    %get3A_672 = arith.constant 0 : i32
    %get3A_673 = arith.constant 1 : i32
    %get3A_674 = arith.index_cast %get3A_672 : i32 to index
    %get3A_675 = arith.index_cast %get3A_673 : i32 to index
    %get3A_676 = arith.constant 0 : index
    %get3A_677 = tpu.vector_load %arg5[%get3A_674, %get3A_675, %get3A_676] {strides = array<i32>} : memref<1x2x128xi32, #tpu.memory_space<vmem>>, vector<16xi32>,
    %add3A_678 = arith.addi %get3A_677, %broadcast_in_dim3A_583 : vector<16xi32>
    %swap3A_679 = arith.constant 0 : i32
    %swap3A_680 = arith.index_cast %swap3A_679 : i32 to index
    %swap3A_681 = arith.constant 960 : index
    %swap3A_682 = tpu.vector_load %arg6[%swap3A_680, %swap3A_681] {strides = array<i32>} : memref<1x2080xi32, #tpu.memory_space<vmem>>, vector<16xi32>,
    tpu.vector_store %arg6[%swap3A_680, %swap3A_681], %add3A_678 {strides = array<i32>} : memref<1x2080xi32, #tpu.memory_space<vmem>>, vector<16xi32>,
    %get3A_683 = arith.constant 0 : i32
    %get3A_684 = arith.constant 1 : i32
    %get3A_685 = arith.index_cast %get3A_683 : i32 to index
    %get3A_686 = arith.index_cast %get3A_684 : i32 to index
    %get3A_687 = arith.constant 16 : index
    %get3A_688 = tpu.vector_load %arg5[%get3A_685, %get3A_686, %get3A_687] {strides = array<i32>} : memref<1x2x128xi32, #tpu.memory_space<vmem>>, vector<16xi32>,
    %add3A_689 = arith.addi %get3A_688, %broadcast_in_dim3A_583 : vector<16xi32>
    %swap3A_690 = arith.constant 0 : i32
    %swap3A_691 = arith.index_cast %swap3A_690 : i32 to index
    %swap3A_692 = arith.constant 976 : index
    %swap3A_693 = tpu.vector_load %arg6[%swap3A_691, %swap3A_692] {strides = array<i32>} : memref<1x2080xi32, #tpu.memory_space<vmem>>, vector<16xi32>,
    tpu.vector_store %arg6[%swap3A_691, %swap3A_692], %add3A_689 {strides = array<i32>} : memref<1x2080xi32, #tpu.memory_space<vmem>>, vector<16xi32>,
    %get3A_694 = arith.constant 0 : i32
    %get3A_695 = arith.constant 1 : i32
    %get3A_696 = arith.index_cast %get3A_694 : i32 to index
    %get3A_697 = arith.index_cast %get3A_695 : i32 to index
    %get3A_698 = arith.constant 32 : index
    %get3A_699 = tpu.vector_load %arg5[%get3A_696, %get3A_697, %get3A_698] {strides = array<i32>} : memref<1x2x128xi32, #tpu.memory_space<vmem>>, vector<16xi32>,
    %add3A_700 = arith.addi %get3A_699, %broadcast_in_dim3A_583 : vector<16xi32>
    %swap3A_701 = arith.constant 0 : i32
    %swap3A_702 = arith.index_cast %swap3A_701 : i32 to index
    %swap3A_703 = arith.constant 992 : index
    %swap3A_704 = tpu.vector_load %arg6[%swap3A_702, %swap3A_703] {strides = array<i32>} : memref<1x2080xi32, #tpu.memory_space<vmem>>, vector<16xi32>,
    tpu.vector_store %arg6[%swap3A_702, %swap3A_703], %add3A_700 {strides = array<i32>} : memref<1x2080xi32, #tpu.memory_space<vmem>>, vector<16xi32>,
    %get3A_705 = arith.constant 0 : i32
    %get3A_706 = arith.constant 1 : i32
    %get3A_707 = arith.index_cast %get3A_705 : i32 to index
    %get3A_708 = arith.index_cast %get3A_706 : i32 to index
    %get3A_709 = arith.constant 48 : index
    %get3A_710 = tpu.vector_load %arg5[%get3A_707, %get3A_708, %get3A_709] {strides = array<i32>} : memref<1x2x128xi32, #tpu.memory_space<vmem>>, vector<16xi32>,
    %add3A_711 = arith.addi %get3A_710, %broadcast_in_dim3A_583 : vector<16xi32>
    %swap3A_712 = arith.constant 0 : i32
    %swap3A_713 = arith.index_cast %swap3A_712 : i32 to index
    %swap3A_714 = arith.constant 1008 : index
    %swap3A_715 = tpu.vector_load %arg6[%swap3A_713, %swap3A_714] {strides = array<i32>} : memref<1x2080xi32, #tpu.memory_space<vmem>>, vector<16xi32>,
    tpu.vector_store %arg6[%swap3A_713, %swap3A_714], %add3A_711 {strides = array<i32>} : memref<1x2080xi32, #tpu.memory_space<vmem>>, vector<16xi32>,
    %get3A_716 = arith.constant 0 : i32
    %get3A_717 = arith.constant 1 : i32
    %get3A_718 = arith.index_cast %get3A_716 : i32 to index
    %get3A_719 = arith.index_cast %get3A_717 : i32 to index
    %get3A_720 = arith.constant 64 : index
    %get3A_721 = tpu.vector_load %arg5[%get3A_718, %get3A_719, %get3A_720] {strides = array<i32>} : memref<1x2x128xi32, #tpu.memory_space<vmem>>, vector<16xi32>,
    %add3A_722 = arith.addi %get3A_721, %broadcast_in_dim3A_583 : vector<16xi32>
    %swap3A_723 = arith.constant 0 : i32
    %swap3A_724 = arith.index_cast %swap3A_723 : i32 to index
    %swap3A_725 = arith.constant 1024 : index
    %swap3A_726 = tpu.vector_load %arg6[%swap3A_724, %swap3A_725] {strides = array<i32>} : memref<1x2080xi32, #tpu.memory_space<vmem>>, vector<16xi32>,
    tpu.vector_store %arg6[%swap3A_724, %swap3A_725], %add3A_722 {strides = array<i32>} : memref<1x2080xi32, #tpu.memory_space<vmem>>, vector<16xi32>,
    %broadcast_in_dim3A_727 = arith.constant 1003520 : i32
    %broadcast_in_dim3A_728 = vector.broadcast %broadcast_in_dim3A_727 : i32 to vector<16xi32>
    %get3A_729 = arith.constant 0 : i32
    %get3A_730 = arith.constant 0 : i32
    %get3A_731 = arith.index_cast %get3A_729 : i32 to index
    %get3A_732 = arith.index_cast %get3A_730 : i32 to index
    %get3A_733 = arith.constant 0 : index
    %get3A_734 = tpu.vector_load %arg5[%get3A_731, %get3A_732, %get3A_733] {strides = array<i32>} : memref<1x2x128xi32, #tpu.memory_space<vmem>>, vector<16xi32>,
    %add3A_735 = arith.addi %get3A_734, %broadcast_in_dim3A_728 : vector<16xi32>
    %swap3A_736 = arith.constant 0 : i32
    %swap3A_737 = arith.index_cast %swap3A_736 : i32 to index
    %swap3A_738 = arith.constant 1040 : index
    %swap3A_739 = tpu.vector_load %arg6[%swap3A_737, %swap3A_738] {strides = array<i32>} : memref<1x2080xi32, #tpu.memory_space<vmem>>, vector<16xi32>,
    tpu.vector_store %arg6[%swap3A_737, %swap3A_738], %add3A_735 {strides = array<i32>} : memref<1x2080xi32, #tpu.memory_space<vmem>>, vector<16xi32>,
    %get3A_740 = arith.constant 0 : i32
    %get3A_741 = arith.constant 0 : i32
    %get3A_742 = arith.index_cast %get3A_740 : i32 to index
    %get3A_743 = arith.index_cast %get3A_741 : i32 to index
    %get3A_744 = arith.constant 16 : index
    %get3A_745 = tpu.vector_load %arg5[%get3A_742, %get3A_743, %get3A_744] {strides = array<i32>} : memref<1x2x128xi32, #tpu.memory_space<vmem>>, vector<16xi32>,
    %add3A_746 = arith.addi %get3A_745, %broadcast_in_dim3A_728 : vector<16xi32>
    %swap3A_747 = arith.constant 0 : i32
    %swap3A_748 = arith.index_cast %swap3A_747 : i32 to index
    %swap3A_749 = arith.constant 1056 : index
    %swap3A_750 = tpu.vector_load %arg6[%swap3A_748, %swap3A_749] {strides = array<i32>} : memref<1x2080xi32, #tpu.memory_space<vmem>>, vector<16xi32>,
    tpu.vector_store %arg6[%swap3A_748, %swap3A_749], %add3A_746 {strides = array<i32>} : memref<1x2080xi32, #tpu.memory_space<vmem>>, vector<16xi32>,
    %get3A_751 = arith.constant 0 : i32
    %get3A_752 = arith.constant 0 : i32
    %get3A_753 = arith.index_cast %get3A_751 : i32 to index
    %get3A_754 = arith.index_cast %get3A_752 : i32 to index
    %get3A_755 = arith.constant 32 : index
    %get3A_756 = tpu.vector_load %arg5[%get3A_753, %get3A_754, %get3A_755] {strides = array<i32>} : memref<1x2x128xi32, #tpu.memory_space<vmem>>, vector<16xi32>,
    %add3A_757 = arith.addi %get3A_756, %broadcast_in_dim3A_728 : vector<16xi32>
    %swap3A_758 = arith.constant 0 : i32
    %swap3A_759 = arith.index_cast %swap3A_758 : i32 to index
    %swap3A_760 = arith.constant 1072 : index
    %swap3A_761 = tpu.vector_load %arg6[%swap3A_759, %swap3A_760] {strides = array<i32>} : memref<1x2080xi32, #tpu.memory_space<vmem>>, vector<16xi32>,
    tpu.vector_store %arg6[%swap3A_759, %swap3A_760], %add3A_757 {strides = array<i32>} : memref<1x2080xi32, #tpu.memory_space<vmem>>, vector<16xi32>,
    %get3A_762 = arith.constant 0 : i32
    %get3A_763 = arith.constant 0 : i32
    %get3A_764 = arith.index_cast %get3A_762 : i32 to index
    %get3A_765 = arith.index_cast %get3A_763 : i32 to index
    %get3A_766 = arith.constant 48 : index
    %get3A_767 = tpu.vector_load %arg5[%get3A_764, %get3A_765, %get3A_766] {strides = array<i32>} : memref<1x2x128xi32, #tpu.memory_space<vmem>>, vector<16xi32>,
    %add3A_768 = arith.addi %get3A_767, %broadcast_in_dim3A_728 : vector<16xi32>
    %swap3A_769 = arith.constant 0 : i32
    %swap3A_770 = arith.index_cast %swap3A_769 : i32 to index
    %swap3A_771 = arith.constant 1088 : index
    %swap3A_772 = tpu.vector_load %arg6[%swap3A_770, %swap3A_771] {strides = array<i32>} : memref<1x2080xi32, #tpu.memory_space<vmem>>, vector<16xi32>,
    tpu.vector_store %arg6[%swap3A_770, %swap3A_771], %add3A_768 {strides = array<i32>} : memref<1x2080xi32, #tpu.memory_space<vmem>>, vector<16xi32>,
    %get3A_773 = arith.constant 0 : i32
    %get3A_774 = arith.constant 0 : i32
    %get3A_775 = arith.index_cast %get3A_773 : i32 to index
    %get3A_776 = arith.index_cast %get3A_774 : i32 to index
    %get3A_777 = arith.constant 64 : index
    %get3A_778 = tpu.vector_load %arg5[%get3A_775, %get3A_776, %get3A_777] {strides = array<i32>} : memref<1x2x128xi32, #tpu.memory_space<vmem>>, vector<16xi32>,
    %add3A_779 = arith.addi %get3A_778, %broadcast_in_dim3A_728 : vector<16xi32>
    %swap3A_780 = arith.constant 0 : i32
    %swap3A_781 = arith.index_cast %swap3A_780 : i32 to index
    %swap3A_782 = arith.constant 1104 : index
    %swap3A_783 = tpu.vector_load %arg6[%swap3A_781, %swap3A_782] {strides = array<i32>} : memref<1x2080xi32, #tpu.memory_space<vmem>>, vector<16xi32>,
    tpu.vector_store %arg6[%swap3A_781, %swap3A_782], %add3A_779 {strides = array<i32>} : memref<1x2080xi32, #tpu.memory_space<vmem>>, vector<16xi32>,
    %get3A_784 = arith.constant 0 : i32
    %get3A_785 = arith.constant 0 : i32
    %get3A_786 = arith.index_cast %get3A_784 : i32 to index
    %get3A_787 = arith.index_cast %get3A_785 : i32 to index
    %get3A_788 = arith.constant 80 : index
    %get3A_789 = tpu.vector_load %arg5[%get3A_786, %get3A_787, %get3A_788] {strides = array<i32>} : memref<1x2x128xi32, #tpu.memory_space<vmem>>, vector<16xi32>,
    %add3A_790 = arith.addi %get3A_789, %broadcast_in_dim3A_728 : vector<16xi32>
    %swap3A_791 = arith.constant 0 : i32
    %swap3A_792 = arith.index_cast %swap3A_791 : i32 to index
    %swap3A_793 = arith.constant 1120 : index
    %swap3A_794 = tpu.vector_load %arg6[%swap3A_792, %swap3A_793] {strides = array<i32>} : memref<1x2080xi32, #tpu.memory_space<vmem>>, vector<16xi32>,
    tpu.vector_store %arg6[%swap3A_792, %swap3A_793], %add3A_790 {strides = array<i32>} : memref<1x2080xi32, #tpu.memory_space<vmem>>, vector<16xi32>,
    %get3A_795 = arith.constant 0 : i32
    %get3A_796 = arith.constant 0 : i32
    %get3A_797 = arith.index_cast %get3A_795 : i32 to index
    %get3A_798 = arith.index_cast %get3A_796 : i32 to index
    %get3A_799 = arith.constant 96 : index
    %get3A_800 = tpu.vector_load %arg5[%get3A_797, %get3A_798, %get3A_799] {strides = array<i32>} : memref<1x2x128xi32, #tpu.memory_space<vmem>>, vector<16xi32>,
    %add3A_801 = arith.addi %get3A_800, %broadcast_in_dim3A_728 : vector<16xi32>
    %swap3A_802 = arith.constant 0 : i32
    %swap3A_803 = arith.index_cast %swap3A_802 : i32 to index
    %swap3A_804 = arith.constant 1136 : index
    %swap3A_805 = tpu.vector_load %arg6[%swap3A_803, %swap3A_804] {strides = array<i32>} : memref<1x2080xi32, #tpu.memory_space<vmem>>, vector<16xi32>,
    tpu.vector_store %arg6[%swap3A_803, %swap3A_804], %add3A_801 {strides = array<i32>} : memref<1x2080xi32, #tpu.memory_space<vmem>>, vector<16xi32>,
    %get3A_806 = arith.constant 0 : i32
    %get3A_807 = arith.constant 0 : i32
    %get3A_808 = arith.index_cast %get3A_806 : i32 to index
    %get3A_809 = arith.index_cast %get3A_807 : i32 to index
    %get3A_810 = arith.constant 112 : index
    %get3A_811 = tpu.vector_load %arg5[%get3A_808, %get3A_809, %get3A_810] {strides = array<i32>} : memref<1x2x128xi32, #tpu.memory_space<vmem>>, vector<16xi32>,
    %add3A_812 = arith.addi %get3A_811, %broadcast_in_dim3A_728 : vector<16xi32>
    %swap3A_813 = arith.constant 0 : i32
    %swap3A_814 = arith.index_cast %swap3A_813 : i32 to index
    %swap3A_815 = arith.constant 1152 : index
    %swap3A_816 = tpu.vector_load %arg6[%swap3A_814, %swap3A_815] {strides = array<i32>} : memref<1x2080xi32, #tpu.memory_space<vmem>>, vector<16xi32>,
    tpu.vector_store %arg6[%swap3A_814, %swap3A_815], %add3A_812 {strides = array<i32>} : memref<1x2080xi32, #tpu.memory_space<vmem>>, vector<16xi32>,
    %get3A_817 = arith.constant 0 : i32
    %get3A_818 = arith.constant 1 : i32
    %get3A_819 = arith.index_cast %get3A_817 : i32 to index
    %get3A_820 = arith.index_cast %get3A_818 : i32 to index
    %get3A_821 = arith.constant 0 : index
    %get3A_822 = tpu.vector_load %arg5[%get3A_819, %get3A_820, %get3A_821] {strides = array<i32>} : memref<1x2x128xi32, #tpu.memory_space<vmem>>, vector<16xi32>,
    %add3A_823 = arith.addi %get3A_822, %broadcast_in_dim3A_728 : vector<16xi32>
    %swap3A_824 = arith.constant 0 : i32
    %swap3A_825 = arith.index_cast %swap3A_824 : i32 to index
    %swap3A_826 = arith.constant 1168 : index
    %swap3A_827 = tpu.vector_load %arg6[%swap3A_825, %swap3A_826] {strides = array<i32>} : memref<1x2080xi32, #tpu.memory_space<vmem>>, vector<16xi32>,
    tpu.vector_store %arg6[%swap3A_825, %swap3A_826], %add3A_823 {strides = array<i32>} : memref<1x2080xi32, #tpu.memory_space<vmem>>, vector<16xi32>,
    %get3A_828 = arith.constant 0 : i32
    %get3A_829 = arith.constant 1 : i32
    %get3A_830 = arith.index_cast %get3A_828 : i32 to index
    %get3A_831 = arith.index_cast %get3A_829 : i32 to index
    %get3A_832 = arith.constant 16 : index
    %get3A_833 = tpu.vector_load %arg5[%get3A_830, %get3A_831, %get3A_832] {strides = array<i32>} : memref<1x2x128xi32, #tpu.memory_space<vmem>>, vector<16xi32>,
    %add3A_834 = arith.addi %get3A_833, %broadcast_in_dim3A_728 : vector<16xi32>
    %swap3A_835 = arith.constant 0 : i32
    %swap3A_836 = arith.index_cast %swap3A_835 : i32 to index
    %swap3A_837 = arith.constant 1184 : index
    %swap3A_838 = tpu.vector_load %arg6[%swap3A_836, %swap3A_837] {strides = array<i32>} : memref<1x2080xi32, #tpu.memory_space<vmem>>, vector<16xi32>,
    tpu.vector_store %arg6[%swap3A_836, %swap3A_837], %add3A_834 {strides = array<i32>} : memref<1x2080xi32, #tpu.memory_space<vmem>>, vector<16xi32>,
    %get3A_839 = arith.constant 0 : i32
    %get3A_840 = arith.constant 1 : i32
    %get3A_841 = arith.index_cast %get3A_839 : i32 to index
    %get3A_842 = arith.index_cast %get3A_840 : i32 to index
    %get3A_843 = arith.constant 32 : index
    %get3A_844 = tpu.vector_load %arg5[%get3A_841, %get3A_842, %get3A_843] {strides = array<i32>} : memref<1x2x128xi32, #tpu.memory_space<vmem>>, vector<16xi32>,
    %add3A_845 = arith.addi %get3A_844, %broadcast_in_dim3A_728 : vector<16xi32>
    %swap3A_846 = arith.constant 0 : i32
    %swap3A_847 = arith.index_cast %swap3A_846 : i32 to index
    %swap3A_848 = arith.constant 1200 : index
    %swap3A_849 = tpu.vector_load %arg6[%swap3A_847, %swap3A_848] {strides = array<i32>} : memref<1x2080xi32, #tpu.memory_space<vmem>>, vector<16xi32>,
    tpu.vector_store %arg6[%swap3A_847, %swap3A_848], %add3A_845 {strides = array<i32>} : memref<1x2080xi32, #tpu.memory_space<vmem>>, vector<16xi32>,
    %get3A_850 = arith.constant 0 : i32
    %get3A_851 = arith.constant 1 : i32
    %get3A_852 = arith.index_cast %get3A_850 : i32 to index
    %get3A_853 = arith.index_cast %get3A_851 : i32 to index
    %get3A_854 = arith.constant 48 : index
    %get3A_855 = tpu.vector_load %arg5[%get3A_852, %get3A_853, %get3A_854] {strides = array<i32>} : memref<1x2x128xi32, #tpu.memory_space<vmem>>, vector<16xi32>,
    %add3A_856 = arith.addi %get3A_855, %broadcast_in_dim3A_728 : vector<16xi32>
    %swap3A_857 = arith.constant 0 : i32
    %swap3A_858 = arith.index_cast %swap3A_857 : i32 to index
    %swap3A_859 = arith.constant 1216 : index
    %swap3A_860 = tpu.vector_load %arg6[%swap3A_858, %swap3A_859] {strides = array<i32>} : memref<1x2080xi32, #tpu.memory_space<vmem>>, vector<16xi32>,
    tpu.vector_store %arg6[%swap3A_858, %swap3A_859], %add3A_856 {strides = array<i32>} : memref<1x2080xi32, #tpu.memory_space<vmem>>, vector<16xi32>,
    %get3A_861 = arith.constant 0 : i32
    %get3A_862 = arith.constant 1 : i32
    %get3A_863 = arith.index_cast %get3A_861 : i32 to index
    %get3A_864 = arith.index_cast %get3A_862 : i32 to index
    %get3A_865 = arith.constant 64 : index
    %get3A_866 = tpu.vector_load %arg5[%get3A_863, %get3A_864, %get3A_865] {strides = array<i32>} : memref<1x2x128xi32, #tpu.memory_space<vmem>>, vector<16xi32>,
    %add3A_867 = arith.addi %get3A_866, %broadcast_in_dim3A_728 : vector<16xi32>
    %swap3A_868 = arith.constant 0 : i32
    %swap3A_869 = arith.index_cast %swap3A_868 : i32 to index
    %swap3A_870 = arith.constant 1232 : index
    %swap3A_871 = tpu.vector_load %arg6[%swap3A_869, %swap3A_870] {strides = array<i32>} : memref<1x2080xi32, #tpu.memory_space<vmem>>, vector<16xi32>,
    tpu.vector_store %arg6[%swap3A_869, %swap3A_870], %add3A_867 {strides = array<i32>} : memref<1x2080xi32, #tpu.memory_space<vmem>>, vector<16xi32>,
    %broadcast_in_dim3A_872 = arith.constant 1204224 : i32
    %broadcast_in_dim3A_873 = vector.broadcast %broadcast_in_dim3A_872 : i32 to vector<16xi32>
    %get3A_874 = arith.constant 0 : i32
    %get3A_875 = arith.constant 0 : i32
    %get3A_876 = arith.index_cast %get3A_874 : i32 to index
    %get3A_877 = arith.index_cast %get3A_875 : i32 to index
    %get3A_878 = arith.constant 0 : index
    %get3A_879 = tpu.vector_load %arg5[%get3A_876, %get3A_877, %get3A_878] {strides = array<i32>} : memref<1x2x128xi32, #tpu.memory_space<vmem>>, vector<16xi32>,
    %add3A_880 = arith.addi %get3A_879, %broadcast_in_dim3A_873 : vector<16xi32>
    %swap3A_881 = arith.constant 0 : i32
    %swap3A_882 = arith.index_cast %swap3A_881 : i32 to index
    %swap3A_883 = arith.constant 1248 : index
    %swap3A_884 = tpu.vector_load %arg6[%swap3A_882, %swap3A_883] {strides = array<i32>} : memref<1x2080xi32, #tpu.memory_space<vmem>>, vector<16xi32>,
    tpu.vector_store %arg6[%swap3A_882, %swap3A_883], %add3A_880 {strides = array<i32>} : memref<1x2080xi32, #tpu.memory_space<vmem>>, vector<16xi32>,
    %get3A_885 = arith.constant 0 : i32
    %get3A_886 = arith.constant 0 : i32
    %get3A_887 = arith.index_cast %get3A_885 : i32 to index
    %get3A_888 = arith.index_cast %get3A_886 : i32 to index
    %get3A_889 = arith.constant 16 : index
    %get3A_890 = tpu.vector_load %arg5[%get3A_887, %get3A_888, %get3A_889] {strides = array<i32>} : memref<1x2x128xi32, #tpu.memory_space<vmem>>, vector<16xi32>,
    %add3A_891 = arith.addi %get3A_890, %broadcast_in_dim3A_873 : vector<16xi32>
    %swap3A_892 = arith.constant 0 : i32
    %swap3A_893 = arith.index_cast %swap3A_892 : i32 to index
    %swap3A_894 = arith.constant 1264 : index
    %swap3A_895 = tpu.vector_load %arg6[%swap3A_893, %swap3A_894] {strides = array<i32>} : memref<1x2080xi32, #tpu.memory_space<vmem>>, vector<16xi32>,
    tpu.vector_store %arg6[%swap3A_893, %swap3A_894], %add3A_891 {strides = array<i32>} : memref<1x2080xi32, #tpu.memory_space<vmem>>, vector<16xi32>,
    %get3A_896 = arith.constant 0 : i32
    %get3A_897 = arith.constant 0 : i32
    %get3A_898 = arith.index_cast %get3A_896 : i32 to index
    %get3A_899 = arith.index_cast %get3A_897 : i32 to index
    %get3A_900 = arith.constant 32 : index
    %get3A_901 = tpu.vector_load %arg5[%get3A_898, %get3A_899, %get3A_900] {strides = array<i32>} : memref<1x2x128xi32, #tpu.memory_space<vmem>>, vector<16xi32>,
    %add3A_902 = arith.addi %get3A_901, %broadcast_in_dim3A_873 : vector<16xi32>
    %swap3A_903 = arith.constant 0 : i32
    %swap3A_904 = arith.index_cast %swap3A_903 : i32 to index
    %swap3A_905 = arith.constant 1280 : index
    %swap3A_906 = tpu.vector_load %arg6[%swap3A_904, %swap3A_905] {strides = array<i32>} : memref<1x2080xi32, #tpu.memory_space<vmem>>, vector<16xi32>,
    tpu.vector_store %arg6[%swap3A_904, %swap3A_905], %add3A_902 {strides = array<i32>} : memref<1x2080xi32, #tpu.memory_space<vmem>>, vector<16xi32>,
    %get3A_907 = arith.constant 0 : i32
    %get3A_908 = arith.constant 0 : i32
    %get3A_909 = arith.index_cast %get3A_907 : i32 to index
    %get3A_910 = arith.index_cast %get3A_908 : i32 to index
    %get3A_911 = arith.constant 48 : index
    %get3A_912 = tpu.vector_load %arg5[%get3A_909, %get3A_910, %get3A_911] {strides = array<i32>} : memref<1x2x128xi32, #tpu.memory_space<vmem>>, vector<16xi32>,
    %add3A_913 = arith.addi %get3A_912, %broadcast_in_dim3A_873 : vector<16xi32>
    %swap3A_914 = arith.constant 0 : i32
    %swap3A_915 = arith.index_cast %swap3A_914 : i32 to index
    %swap3A_916 = arith.constant 1296 : index
    %swap3A_917 = tpu.vector_load %arg6[%swap3A_915, %swap3A_916] {strides = array<i32>} : memref<1x2080xi32, #tpu.memory_space<vmem>>, vector<16xi32>,
    tpu.vector_store %arg6[%swap3A_915, %swap3A_916], %add3A_913 {strides = array<i32>} : memref<1x2080xi32, #tpu.memory_space<vmem>>, vector<16xi32>,
    %get3A_918 = arith.constant 0 : i32
    %get3A_919 = arith.constant 0 : i32
    %get3A_920 = arith.index_cast %get3A_918 : i32 to index
    %get3A_921 = arith.index_cast %get3A_919 : i32 to index
    %get3A_922 = arith.constant 64 : index
    %get3A_923 = tpu.vector_load %arg5[%get3A_920, %get3A_921, %get3A_922] {strides = array<i32>} : memref<1x2x128xi32, #tpu.memory_space<vmem>>, vector<16xi32>,
    %add3A_924 = arith.addi %get3A_923, %broadcast_in_dim3A_873 : vector<16xi32>
    %swap3A_925 = arith.constant 0 : i32
    %swap3A_926 = arith.index_cast %swap3A_925 : i32 to index
    %swap3A_927 = arith.constant 1312 : index
    %swap3A_928 = tpu.vector_load %arg6[%swap3A_926, %swap3A_927] {strides = array<i32>} : memref<1x2080xi32, #tpu.memory_space<vmem>>, vector<16xi32>,
    tpu.vector_store %arg6[%swap3A_926, %swap3A_927], %add3A_924 {strides = array<i32>} : memref<1x2080xi32, #tpu.memory_space<vmem>>, vector<16xi32>,
    %get3A_929 = arith.constant 0 : i32
    %get3A_930 = arith.constant 0 : i32
    %get3A_931 = arith.index_cast %get3A_929 : i32 to index
    %get3A_932 = arith.index_cast %get3A_930 : i32 to index
    %get3A_933 = arith.constant 80 : index
    %get3A_934 = tpu.vector_load %arg5[%get3A_931, %get3A_932, %get3A_933] {strides = array<i32>} : memref<1x2x128xi32, #tpu.memory_space<vmem>>, vector<16xi32>,
    %add3A_935 = arith.addi %get3A_934, %broadcast_in_dim3A_873 : vector<16xi32>
    %swap3A_936 = arith.constant 0 : i32
    %swap3A_937 = arith.index_cast %swap3A_936 : i32 to index
    %swap3A_938 = arith.constant 1328 : index
    %swap3A_939 = tpu.vector_load %arg6[%swap3A_937, %swap3A_938] {strides = array<i32>} : memref<1x2080xi32, #tpu.memory_space<vmem>>, vector<16xi32>,
    tpu.vector_store %arg6[%swap3A_937, %swap3A_938], %add3A_935 {strides = array<i32>} : memref<1x2080xi32, #tpu.memory_space<vmem>>, vector<16xi32>,
    %get3A_940 = arith.constant 0 : i32
    %get3A_941 = arith.constant 0 : i32
    %get3A_942 = arith.index_cast %get3A_940 : i32 to index
    %get3A_943 = arith.index_cast %get3A_941 : i32 to index
    %get3A_944 = arith.constant 96 : index
    %get3A_945 = tpu.vector_load %arg5[%get3A_942, %get3A_943, %get3A_944] {strides = array<i32>} : memref<1x2x128xi32, #tpu.memory_space<vmem>>, vector<16xi32>,
    %add3A_946 = arith.addi %get3A_945, %broadcast_in_dim3A_873 : vector<16xi32>
    %swap3A_947 = arith.constant 0 : i32
    %swap3A_948 = arith.index_cast %swap3A_947 : i32 to index
    %swap3A_949 = arith.constant 1344 : index
    %swap3A_950 = tpu.vector_load %arg6[%swap3A_948, %swap3A_949] {strides = array<i32>} : memref<1x2080xi32, #tpu.memory_space<vmem>>, vector<16xi32>,
    tpu.vector_store %arg6[%swap3A_948, %swap3A_949], %add3A_946 {strides = array<i32>} : memref<1x2080xi32, #tpu.memory_space<vmem>>, vector<16xi32>,
    %get3A_951 = arith.constant 0 : i32
    %get3A_952 = arith.constant 0 : i32
    %get3A_953 = arith.index_cast %get3A_951 : i32 to index
    %get3A_954 = arith.index_cast %get3A_952 : i32 to index
    %get3A_955 = arith.constant 112 : index
    %get3A_956 = tpu.vector_load %arg5[%get3A_953, %get3A_954, %get3A_955] {strides = array<i32>} : memref<1x2x128xi32, #tpu.memory_space<vmem>>, vector<16xi32>,
    %add3A_957 = arith.addi %get3A_956, %broadcast_in_dim3A_873 : vector<16xi32>
    %swap3A_958 = arith.constant 0 : i32
    %swap3A_959 = arith.index_cast %swap3A_958 : i32 to index
    %swap3A_960 = arith.constant 1360 : index
    %swap3A_961 = tpu.vector_load %arg6[%swap3A_959, %swap3A_960] {strides = array<i32>} : memref<1x2080xi32, #tpu.memory_space<vmem>>, vector<16xi32>,
    tpu.vector_store %arg6[%swap3A_959, %swap3A_960], %add3A_957 {strides = array<i32>} : memref<1x2080xi32, #tpu.memory_space<vmem>>, vector<16xi32>,
    %get3A_962 = arith.constant 0 : i32
    %get3A_963 = arith.constant 1 : i32
    %get3A_964 = arith.index_cast %get3A_962 : i32 to index
    %get3A_965 = arith.index_cast %get3A_963 : i32 to index
    %get3A_966 = arith.constant 0 : index
    %get3A_967 = tpu.vector_load %arg5[%get3A_964, %get3A_965, %get3A_966] {strides = array<i32>} : memref<1x2x128xi32, #tpu.memory_space<vmem>>, vector<16xi32>,
    %add3A_968 = arith.addi %get3A_967, %broadcast_in_dim3A_873 : vector<16xi32>
    %swap3A_969 = arith.constant 0 : i32
    %swap3A_970 = arith.index_cast %swap3A_969 : i32 to index
    %swap3A_971 = arith.constant 1376 : index
    %swap3A_972 = tpu.vector_load %arg6[%swap3A_970, %swap3A_971] {strides = array<i32>} : memref<1x2080xi32, #tpu.memory_space<vmem>>, vector<16xi32>,
    tpu.vector_store %arg6[%swap3A_970, %swap3A_971], %add3A_968 {strides = array<i32>} : memref<1x2080xi32, #tpu.memory_space<vmem>>, vector<16xi32>,
    %get3A_973 = arith.constant 0 : i32
    %get3A_974 = arith.constant 1 : i32
    %get3A_975 = arith.index_cast %get3A_973 : i32 to index
    %get3A_976 = arith.index_cast %get3A_974 : i32 to index
    %get3A_977 = arith.constant 16 : index
    %get3A_978 = tpu.vector_load %arg5[%get3A_975, %get3A_976, %get3A_977] {strides = array<i32>} : memref<1x2x128xi32, #tpu.memory_space<vmem>>, vector<16xi32>,
    %add3A_979 = arith.addi %get3A_978, %broadcast_in_dim3A_873 : vector<16xi32>
    %swap3A_980 = arith.constant 0 : i32
    %swap3A_981 = arith.index_cast %swap3A_980 : i32 to index
    %swap3A_982 = arith.constant 1392 : index
    %swap3A_983 = tpu.vector_load %arg6[%swap3A_981, %swap3A_982] {strides = array<i32>} : memref<1x2080xi32, #tpu.memory_space<vmem>>, vector<16xi32>,
    tpu.vector_store %arg6[%swap3A_981, %swap3A_982], %add3A_979 {strides = array<i32>} : memref<1x2080xi32, #tpu.memory_space<vmem>>, vector<16xi32>,
    %get3A_984 = arith.constant 0 : i32
    %get3A_985 = arith.constant 1 : i32
    %get3A_986 = arith.index_cast %get3A_984 : i32 to index
    %get3A_987 = arith.index_cast %get3A_985 : i32 to index
    %get3A_988 = arith.constant 32 : index
    %get3A_989 = tpu.vector_load %arg5[%get3A_986, %get3A_987, %get3A_988] {strides = array<i32>} : memref<1x2x128xi32, #tpu.memory_space<vmem>>, vector<16xi32>,
    %add3A_990 = arith.addi %get3A_989, %broadcast_in_dim3A_873 : vector<16xi32>
    %swap3A_991 = arith.constant 0 : i32
    %swap3A_992 = arith.index_cast %swap3A_991 : i32 to index
    %swap3A_993 = arith.constant 1408 : index
    %swap3A_994 = tpu.vector_load %arg6[%swap3A_992, %swap3A_993] {strides = array<i32>} : memref<1x2080xi32, #tpu.memory_space<vmem>>, vector<16xi32>,
    tpu.vector_store %arg6[%swap3A_992, %swap3A_993], %add3A_990 {strides = array<i32>} : memref<1x2080xi32, #tpu.memory_space<vmem>>, vector<16xi32>,
    %get3A_995 = arith.constant 0 : i32
    %get3A_996 = arith.constant 1 : i32
    %get3A_997 = arith.index_cast %get3A_995 : i32 to index
    %get3A_998 = arith.index_cast %get3A_996 : i32 to index
    %get3A_999 = arith.constant 48 : index
    %get3A_1000 = tpu.vector_load %arg5[%get3A_997, %get3A_998, %get3A_999] {strides = array<i32>} : memref<1x2x128xi32, #tpu.memory_space<vmem>>, vector<16xi32>,
    %add3A_1001 = arith.addi %get3A_1000, %broadcast_in_dim3A_873 : vector<16xi32>
    %swap3A_1002 = arith.constant 0 : i32
    %swap3A_1003 = arith.index_cast %swap3A_1002 : i32 to index
    %swap3A_1004 = arith.constant 1424 : index
    %swap3A_1005 = tpu.vector_load %arg6[%swap3A_1003, %swap3A_1004] {strides = array<i32>} : memref<1x2080xi32, #tpu.memory_space<vmem>>, vector<16xi32>,
    tpu.vector_store %arg6[%swap3A_1003, %swap3A_1004], %add3A_1001 {strides = array<i32>} : memref<1x2080xi32, #tpu.memory_space<vmem>>, vector<16xi32>,
    %get3A_1006 = arith.constant 0 : i32
    %get3A_1007 = arith.constant 1 : i32
    %get3A_1008 = arith.index_cast %get3A_1006 : i32 to index
    %get3A_1009 = arith.index_cast %get3A_1007 : i32 to index
    %get3A_1010 = arith.constant 64 : index
    %get3A_1011 = tpu.vector_load %arg5[%get3A_1008, %get3A_1009, %get3A_1010] {strides = array<i32>} : memref<1x2x128xi32, #tpu.memory_space<vmem>>, vector<16xi32>,
    %add3A_1012 = arith.addi %get3A_1011, %broadcast_in_dim3A_873 : vector<16xi32>
    %swap3A_1013 = arith.constant 0 : i32
    %swap3A_1014 = arith.index_cast %swap3A_1013 : i32 to index
    %swap3A_1015 = arith.constant 1440 : index
    %swap3A_1016 = tpu.vector_load %arg6[%swap3A_1014, %swap3A_1015] {strides = array<i32>} : memref<1x2080xi32, #tpu.memory_space<vmem>>, vector<16xi32>,
    tpu.vector_store %arg6[%swap3A_1014, %swap3A_1015], %add3A_1012 {strides = array<i32>} : memref<1x2080xi32, #tpu.memory_space<vmem>>, vector<16xi32>,
    %broadcast_in_dim3A_1017 = arith.constant 1404928 : i32
    %broadcast_in_dim3A_1018 = vector.broadcast %broadcast_in_dim3A_1017 : i32 to vector<16xi32>
    %get3A_1019 = arith.constant 0 : i32
    %get3A_1020 = arith.constant 0 : i32
    %get3A_1021 = arith.index_cast %get3A_1019 : i32 to index
    %get3A_1022 = arith.index_cast %get3A_1020 : i32 to index
    %get3A_1023 = arith.constant 0 : index
    %get3A_1024 = tpu.vector_load %arg5[%get3A_1021, %get3A_1022, %get3A_1023] {strides = array<i32>} : memref<1x2x128xi32, #tpu.memory_space<vmem>>, vector<16xi32>,
    %add3A_1025 = arith.addi %get3A_1024, %broadcast_in_dim3A_1018 : vector<16xi32>
    %swap3A_1026 = arith.constant 0 : i32
    %swap3A_1027 = arith.index_cast %swap3A_1026 : i32 to index
    %swap3A_1028 = arith.constant 1456 : index
    %swap3A_1029 = tpu.vector_load %arg6[%swap3A_1027, %swap3A_1028] {strides = array<i32>} : memref<1x2080xi32, #tpu.memory_space<vmem>>, vector<16xi32>,
    tpu.vector_store %arg6[%swap3A_1027, %swap3A_1028], %add3A_1025 {strides = array<i32>} : memref<1x2080xi32, #tpu.memory_space<vmem>>, vector<16xi32>,
    %get3A_1030 = arith.constant 0 : i32
    %get3A_1031 = arith.constant 0 : i32
    %get3A_1032 = arith.index_cast %get3A_1030 : i32 to index
    %get3A_1033 = arith.index_cast %get3A_1031 : i32 to index
    %get3A_1034 = arith.constant 16 : index
    %get3A_1035 = tpu.vector_load %arg5[%get3A_1032, %get3A_1033, %get3A_1034] {strides = array<i32>} : memref<1x2x128xi32, #tpu.memory_space<vmem>>, vector<16xi32>,
    %add3A_1036 = arith.addi %get3A_1035, %broadcast_in_dim3A_1018 : vector<16xi32>
    %swap3A_1037 = arith.constant 0 : i32
    %swap3A_1038 = arith.index_cast %swap3A_1037 : i32 to index
    %swap3A_1039 = arith.constant 1472 : index
    %swap3A_1040 = tpu.vector_load %arg6[%swap3A_1038, %swap3A_1039] {strides = array<i32>} : memref<1x2080xi32, #tpu.memory_space<vmem>>, vector<16xi32>,
    tpu.vector_store %arg6[%swap3A_1038, %swap3A_1039], %add3A_1036 {strides = array<i32>} : memref<1x2080xi32, #tpu.memory_space<vmem>>, vector<16xi32>,
    %get3A_1041 = arith.constant 0 : i32
    %get3A_1042 = arith.constant 0 : i32
    %get3A_1043 = arith.index_cast %get3A_1041 : i32 to index
    %get3A_1044 = arith.index_cast %get3A_1042 : i32 to index
    %get3A_1045 = arith.constant 32 : index
    %get3A_1046 = tpu.vector_load %arg5[%get3A_1043, %get3A_1044, %get3A_1045] {strides = array<i32>} : memref<1x2x128xi32, #tpu.memory_space<vmem>>, vector<16xi32>,
    %add3A_1047 = arith.addi %get3A_1046, %broadcast_in_dim3A_1018 : vector<16xi32>
    %swap3A_1048 = arith.constant 0 : i32
    %swap3A_1049 = arith.index_cast %swap3A_1048 : i32 to index
    %swap3A_1050 = arith.constant 1488 : index
    %swap3A_1051 = tpu.vector_load %arg6[%swap3A_1049, %swap3A_1050] {strides = array<i32>} : memref<1x2080xi32, #tpu.memory_space<vmem>>, vector<16xi32>,
    tpu.vector_store %arg6[%swap3A_1049, %swap3A_1050], %add3A_1047 {strides = array<i32>} : memref<1x2080xi32, #tpu.memory_space<vmem>>, vector<16xi32>,
    %get3A_1052 = arith.constant 0 : i32
    %get3A_1053 = arith.constant 0 : i32
    %get3A_1054 = arith.index_cast %get3A_1052 : i32 to index
    %get3A_1055 = arith.index_cast %get3A_1053 : i32 to index
    %get3A_1056 = arith.constant 48 : index
    %get3A_1057 = tpu.vector_load %arg5[%get3A_1054, %get3A_1055, %get3A_1056] {strides = array<i32>} : memref<1x2x128xi32, #tpu.memory_space<vmem>>, vector<16xi32>,
    %add3A_1058 = arith.addi %get3A_1057, %broadcast_in_dim3A_1018 : vector<16xi32>
    %swap3A_1059 = arith.constant 0 : i32
    %swap3A_1060 = arith.index_cast %swap3A_1059 : i32 to index
    %swap3A_1061 = arith.constant 1504 : index
    %swap3A_1062 = tpu.vector_load %arg6[%swap3A_1060, %swap3A_1061] {strides = array<i32>} : memref<1x2080xi32, #tpu.memory_space<vmem>>, vector<16xi32>,
    tpu.vector_store %arg6[%swap3A_1060, %swap3A_1061], %add3A_1058 {strides = array<i32>} : memref<1x2080xi32, #tpu.memory_space<vmem>>, vector<16xi32>,
    %get3A_1063 = arith.constant 0 : i32
    %get3A_1064 = arith.constant 0 : i32
    %get3A_1065 = arith.index_cast %get3A_1063 : i32 to index
    %get3A_1066 = arith.index_cast %get3A_1064 : i32 to index
    %get3A_1067 = arith.constant 64 : index
    %get3A_1068 = tpu.vector_load %arg5[%get3A_1065, %get3A_1066, %get3A_1067] {strides = array<i32>} : memref<1x2x128xi32, #tpu.memory_space<vmem>>, vector<16xi32>,
    %add3A_1069 = arith.addi %get3A_1068, %broadcast_in_dim3A_1018 : vector<16xi32>
    %swap3A_1070 = arith.constant 0 : i32
    %swap3A_1071 = arith.index_cast %swap3A_1070 : i32 to index
    %swap3A_1072 = arith.constant 1520 : index
    %swap3A_1073 = tpu.vector_load %arg6[%swap3A_1071, %swap3A_1072] {strides = array<i32>} : memref<1x2080xi32, #tpu.memory_space<vmem>>, vector<16xi32>,
    tpu.vector_store %arg6[%swap3A_1071, %swap3A_1072], %add3A_1069 {strides = array<i32>} : memref<1x2080xi32, #tpu.memory_space<vmem>>, vector<16xi32>,
    %get3A_1074 = arith.constant 0 : i32
    %get3A_1075 = arith.constant 0 : i32
    %get3A_1076 = arith.index_cast %get3A_1074 : i32 to index
    %get3A_1077 = arith.index_cast %get3A_1075 : i32 to index
    %get3A_1078 = arith.constant 80 : index
    %get3A_1079 = tpu.vector_load %arg5[%get3A_1076, %get3A_1077, %get3A_1078] {strides = array<i32>} : memref<1x2x128xi32, #tpu.memory_space<vmem>>, vector<16xi32>,
    %add3A_1080 = arith.addi %get3A_1079, %broadcast_in_dim3A_1018 : vector<16xi32>
    %swap3A_1081 = arith.constant 0 : i32
    %swap3A_1082 = arith.index_cast %swap3A_1081 : i32 to index
    %swap3A_1083 = arith.constant 1536 : index
    %swap3A_1084 = tpu.vector_load %arg6[%swap3A_1082, %swap3A_1083] {strides = array<i32>} : memref<1x2080xi32, #tpu.memory_space<vmem>>, vector<16xi32>,
    tpu.vector_store %arg6[%swap3A_1082, %swap3A_1083], %add3A_1080 {strides = array<i32>} : memref<1x2080xi32, #tpu.memory_space<vmem>>, vector<16xi32>,
    %get3A_1085 = arith.constant 0 : i32
    %get3A_1086 = arith.constant 0 : i32
    %get3A_1087 = arith.index_cast %get3A_1085 : i32 to index
    %get3A_1088 = arith.index_cast %get3A_1086 : i32 to index
    %get3A_1089 = arith.constant 96 : index
    %get3A_1090 = tpu.vector_load %arg5[%get3A_1087, %get3A_1088, %get3A_1089] {strides = array<i32>} : memref<1x2x128xi32, #tpu.memory_space<vmem>>, vector<16xi32>,
    %add3A_1091 = arith.addi %get3A_1090, %broadcast_in_dim3A_1018 : vector<16xi32>
    %swap3A_1092 = arith.constant 0 : i32
    %swap3A_1093 = arith.index_cast %swap3A_1092 : i32 to index
    %swap3A_1094 = arith.constant 1552 : index
    %swap3A_1095 = tpu.vector_load %arg6[%swap3A_1093, %swap3A_1094] {strides = array<i32>} : memref<1x2080xi32, #tpu.memory_space<vmem>>, vector<16xi32>,
    tpu.vector_store %arg6[%swap3A_1093, %swap3A_1094], %add3A_1091 {strides = array<i32>} : memref<1x2080xi32, #tpu.memory_space<vmem>>, vector<16xi32>,
    %get3A_1096 = arith.constant 0 : i32
    %get3A_1097 = arith.constant 0 : i32
    %get3A_1098 = arith.index_cast %get3A_1096 : i32 to index
    %get3A_1099 = arith.index_cast %get3A_1097 : i32 to index
    %get3A_1100 = arith.constant 112 : index
    %get3A_1101 = tpu.vector_load %arg5[%get3A_1098, %get3A_1099, %get3A_1100] {strides = array<i32>} : memref<1x2x128xi32, #tpu.memory_space<vmem>>, vector<16xi32>,
    %add3A_1102 = arith.addi %get3A_1101, %broadcast_in_dim3A_1018 : vector<16xi32>
    %swap3A_1103 = arith.constant 0 : i32
    %swap3A_1104 = arith.index_cast %swap3A_1103 : i32 to index
    %swap3A_1105 = arith.constant 1568 : index
    %swap3A_1106 = tpu.vector_load %arg6[%swap3A_1104, %swap3A_1105] {strides = array<i32>} : memref<1x2080xi32, #tpu.memory_space<vmem>>, vector<16xi32>,
    tpu.vector_store %arg6[%swap3A_1104, %swap3A_1105], %add3A_1102 {strides = array<i32>} : memref<1x2080xi32, #tpu.memory_space<vmem>>, vector<16xi32>,
    %get3A_1107 = arith.constant 0 : i32
    %get3A_1108 = arith.constant 1 : i32
    %get3A_1109 = arith.index_cast %get3A_1107 : i32 to index
    %get3A_1110 = arith.index_cast %get3A_1108 : i32 to index
    %get3A_1111 = arith.constant 0 : index
    %get3A_1112 = tpu.vector_load %arg5[%get3A_1109, %get3A_1110, %get3A_1111] {strides = array<i32>} : memref<1x2x128xi32, #tpu.memory_space<vmem>>, vector<16xi32>,
    %add3A_1113 = arith.addi %get3A_1112, %broadcast_in_dim3A_1018 : vector<16xi32>
    %swap3A_1114 = arith.constant 0 : i32
    %swap3A_1115 = arith.index_cast %swap3A_1114 : i32 to index
    %swap3A_1116 = arith.constant 1584 : index
    %swap3A_1117 = tpu.vector_load %arg6[%swap3A_1115, %swap3A_1116] {strides = array<i32>} : memref<1x2080xi32, #tpu.memory_space<vmem>>, vector<16xi32>,
    tpu.vector_store %arg6[%swap3A_1115, %swap3A_1116], %add3A_1113 {strides = array<i32>} : memref<1x2080xi32, #tpu.memory_space<vmem>>, vector<16xi32>,
    %get3A_1118 = arith.constant 0 : i32
    %get3A_1119 = arith.constant 1 : i32
    %get3A_1120 = arith.index_cast %get3A_1118 : i32 to index
    %get3A_1121 = arith.index_cast %get3A_1119 : i32 to index
    %get3A_1122 = arith.constant 16 : index
    %get3A_1123 = tpu.vector_load %arg5[%get3A_1120, %get3A_1121, %get3A_1122] {strides = array<i32>} : memref<1x2x128xi32, #tpu.memory_space<vmem>>, vector<16xi32>,
    %add3A_1124 = arith.addi %get3A_1123, %broadcast_in_dim3A_1018 : vector<16xi32>
    %swap3A_1125 = arith.constant 0 : i32
    %swap3A_1126 = arith.index_cast %swap3A_1125 : i32 to index
    %swap3A_1127 = arith.constant 1600 : index
    %swap3A_1128 = tpu.vector_load %arg6[%swap3A_1126, %swap3A_1127] {strides = array<i32>} : memref<1x2080xi32, #tpu.memory_space<vmem>>, vector<16xi32>,
    tpu.vector_store %arg6[%swap3A_1126, %swap3A_1127], %add3A_1124 {strides = array<i32>} : memref<1x2080xi32, #tpu.memory_space<vmem>>, vector<16xi32>,
    %get3A_1129 = arith.constant 0 : i32
    %get3A_1130 = arith.constant 1 : i32
    %get3A_1131 = arith.index_cast %get3A_1129 : i32 to index
    %get3A_1132 = arith.index_cast %get3A_1130 : i32 to index
    %get3A_1133 = arith.constant 32 : index
    %get3A_1134 = tpu.vector_load %arg5[%get3A_1131, %get3A_1132, %get3A_1133] {strides = array<i32>} : memref<1x2x128xi32, #tpu.memory_space<vmem>>, vector<16xi32>,
    %add3A_1135 = arith.addi %get3A_1134, %broadcast_in_dim3A_1018 : vector<16xi32>
    %swap3A_1136 = arith.constant 0 : i32
    %swap3A_1137 = arith.index_cast %swap3A_1136 : i32 to index
    %swap3A_1138 = arith.constant 1616 : index
    %swap3A_1139 = tpu.vector_load %arg6[%swap3A_1137, %swap3A_1138] {strides = array<i32>} : memref<1x2080xi32, #tpu.memory_space<vmem>>, vector<16xi32>,
    tpu.vector_store %arg6[%swap3A_1137, %swap3A_1138], %add3A_1135 {strides = array<i32>} : memref<1x2080xi32, #tpu.memory_space<vmem>>, vector<16xi32>,
    %get3A_1140 = arith.constant 0 : i32
    %get3A_1141 = arith.constant 1 : i32
    %get3A_1142 = arith.index_cast %get3A_1140 : i32 to index
    %get3A_1143 = arith.index_cast %get3A_1141 : i32 to index
    %get3A_1144 = arith.constant 48 : index
    %get3A_1145 = tpu.vector_load %arg5[%get3A_1142, %get3A_1143, %get3A_1144] {strides = array<i32>} : memref<1x2x128xi32, #tpu.memory_space<vmem>>, vector<16xi32>,
    %add3A_1146 = arith.addi %get3A_1145, %broadcast_in_dim3A_1018 : vector<16xi32>
    %swap3A_1147 = arith.constant 0 : i32
    %swap3A_1148 = arith.index_cast %swap3A_1147 : i32 to index
    %swap3A_1149 = arith.constant 1632 : index
    %swap3A_1150 = tpu.vector_load %arg6[%swap3A_1148, %swap3A_1149] {strides = array<i32>} : memref<1x2080xi32, #tpu.memory_space<vmem>>, vector<16xi32>,
    tpu.vector_store %arg6[%swap3A_1148, %swap3A_1149], %add3A_1146 {strides = array<i32>} : memref<1x2080xi32, #tpu.memory_space<vmem>>, vector<16xi32>,
    %get3A_1151 = arith.constant 0 : i32
    %get3A_1152 = arith.constant 1 : i32
    %get3A_1153 = arith.index_cast %get3A_1151 : i32 to index
    %get3A_1154 = arith.index_cast %get3A_1152 : i32 to index
    %get3A_1155 = arith.constant 64 : index
    %get3A_1156 = tpu.vector_load %arg5[%get3A_1153, %get3A_1154, %get3A_1155] {strides = array<i32>} : memref<1x2x128xi32, #tpu.memory_space<vmem>>, vector<16xi32>,
    %add3A_1157 = arith.addi %get3A_1156, %broadcast_in_dim3A_1018 : vector<16xi32>
    %swap3A_1158 = arith.constant 0 : i32
    %swap3A_1159 = arith.index_cast %swap3A_1158 : i32 to index
    %swap3A_1160 = arith.constant 1648 : index
    %swap3A_1161 = tpu.vector_load %arg6[%swap3A_1159, %swap3A_1160] {strides = array<i32>} : memref<1x2080xi32, #tpu.memory_space<vmem>>, vector<16xi32>,
    tpu.vector_store %arg6[%swap3A_1159, %swap3A_1160], %add3A_1157 {strides = array<i32>} : memref<1x2080xi32, #tpu.memory_space<vmem>>, vector<16xi32>,
    %broadcast_in_dim3A_1162 = arith.constant 1605632 : i32
    %broadcast_in_dim3A_1163 = vector.broadcast %broadcast_in_dim3A_1162 : i32 to vector<16xi32>
    %get3A_1164 = arith.constant 0 : i32
    %get3A_1165 = arith.constant 0 : i32
    %get3A_1166 = arith.index_cast %get3A_1164 : i32 to index
    %get3A_1167 = arith.index_cast %get3A_1165 : i32 to index
    %get3A_1168 = arith.constant 0 : index
    %get3A_1169 = tpu.vector_load %arg5[%get3A_1166, %get3A_1167, %get3A_1168] {strides = array<i32>} : memref<1x2x128xi32, #tpu.memory_space<vmem>>, vector<16xi32>,
    %add3A_1170 = arith.addi %get3A_1169, %broadcast_in_dim3A_1163 : vector<16xi32>
    %swap3A_1171 = arith.constant 0 : i32
    %swap3A_1172 = arith.index_cast %swap3A_1171 : i32 to index
    %swap3A_1173 = arith.constant 1664 : index
    %swap3A_1174 = tpu.vector_load %arg6[%swap3A_1172, %swap3A_1173] {strides = array<i32>} : memref<1x2080xi32, #tpu.memory_space<vmem>>, vector<16xi32>,
    tpu.vector_store %arg6[%swap3A_1172, %swap3A_1173], %add3A_1170 {strides = array<i32>} : memref<1x2080xi32, #tpu.memory_space<vmem>>, vector<16xi32>,
    %get3A_1175 = arith.constant 0 : i32
    %get3A_1176 = arith.constant 0 : i32
    %get3A_1177 = arith.index_cast %get3A_1175 : i32 to index
    %get3A_1178 = arith.index_cast %get3A_1176 : i32 to index
    %get3A_1179 = arith.constant 16 : index
    %get3A_1180 = tpu.vector_load %arg5[%get3A_1177, %get3A_1178, %get3A_1179] {strides = array<i32>} : memref<1x2x128xi32, #tpu.memory_space<vmem>>, vector<16xi32>,
    %add3A_1181 = arith.addi %get3A_1180, %broadcast_in_dim3A_1163 : vector<16xi32>
    %swap3A_1182 = arith.constant 0 : i32
    %swap3A_1183 = arith.index_cast %swap3A_1182 : i32 to index
    %swap3A_1184 = arith.constant 1680 : index
    %swap3A_1185 = tpu.vector_load %arg6[%swap3A_1183, %swap3A_1184] {strides = array<i32>} : memref<1x2080xi32, #tpu.memory_space<vmem>>, vector<16xi32>,
    tpu.vector_store %arg6[%swap3A_1183, %swap3A_1184], %add3A_1181 {strides = array<i32>} : memref<1x2080xi32, #tpu.memory_space<vmem>>, vector<16xi32>,
    %get3A_1186 = arith.constant 0 : i32
    %get3A_1187 = arith.constant 0 : i32
    %get3A_1188 = arith.index_cast %get3A_1186 : i32 to index
    %get3A_1189 = arith.index_cast %get3A_1187 : i32 to index
    %get3A_1190 = arith.constant 32 : index
    %get3A_1191 = tpu.vector_load %arg5[%get3A_1188, %get3A_1189, %get3A_1190] {strides = array<i32>} : memref<1x2x128xi32, #tpu.memory_space<vmem>>, vector<16xi32>,
    %add3A_1192 = arith.addi %get3A_1191, %broadcast_in_dim3A_1163 : vector<16xi32>
    %swap3A_1193 = arith.constant 0 : i32
    %swap3A_1194 = arith.index_cast %swap3A_1193 : i32 to index
    %swap3A_1195 = arith.constant 1696 : index
    %swap3A_1196 = tpu.vector_load %arg6[%swap3A_1194, %swap3A_1195] {strides = array<i32>} : memref<1x2080xi32, #tpu.memory_space<vmem>>, vector<16xi32>,
    tpu.vector_store %arg6[%swap3A_1194, %swap3A_1195], %add3A_1192 {strides = array<i32>} : memref<1x2080xi32, #tpu.memory_space<vmem>>, vector<16xi32>,
    %get3A_1197 = arith.constant 0 : i32
    %get3A_1198 = arith.constant 0 : i32
    %get3A_1199 = arith.index_cast %get3A_1197 : i32 to index
    %get3A_1200 = arith.index_cast %get3A_1198 : i32 to index
    %get3A_1201 = arith.constant 48 : index
    %get3A_1202 = tpu.vector_load %arg5[%get3A_1199, %get3A_1200, %get3A_1201] {strides = array<i32>} : memref<1x2x128xi32, #tpu.memory_space<vmem>>, vector<16xi32>,
    %add3A_1203 = arith.addi %get3A_1202, %broadcast_in_dim3A_1163 : vector<16xi32>
    %swap3A_1204 = arith.constant 0 : i32
    %swap3A_1205 = arith.index_cast %swap3A_1204 : i32 to index
    %swap3A_1206 = arith.constant 1712 : index
    %swap3A_1207 = tpu.vector_load %arg6[%swap3A_1205, %swap3A_1206] {strides = array<i32>} : memref<1x2080xi32, #tpu.memory_space<vmem>>, vector<16xi32>,
    tpu.vector_store %arg6[%swap3A_1205, %swap3A_1206], %add3A_1203 {strides = array<i32>} : memref<1x2080xi32, #tpu.memory_space<vmem>>, vector<16xi32>,
    %get3A_1208 = arith.constant 0 : i32
    %get3A_1209 = arith.constant 0 : i32
    %get3A_1210 = arith.index_cast %get3A_1208 : i32 to index
    %get3A_1211 = arith.index_cast %get3A_1209 : i32 to index
    %get3A_1212 = arith.constant 64 : index
    %get3A_1213 = tpu.vector_load %arg5[%get3A_1210, %get3A_1211, %get3A_1212] {strides = array<i32>} : memref<1x2x128xi32, #tpu.memory_space<vmem>>, vector<16xi32>,
    %add3A_1214 = arith.addi %get3A_1213, %broadcast_in_dim3A_1163 : vector<16xi32>
    %swap3A_1215 = arith.constant 0 : i32
    %swap3A_1216 = arith.index_cast %swap3A_1215 : i32 to index
    %swap3A_1217 = arith.constant 1728 : index
    %swap3A_1218 = tpu.vector_load %arg6[%swap3A_1216, %swap3A_1217] {strides = array<i32>} : memref<1x2080xi32, #tpu.memory_space<vmem>>, vector<16xi32>,
    tpu.vector_store %arg6[%swap3A_1216, %swap3A_1217], %add3A_1214 {strides = array<i32>} : memref<1x2080xi32, #tpu.memory_space<vmem>>, vector<16xi32>,
    %get3A_1219 = arith.constant 0 : i32
    %get3A_1220 = arith.constant 0 : i32
    %get3A_1221 = arith.index_cast %get3A_1219 : i32 to index
    %get3A_1222 = arith.index_cast %get3A_1220 : i32 to index
    %get3A_1223 = arith.constant 80 : index
    %get3A_1224 = tpu.vector_load %arg5[%get3A_1221, %get3A_1222, %get3A_1223] {strides = array<i32>} : memref<1x2x128xi32, #tpu.memory_space<vmem>>, vector<16xi32>,
    %add3A_1225 = arith.addi %get3A_1224, %broadcast_in_dim3A_1163 : vector<16xi32>
    %swap3A_1226 = arith.constant 0 : i32
    %swap3A_1227 = arith.index_cast %swap3A_1226 : i32 to index
    %swap3A_1228 = arith.constant 1744 : index
    %swap3A_1229 = tpu.vector_load %arg6[%swap3A_1227, %swap3A_1228] {strides = array<i32>} : memref<1x2080xi32, #tpu.memory_space<vmem>>, vector<16xi32>,
    tpu.vector_store %arg6[%swap3A_1227, %swap3A_1228], %add3A_1225 {strides = array<i32>} : memref<1x2080xi32, #tpu.memory_space<vmem>>, vector<16xi32>,
    %get3A_1230 = arith.constant 0 : i32
    %get3A_1231 = arith.constant 0 : i32
    %get3A_1232 = arith.index_cast %get3A_1230 : i32 to index
    %get3A_1233 = arith.index_cast %get3A_1231 : i32 to index
    %get3A_1234 = arith.constant 96 : index
    %get3A_1235 = tpu.vector_load %arg5[%get3A_1232, %get3A_1233, %get3A_1234] {strides = array<i32>} : memref<1x2x128xi32, #tpu.memory_space<vmem>>, vector<16xi32>,
    %add3A_1236 = arith.addi %get3A_1235, %broadcast_in_dim3A_1163 : vector<16xi32>
    %swap3A_1237 = arith.constant 0 : i32
    %swap3A_1238 = arith.index_cast %swap3A_1237 : i32 to index
    %swap3A_1239 = arith.constant 1760 : index
    %swap3A_1240 = tpu.vector_load %arg6[%swap3A_1238, %swap3A_1239] {strides = array<i32>} : memref<1x2080xi32, #tpu.memory_space<vmem>>, vector<16xi32>,
    tpu.vector_store %arg6[%swap3A_1238, %swap3A_1239], %add3A_1236 {strides = array<i32>} : memref<1x2080xi32, #tpu.memory_space<vmem>>, vector<16xi32>,
    %get3A_1241 = arith.constant 0 : i32
    %get3A_1242 = arith.constant 0 : i32
    %get3A_1243 = arith.index_cast %get3A_1241 : i32 to index
    %get3A_1244 = arith.index_cast %get3A_1242 : i32 to index
    %get3A_1245 = arith.constant 112 : index
    %get3A_1246 = tpu.vector_load %arg5[%get3A_1243, %get3A_1244, %get3A_1245] {strides = array<i32>} : memref<1x2x128xi32, #tpu.memory_space<vmem>>, vector<16xi32>,
    %add3A_1247 = arith.addi %get3A_1246, %broadcast_in_dim3A_1163 : vector<16xi32>
    %swap3A_1248 = arith.constant 0 : i32
    %swap3A_1249 = arith.index_cast %swap3A_1248 : i32 to index
    %swap3A_1250 = arith.constant 1776 : index
    %swap3A_1251 = tpu.vector_load %arg6[%swap3A_1249, %swap3A_1250] {strides = array<i32>} : memref<1x2080xi32, #tpu.memory_space<vmem>>, vector<16xi32>,
    tpu.vector_store %arg6[%swap3A_1249, %swap3A_1250], %add3A_1247 {strides = array<i32>} : memref<1x2080xi32, #tpu.memory_space<vmem>>, vector<16xi32>,
    %get3A_1252 = arith.constant 0 : i32
    %get3A_1253 = arith.constant 1 : i32
    %get3A_1254 = arith.index_cast %get3A_1252 : i32 to index
    %get3A_1255 = arith.index_cast %get3A_1253 : i32 to index
    %get3A_1256 = arith.constant 0 : index
    %get3A_1257 = tpu.vector_load %arg5[%get3A_1254, %get3A_1255, %get3A_1256] {strides = array<i32>} : memref<1x2x128xi32, #tpu.memory_space<vmem>>, vector<16xi32>,
    %add3A_1258 = arith.addi %get3A_1257, %broadcast_in_dim3A_1163 : vector<16xi32>
    %swap3A_1259 = arith.constant 0 : i32
    %swap3A_1260 = arith.index_cast %swap3A_1259 : i32 to index
    %swap3A_1261 = arith.constant 1792 : index
    %swap3A_1262 = tpu.vector_load %arg6[%swap3A_1260, %swap3A_1261] {strides = array<i32>} : memref<1x2080xi32, #tpu.memory_space<vmem>>, vector<16xi32>,
    tpu.vector_store %arg6[%swap3A_1260, %swap3A_1261], %add3A_1258 {strides = array<i32>} : memref<1x2080xi32, #tpu.memory_space<vmem>>, vector<16xi32>,
    %get3A_1263 = arith.constant 0 : i32
    %get3A_1264 = arith.constant 1 : i32
    %get3A_1265 = arith.index_cast %get3A_1263 : i32 to index
    %get3A_1266 = arith.index_cast %get3A_1264 : i32 to index
    %get3A_1267 = arith.constant 16 : index
    %get3A_1268 = tpu.vector_load %arg5[%get3A_1265, %get3A_1266, %get3A_1267] {strides = array<i32>} : memref<1x2x128xi32, #tpu.memory_space<vmem>>, vector<16xi32>,
    %add3A_1269 = arith.addi %get3A_1268, %broadcast_in_dim3A_1163 : vector<16xi32>
    %swap3A_1270 = arith.constant 0 : i32
    %swap3A_1271 = arith.index_cast %swap3A_1270 : i32 to index
    %swap3A_1272 = arith.constant 1808 : index
    %swap3A_1273 = tpu.vector_load %arg6[%swap3A_1271, %swap3A_1272] {strides = array<i32>} : memref<1x2080xi32, #tpu.memory_space<vmem>>, vector<16xi32>,
    tpu.vector_store %arg6[%swap3A_1271, %swap3A_1272], %add3A_1269 {strides = array<i32>} : memref<1x2080xi32, #tpu.memory_space<vmem>>, vector<16xi32>,
    %get3A_1274 = arith.constant 0 : i32
    %get3A_1275 = arith.constant 1 : i32
    %get3A_1276 = arith.index_cast %get3A_1274 : i32 to index
    %get3A_1277 = arith.index_cast %get3A_1275 : i32 to index
    %get3A_1278 = arith.constant 32 : index
    %get3A_1279 = tpu.vector_load %arg5[%get3A_1276, %get3A_1277, %get3A_1278] {strides = array<i32>} : memref<1x2x128xi32, #tpu.memory_space<vmem>>, vector<16xi32>,
    %add3A_1280 = arith.addi %get3A_1279, %broadcast_in_dim3A_1163 : vector<16xi32>
    %swap3A_1281 = arith.constant 0 : i32
    %swap3A_1282 = arith.index_cast %swap3A_1281 : i32 to index
    %swap3A_1283 = arith.constant 1824 : index
    %swap3A_1284 = tpu.vector_load %arg6[%swap3A_1282, %swap3A_1283] {strides = array<i32>} : memref<1x2080xi32, #tpu.memory_space<vmem>>, vector<16xi32>,
    tpu.vector_store %arg6[%swap3A_1282, %swap3A_1283], %add3A_1280 {strides = array<i32>} : memref<1x2080xi32, #tpu.memory_space<vmem>>, vector<16xi32>,
    %get3A_1285 = arith.constant 0 : i32
    %get3A_1286 = arith.constant 1 : i32
    %get3A_1287 = arith.index_cast %get3A_1285 : i32 to index
    %get3A_1288 = arith.index_cast %get3A_1286 : i32 to index
    %get3A_1289 = arith.constant 48 : index
    %get3A_1290 = tpu.vector_load %arg5[%get3A_1287, %get3A_1288, %get3A_1289] {strides = array<i32>} : memref<1x2x128xi32, #tpu.memory_space<vmem>>, vector<16xi32>,
    %add3A_1291 = arith.addi %get3A_1290, %broadcast_in_dim3A_1163 : vector<16xi32>
    %swap3A_1292 = arith.constant 0 : i32
    %swap3A_1293 = arith.index_cast %swap3A_1292 : i32 to index
    %swap3A_1294 = arith.constant 1840 : index
    %swap3A_1295 = tpu.vector_load %arg6[%swap3A_1293, %swap3A_1294] {strides = array<i32>} : memref<1x2080xi32, #tpu.memory_space<vmem>>, vector<16xi32>,
    tpu.vector_store %arg6[%swap3A_1293, %swap3A_1294], %add3A_1291 {strides = array<i32>} : memref<1x2080xi32, #tpu.memory_space<vmem>>, vector<16xi32>,
    %get3A_1296 = arith.constant 0 : i32
    %get3A_1297 = arith.constant 1 : i32
    %get3A_1298 = arith.index_cast %get3A_1296 : i32 to index
    %get3A_1299 = arith.index_cast %get3A_1297 : i32 to index
    %get3A_1300 = arith.constant 64 : index
    %get3A_1301 = tpu.vector_load %arg5[%get3A_1298, %get3A_1299, %get3A_1300] {strides = array<i32>} : memref<1x2x128xi32, #tpu.memory_space<vmem>>, vector<16xi32>,
    %add3A_1302 = arith.addi %get3A_1301, %broadcast_in_dim3A_1163 : vector<16xi32>
    %swap3A_1303 = arith.constant 0 : i32
    %swap3A_1304 = arith.index_cast %swap3A_1303 : i32 to index
    %swap3A_1305 = arith.constant 1856 : index
    %swap3A_1306 = tpu.vector_load %arg6[%swap3A_1304, %swap3A_1305] {strides = array<i32>} : memref<1x2080xi32, #tpu.memory_space<vmem>>, vector<16xi32>,
    tpu.vector_store %arg6[%swap3A_1304, %swap3A_1305], %add3A_1302 {strides = array<i32>} : memref<1x2080xi32, #tpu.memory_space<vmem>>, vector<16xi32>,
    %broadcast_in_dim3A_1307 = arith.constant 1806336 : i32
    %broadcast_in_dim3A_1308 = vector.broadcast %broadcast_in_dim3A_1307 : i32 to vector<16xi32>
    %get3A_1309 = arith.constant 0 : i32
    %get3A_1310 = arith.constant 0 : i32
    %get3A_1311 = arith.index_cast %get3A_1309 : i32 to index
    %get3A_1312 = arith.index_cast %get3A_1310 : i32 to index
    %get3A_1313 = arith.constant 0 : index
    %get3A_1314 = tpu.vector_load %arg5[%get3A_1311, %get3A_1312, %get3A_1313] {strides = array<i32>} : memref<1x2x128xi32, #tpu.memory_space<vmem>>, vector<16xi32>,
    %add3A_1315 = arith.addi %get3A_1314, %broadcast_in_dim3A_1308 : vector<16xi32>
    %swap3A_1316 = arith.constant 0 : i32
    %swap3A_1317 = arith.index_cast %swap3A_1316 : i32 to index
    %swap3A_1318 = arith.constant 1872 : index
    %swap3A_1319 = tpu.vector_load %arg6[%swap3A_1317, %swap3A_1318] {strides = array<i32>} : memref<1x2080xi32, #tpu.memory_space<vmem>>, vector<16xi32>,
    tpu.vector_store %arg6[%swap3A_1317, %swap3A_1318], %add3A_1315 {strides = array<i32>} : memref<1x2080xi32, #tpu.memory_space<vmem>>, vector<16xi32>,
    %get3A_1320 = arith.constant 0 : i32
    %get3A_1321 = arith.constant 0 : i32
    %get3A_1322 = arith.index_cast %get3A_1320 : i32 to index
    %get3A_1323 = arith.index_cast %get3A_1321 : i32 to index
    %get3A_1324 = arith.constant 16 : index
    %get3A_1325 = tpu.vector_load %arg5[%get3A_1322, %get3A_1323, %get3A_1324] {strides = array<i32>} : memref<1x2x128xi32, #tpu.memory_space<vmem>>, vector<16xi32>,
    %add3A_1326 = arith.addi %get3A_1325, %broadcast_in_dim3A_1308 : vector<16xi32>
    %swap3A_1327 = arith.constant 0 : i32
    %swap3A_1328 = arith.index_cast %swap3A_1327 : i32 to index
    %swap3A_1329 = arith.constant 1888 : index
    %swap3A_1330 = tpu.vector_load %arg6[%swap3A_1328, %swap3A_1329] {strides = array<i32>} : memref<1x2080xi32, #tpu.memory_space<vmem>>, vector<16xi32>,
    tpu.vector_store %arg6[%swap3A_1328, %swap3A_1329], %add3A_1326 {strides = array<i32>} : memref<1x2080xi32, #tpu.memory_space<vmem>>, vector<16xi32>,
    %get3A_1331 = arith.constant 0 : i32
    %get3A_1332 = arith.constant 0 : i32
    %get3A_1333 = arith.index_cast %get3A_1331 : i32 to index
    %get3A_1334 = arith.index_cast %get3A_1332 : i32 to index
    %get3A_1335 = arith.constant 32 : index
    %get3A_1336 = tpu.vector_load %arg5[%get3A_1333, %get3A_1334, %get3A_1335] {strides = array<i32>} : memref<1x2x128xi32, #tpu.memory_space<vmem>>, vector<16xi32>,
    %add3A_1337 = arith.addi %get3A_1336, %broadcast_in_dim3A_1308 : vector<16xi32>
    %swap3A_1338 = arith.constant 0 : i32
    %swap3A_1339 = arith.index_cast %swap3A_1338 : i32 to index
    %swap3A_1340 = arith.constant 1904 : index
    %swap3A_1341 = tpu.vector_load %arg6[%swap3A_1339, %swap3A_1340] {strides = array<i32>} : memref<1x2080xi32, #tpu.memory_space<vmem>>, vector<16xi32>,
    tpu.vector_store %arg6[%swap3A_1339, %swap3A_1340], %add3A_1337 {strides = array<i32>} : memref<1x2080xi32, #tpu.memory_space<vmem>>, vector<16xi32>,
    %get3A_1342 = arith.constant 0 : i32
    %get3A_1343 = arith.constant 0 : i32
    %get3A_1344 = arith.index_cast %get3A_1342 : i32 to index
    %get3A_1345 = arith.index_cast %get3A_1343 : i32 to index
    %get3A_1346 = arith.constant 48 : index
    %get3A_1347 = tpu.vector_load %arg5[%get3A_1344, %get3A_1345, %get3A_1346] {strides = array<i32>} : memref<1x2x128xi32, #tpu.memory_space<vmem>>, vector<16xi32>,
    %add3A_1348 = arith.addi %get3A_1347, %broadcast_in_dim3A_1308 : vector<16xi32>
    %swap3A_1349 = arith.constant 0 : i32
    %swap3A_1350 = arith.index_cast %swap3A_1349 : i32 to index
    %swap3A_1351 = arith.constant 1920 : index
    %swap3A_1352 = tpu.vector_load %arg6[%swap3A_1350, %swap3A_1351] {strides = array<i32>} : memref<1x2080xi32, #tpu.memory_space<vmem>>, vector<16xi32>,
    tpu.vector_store %arg6[%swap3A_1350, %swap3A_1351], %add3A_1348 {strides = array<i32>} : memref<1x2080xi32, #tpu.memory_space<vmem>>, vector<16xi32>,
    %get3A_1353 = arith.constant 0 : i32
    %get3A_1354 = arith.constant 0 : i32
    %get3A_1355 = arith.index_cast %get3A_1353 : i32 to index
    %get3A_1356 = arith.index_cast %get3A_1354 : i32 to index
    %get3A_1357 = arith.constant 64 : index
    %get3A_1358 = tpu.vector_load %arg5[%get3A_1355, %get3A_1356, %get3A_1357] {strides = array<i32>} : memref<1x2x128xi32, #tpu.memory_space<vmem>>, vector<16xi32>,
    %add3A_1359 = arith.addi %get3A_1358, %broadcast_in_dim3A_1308 : vector<16xi32>
    %swap3A_1360 = arith.constant 0 : i32
    %swap3A_1361 = arith.index_cast %swap3A_1360 : i32 to index
    %swap3A_1362 = arith.constant 1936 : index
    %swap3A_1363 = tpu.vector_load %arg6[%swap3A_1361, %swap3A_1362] {strides = array<i32>} : memref<1x2080xi32, #tpu.memory_space<vmem>>, vector<16xi32>,
    tpu.vector_store %arg6[%swap3A_1361, %swap3A_1362], %add3A_1359 {strides = array<i32>} : memref<1x2080xi32, #tpu.memory_space<vmem>>, vector<16xi32>,
    %get3A_1364 = arith.constant 0 : i32
    %get3A_1365 = arith.constant 0 : i32
    %get3A_1366 = arith.index_cast %get3A_1364 : i32 to index
    %get3A_1367 = arith.index_cast %get3A_1365 : i32 to index
    %get3A_1368 = arith.constant 80 : index
    %get3A_1369 = tpu.vector_load %arg5[%get3A_1366, %get3A_1367, %get3A_1368] {strides = array<i32>} : memref<1x2x128xi32, #tpu.memory_space<vmem>>, vector<16xi32>,
    %add3A_1370 = arith.addi %get3A_1369, %broadcast_in_dim3A_1308 : vector<16xi32>
    %swap3A_1371 = arith.constant 0 : i32
    %swap3A_1372 = arith.index_cast %swap3A_1371 : i32 to index
    %swap3A_1373 = arith.constant 1952 : index
    %swap3A_1374 = tpu.vector_load %arg6[%swap3A_1372, %swap3A_1373] {strides = array<i32>} : memref<1x2080xi32, #tpu.memory_space<vmem>>, vector<16xi32>,
    tpu.vector_store %arg6[%swap3A_1372, %swap3A_1373], %add3A_1370 {strides = array<i32>} : memref<1x2080xi32, #tpu.memory_space<vmem>>, vector<16xi32>,
    %get3A_1375 = arith.constant 0 : i32
    %get3A_1376 = arith.constant 0 : i32
    %get3A_1377 = arith.index_cast %get3A_1375 : i32 to index
    %get3A_1378 = arith.index_cast %get3A_1376 : i32 to index
    %get3A_1379 = arith.constant 96 : index
    %get3A_1380 = tpu.vector_load %arg5[%get3A_1377, %get3A_1378, %get3A_1379] {strides = array<i32>} : memref<1x2x128xi32, #tpu.memory_space<vmem>>, vector<16xi32>,
    %add3A_1381 = arith.addi %get3A_1380, %broadcast_in_dim3A_1308 : vector<16xi32>
    %swap3A_1382 = arith.constant 0 : i32
    %swap3A_1383 = arith.index_cast %swap3A_1382 : i32 to index
    %swap3A_1384 = arith.constant 1968 : index
    %swap3A_1385 = tpu.vector_load %arg6[%swap3A_1383, %swap3A_1384] {strides = array<i32>} : memref<1x2080xi32, #tpu.memory_space<vmem>>, vector<16xi32>,
    tpu.vector_store %arg6[%swap3A_1383, %swap3A_1384], %add3A_1381 {strides = array<i32>} : memref<1x2080xi32, #tpu.memory_space<vmem>>, vector<16xi32>,
    %get3A_1386 = arith.constant 0 : i32
    %get3A_1387 = arith.constant 0 : i32
    %get3A_1388 = arith.index_cast %get3A_1386 : i32 to index
    %get3A_1389 = arith.index_cast %get3A_1387 : i32 to index
    %get3A_1390 = arith.constant 112 : index
    %get3A_1391 = tpu.vector_load %arg5[%get3A_1388, %get3A_1389, %get3A_1390] {strides = array<i32>} : memref<1x2x128xi32, #tpu.memory_space<vmem>>, vector<16xi32>,
    %add3A_1392 = arith.addi %get3A_1391, %broadcast_in_dim3A_1308 : vector<16xi32>
    %swap3A_1393 = arith.constant 0 : i32
    %swap3A_1394 = arith.index_cast %swap3A_1393 : i32 to index
    %swap3A_1395 = arith.constant 1984 : index
    %swap3A_1396 = tpu.vector_load %arg6[%swap3A_1394, %swap3A_1395] {strides = array<i32>} : memref<1x2080xi32, #tpu.memory_space<vmem>>, vector<16xi32>,
    tpu.vector_store %arg6[%swap3A_1394, %swap3A_1395], %add3A_1392 {strides = array<i32>} : memref<1x2080xi32, #tpu.memory_space<vmem>>, vector<16xi32>,
    %get3A_1397 = arith.constant 0 : i32
    %get3A_1398 = arith.constant 1 : i32
    %get3A_1399 = arith.index_cast %get3A_1397 : i32 to index
    %get3A_1400 = arith.index_cast %get3A_1398 : i32 to index
    %get3A_1401 = arith.constant 0 : index
    %get3A_1402 = tpu.vector_load %arg5[%get3A_1399, %get3A_1400, %get3A_1401] {strides = array<i32>} : memref<1x2x128xi32, #tpu.memory_space<vmem>>, vector<16xi32>,
    %add3A_1403 = arith.addi %get3A_1402, %broadcast_in_dim3A_1308 : vector<16xi32>
    %swap3A_1404 = arith.constant 0 : i32
    %swap3A_1405 = arith.index_cast %swap3A_1404 : i32 to index
    %swap3A_1406 = arith.constant 2000 : index
    %swap3A_1407 = tpu.vector_load %arg6[%swap3A_1405, %swap3A_1406] {strides = array<i32>} : memref<1x2080xi32, #tpu.memory_space<vmem>>, vector<16xi32>,
    tpu.vector_store %arg6[%swap3A_1405, %swap3A_1406], %add3A_1403 {strides = array<i32>} : memref<1x2080xi32, #tpu.memory_space<vmem>>, vector<16xi32>,
    %get3A_1408 = arith.constant 0 : i32
    %get3A_1409 = arith.constant 1 : i32
    %get3A_1410 = arith.index_cast %get3A_1408 : i32 to index
    %get3A_1411 = arith.index_cast %get3A_1409 : i32 to index
    %get3A_1412 = arith.constant 16 : index
    %get3A_1413 = tpu.vector_load %arg5[%get3A_1410, %get3A_1411, %get3A_1412] {strides = array<i32>} : memref<1x2x128xi32, #tpu.memory_space<vmem>>, vector<16xi32>,
    %add3A_1414 = arith.addi %get3A_1413, %broadcast_in_dim3A_1308 : vector<16xi32>
    %swap3A_1415 = arith.constant 0 : i32
    %swap3A_1416 = arith.index_cast %swap3A_1415 : i32 to index
    %swap3A_1417 = arith.constant 2016 : index
    %swap3A_1418 = tpu.vector_load %arg6[%swap3A_1416, %swap3A_1417] {strides = array<i32>} : memref<1x2080xi32, #tpu.memory_space<vmem>>, vector<16xi32>,
    tpu.vector_store %arg6[%swap3A_1416, %swap3A_1417], %add3A_1414 {strides = array<i32>} : memref<1x2080xi32, #tpu.memory_space<vmem>>, vector<16xi32>,
    %get3A_1419 = arith.constant 0 : i32
    %get3A_1420 = arith.constant 1 : i32
    %get3A_1421 = arith.index_cast %get3A_1419 : i32 to index
    %get3A_1422 = arith.index_cast %get3A_1420 : i32 to index
    %get3A_1423 = arith.constant 32 : index
    %get3A_1424 = tpu.vector_load %arg5[%get3A_1421, %get3A_1422, %get3A_1423] {strides = array<i32>} : memref<1x2x128xi32, #tpu.memory_space<vmem>>, vector<16xi32>,
    %add3A_1425 = arith.addi %get3A_1424, %broadcast_in_dim3A_1308 : vector<16xi32>
    %swap3A_1426 = arith.constant 0 : i32
    %swap3A_1427 = arith.index_cast %swap3A_1426 : i32 to index
    %swap3A_1428 = arith.constant 2032 : index
    %swap3A_1429 = tpu.vector_load %arg6[%swap3A_1427, %swap3A_1428] {strides = array<i32>} : memref<1x2080xi32, #tpu.memory_space<vmem>>, vector<16xi32>,
    tpu.vector_store %arg6[%swap3A_1427, %swap3A_1428], %add3A_1425 {strides = array<i32>} : memref<1x2080xi32, #tpu.memory_space<vmem>>, vector<16xi32>,
    %get3A_1430 = arith.constant 0 : i32
    %get3A_1431 = arith.constant 1 : i32
    %get3A_1432 = arith.index_cast %get3A_1430 : i32 to index
    %get3A_1433 = arith.index_cast %get3A_1431 : i32 to index
    %get3A_1434 = arith.constant 48 : index
    %get3A_1435 = tpu.vector_load %arg5[%get3A_1432, %get3A_1433, %get3A_1434] {strides = array<i32>} : memref<1x2x128xi32, #tpu.memory_space<vmem>>, vector<16xi32>,
    %add3A_1436 = arith.addi %get3A_1435, %broadcast_in_dim3A_1308 : vector<16xi32>
    %swap3A_1437 = arith.constant 0 : i32
    %swap3A_1438 = arith.index_cast %swap3A_1437 : i32 to index
    %swap3A_1439 = arith.constant 2048 : index
    %swap3A_1440 = tpu.vector_load %arg6[%swap3A_1438, %swap3A_1439] {strides = array<i32>} : memref<1x2080xi32, #tpu.memory_space<vmem>>, vector<16xi32>,
    tpu.vector_store %arg6[%swap3A_1438, %swap3A_1439], %add3A_1436 {strides = array<i32>} : memref<1x2080xi32, #tpu.memory_space<vmem>>, vector<16xi32>,
    %get3A_1441 = arith.constant 0 : i32
    %get3A_1442 = arith.constant 1 : i32
    %get3A_1443 = arith.index_cast %get3A_1441 : i32 to index
    %get3A_1444 = arith.index_cast %get3A_1442 : i32 to index
    %get3A_1445 = arith.constant 64 : index
    %get3A_1446 = tpu.vector_load %arg5[%get3A_1443, %get3A_1444, %get3A_1445] {strides = array<i32>} : memref<1x2x128xi32, #tpu.memory_space<vmem>>, vector<16xi32>,
    %add3A_1447 = arith.addi %get3A_1446, %broadcast_in_dim3A_1308 : vector<16xi32>
    %swap3A_1448 = arith.constant 0 : i32
    %swap3A_1449 = arith.index_cast %swap3A_1448 : i32 to index
    %swap3A_1450 = arith.constant 2064 : index
    %swap3A_1451 = tpu.vector_load %arg6[%swap3A_1449, %swap3A_1450] {strides = array<i32>} : memref<1x2080xi32, #tpu.memory_space<vmem>>, vector<16xi32>,
    tpu.vector_store %arg6[%swap3A_1449, %swap3A_1450], %add3A_1447 {strides = array<i32>} : memref<1x2080xi32, #tpu.memory_space<vmem>>, vector<16xi32>,
    %dma_start3A = arith.constant 0 : i32
    %dma_start3A_1452 = arith.constant 0 : i32
    %dma_start3A_1453 = arith.constant 0 : i32
    %dma_start3A_1454 = tpu.memref_slice %arg7[%dma_start3A_1452, %dma_start3A_1453] : memref<1x2080xf32, #tpu.memory_space<vmem>> -> memref<1x1040xf32, #tpu.memory_space<vmem>>
    %dma_start3A_1455 = tpu.memref_squeeze %dma_start3A_1454 : memref<1x1040xf32, #tpu.memory_space<vmem>> -> memref<1040xf32, #tpu.memory_space<vmem>>
    %dma_start3A_1456 = arith.constant 0 : i32
    %dma_start3A_1457 = tpu.memref_slice %arg6[%dma_start3A, %dma_start3A_1456] : memref<1x2080xi32, #tpu.memory_space<vmem>> -> memref<1x1040xi32, #tpu.memory_space<vmem>>
    %dma_start3A_1458 = tpu.memref_squeeze %dma_start3A_1457 : memref<1x1040xi32, #tpu.memory_space<vmem>> -> memref<1040xi32, #tpu.memory_space<vmem>>
    %dma_start3A_1459 = arith.constant 0 : i32
    %dma_start3A_1460 = tpu.memref_slice %arg3[%dma_start3A_1459] : memref<2007040xf32, #tpu.memory_space<hbm>> -> memref<2007040xf32, #tpu.memory_space<hbm>>
    tpu.enqueue_indirect_dma source(%dma_start3A_1460 : memref<2007040xf32, #tpu.memory_space<hbm>>) target(%dma_start3A_1455 : memref<1040xf32, #tpu.memory_space<vmem>>) offsets(%dma_start3A_1458 : memref<1040xi32, #tpu.memory_space<vmem>>) semaphore(%arg9 : memref<!tpu.dma_semaphore, #tpu.memory_space<semaphore_mem>>)
    %dma_start3A_1461 = arith.constant 0 : i32
    %dma_start3A_1462 = arith.constant 0 : i32
    %dma_start3A_1463 = arith.constant 1040 : i32
    %dma_start3A_1464 = tpu.memref_slice %arg7[%dma_start3A_1462, %dma_start3A_1463] : memref<1x2080xf32, #tpu.memory_space<vmem>> -> memref<1x1040xf32, #tpu.memory_space<vmem>>
    %dma_start3A_1465 = tpu.memref_squeeze %dma_start3A_1464 : memref<1x1040xf32, #tpu.memory_space<vmem>> -> memref<1040xf32, #tpu.memory_space<vmem>>
    %dma_start3A_1466 = arith.constant 1040 : i32
    %dma_start3A_1467 = tpu.memref_slice %arg6[%dma_start3A_1461, %dma_start3A_1466] : memref<1x2080xi32, #tpu.memory_space<vmem>> -> memref<1x1040xi32, #tpu.memory_space<vmem>>
    %dma_start3A_1468 = tpu.memref_squeeze %dma_start3A_1467 : memref<1x1040xi32, #tpu.memory_space<vmem>> -> memref<1040xi32, #tpu.memory_space<vmem>>
    %dma_start3A_1469 = arith.constant 0 : i32
    %dma_start3A_1470 = tpu.memref_slice %arg3[%dma_start3A_1469] : memref<2007040xf32, #tpu.memory_space<hbm>> -> memref<2007040xf32, #tpu.memory_space<hbm>>
    tpu.enqueue_indirect_dma source(%dma_start3A_1470 : memref<2007040xf32, #tpu.memory_space<hbm>>) target(%dma_start3A_1465 : memref<1040xf32, #tpu.memory_space<vmem>>) offsets(%dma_start3A_1468 : memref<1040xi32, #tpu.memory_space<vmem>>) semaphore(%arg9 : memref<!tpu.dma_semaphore, #tpu.memory_space<semaphore_mem>>)
    %mul3A_1471 = arith.constant 1 : i32
    %mul3A_1472 = arith.muli %add3A, %mul3A_1471 : i32
    %add3A_1473 = arith.constant 0 : i32
    %add3A_1474 = arith.addi %mul3A_1472, %add3A_1473 : i32
    %dma_wait3A = arith.constant 0 : i32
    %dma_wait3A_1475 = arith.constant 0 : i32
    %dma_wait3A_1476 = arith.constant 0 : i32
    %dma_wait3A_1477 = tpu.memref_slice %arg7[%dma_wait3A_1475, %dma_wait3A_1476] : memref<1x2080xf32, #tpu.memory_space<vmem>> -> memref<1x1040xf32, #tpu.memory_space<vmem>>
    %dma_wait3A_1478 = tpu.memref_squeeze %dma_wait3A_1477 : memref<1x1040xf32, #tpu.memory_space<vmem>> -> memref<1040xf32, #tpu.memory_space<vmem>>
    %dma_wait3A_1479 = arith.constant 0 : i32
    %dma_wait3A_1480 = tpu.memref_slice %arg6[%dma_wait3A, %dma_wait3A_1479] : memref<1x2080xi32, #tpu.memory_space<vmem>> -> memref<1x1040xi32, #tpu.memory_space<vmem>>
    %dma_wait3A_1481 = tpu.memref_squeeze %dma_wait3A_1480 : memref<1x1040xi32, #tpu.memory_space<vmem>> -> memref<1040xi32, #tpu.memory_space<vmem>>
    %dma_wait3A_1482 = arith.constant 0 : i32
    %dma_wait3A_1483 = tpu.memref_slice %arg3[%dma_wait3A_1482] : memref<2007040xf32, #tpu.memory_space<hbm>> -> memref<2007040xf32, #tpu.memory_space<hbm>>
    tpu.wait_indirect_dma semaphore(%arg9 : memref<!tpu.dma_semaphore, #tpu.memory_space<semaphore_mem>>) src(%dma_wait3A_1483 : memref<2007040xf32, #tpu.memory_space<hbm>>) dst(%dma_wait3A_1478 : memref<1040xf32, #tpu.memory_space<vmem>>)
    %dma_wait3A_1484 = arith.constant 0 : i32
    %dma_wait3A_1485 = arith.constant 0 : i32
    %dma_wait3A_1486 = arith.constant 1040 : i32
    %dma_wait3A_1487 = tpu.memref_slice %arg7[%dma_wait3A_1485, %dma_wait3A_1486] : memref<1x2080xf32, #tpu.memory_space<vmem>> -> memref<1x1040xf32, #tpu.memory_space<vmem>>
    %dma_wait3A_1488 = tpu.memref_squeeze %dma_wait3A_1487 : memref<1x1040xf32, #tpu.memory_space<vmem>> -> memref<1040xf32, #tpu.memory_space<vmem>>
    %dma_wait3A_1489 = arith.constant 1040 : i32
    %dma_wait3A_1490 = tpu.memref_slice %arg6[%dma_wait3A_1484, %dma_wait3A_1489] : memref<1x2080xi32, #tpu.memory_space<vmem>> -> memref<1x1040xi32, #tpu.memory_space<vmem>>
    %dma_wait3A_1491 = tpu.memref_squeeze %dma_wait3A_1490 : memref<1x1040xi32, #tpu.memory_space<vmem>> -> memref<1040xi32, #tpu.memory_space<vmem>>
    %dma_wait3A_1492 = arith.constant 0 : i32
    %dma_wait3A_1493 = tpu.memref_slice %arg3[%dma_wait3A_1492] : memref<2007040xf32, #tpu.memory_space<hbm>> -> memref<2007040xf32, #tpu.memory_space<hbm>>
    tpu.wait_indirect_dma semaphore(%arg9 : memref<!tpu.dma_semaphore, #tpu.memory_space<semaphore_mem>>) src(%dma_wait3A_1493 : memref<2007040xf32, #tpu.memory_space<hbm>>) dst(%dma_wait3A_1488 : memref<1040xf32, #tpu.memory_space<vmem>>)
    %broadcast_in_dim3A_1494 = arith.constant 0.000000e+00 : f32
    %broadcast_in_dim3A_1495 = vector.broadcast %broadcast_in_dim3A_1494 : f32 to vector<16xf32>
    %broadcast_in_dim3A_1496 = arith.constant 0.000000e+00 : f32
    %broadcast_in_dim3A_1497 = vector.broadcast %broadcast_in_dim3A_1496 : f32 to vector<16xf32>
    %broadcast_in_dim3A_1498 = arith.constant 0.000000e+00 : f32
    %broadcast_in_dim3A_1499 = vector.broadcast %broadcast_in_dim3A_1498 : f32 to vector<16xf32>
    %get3A_1500 = arith.constant 0 : i32
    %get3A_1501 = arith.index_cast %get3A_1500 : i32 to index
    %get3A_1502 = arith.constant 0 : index
    %get3A_1503 = tpu.vector_load %arg7[%get3A_1501, %get3A_1502] {strides = array<i32>} : memref<1x2080xf32, #tpu.memory_space<vmem>>, vector<16xf32>,
    %add3A_1504 = arith.addf %broadcast_in_dim3A_1497, %get3A_1503 : vector<16xf32>
    %get3A_1505 = arith.constant 0 : i32
    %get3A_1506 = arith.index_cast %get3A_1505 : i32 to index
    %get3A_1507 = arith.constant 16 : index
    %get3A_1508 = tpu.vector_load %arg7[%get3A_1506, %get3A_1507] {strides = array<i32>} : memref<1x2080xf32, #tpu.memory_space<vmem>>, vector<16xf32>,
    %add3A_1509 = arith.addf %broadcast_in_dim3A_1499, %get3A_1508 : vector<16xf32>
    %get3A_1510 = arith.constant 0 : i32
    %get3A_1511 = arith.index_cast %get3A_1510 : i32 to index
    %get3A_1512 = arith.constant 32 : index
    %get3A_1513 = tpu.vector_load %arg7[%get3A_1511, %get3A_1512] {strides = array<i32>} : memref<1x2080xf32, #tpu.memory_space<vmem>>, vector<16xf32>,
    %add3A_1514 = arith.addf %add3A_1504, %get3A_1513 : vector<16xf32>
    %get3A_1515 = arith.constant 0 : i32
    %get3A_1516 = arith.index_cast %get3A_1515 : i32 to index
    %get3A_1517 = arith.constant 48 : index
    %get3A_1518 = tpu.vector_load %arg7[%get3A_1516, %get3A_1517] {strides = array<i32>} : memref<1x2080xf32, #tpu.memory_space<vmem>>, vector<16xf32>,
    %add3A_1519 = arith.addf %add3A_1509, %get3A_1518 : vector<16xf32>
    %get3A_1520 = arith.constant 0 : i32
    %get3A_1521 = arith.index_cast %get3A_1520 : i32 to index
    %get3A_1522 = arith.constant 64 : index
    %get3A_1523 = tpu.vector_load %arg7[%get3A_1521, %get3A_1522] {strides = array<i32>} : memref<1x2080xf32, #tpu.memory_space<vmem>>, vector<16xf32>,
    %add3A_1524 = arith.addf %add3A_1514, %get3A_1523 : vector<16xf32>
    %get3A_1525 = arith.constant 0 : i32
    %get3A_1526 = arith.index_cast %get3A_1525 : i32 to index
    %get3A_1527 = arith.constant 80 : index
    %get3A_1528 = tpu.vector_load %arg7[%get3A_1526, %get3A_1527] {strides = array<i32>} : memref<1x2080xf32, #tpu.memory_space<vmem>>, vector<16xf32>,
    %add3A_1529 = arith.addf %add3A_1519, %get3A_1528 : vector<16xf32>
    %get3A_1530 = arith.constant 0 : i32
    %get3A_1531 = arith.index_cast %get3A_1530 : i32 to index
    %get3A_1532 = arith.constant 96 : index
    %get3A_1533 = tpu.vector_load %arg7[%get3A_1531, %get3A_1532] {strides = array<i32>} : memref<1x2080xf32, #tpu.memory_space<vmem>>, vector<16xf32>,
    %add3A_1534 = arith.addf %add3A_1524, %get3A_1533 : vector<16xf32>
    %get3A_1535 = arith.constant 0 : i32
    %get3A_1536 = arith.index_cast %get3A_1535 : i32 to index
    %get3A_1537 = arith.constant 112 : index
    %get3A_1538 = tpu.vector_load %arg7[%get3A_1536, %get3A_1537] {strides = array<i32>} : memref<1x2080xf32, #tpu.memory_space<vmem>>, vector<16xf32>,
    %add3A_1539 = arith.addf %add3A_1529, %get3A_1538 : vector<16xf32>
    %get3A_1540 = arith.constant 0 : i32
    %get3A_1541 = arith.index_cast %get3A_1540 : i32 to index
    %get3A_1542 = arith.constant 128 : index
    %get3A_1543 = tpu.vector_load %arg7[%get3A_1541, %get3A_1542] {strides = array<i32>} : memref<1x2080xf32, #tpu.memory_space<vmem>>, vector<16xf32>,
    %add3A_1544 = arith.addf %add3A_1534, %get3A_1543 : vector<16xf32>
    %get3A_1545 = arith.constant 0 : i32
    %get3A_1546 = arith.index_cast %get3A_1545 : i32 to index
    %get3A_1547 = arith.constant 144 : index
    %get3A_1548 = tpu.vector_load %arg7[%get3A_1546, %get3A_1547] {strides = array<i32>} : memref<1x2080xf32, #tpu.memory_space<vmem>>, vector<16xf32>,
    %add3A_1549 = arith.addf %add3A_1539, %get3A_1548 : vector<16xf32>
    %get3A_1550 = arith.constant 0 : i32
    %get3A_1551 = arith.index_cast %get3A_1550 : i32 to index
    %get3A_1552 = arith.constant 160 : index
    %get3A_1553 = tpu.vector_load %arg7[%get3A_1551, %get3A_1552] {strides = array<i32>} : memref<1x2080xf32, #tpu.memory_space<vmem>>, vector<16xf32>,
    %add3A_1554 = arith.addf %add3A_1544, %get3A_1553 : vector<16xf32>
    %get3A_1555 = arith.constant 0 : i32
    %get3A_1556 = arith.index_cast %get3A_1555 : i32 to index
    %get3A_1557 = arith.constant 176 : index
    %get3A_1558 = tpu.vector_load %arg7[%get3A_1556, %get3A_1557] {strides = array<i32>} : memref<1x2080xf32, #tpu.memory_space<vmem>>, vector<16xf32>,
    %add3A_1559 = arith.addf %add3A_1549, %get3A_1558 : vector<16xf32>
    %get3A_1560 = arith.constant 0 : i32
    %get3A_1561 = arith.index_cast %get3A_1560 : i32 to index
    %get3A_1562 = arith.constant 192 : index
    %get3A_1563 = tpu.vector_load %arg7[%get3A_1561, %get3A_1562] {strides = array<i32>} : memref<1x2080xf32, #tpu.memory_space<vmem>>, vector<16xf32>,
    %lt3A = arith.constant 4 : i32
    %lt3A_1564 = vector.broadcast %lt3A : i32 to vector<16xi32>
    %lt3A_1565 = arith.cmpi slt, %iota3A, %lt3A_1564 : vector<16xi32>
    %jit3A = arith.constant 0.000000e+00 : f32
    %broadcast_in_dim3A_1566 = vector.broadcast %jit3A : f32 to vector<16xf32>
    %select_n3A = arith.select %lt3A_1565, %get3A_1563, %broadcast_in_dim3A_1566 : vector<16xi1>, vector<16xf32>
    %add3A_1567 = arith.addf %add3A_1559, %select_n3A : vector<16xf32>
    %add3A_1568 = arith.addf %add3A_1554, %add3A_1567 : vector<16xf32>
    %reduce_sum3A = arith.constant true
    %reduce_sum3A_1569 = vector.broadcast %reduce_sum3A : i1 to vector<16xi1>
    %reduce_sum3A_1570 = tpu.scan <sum>, %add3A_1568 masked %reduce_sum3A_1569 : vector<16xf32>, vector<16xi1> -> vector<16xf32>
    %reduce_sum3A_1571 = vector.extract %reduce_sum3A_1570[15] : f32 from vector<16xf32>
    %eq3A = arith.constant 0 : i32
    %eq3A_1572 = vector.broadcast %eq3A : i32 to vector<16xi32>
    %eq3A_1573 = arith.cmpi eq, %iota3A, %eq3A_1572 : vector<16xi32>
    %jit3A_1574 = arith.constant 0.000000e+00 : f32
    %broadcast_in_dim3A_1575 = vector.broadcast %reduce_sum3A_1571 : f32 to vector<16xf32>
    %broadcast_in_dim3A_1576 = vector.broadcast %jit3A_1574 : f32 to vector<16xf32>
    %select_n3A_1577 = arith.select %eq3A_1573, %broadcast_in_dim3A_1575, %broadcast_in_dim3A_1576 : vector<16xi1>, vector<16xf32>
    %add3A_1578 = arith.addf %broadcast_in_dim3A_1495, %select_n3A_1577 : vector<16xf32>
    %broadcast_in_dim3A_1579 = arith.constant 0.000000e+00 : f32
    %broadcast_in_dim3A_1580 = vector.broadcast %broadcast_in_dim3A_1579 : f32 to vector<16xf32>
    %broadcast_in_dim3A_1581 = arith.constant 0.000000e+00 : f32
    %broadcast_in_dim3A_1582 = vector.broadcast %broadcast_in_dim3A_1581 : f32 to vector<16xf32>
    %get3A_1583 = arith.constant 0 : i32
    %get3A_1584 = arith.index_cast %get3A_1583 : i32 to index
    %get3A_1585 = arith.constant 208 : index
    %get3A_1586 = tpu.vector_load %arg7[%get3A_1584, %get3A_1585] {strides = array<i32>} : memref<1x2080xf32, #tpu.memory_space<vmem>>, vector<16xf32>,
    %add3A_1587 = arith.addf %broadcast_in_dim3A_1580, %get3A_1586 : vector<16xf32>
    %get3A_1588 = arith.constant 0 : i32
    %get3A_1589 = arith.index_cast %get3A_1588 : i32 to index
    %get3A_1590 = arith.constant 224 : index
    %get3A_1591 = tpu.vector_load %arg7[%get3A_1589, %get3A_1590] {strides = array<i32>} : memref<1x2080xf32, #tpu.memory_space<vmem>>, vector<16xf32>,
    %add3A_1592 = arith.addf %broadcast_in_dim3A_1582, %get3A_1591 : vector<16xf32>
    %get3A_1593 = arith.constant 0 : i32
    %get3A_1594 = arith.index_cast %get3A_1593 : i32 to index
    %get3A_1595 = arith.constant 240 : index
    %get3A_1596 = tpu.vector_load %arg7[%get3A_1594, %get3A_1595] {strides = array<i32>} : memref<1x2080xf32, #tpu.memory_space<vmem>>, vector<16xf32>,
    %add3A_1597 = arith.addf %add3A_1587, %get3A_1596 : vector<16xf32>
    %get3A_1598 = arith.constant 0 : i32
    %get3A_1599 = arith.index_cast %get3A_1598 : i32 to index
    %get3A_1600 = arith.constant 256 : index
    %get3A_1601 = tpu.vector_load %arg7[%get3A_1599, %get3A_1600] {strides = array<i32>} : memref<1x2080xf32, #tpu.memory_space<vmem>>, vector<16xf32>,
    %add3A_1602 = arith.addf %add3A_1592, %get3A_1601 : vector<16xf32>
    %get3A_1603 = arith.constant 0 : i32
    %get3A_1604 = arith.index_cast %get3A_1603 : i32 to index
    %get3A_1605 = arith.constant 272 : index
    %get3A_1606 = tpu.vector_load %arg7[%get3A_1604, %get3A_1605] {strides = array<i32>} : memref<1x2080xf32, #tpu.memory_space<vmem>>, vector<16xf32>,
    %add3A_1607 = arith.addf %add3A_1597, %get3A_1606 : vector<16xf32>
    %get3A_1608 = arith.constant 0 : i32
    %get3A_1609 = arith.index_cast %get3A_1608 : i32 to index
    %get3A_1610 = arith.constant 288 : index
    %get3A_1611 = tpu.vector_load %arg7[%get3A_1609, %get3A_1610] {strides = array<i32>} : memref<1x2080xf32, #tpu.memory_space<vmem>>, vector<16xf32>,
    %add3A_1612 = arith.addf %add3A_1602, %get3A_1611 : vector<16xf32>
    %get3A_1613 = arith.constant 0 : i32
    %get3A_1614 = arith.index_cast %get3A_1613 : i32 to index
    %get3A_1615 = arith.constant 304 : index
    %get3A_1616 = tpu.vector_load %arg7[%get3A_1614, %get3A_1615] {strides = array<i32>} : memref<1x2080xf32, #tpu.memory_space<vmem>>, vector<16xf32>,
    %add3A_1617 = arith.addf %add3A_1607, %get3A_1616 : vector<16xf32>
    %get3A_1618 = arith.constant 0 : i32
    %get3A_1619 = arith.index_cast %get3A_1618 : i32 to index
    %get3A_1620 = arith.constant 320 : index
    %get3A_1621 = tpu.vector_load %arg7[%get3A_1619, %get3A_1620] {strides = array<i32>} : memref<1x2080xf32, #tpu.memory_space<vmem>>, vector<16xf32>,
    %add3A_1622 = arith.addf %add3A_1612, %get3A_1621 : vector<16xf32>
    %get3A_1623 = arith.constant 0 : i32
    %get3A_1624 = arith.index_cast %get3A_1623 : i32 to index
    %get3A_1625 = arith.constant 336 : index
    %get3A_1626 = tpu.vector_load %arg7[%get3A_1624, %get3A_1625] {strides = array<i32>} : memref<1x2080xf32, #tpu.memory_space<vmem>>, vector<16xf32>,
    %add3A_1627 = arith.addf %add3A_1617, %get3A_1626 : vector<16xf32>
    %get3A_1628 = arith.constant 0 : i32
    %get3A_1629 = arith.index_cast %get3A_1628 : i32 to index
    %get3A_1630 = arith.constant 352 : index
    %get3A_1631 = tpu.vector_load %arg7[%get3A_1629, %get3A_1630] {strides = array<i32>} : memref<1x2080xf32, #tpu.memory_space<vmem>>, vector<16xf32>,
    %add3A_1632 = arith.addf %add3A_1622, %get3A_1631 : vector<16xf32>
    %get3A_1633 = arith.constant 0 : i32
    %get3A_1634 = arith.index_cast %get3A_1633 : i32 to index
    %get3A_1635 = arith.constant 368 : index
    %get3A_1636 = tpu.vector_load %arg7[%get3A_1634, %get3A_1635] {strides = array<i32>} : memref<1x2080xf32, #tpu.memory_space<vmem>>, vector<16xf32>,
    %add3A_1637 = arith.addf %add3A_1627, %get3A_1636 : vector<16xf32>
    %get3A_1638 = arith.constant 0 : i32
    %get3A_1639 = arith.index_cast %get3A_1638 : i32 to index
    %get3A_1640 = arith.constant 384 : index
    %get3A_1641 = tpu.vector_load %arg7[%get3A_1639, %get3A_1640] {strides = array<i32>} : memref<1x2080xf32, #tpu.memory_space<vmem>>, vector<16xf32>,
    %add3A_1642 = arith.addf %add3A_1632, %get3A_1641 : vector<16xf32>
    %get3A_1643 = arith.constant 0 : i32
    %get3A_1644 = arith.index_cast %get3A_1643 : i32 to index
    %get3A_1645 = arith.constant 400 : index
    %get3A_1646 = tpu.vector_load %arg7[%get3A_1644, %get3A_1645] {strides = array<i32>} : memref<1x2080xf32, #tpu.memory_space<vmem>>, vector<16xf32>,
    %lt3A_1647 = arith.constant 4 : i32
    %lt3A_1648 = vector.broadcast %lt3A_1647 : i32 to vector<16xi32>
    %lt3A_1649 = arith.cmpi slt, %iota3A, %lt3A_1648 : vector<16xi32>
    %jit3A_1650 = arith.constant 0.000000e+00 : f32
    %broadcast_in_dim3A_1651 = vector.broadcast %jit3A_1650 : f32 to vector<16xf32>
    %select_n3A_1652 = arith.select %lt3A_1649, %get3A_1646, %broadcast_in_dim3A_1651 : vector<16xi1>, vector<16xf32>
    %add3A_1653 = arith.addf %add3A_1642, %select_n3A_1652 : vector<16xf32>
    %add3A_1654 = arith.addf %add3A_1637, %add3A_1653 : vector<16xf32>
    %reduce_sum3A_1655 = arith.constant true
    %reduce_sum3A_1656 = vector.broadcast %reduce_sum3A_1655 : i1 to vector<16xi1>
    %reduce_sum3A_1657 = tpu.scan <sum>, %add3A_1654 masked %reduce_sum3A_1656 : vector<16xf32>, vector<16xi1> -> vector<16xf32>
    %reduce_sum3A_1658 = vector.extract %reduce_sum3A_1657[15] : f32 from vector<16xf32>
    %eq3A_1659 = arith.constant 1 : i32
    %eq3A_1660 = vector.broadcast %eq3A_1659 : i32 to vector<16xi32>
    %eq3A_1661 = arith.cmpi eq, %iota3A, %eq3A_1660 : vector<16xi32>
    %jit3A_1662 = arith.constant 0.000000e+00 : f32
    %broadcast_in_dim3A_1663 = vector.broadcast %reduce_sum3A_1658 : f32 to vector<16xf32>
    %broadcast_in_dim3A_1664 = vector.broadcast %jit3A_1662 : f32 to vector<16xf32>
    %select_n3A_1665 = arith.select %eq3A_1661, %broadcast_in_dim3A_1663, %broadcast_in_dim3A_1664 : vector<16xi1>, vector<16xf32>
    %add3A_1666 = arith.addf %add3A_1578, %select_n3A_1665 : vector<16xf32>
    %broadcast_in_dim3A_1667 = arith.constant 0.000000e+00 : f32
    %broadcast_in_dim3A_1668 = vector.broadcast %broadcast_in_dim3A_1667 : f32 to vector<16xf32>
    %broadcast_in_dim3A_1669 = arith.constant 0.000000e+00 : f32
    %broadcast_in_dim3A_1670 = vector.broadcast %broadcast_in_dim3A_1669 : f32 to vector<16xf32>
    %get3A_1671 = arith.constant 0 : i32
    %get3A_1672 = arith.index_cast %get3A_1671 : i32 to index
    %get3A_1673 = arith.constant 416 : index
    %get3A_1674 = tpu.vector_load %arg7[%get3A_1672, %get3A_1673] {strides = array<i32>} : memref<1x2080xf32, #tpu.memory_space<vmem>>, vector<16xf32>,
    %add3A_1675 = arith.addf %broadcast_in_dim3A_1668, %get3A_1674 : vector<16xf32>
    %get3A_1676 = arith.constant 0 : i32
    %get3A_1677 = arith.index_cast %get3A_1676 : i32 to index
    %get3A_1678 = arith.constant 432 : index
    %get3A_1679 = tpu.vector_load %arg7[%get3A_1677, %get3A_1678] {strides = array<i32>} : memref<1x2080xf32, #tpu.memory_space<vmem>>, vector<16xf32>,
    %add3A_1680 = arith.addf %broadcast_in_dim3A_1670, %get3A_1679 : vector<16xf32>
    %get3A_1681 = arith.constant 0 : i32
    %get3A_1682 = arith.index_cast %get3A_1681 : i32 to index
    %get3A_1683 = arith.constant 448 : index
    %get3A_1684 = tpu.vector_load %arg7[%get3A_1682, %get3A_1683] {strides = array<i32>} : memref<1x2080xf32, #tpu.memory_space<vmem>>, vector<16xf32>,
    %add3A_1685 = arith.addf %add3A_1675, %get3A_1684 : vector<16xf32>
    %get3A_1686 = arith.constant 0 : i32
    %get3A_1687 = arith.index_cast %get3A_1686 : i32 to index
    %get3A_1688 = arith.constant 464 : index
    %get3A_1689 = tpu.vector_load %arg7[%get3A_1687, %get3A_1688] {strides = array<i32>} : memref<1x2080xf32, #tpu.memory_space<vmem>>, vector<16xf32>,
    %add3A_1690 = arith.addf %add3A_1680, %get3A_1689 : vector<16xf32>
    %get3A_1691 = arith.constant 0 : i32
    %get3A_1692 = arith.index_cast %get3A_1691 : i32 to index
    %get3A_1693 = arith.constant 480 : index
    %get3A_1694 = tpu.vector_load %arg7[%get3A_1692, %get3A_1693] {strides = array<i32>} : memref<1x2080xf32, #tpu.memory_space<vmem>>, vector<16xf32>,
    %add3A_1695 = arith.addf %add3A_1685, %get3A_1694 : vector<16xf32>
    %get3A_1696 = arith.constant 0 : i32
    %get3A_1697 = arith.index_cast %get3A_1696 : i32 to index
    %get3A_1698 = arith.constant 496 : index
    %get3A_1699 = tpu.vector_load %arg7[%get3A_1697, %get3A_1698] {strides = array<i32>} : memref<1x2080xf32, #tpu.memory_space<vmem>>, vector<16xf32>,
    %add3A_1700 = arith.addf %add3A_1690, %get3A_1699 : vector<16xf32>
    %get3A_1701 = arith.constant 0 : i32
    %get3A_1702 = arith.index_cast %get3A_1701 : i32 to index
    %get3A_1703 = arith.constant 512 : index
    %get3A_1704 = tpu.vector_load %arg7[%get3A_1702, %get3A_1703] {strides = array<i32>} : memref<1x2080xf32, #tpu.memory_space<vmem>>, vector<16xf32>,
    %add3A_1705 = arith.addf %add3A_1695, %get3A_1704 : vector<16xf32>
    %get3A_1706 = arith.constant 0 : i32
    %get3A_1707 = arith.index_cast %get3A_1706 : i32 to index
    %get3A_1708 = arith.constant 528 : index
    %get3A_1709 = tpu.vector_load %arg7[%get3A_1707, %get3A_1708] {strides = array<i32>} : memref<1x2080xf32, #tpu.memory_space<vmem>>, vector<16xf32>,
    %add3A_1710 = arith.addf %add3A_1700, %get3A_1709 : vector<16xf32>
    %get3A_1711 = arith.constant 0 : i32
    %get3A_1712 = arith.index_cast %get3A_1711 : i32 to index
    %get3A_1713 = arith.constant 544 : index
    %get3A_1714 = tpu.vector_load %arg7[%get3A_1712, %get3A_1713] {strides = array<i32>} : memref<1x2080xf32, #tpu.memory_space<vmem>>, vector<16xf32>,
    %add3A_1715 = arith.addf %add3A_1705, %get3A_1714 : vector<16xf32>
    %get3A_1716 = arith.constant 0 : i32
    %get3A_1717 = arith.index_cast %get3A_1716 : i32 to index
    %get3A_1718 = arith.constant 560 : index
    %get3A_1719 = tpu.vector_load %arg7[%get3A_1717, %get3A_1718] {strides = array<i32>} : memref<1x2080xf32, #tpu.memory_space<vmem>>, vector<16xf32>,
    %add3A_1720 = arith.addf %add3A_1710, %get3A_1719 : vector<16xf32>
    %get3A_1721 = arith.constant 0 : i32
    %get3A_1722 = arith.index_cast %get3A_1721 : i32 to index
    %get3A_1723 = arith.constant 576 : index
    %get3A_1724 = tpu.vector_load %arg7[%get3A_1722, %get3A_1723] {strides = array<i32>} : memref<1x2080xf32, #tpu.memory_space<vmem>>, vector<16xf32>,
    %add3A_1725 = arith.addf %add3A_1715, %get3A_1724 : vector<16xf32>
    %get3A_1726 = arith.constant 0 : i32
    %get3A_1727 = arith.index_cast %get3A_1726 : i32 to index
    %get3A_1728 = arith.constant 592 : index
    %get3A_1729 = tpu.vector_load %arg7[%get3A_1727, %get3A_1728] {strides = array<i32>} : memref<1x2080xf32, #tpu.memory_space<vmem>>, vector<16xf32>,
    %add3A_1730 = arith.addf %add3A_1720, %get3A_1729 : vector<16xf32>
    %get3A_1731 = arith.constant 0 : i32
    %get3A_1732 = arith.index_cast %get3A_1731 : i32 to index
    %get3A_1733 = arith.constant 608 : index
    %get3A_1734 = tpu.vector_load %arg7[%get3A_1732, %get3A_1733] {strides = array<i32>} : memref<1x2080xf32, #tpu.memory_space<vmem>>, vector<16xf32>,
    %lt3A_1735 = arith.constant 4 : i32
    %lt3A_1736 = vector.broadcast %lt3A_1735 : i32 to vector<16xi32>
    %lt3A_1737 = arith.cmpi slt, %iota3A, %lt3A_1736 : vector<16xi32>
    %jit3A_1738 = arith.constant 0.000000e+00 : f32
    %broadcast_in_dim3A_1739 = vector.broadcast %jit3A_1738 : f32 to vector<16xf32>
    %select_n3A_1740 = arith.select %lt3A_1737, %get3A_1734, %broadcast_in_dim3A_1739 : vector<16xi1>, vector<16xf32>
    %add3A_1741 = arith.addf %add3A_1730, %select_n3A_1740 : vector<16xf32>
    %add3A_1742 = arith.addf %add3A_1725, %add3A_1741 : vector<16xf32>
    %reduce_sum3A_1743 = arith.constant true
    %reduce_sum3A_1744 = vector.broadcast %reduce_sum3A_1743 : i1 to vector<16xi1>
    %reduce_sum3A_1745 = tpu.scan <sum>, %add3A_1742 masked %reduce_sum3A_1744 : vector<16xf32>, vector<16xi1> -> vector<16xf32>
    %reduce_sum3A_1746 = vector.extract %reduce_sum3A_1745[15] : f32 from vector<16xf32>
    %eq3A_1747 = arith.constant 2 : i32
    %eq3A_1748 = vector.broadcast %eq3A_1747 : i32 to vector<16xi32>
    %eq3A_1749 = arith.cmpi eq, %iota3A, %eq3A_1748 : vector<16xi32>
    %jit3A_1750 = arith.constant 0.000000e+00 : f32
    %broadcast_in_dim3A_1751 = vector.broadcast %reduce_sum3A_1746 : f32 to vector<16xf32>
    %broadcast_in_dim3A_1752 = vector.broadcast %jit3A_1750 : f32 to vector<16xf32>
    %select_n3A_1753 = arith.select %eq3A_1749, %broadcast_in_dim3A_1751, %broadcast_in_dim3A_1752 : vector<16xi1>, vector<16xf32>
    %add3A_1754 = arith.addf %add3A_1666, %select_n3A_1753 : vector<16xf32>
    %broadcast_in_dim3A_1755 = arith.constant 0.000000e+00 : f32
    %broadcast_in_dim3A_1756 = vector.broadcast %broadcast_in_dim3A_1755 : f32 to vector<16xf32>
    %broadcast_in_dim3A_1757 = arith.constant 0.000000e+00 : f32
    %broadcast_in_dim3A_1758 = vector.broadcast %broadcast_in_dim3A_1757 : f32 to vector<16xf32>
    %get3A_1759 = arith.constant 0 : i32
    %get3A_1760 = arith.index_cast %get3A_1759 : i32 to index
    %get3A_1761 = arith.constant 624 : index
    %get3A_1762 = tpu.vector_load %arg7[%get3A_1760, %get3A_1761] {strides = array<i32>} : memref<1x2080xf32, #tpu.memory_space<vmem>>, vector<16xf32>,
    %add3A_1763 = arith.addf %broadcast_in_dim3A_1756, %get3A_1762 : vector<16xf32>
    %get3A_1764 = arith.constant 0 : i32
    %get3A_1765 = arith.index_cast %get3A_1764 : i32 to index
    %get3A_1766 = arith.constant 640 : index
    %get3A_1767 = tpu.vector_load %arg7[%get3A_1765, %get3A_1766] {strides = array<i32>} : memref<1x2080xf32, #tpu.memory_space<vmem>>, vector<16xf32>,
    %add3A_1768 = arith.addf %broadcast_in_dim3A_1758, %get3A_1767 : vector<16xf32>
    %get3A_1769 = arith.constant 0 : i32
    %get3A_1770 = arith.index_cast %get3A_1769 : i32 to index
    %get3A_1771 = arith.constant 656 : index
    %get3A_1772 = tpu.vector_load %arg7[%get3A_1770, %get3A_1771] {strides = array<i32>} : memref<1x2080xf32, #tpu.memory_space<vmem>>, vector<16xf32>,
    %add3A_1773 = arith.addf %add3A_1763, %get3A_1772 : vector<16xf32>
    %get3A_1774 = arith.constant 0 : i32
    %get3A_1775 = arith.index_cast %get3A_1774 : i32 to index
    %get3A_1776 = arith.constant 672 : index
    %get3A_1777 = tpu.vector_load %arg7[%get3A_1775, %get3A_1776] {strides = array<i32>} : memref<1x2080xf32, #tpu.memory_space<vmem>>, vector<16xf32>,
    %add3A_1778 = arith.addf %add3A_1768, %get3A_1777 : vector<16xf32>
    %get3A_1779 = arith.constant 0 : i32
    %get3A_1780 = arith.index_cast %get3A_1779 : i32 to index
    %get3A_1781 = arith.constant 688 : index
    %get3A_1782 = tpu.vector_load %arg7[%get3A_1780, %get3A_1781] {strides = array<i32>} : memref<1x2080xf32, #tpu.memory_space<vmem>>, vector<16xf32>,
    %add3A_1783 = arith.addf %add3A_1773, %get3A_1782 : vector<16xf32>
    %get3A_1784 = arith.constant 0 : i32
    %get3A_1785 = arith.index_cast %get3A_1784 : i32 to index
    %get3A_1786 = arith.constant 704 : index
    %get3A_1787 = tpu.vector_load %arg7[%get3A_1785, %get3A_1786] {strides = array<i32>} : memref<1x2080xf32, #tpu.memory_space<vmem>>, vector<16xf32>,
    %add3A_1788 = arith.addf %add3A_1778, %get3A_1787 : vector<16xf32>
    %get3A_1789 = arith.constant 0 : i32
    %get3A_1790 = arith.index_cast %get3A_1789 : i32 to index
    %get3A_1791 = arith.constant 720 : index
    %get3A_1792 = tpu.vector_load %arg7[%get3A_1790, %get3A_1791] {strides = array<i32>} : memref<1x2080xf32, #tpu.memory_space<vmem>>, vector<16xf32>,
    %add3A_1793 = arith.addf %add3A_1783, %get3A_1792 : vector<16xf32>
    %get3A_1794 = arith.constant 0 : i32
    %get3A_1795 = arith.index_cast %get3A_1794 : i32 to index
    %get3A_1796 = arith.constant 736 : index
    %get3A_1797 = tpu.vector_load %arg7[%get3A_1795, %get3A_1796] {strides = array<i32>} : memref<1x2080xf32, #tpu.memory_space<vmem>>, vector<16xf32>,
    %add3A_1798 = arith.addf %add3A_1788, %get3A_1797 : vector<16xf32>
    %get3A_1799 = arith.constant 0 : i32
    %get3A_1800 = arith.index_cast %get3A_1799 : i32 to index
    %get3A_1801 = arith.constant 752 : index
    %get3A_1802 = tpu.vector_load %arg7[%get3A_1800, %get3A_1801] {strides = array<i32>} : memref<1x2080xf32, #tpu.memory_space<vmem>>, vector<16xf32>,
    %add3A_1803 = arith.addf %add3A_1793, %get3A_1802 : vector<16xf32>
    %get3A_1804 = arith.constant 0 : i32
    %get3A_1805 = arith.index_cast %get3A_1804 : i32 to index
    %get3A_1806 = arith.constant 768 : index
    %get3A_1807 = tpu.vector_load %arg7[%get3A_1805, %get3A_1806] {strides = array<i32>} : memref<1x2080xf32, #tpu.memory_space<vmem>>, vector<16xf32>,
    %add3A_1808 = arith.addf %add3A_1798, %get3A_1807 : vector<16xf32>
    %get3A_1809 = arith.constant 0 : i32
    %get3A_1810 = arith.index_cast %get3A_1809 : i32 to index
    %get3A_1811 = arith.constant 784 : index
    %get3A_1812 = tpu.vector_load %arg7[%get3A_1810, %get3A_1811] {strides = array<i32>} : memref<1x2080xf32, #tpu.memory_space<vmem>>, vector<16xf32>,
    %add3A_1813 = arith.addf %add3A_1803, %get3A_1812 : vector<16xf32>
    %get3A_1814 = arith.constant 0 : i32
    %get3A_1815 = arith.index_cast %get3A_1814 : i32 to index
    %get3A_1816 = arith.constant 800 : index
    %get3A_1817 = tpu.vector_load %arg7[%get3A_1815, %get3A_1816] {strides = array<i32>} : memref<1x2080xf32, #tpu.memory_space<vmem>>, vector<16xf32>,
    %add3A_1818 = arith.addf %add3A_1808, %get3A_1817 : vector<16xf32>
    %get3A_1819 = arith.constant 0 : i32
    %get3A_1820 = arith.index_cast %get3A_1819 : i32 to index
    %get3A_1821 = arith.constant 816 : index
    %get3A_1822 = tpu.vector_load %arg7[%get3A_1820, %get3A_1821] {strides = array<i32>} : memref<1x2080xf32, #tpu.memory_space<vmem>>, vector<16xf32>,
    %lt3A_1823 = arith.constant 4 : i32
    %lt3A_1824 = vector.broadcast %lt3A_1823 : i32 to vector<16xi32>
    %lt3A_1825 = arith.cmpi slt, %iota3A, %lt3A_1824 : vector<16xi32>
    %jit3A_1826 = arith.constant 0.000000e+00 : f32
    %broadcast_in_dim3A_1827 = vector.broadcast %jit3A_1826 : f32 to vector<16xf32>
    %select_n3A_1828 = arith.select %lt3A_1825, %get3A_1822, %broadcast_in_dim3A_1827 : vector<16xi1>, vector<16xf32>
    %add3A_1829 = arith.addf %add3A_1818, %select_n3A_1828 : vector<16xf32>
    %add3A_1830 = arith.addf %add3A_1813, %add3A_1829 : vector<16xf32>
    %reduce_sum3A_1831 = arith.constant true
    %reduce_sum3A_1832 = vector.broadcast %reduce_sum3A_1831 : i1 to vector<16xi1>
    %reduce_sum3A_1833 = tpu.scan <sum>, %add3A_1830 masked %reduce_sum3A_1832 : vector<16xf32>, vector<16xi1> -> vector<16xf32>
    %reduce_sum3A_1834 = vector.extract %reduce_sum3A_1833[15] : f32 from vector<16xf32>
    %eq3A_1835 = arith.constant 3 : i32
    %eq3A_1836 = vector.broadcast %eq3A_1835 : i32 to vector<16xi32>
    %eq3A_1837 = arith.cmpi eq, %iota3A, %eq3A_1836 : vector<16xi32>
    %jit3A_1838 = arith.constant 0.000000e+00 : f32
    %broadcast_in_dim3A_1839 = vector.broadcast %reduce_sum3A_1834 : f32 to vector<16xf32>
    %broadcast_in_dim3A_1840 = vector.broadcast %jit3A_1838 : f32 to vector<16xf32>
    %select_n3A_1841 = arith.select %eq3A_1837, %broadcast_in_dim3A_1839, %broadcast_in_dim3A_1840 : vector<16xi1>, vector<16xf32>
    %add3A_1842 = arith.addf %add3A_1754, %select_n3A_1841 : vector<16xf32>
    %broadcast_in_dim3A_1843 = arith.constant 0.000000e+00 : f32
    %broadcast_in_dim3A_1844 = vector.broadcast %broadcast_in_dim3A_1843 : f32 to vector<16xf32>
    %broadcast_in_dim3A_1845 = arith.constant 0.000000e+00 : f32
    %broadcast_in_dim3A_1846 = vector.broadcast %broadcast_in_dim3A_1845 : f32 to vector<16xf32>
    %get3A_1847 = arith.constant 0 : i32
    %get3A_1848 = arith.index_cast %get3A_1847 : i32 to index
    %get3A_1849 = arith.constant 832 : index
    %get3A_1850 = tpu.vector_load %arg7[%get3A_1848, %get3A_1849] {strides = array<i32>} : memref<1x2080xf32, #tpu.memory_space<vmem>>, vector<16xf32>,
    %add3A_1851 = arith.addf %broadcast_in_dim3A_1844, %get3A_1850 : vector<16xf32>
    %get3A_1852 = arith.constant 0 : i32
    %get3A_1853 = arith.index_cast %get3A_1852 : i32 to index
    %get3A_1854 = arith.constant 848 : index
    %get3A_1855 = tpu.vector_load %arg7[%get3A_1853, %get3A_1854] {strides = array<i32>} : memref<1x2080xf32, #tpu.memory_space<vmem>>, vector<16xf32>,
    %add3A_1856 = arith.addf %broadcast_in_dim3A_1846, %get3A_1855 : vector<16xf32>
    %get3A_1857 = arith.constant 0 : i32
    %get3A_1858 = arith.index_cast %get3A_1857 : i32 to index
    %get3A_1859 = arith.constant 864 : index
    %get3A_1860 = tpu.vector_load %arg7[%get3A_1858, %get3A_1859] {strides = array<i32>} : memref<1x2080xf32, #tpu.memory_space<vmem>>, vector<16xf32>,
    %add3A_1861 = arith.addf %add3A_1851, %get3A_1860 : vector<16xf32>
    %get3A_1862 = arith.constant 0 : i32
    %get3A_1863 = arith.index_cast %get3A_1862 : i32 to index
    %get3A_1864 = arith.constant 880 : index
    %get3A_1865 = tpu.vector_load %arg7[%get3A_1863, %get3A_1864] {strides = array<i32>} : memref<1x2080xf32, #tpu.memory_space<vmem>>, vector<16xf32>,
    %add3A_1866 = arith.addf %add3A_1856, %get3A_1865 : vector<16xf32>
    %get3A_1867 = arith.constant 0 : i32
    %get3A_1868 = arith.index_cast %get3A_1867 : i32 to index
    %get3A_1869 = arith.constant 896 : index
    %get3A_1870 = tpu.vector_load %arg7[%get3A_1868, %get3A_1869] {strides = array<i32>} : memref<1x2080xf32, #tpu.memory_space<vmem>>, vector<16xf32>,
    %add3A_1871 = arith.addf %add3A_1861, %get3A_1870 : vector<16xf32>
    %get3A_1872 = arith.constant 0 : i32
    %get3A_1873 = arith.index_cast %get3A_1872 : i32 to index
    %get3A_1874 = arith.constant 912 : index
    %get3A_1875 = tpu.vector_load %arg7[%get3A_1873, %get3A_1874] {strides = array<i32>} : memref<1x2080xf32, #tpu.memory_space<vmem>>, vector<16xf32>,
    %add3A_1876 = arith.addf %add3A_1866, %get3A_1875 : vector<16xf32>
    %get3A_1877 = arith.constant 0 : i32
    %get3A_1878 = arith.index_cast %get3A_1877 : i32 to index
    %get3A_1879 = arith.constant 928 : index
    %get3A_1880 = tpu.vector_load %arg7[%get3A_1878, %get3A_1879] {strides = array<i32>} : memref<1x2080xf32, #tpu.memory_space<vmem>>, vector<16xf32>,
    %add3A_1881 = arith.addf %add3A_1871, %get3A_1880 : vector<16xf32>
    %get3A_1882 = arith.constant 0 : i32
    %get3A_1883 = arith.index_cast %get3A_1882 : i32 to index
    %get3A_1884 = arith.constant 944 : index
    %get3A_1885 = tpu.vector_load %arg7[%get3A_1883, %get3A_1884] {strides = array<i32>} : memref<1x2080xf32, #tpu.memory_space<vmem>>, vector<16xf32>,
    %add3A_1886 = arith.addf %add3A_1876, %get3A_1885 : vector<16xf32>
    %get3A_1887 = arith.constant 0 : i32
    %get3A_1888 = arith.index_cast %get3A_1887 : i32 to index
    %get3A_1889 = arith.constant 960 : index
    %get3A_1890 = tpu.vector_load %arg7[%get3A_1888, %get3A_1889] {strides = array<i32>} : memref<1x2080xf32, #tpu.memory_space<vmem>>, vector<16xf32>,
    %add3A_1891 = arith.addf %add3A_1881, %get3A_1890 : vector<16xf32>
    %get3A_1892 = arith.constant 0 : i32
    %get3A_1893 = arith.index_cast %get3A_1892 : i32 to index
    %get3A_1894 = arith.constant 976 : index
    %get3A_1895 = tpu.vector_load %arg7[%get3A_1893, %get3A_1894] {strides = array<i32>} : memref<1x2080xf32, #tpu.memory_space<vmem>>, vector<16xf32>,
    %add3A_1896 = arith.addf %add3A_1886, %get3A_1895 : vector<16xf32>
    %get3A_1897 = arith.constant 0 : i32
    %get3A_1898 = arith.index_cast %get3A_1897 : i32 to index
    %get3A_1899 = arith.constant 992 : index
    %get3A_1900 = tpu.vector_load %arg7[%get3A_1898, %get3A_1899] {strides = array<i32>} : memref<1x2080xf32, #tpu.memory_space<vmem>>, vector<16xf32>,
    %add3A_1901 = arith.addf %add3A_1891, %get3A_1900 : vector<16xf32>
    %get3A_1902 = arith.constant 0 : i32
    %get3A_1903 = arith.index_cast %get3A_1902 : i32 to index
    %get3A_1904 = arith.constant 1008 : index
    %get3A_1905 = tpu.vector_load %arg7[%get3A_1903, %get3A_1904] {strides = array<i32>} : memref<1x2080xf32, #tpu.memory_space<vmem>>, vector<16xf32>,
    %add3A_1906 = arith.addf %add3A_1896, %get3A_1905 : vector<16xf32>
    %get3A_1907 = arith.constant 0 : i32
    %get3A_1908 = arith.index_cast %get3A_1907 : i32 to index
    %get3A_1909 = arith.constant 1024 : index
    %get3A_1910 = tpu.vector_load %arg7[%get3A_1908, %get3A_1909] {strides = array<i32>} : memref<1x2080xf32, #tpu.memory_space<vmem>>, vector<16xf32>,
    %lt3A_1911 = arith.constant 4 : i32
    %lt3A_1912 = vector.broadcast %lt3A_1911 : i32 to vector<16xi32>
    %lt3A_1913 = arith.cmpi slt, %iota3A, %lt3A_1912 : vector<16xi32>
    %jit3A_1914 = arith.constant 0.000000e+00 : f32
    %broadcast_in_dim3A_1915 = vector.broadcast %jit3A_1914 : f32 to vector<16xf32>
    %select_n3A_1916 = arith.select %lt3A_1913, %get3A_1910, %broadcast_in_dim3A_1915 : vector<16xi1>, vector<16xf32>
    %add3A_1917 = arith.addf %add3A_1906, %select_n3A_1916 : vector<16xf32>
    %add3A_1918 = arith.addf %add3A_1901, %add3A_1917 : vector<16xf32>
    %reduce_sum3A_1919 = arith.constant true
    %reduce_sum3A_1920 = vector.broadcast %reduce_sum3A_1919 : i1 to vector<16xi1>
    %reduce_sum3A_1921 = tpu.scan <sum>, %add3A_1918 masked %reduce_sum3A_1920 : vector<16xf32>, vector<16xi1> -> vector<16xf32>
    %reduce_sum3A_1922 = vector.extract %reduce_sum3A_1921[15] : f32 from vector<16xf32>
    %eq3A_1923 = arith.constant 4 : i32
    %eq3A_1924 = vector.broadcast %eq3A_1923 : i32 to vector<16xi32>
    %eq3A_1925 = arith.cmpi eq, %iota3A, %eq3A_1924 : vector<16xi32>
    %jit3A_1926 = arith.constant 0.000000e+00 : f32
    %broadcast_in_dim3A_1927 = vector.broadcast %reduce_sum3A_1922 : f32 to vector<16xf32>
    %broadcast_in_dim3A_1928 = vector.broadcast %jit3A_1926 : f32 to vector<16xf32>
    %select_n3A_1929 = arith.select %eq3A_1925, %broadcast_in_dim3A_1927, %broadcast_in_dim3A_1928 : vector<16xi1>, vector<16xf32>
    %add3A_1930 = arith.addf %add3A_1842, %select_n3A_1929 : vector<16xf32>
    %broadcast_in_dim3A_1931 = arith.constant 0.000000e+00 : f32
    %broadcast_in_dim3A_1932 = vector.broadcast %broadcast_in_dim3A_1931 : f32 to vector<16xf32>
    %broadcast_in_dim3A_1933 = arith.constant 0.000000e+00 : f32
    %broadcast_in_dim3A_1934 = vector.broadcast %broadcast_in_dim3A_1933 : f32 to vector<16xf32>
    %get3A_1935 = arith.constant 0 : i32
    %get3A_1936 = arith.index_cast %get3A_1935 : i32 to index
    %get3A_1937 = arith.constant 1040 : index
    %get3A_1938 = tpu.vector_load %arg7[%get3A_1936, %get3A_1937] {strides = array<i32>} : memref<1x2080xf32, #tpu.memory_space<vmem>>, vector<16xf32>,
    %add3A_1939 = arith.addf %broadcast_in_dim3A_1932, %get3A_1938 : vector<16xf32>
    %get3A_1940 = arith.constant 0 : i32
    %get3A_1941 = arith.index_cast %get3A_1940 : i32 to index
    %get3A_1942 = arith.constant 1056 : index
    %get3A_1943 = tpu.vector_load %arg7[%get3A_1941, %get3A_1942] {strides = array<i32>} : memref<1x2080xf32, #tpu.memory_space<vmem>>, vector<16xf32>,
    %add3A_1944 = arith.addf %broadcast_in_dim3A_1934, %get3A_1943 : vector<16xf32>
    %get3A_1945 = arith.constant 0 : i32
    %get3A_1946 = arith.index_cast %get3A_1945 : i32 to index
    %get3A_1947 = arith.constant 1072 : index
    %get3A_1948 = tpu.vector_load %arg7[%get3A_1946, %get3A_1947] {strides = array<i32>} : memref<1x2080xf32, #tpu.memory_space<vmem>>, vector<16xf32>,
    %add3A_1949 = arith.addf %add3A_1939, %get3A_1948 : vector<16xf32>
    %get3A_1950 = arith.constant 0 : i32
    %get3A_1951 = arith.index_cast %get3A_1950 : i32 to index
    %get3A_1952 = arith.constant 1088 : index
    %get3A_1953 = tpu.vector_load %arg7[%get3A_1951, %get3A_1952] {strides = array<i32>} : memref<1x2080xf32, #tpu.memory_space<vmem>>, vector<16xf32>,
    %add3A_1954 = arith.addf %add3A_1944, %get3A_1953 : vector<16xf32>
    %get3A_1955 = arith.constant 0 : i32
    %get3A_1956 = arith.index_cast %get3A_1955 : i32 to index
    %get3A_1957 = arith.constant 1104 : index
    %get3A_1958 = tpu.vector_load %arg7[%get3A_1956, %get3A_1957] {strides = array<i32>} : memref<1x2080xf32, #tpu.memory_space<vmem>>, vector<16xf32>,
    %add3A_1959 = arith.addf %add3A_1949, %get3A_1958 : vector<16xf32>
    %get3A_1960 = arith.constant 0 : i32
    %get3A_1961 = arith.index_cast %get3A_1960 : i32 to index
    %get3A_1962 = arith.constant 1120 : index
    %get3A_1963 = tpu.vector_load %arg7[%get3A_1961, %get3A_1962] {strides = array<i32>} : memref<1x2080xf32, #tpu.memory_space<vmem>>, vector<16xf32>,
    %add3A_1964 = arith.addf %add3A_1954, %get3A_1963 : vector<16xf32>
    %get3A_1965 = arith.constant 0 : i32
    %get3A_1966 = arith.index_cast %get3A_1965 : i32 to index
    %get3A_1967 = arith.constant 1136 : index
    %get3A_1968 = tpu.vector_load %arg7[%get3A_1966, %get3A_1967] {strides = array<i32>} : memref<1x2080xf32, #tpu.memory_space<vmem>>, vector<16xf32>,
    %add3A_1969 = arith.addf %add3A_1959, %get3A_1968 : vector<16xf32>
    %get3A_1970 = arith.constant 0 : i32
    %get3A_1971 = arith.index_cast %get3A_1970 : i32 to index
    %get3A_1972 = arith.constant 1152 : index
    %get3A_1973 = tpu.vector_load %arg7[%get3A_1971, %get3A_1972] {strides = array<i32>} : memref<1x2080xf32, #tpu.memory_space<vmem>>, vector<16xf32>,
    %add3A_1974 = arith.addf %add3A_1964, %get3A_1973 : vector<16xf32>
    %get3A_1975 = arith.constant 0 : i32
    %get3A_1976 = arith.index_cast %get3A_1975 : i32 to index
    %get3A_1977 = arith.constant 1168 : index
    %get3A_1978 = tpu.vector_load %arg7[%get3A_1976, %get3A_1977] {strides = array<i32>} : memref<1x2080xf32, #tpu.memory_space<vmem>>, vector<16xf32>,
    %add3A_1979 = arith.addf %add3A_1969, %get3A_1978 : vector<16xf32>
    %get3A_1980 = arith.constant 0 : i32
    %get3A_1981 = arith.index_cast %get3A_1980 : i32 to index
    %get3A_1982 = arith.constant 1184 : index
    %get3A_1983 = tpu.vector_load %arg7[%get3A_1981, %get3A_1982] {strides = array<i32>} : memref<1x2080xf32, #tpu.memory_space<vmem>>, vector<16xf32>,
    %add3A_1984 = arith.addf %add3A_1974, %get3A_1983 : vector<16xf32>
    %get3A_1985 = arith.constant 0 : i32
    %get3A_1986 = arith.index_cast %get3A_1985 : i32 to index
    %get3A_1987 = arith.constant 1200 : index
    %get3A_1988 = tpu.vector_load %arg7[%get3A_1986, %get3A_1987] {strides = array<i32>} : memref<1x2080xf32, #tpu.memory_space<vmem>>, vector<16xf32>,
    %add3A_1989 = arith.addf %add3A_1979, %get3A_1988 : vector<16xf32>
    %get3A_1990 = arith.constant 0 : i32
    %get3A_1991 = arith.index_cast %get3A_1990 : i32 to index
    %get3A_1992 = arith.constant 1216 : index
    %get3A_1993 = tpu.vector_load %arg7[%get3A_1991, %get3A_1992] {strides = array<i32>} : memref<1x2080xf32, #tpu.memory_space<vmem>>, vector<16xf32>,
    %add3A_1994 = arith.addf %add3A_1984, %get3A_1993 : vector<16xf32>
    %get3A_1995 = arith.constant 0 : i32
    %get3A_1996 = arith.index_cast %get3A_1995 : i32 to index
    %get3A_1997 = arith.constant 1232 : index
    %get3A_1998 = tpu.vector_load %arg7[%get3A_1996, %get3A_1997] {strides = array<i32>} : memref<1x2080xf32, #tpu.memory_space<vmem>>, vector<16xf32>,
    %lt3A_1999 = arith.constant 4 : i32
    %lt3A_2000 = vector.broadcast %lt3A_1999 : i32 to vector<16xi32>
    %lt3A_2001 = arith.cmpi slt, %iota3A, %lt3A_2000 : vector<16xi32>
    %jit3A_2002 = arith.constant 0.000000e+00 : f32
    %broadcast_in_dim3A_2003 = vector.broadcast %jit3A_2002 : f32 to vector<16xf32>
    %select_n3A_2004 = arith.select %lt3A_2001, %get3A_1998, %broadcast_in_dim3A_2003 : vector<16xi1>, vector<16xf32>
    %add3A_2005 = arith.addf %add3A_1994, %select_n3A_2004 : vector<16xf32>
    %add3A_2006 = arith.addf %add3A_1989, %add3A_2005 : vector<16xf32>
    %reduce_sum3A_2007 = arith.constant true
    %reduce_sum3A_2008 = vector.broadcast %reduce_sum3A_2007 : i1 to vector<16xi1>
    %reduce_sum3A_2009 = tpu.scan <sum>, %add3A_2006 masked %reduce_sum3A_2008 : vector<16xf32>, vector<16xi1> -> vector<16xf32>
    %reduce_sum3A_2010 = vector.extract %reduce_sum3A_2009[15] : f32 from vector<16xf32>
    %eq3A_2011 = arith.constant 5 : i32
    %eq3A_2012 = vector.broadcast %eq3A_2011 : i32 to vector<16xi32>
    %eq3A_2013 = arith.cmpi eq, %iota3A, %eq3A_2012 : vector<16xi32>
    %jit3A_2014 = arith.constant 0.000000e+00 : f32
    %broadcast_in_dim3A_2015 = vector.broadcast %reduce_sum3A_2010 : f32 to vector<16xf32>
    %broadcast_in_dim3A_2016 = vector.broadcast %jit3A_2014 : f32 to vector<16xf32>
    %select_n3A_2017 = arith.select %eq3A_2013, %broadcast_in_dim3A_2015, %broadcast_in_dim3A_2016 : vector<16xi1>, vector<16xf32>
    %add3A_2018 = arith.addf %add3A_1930, %select_n3A_2017 : vector<16xf32>
    %broadcast_in_dim3A_2019 = arith.constant 0.000000e+00 : f32
    %broadcast_in_dim3A_2020 = vector.broadcast %broadcast_in_dim3A_2019 : f32 to vector<16xf32>
    %broadcast_in_dim3A_2021 = arith.constant 0.000000e+00 : f32
    %broadcast_in_dim3A_2022 = vector.broadcast %broadcast_in_dim3A_2021 : f32 to vector<16xf32>
    %get3A_2023 = arith.constant 0 : i32
    %get3A_2024 = arith.index_cast %get3A_2023 : i32 to index
    %get3A_2025 = arith.constant 1248 : index
    %get3A_2026 = tpu.vector_load %arg7[%get3A_2024, %get3A_2025] {strides = array<i32>} : memref<1x2080xf32, #tpu.memory_space<vmem>>, vector<16xf32>,
    %add3A_2027 = arith.addf %broadcast_in_dim3A_2020, %get3A_2026 : vector<16xf32>
    %get3A_2028 = arith.constant 0 : i32
    %get3A_2029 = arith.index_cast %get3A_2028 : i32 to index
    %get3A_2030 = arith.constant 1264 : index
    %get3A_2031 = tpu.vector_load %arg7[%get3A_2029, %get3A_2030] {strides = array<i32>} : memref<1x2080xf32, #tpu.memory_space<vmem>>, vector<16xf32>,
    %add3A_2032 = arith.addf %broadcast_in_dim3A_2022, %get3A_2031 : vector<16xf32>
    %get3A_2033 = arith.constant 0 : i32
    %get3A_2034 = arith.index_cast %get3A_2033 : i32 to index
    %get3A_2035 = arith.constant 1280 : index
    %get3A_2036 = tpu.vector_load %arg7[%get3A_2034, %get3A_2035] {strides = array<i32>} : memref<1x2080xf32, #tpu.memory_space<vmem>>, vector<16xf32>,
    %add3A_2037 = arith.addf %add3A_2027, %get3A_2036 : vector<16xf32>
    %get3A_2038 = arith.constant 0 : i32
    %get3A_2039 = arith.index_cast %get3A_2038 : i32 to index
    %get3A_2040 = arith.constant 1296 : index
    %get3A_2041 = tpu.vector_load %arg7[%get3A_2039, %get3A_2040] {strides = array<i32>} : memref<1x2080xf32, #tpu.memory_space<vmem>>, vector<16xf32>,
    %add3A_2042 = arith.addf %add3A_2032, %get3A_2041 : vector<16xf32>
    %get3A_2043 = arith.constant 0 : i32
    %get3A_2044 = arith.index_cast %get3A_2043 : i32 to index
    %get3A_2045 = arith.constant 1312 : index
    %get3A_2046 = tpu.vector_load %arg7[%get3A_2044, %get3A_2045] {strides = array<i32>} : memref<1x2080xf32, #tpu.memory_space<vmem>>, vector<16xf32>,
    %add3A_2047 = arith.addf %add3A_2037, %get3A_2046 : vector<16xf32>
    %get3A_2048 = arith.constant 0 : i32
    %get3A_2049 = arith.index_cast %get3A_2048 : i32 to index
    %get3A_2050 = arith.constant 1328 : index
    %get3A_2051 = tpu.vector_load %arg7[%get3A_2049, %get3A_2050] {strides = array<i32>} : memref<1x2080xf32, #tpu.memory_space<vmem>>, vector<16xf32>,
    %add3A_2052 = arith.addf %add3A_2042, %get3A_2051 : vector<16xf32>
    %get3A_2053 = arith.constant 0 : i32
    %get3A_2054 = arith.index_cast %get3A_2053 : i32 to index
    %get3A_2055 = arith.constant 1344 : index
    %get3A_2056 = tpu.vector_load %arg7[%get3A_2054, %get3A_2055] {strides = array<i32>} : memref<1x2080xf32, #tpu.memory_space<vmem>>, vector<16xf32>,
    %add3A_2057 = arith.addf %add3A_2047, %get3A_2056 : vector<16xf32>
    %get3A_2058 = arith.constant 0 : i32
    %get3A_2059 = arith.index_cast %get3A_2058 : i32 to index
    %get3A_2060 = arith.constant 1360 : index
    %get3A_2061 = tpu.vector_load %arg7[%get3A_2059, %get3A_2060] {strides = array<i32>} : memref<1x2080xf32, #tpu.memory_space<vmem>>, vector<16xf32>,
    %add3A_2062 = arith.addf %add3A_2052, %get3A_2061 : vector<16xf32>
    %get3A_2063 = arith.constant 0 : i32
    %get3A_2064 = arith.index_cast %get3A_2063 : i32 to index
    %get3A_2065 = arith.constant 1376 : index
    %get3A_2066 = tpu.vector_load %arg7[%get3A_2064, %get3A_2065] {strides = array<i32>} : memref<1x2080xf32, #tpu.memory_space<vmem>>, vector<16xf32>,
    %add3A_2067 = arith.addf %add3A_2057, %get3A_2066 : vector<16xf32>
    %get3A_2068 = arith.constant 0 : i32
    %get3A_2069 = arith.index_cast %get3A_2068 : i32 to index
    %get3A_2070 = arith.constant 1392 : index
    %get3A_2071 = tpu.vector_load %arg7[%get3A_2069, %get3A_2070] {strides = array<i32>} : memref<1x2080xf32, #tpu.memory_space<vmem>>, vector<16xf32>,
    %add3A_2072 = arith.addf %add3A_2062, %get3A_2071 : vector<16xf32>
    %get3A_2073 = arith.constant 0 : i32
    %get3A_2074 = arith.index_cast %get3A_2073 : i32 to index
    %get3A_2075 = arith.constant 1408 : index
    %get3A_2076 = tpu.vector_load %arg7[%get3A_2074, %get3A_2075] {strides = array<i32>} : memref<1x2080xf32, #tpu.memory_space<vmem>>, vector<16xf32>,
    %add3A_2077 = arith.addf %add3A_2067, %get3A_2076 : vector<16xf32>
    %get3A_2078 = arith.constant 0 : i32
    %get3A_2079 = arith.index_cast %get3A_2078 : i32 to index
    %get3A_2080 = arith.constant 1424 : index
    %get3A_2081 = tpu.vector_load %arg7[%get3A_2079, %get3A_2080] {strides = array<i32>} : memref<1x2080xf32, #tpu.memory_space<vmem>>, vector<16xf32>,
    %add3A_2082 = arith.addf %add3A_2072, %get3A_2081 : vector<16xf32>
    %get3A_2083 = arith.constant 0 : i32
    %get3A_2084 = arith.index_cast %get3A_2083 : i32 to index
    %get3A_2085 = arith.constant 1440 : index
    %get3A_2086 = tpu.vector_load %arg7[%get3A_2084, %get3A_2085] {strides = array<i32>} : memref<1x2080xf32, #tpu.memory_space<vmem>>, vector<16xf32>,
    %lt3A_2087 = arith.constant 4 : i32
    %lt3A_2088 = vector.broadcast %lt3A_2087 : i32 to vector<16xi32>
    %lt3A_2089 = arith.cmpi slt, %iota3A, %lt3A_2088 : vector<16xi32>
    %jit3A_2090 = arith.constant 0.000000e+00 : f32
    %broadcast_in_dim3A_2091 = vector.broadcast %jit3A_2090 : f32 to vector<16xf32>
    %select_n3A_2092 = arith.select %lt3A_2089, %get3A_2086, %broadcast_in_dim3A_2091 : vector<16xi1>, vector<16xf32>
    %add3A_2093 = arith.addf %add3A_2082, %select_n3A_2092 : vector<16xf32>
    %add3A_2094 = arith.addf %add3A_2077, %add3A_2093 : vector<16xf32>
    %reduce_sum3A_2095 = arith.constant true
    %reduce_sum3A_2096 = vector.broadcast %reduce_sum3A_2095 : i1 to vector<16xi1>
    %reduce_sum3A_2097 = tpu.scan <sum>, %add3A_2094 masked %reduce_sum3A_2096 : vector<16xf32>, vector<16xi1> -> vector<16xf32>
    %reduce_sum3A_2098 = vector.extract %reduce_sum3A_2097[15] : f32 from vector<16xf32>
    %eq3A_2099 = arith.constant 6 : i32
    %eq3A_2100 = vector.broadcast %eq3A_2099 : i32 to vector<16xi32>
    %eq3A_2101 = arith.cmpi eq, %iota3A, %eq3A_2100 : vector<16xi32>
    %jit3A_2102 = arith.constant 0.000000e+00 : f32
    %broadcast_in_dim3A_2103 = vector.broadcast %reduce_sum3A_2098 : f32 to vector<16xf32>
    %broadcast_in_dim3A_2104 = vector.broadcast %jit3A_2102 : f32 to vector<16xf32>
    %select_n3A_2105 = arith.select %eq3A_2101, %broadcast_in_dim3A_2103, %broadcast_in_dim3A_2104 : vector<16xi1>, vector<16xf32>
    %add3A_2106 = arith.addf %add3A_2018, %select_n3A_2105 : vector<16xf32>
    %broadcast_in_dim3A_2107 = arith.constant 0.000000e+00 : f32
    %broadcast_in_dim3A_2108 = vector.broadcast %broadcast_in_dim3A_2107 : f32 to vector<16xf32>
    %broadcast_in_dim3A_2109 = arith.constant 0.000000e+00 : f32
    %broadcast_in_dim3A_2110 = vector.broadcast %broadcast_in_dim3A_2109 : f32 to vector<16xf32>
    %get3A_2111 = arith.constant 0 : i32
    %get3A_2112 = arith.index_cast %get3A_2111 : i32 to index
    %get3A_2113 = arith.constant 1456 : index
    %get3A_2114 = tpu.vector_load %arg7[%get3A_2112, %get3A_2113] {strides = array<i32>} : memref<1x2080xf32, #tpu.memory_space<vmem>>, vector<16xf32>,
    %add3A_2115 = arith.addf %broadcast_in_dim3A_2108, %get3A_2114 : vector<16xf32>
    %get3A_2116 = arith.constant 0 : i32
    %get3A_2117 = arith.index_cast %get3A_2116 : i32 to index
    %get3A_2118 = arith.constant 1472 : index
    %get3A_2119 = tpu.vector_load %arg7[%get3A_2117, %get3A_2118] {strides = array<i32>} : memref<1x2080xf32, #tpu.memory_space<vmem>>, vector<16xf32>,
    %add3A_2120 = arith.addf %broadcast_in_dim3A_2110, %get3A_2119 : vector<16xf32>
    %get3A_2121 = arith.constant 0 : i32
    %get3A_2122 = arith.index_cast %get3A_2121 : i32 to index
    %get3A_2123 = arith.constant 1488 : index
    %get3A_2124 = tpu.vector_load %arg7[%get3A_2122, %get3A_2123] {strides = array<i32>} : memref<1x2080xf32, #tpu.memory_space<vmem>>, vector<16xf32>,
    %add3A_2125 = arith.addf %add3A_2115, %get3A_2124 : vector<16xf32>
    %get3A_2126 = arith.constant 0 : i32
    %get3A_2127 = arith.index_cast %get3A_2126 : i32 to index
    %get3A_2128 = arith.constant 1504 : index
    %get3A_2129 = tpu.vector_load %arg7[%get3A_2127, %get3A_2128] {strides = array<i32>} : memref<1x2080xf32, #tpu.memory_space<vmem>>, vector<16xf32>,
    %add3A_2130 = arith.addf %add3A_2120, %get3A_2129 : vector<16xf32>
    %get3A_2131 = arith.constant 0 : i32
    %get3A_2132 = arith.index_cast %get3A_2131 : i32 to index
    %get3A_2133 = arith.constant 1520 : index
    %get3A_2134 = tpu.vector_load %arg7[%get3A_2132, %get3A_2133] {strides = array<i32>} : memref<1x2080xf32, #tpu.memory_space<vmem>>, vector<16xf32>,
    %add3A_2135 = arith.addf %add3A_2125, %get3A_2134 : vector<16xf32>
    %get3A_2136 = arith.constant 0 : i32
    %get3A_2137 = arith.index_cast %get3A_2136 : i32 to index
    %get3A_2138 = arith.constant 1536 : index
    %get3A_2139 = tpu.vector_load %arg7[%get3A_2137, %get3A_2138] {strides = array<i32>} : memref<1x2080xf32, #tpu.memory_space<vmem>>, vector<16xf32>,
    %add3A_2140 = arith.addf %add3A_2130, %get3A_2139 : vector<16xf32>
    %get3A_2141 = arith.constant 0 : i32
    %get3A_2142 = arith.index_cast %get3A_2141 : i32 to index
    %get3A_2143 = arith.constant 1552 : index
    %get3A_2144 = tpu.vector_load %arg7[%get3A_2142, %get3A_2143] {strides = array<i32>} : memref<1x2080xf32, #tpu.memory_space<vmem>>, vector<16xf32>,
    %add3A_2145 = arith.addf %add3A_2135, %get3A_2144 : vector<16xf32>
    %get3A_2146 = arith.constant 0 : i32
    %get3A_2147 = arith.index_cast %get3A_2146 : i32 to index
    %get3A_2148 = arith.constant 1568 : index
    %get3A_2149 = tpu.vector_load %arg7[%get3A_2147, %get3A_2148] {strides = array<i32>} : memref<1x2080xf32, #tpu.memory_space<vmem>>, vector<16xf32>,
    %add3A_2150 = arith.addf %add3A_2140, %get3A_2149 : vector<16xf32>
    %get3A_2151 = arith.constant 0 : i32
    %get3A_2152 = arith.index_cast %get3A_2151 : i32 to index
    %get3A_2153 = arith.constant 1584 : index
    %get3A_2154 = tpu.vector_load %arg7[%get3A_2152, %get3A_2153] {strides = array<i32>} : memref<1x2080xf32, #tpu.memory_space<vmem>>, vector<16xf32>,
    %add3A_2155 = arith.addf %add3A_2145, %get3A_2154 : vector<16xf32>
    %get3A_2156 = arith.constant 0 : i32
    %get3A_2157 = arith.index_cast %get3A_2156 : i32 to index
    %get3A_2158 = arith.constant 1600 : index
    %get3A_2159 = tpu.vector_load %arg7[%get3A_2157, %get3A_2158] {strides = array<i32>} : memref<1x2080xf32, #tpu.memory_space<vmem>>, vector<16xf32>,
    %add3A_2160 = arith.addf %add3A_2150, %get3A_2159 : vector<16xf32>
    %get3A_2161 = arith.constant 0 : i32
    %get3A_2162 = arith.index_cast %get3A_2161 : i32 to index
    %get3A_2163 = arith.constant 1616 : index
    %get3A_2164 = tpu.vector_load %arg7[%get3A_2162, %get3A_2163] {strides = array<i32>} : memref<1x2080xf32, #tpu.memory_space<vmem>>, vector<16xf32>,
    %add3A_2165 = arith.addf %add3A_2155, %get3A_2164 : vector<16xf32>
    %get3A_2166 = arith.constant 0 : i32
    %get3A_2167 = arith.index_cast %get3A_2166 : i32 to index
    %get3A_2168 = arith.constant 1632 : index
    %get3A_2169 = tpu.vector_load %arg7[%get3A_2167, %get3A_2168] {strides = array<i32>} : memref<1x2080xf32, #tpu.memory_space<vmem>>, vector<16xf32>,
    %add3A_2170 = arith.addf %add3A_2160, %get3A_2169 : vector<16xf32>
    %get3A_2171 = arith.constant 0 : i32
    %get3A_2172 = arith.index_cast %get3A_2171 : i32 to index
    %get3A_2173 = arith.constant 1648 : index
    %get3A_2174 = tpu.vector_load %arg7[%get3A_2172, %get3A_2173] {strides = array<i32>} : memref<1x2080xf32, #tpu.memory_space<vmem>>, vector<16xf32>,
    %lt3A_2175 = arith.constant 4 : i32
    %lt3A_2176 = vector.broadcast %lt3A_2175 : i32 to vector<16xi32>
    %lt3A_2177 = arith.cmpi slt, %iota3A, %lt3A_2176 : vector<16xi32>
    %jit3A_2178 = arith.constant 0.000000e+00 : f32
    %broadcast_in_dim3A_2179 = vector.broadcast %jit3A_2178 : f32 to vector<16xf32>
    %select_n3A_2180 = arith.select %lt3A_2177, %get3A_2174, %broadcast_in_dim3A_2179 : vector<16xi1>, vector<16xf32>
    %add3A_2181 = arith.addf %add3A_2170, %select_n3A_2180 : vector<16xf32>
    %add3A_2182 = arith.addf %add3A_2165, %add3A_2181 : vector<16xf32>
    %reduce_sum3A_2183 = arith.constant true
    %reduce_sum3A_2184 = vector.broadcast %reduce_sum3A_2183 : i1 to vector<16xi1>
    %reduce_sum3A_2185 = tpu.scan <sum>, %add3A_2182 masked %reduce_sum3A_2184 : vector<16xf32>, vector<16xi1> -> vector<16xf32>
    %reduce_sum3A_2186 = vector.extract %reduce_sum3A_2185[15] : f32 from vector<16xf32>
    %eq3A_2187 = arith.constant 7 : i32
    %eq3A_2188 = vector.broadcast %eq3A_2187 : i32 to vector<16xi32>
    %eq3A_2189 = arith.cmpi eq, %iota3A, %eq3A_2188 : vector<16xi32>
    %jit3A_2190 = arith.constant 0.000000e+00 : f32
    %broadcast_in_dim3A_2191 = vector.broadcast %reduce_sum3A_2186 : f32 to vector<16xf32>
    %broadcast_in_dim3A_2192 = vector.broadcast %jit3A_2190 : f32 to vector<16xf32>
    %select_n3A_2193 = arith.select %eq3A_2189, %broadcast_in_dim3A_2191, %broadcast_in_dim3A_2192 : vector<16xi1>, vector<16xf32>
    %add3A_2194 = arith.addf %add3A_2106, %select_n3A_2193 : vector<16xf32>
    %broadcast_in_dim3A_2195 = arith.constant 0.000000e+00 : f32
    %broadcast_in_dim3A_2196 = vector.broadcast %broadcast_in_dim3A_2195 : f32 to vector<16xf32>
    %broadcast_in_dim3A_2197 = arith.constant 0.000000e+00 : f32
    %broadcast_in_dim3A_2198 = vector.broadcast %broadcast_in_dim3A_2197 : f32 to vector<16xf32>
    %get3A_2199 = arith.constant 0 : i32
    %get3A_2200 = arith.index_cast %get3A_2199 : i32 to index
    %get3A_2201 = arith.constant 1664 : index
    %get3A_2202 = tpu.vector_load %arg7[%get3A_2200, %get3A_2201] {strides = array<i32>} : memref<1x2080xf32, #tpu.memory_space<vmem>>, vector<16xf32>,
    %add3A_2203 = arith.addf %broadcast_in_dim3A_2196, %get3A_2202 : vector<16xf32>
    %get3A_2204 = arith.constant 0 : i32
    %get3A_2205 = arith.index_cast %get3A_2204 : i32 to index
    %get3A_2206 = arith.constant 1680 : index
    %get3A_2207 = tpu.vector_load %arg7[%get3A_2205, %get3A_2206] {strides = array<i32>} : memref<1x2080xf32, #tpu.memory_space<vmem>>, vector<16xf32>,
    %add3A_2208 = arith.addf %broadcast_in_dim3A_2198, %get3A_2207 : vector<16xf32>
    %get3A_2209 = arith.constant 0 : i32
    %get3A_2210 = arith.index_cast %get3A_2209 : i32 to index
    %get3A_2211 = arith.constant 1696 : index
    %get3A_2212 = tpu.vector_load %arg7[%get3A_2210, %get3A_2211] {strides = array<i32>} : memref<1x2080xf32, #tpu.memory_space<vmem>>, vector<16xf32>,
    %add3A_2213 = arith.addf %add3A_2203, %get3A_2212 : vector<16xf32>
    %get3A_2214 = arith.constant 0 : i32
    %get3A_2215 = arith.index_cast %get3A_2214 : i32 to index
    %get3A_2216 = arith.constant 1712 : index
    %get3A_2217 = tpu.vector_load %arg7[%get3A_2215, %get3A_2216] {strides = array<i32>} : memref<1x2080xf32, #tpu.memory_space<vmem>>, vector<16xf32>,
    %add3A_2218 = arith.addf %add3A_2208, %get3A_2217 : vector<16xf32>
    %get3A_2219 = arith.constant 0 : i32
    %get3A_2220 = arith.index_cast %get3A_2219 : i32 to index
    %get3A_2221 = arith.constant 1728 : index
    %get3A_2222 = tpu.vector_load %arg7[%get3A_2220, %get3A_2221] {strides = array<i32>} : memref<1x2080xf32, #tpu.memory_space<vmem>>, vector<16xf32>,
    %add3A_2223 = arith.addf %add3A_2213, %get3A_2222 : vector<16xf32>
    %get3A_2224 = arith.constant 0 : i32
    %get3A_2225 = arith.index_cast %get3A_2224 : i32 to index
    %get3A_2226 = arith.constant 1744 : index
    %get3A_2227 = tpu.vector_load %arg7[%get3A_2225, %get3A_2226] {strides = array<i32>} : memref<1x2080xf32, #tpu.memory_space<vmem>>, vector<16xf32>,
    %add3A_2228 = arith.addf %add3A_2218, %get3A_2227 : vector<16xf32>
    %get3A_2229 = arith.constant 0 : i32
    %get3A_2230 = arith.index_cast %get3A_2229 : i32 to index
    %get3A_2231 = arith.constant 1760 : index
    %get3A_2232 = tpu.vector_load %arg7[%get3A_2230, %get3A_2231] {strides = array<i32>} : memref<1x2080xf32, #tpu.memory_space<vmem>>, vector<16xf32>,
    %add3A_2233 = arith.addf %add3A_2223, %get3A_2232 : vector<16xf32>
    %get3A_2234 = arith.constant 0 : i32
    %get3A_2235 = arith.index_cast %get3A_2234 : i32 to index
    %get3A_2236 = arith.constant 1776 : index
    %get3A_2237 = tpu.vector_load %arg7[%get3A_2235, %get3A_2236] {strides = array<i32>} : memref<1x2080xf32, #tpu.memory_space<vmem>>, vector<16xf32>,
    %add3A_2238 = arith.addf %add3A_2228, %get3A_2237 : vector<16xf32>
    %get3A_2239 = arith.constant 0 : i32
    %get3A_2240 = arith.index_cast %get3A_2239 : i32 to index
    %get3A_2241 = arith.constant 1792 : index
    %get3A_2242 = tpu.vector_load %arg7[%get3A_2240, %get3A_2241] {strides = array<i32>} : memref<1x2080xf32, #tpu.memory_space<vmem>>, vector<16xf32>,
    %add3A_2243 = arith.addf %add3A_2233, %get3A_2242 : vector<16xf32>
    %get3A_2244 = arith.constant 0 : i32
    %get3A_2245 = arith.index_cast %get3A_2244 : i32 to index
    %get3A_2246 = arith.constant 1808 : index
    %get3A_2247 = tpu.vector_load %arg7[%get3A_2245, %get3A_2246] {strides = array<i32>} : memref<1x2080xf32, #tpu.memory_space<vmem>>, vector<16xf32>,
    %add3A_2248 = arith.addf %add3A_2238, %get3A_2247 : vector<16xf32>
    %get3A_2249 = arith.constant 0 : i32
    %get3A_2250 = arith.index_cast %get3A_2249 : i32 to index
    %get3A_2251 = arith.constant 1824 : index
    %get3A_2252 = tpu.vector_load %arg7[%get3A_2250, %get3A_2251] {strides = array<i32>} : memref<1x2080xf32, #tpu.memory_space<vmem>>, vector<16xf32>,
    %add3A_2253 = arith.addf %add3A_2243, %get3A_2252 : vector<16xf32>
    %get3A_2254 = arith.constant 0 : i32
    %get3A_2255 = arith.index_cast %get3A_2254 : i32 to index
    %get3A_2256 = arith.constant 1840 : index
    %get3A_2257 = tpu.vector_load %arg7[%get3A_2255, %get3A_2256] {strides = array<i32>} : memref<1x2080xf32, #tpu.memory_space<vmem>>, vector<16xf32>,
    %add3A_2258 = arith.addf %add3A_2248, %get3A_2257 : vector<16xf32>
    %get3A_2259 = arith.constant 0 : i32
    %get3A_2260 = arith.index_cast %get3A_2259 : i32 to index
    %get3A_2261 = arith.constant 1856 : index
    %get3A_2262 = tpu.vector_load %arg7[%get3A_2260, %get3A_2261] {strides = array<i32>} : memref<1x2080xf32, #tpu.memory_space<vmem>>, vector<16xf32>,
    %lt3A_2263 = arith.constant 4 : i32
    %lt3A_2264 = vector.broadcast %lt3A_2263 : i32 to vector<16xi32>
    %lt3A_2265 = arith.cmpi slt, %iota3A, %lt3A_2264 : vector<16xi32>
    %jit3A_2266 = arith.constant 0.000000e+00 : f32
    %broadcast_in_dim3A_2267 = vector.broadcast %jit3A_2266 : f32 to vector<16xf32>
    %select_n3A_2268 = arith.select %lt3A_2265, %get3A_2262, %broadcast_in_dim3A_2267 : vector<16xi1>, vector<16xf32>
    %add3A_2269 = arith.addf %add3A_2258, %select_n3A_2268 : vector<16xf32>
    %add3A_2270 = arith.addf %add3A_2253, %add3A_2269 : vector<16xf32>
    %reduce_sum3A_2271 = arith.constant true
    %reduce_sum3A_2272 = vector.broadcast %reduce_sum3A_2271 : i1 to vector<16xi1>
    %reduce_sum3A_2273 = tpu.scan <sum>, %add3A_2270 masked %reduce_sum3A_2272 : vector<16xf32>, vector<16xi1> -> vector<16xf32>
    %reduce_sum3A_2274 = vector.extract %reduce_sum3A_2273[15] : f32 from vector<16xf32>
    %eq3A_2275 = arith.constant 8 : i32
    %eq3A_2276 = vector.broadcast %eq3A_2275 : i32 to vector<16xi32>
    %eq3A_2277 = arith.cmpi eq, %iota3A, %eq3A_2276 : vector<16xi32>
    %jit3A_2278 = arith.constant 0.000000e+00 : f32
    %broadcast_in_dim3A_2279 = vector.broadcast %reduce_sum3A_2274 : f32 to vector<16xf32>
    %broadcast_in_dim3A_2280 = vector.broadcast %jit3A_2278 : f32 to vector<16xf32>
    %select_n3A_2281 = arith.select %eq3A_2277, %broadcast_in_dim3A_2279, %broadcast_in_dim3A_2280 : vector<16xi1>, vector<16xf32>
    %add3A_2282 = arith.addf %add3A_2194, %select_n3A_2281 : vector<16xf32>
    %broadcast_in_dim3A_2283 = arith.constant 0.000000e+00 : f32
    %broadcast_in_dim3A_2284 = vector.broadcast %broadcast_in_dim3A_2283 : f32 to vector<16xf32>
    %broadcast_in_dim3A_2285 = arith.constant 0.000000e+00 : f32
    %broadcast_in_dim3A_2286 = vector.broadcast %broadcast_in_dim3A_2285 : f32 to vector<16xf32>
    %get3A_2287 = arith.constant 0 : i32
    %get3A_2288 = arith.index_cast %get3A_2287 : i32 to index
    %get3A_2289 = arith.constant 1872 : index
    %get3A_2290 = tpu.vector_load %arg7[%get3A_2288, %get3A_2289] {strides = array<i32>} : memref<1x2080xf32, #tpu.memory_space<vmem>>, vector<16xf32>,
    %add3A_2291 = arith.addf %broadcast_in_dim3A_2284, %get3A_2290 : vector<16xf32>
    %get3A_2292 = arith.constant 0 : i32
    %get3A_2293 = arith.index_cast %get3A_2292 : i32 to index
    %get3A_2294 = arith.constant 1888 : index
    %get3A_2295 = tpu.vector_load %arg7[%get3A_2293, %get3A_2294] {strides = array<i32>} : memref<1x2080xf32, #tpu.memory_space<vmem>>, vector<16xf32>,
    %add3A_2296 = arith.addf %broadcast_in_dim3A_2286, %get3A_2295 : vector<16xf32>
    %get3A_2297 = arith.constant 0 : i32
    %get3A_2298 = arith.index_cast %get3A_2297 : i32 to index
    %get3A_2299 = arith.constant 1904 : index
    %get3A_2300 = tpu.vector_load %arg7[%get3A_2298, %get3A_2299] {strides = array<i32>} : memref<1x2080xf32, #tpu.memory_space<vmem>>, vector<16xf32>,
    %add3A_2301 = arith.addf %add3A_2291, %get3A_2300 : vector<16xf32>
    %get3A_2302 = arith.constant 0 : i32
    %get3A_2303 = arith.index_cast %get3A_2302 : i32 to index
    %get3A_2304 = arith.constant 1920 : index
    %get3A_2305 = tpu.vector_load %arg7[%get3A_2303, %get3A_2304] {strides = array<i32>} : memref<1x2080xf32, #tpu.memory_space<vmem>>, vector<16xf32>,
    %add3A_2306 = arith.addf %add3A_2296, %get3A_2305 : vector<16xf32>
    %get3A_2307 = arith.constant 0 : i32
    %get3A_2308 = arith.index_cast %get3A_2307 : i32 to index
    %get3A_2309 = arith.constant 1936 : index
    %get3A_2310 = tpu.vector_load %arg7[%get3A_2308, %get3A_2309] {strides = array<i32>} : memref<1x2080xf32, #tpu.memory_space<vmem>>, vector<16xf32>,
    %add3A_2311 = arith.addf %add3A_2301, %get3A_2310 : vector<16xf32>
    %get3A_2312 = arith.constant 0 : i32
    %get3A_2313 = arith.index_cast %get3A_2312 : i32 to index
    %get3A_2314 = arith.constant 1952 : index
    %get3A_2315 = tpu.vector_load %arg7[%get3A_2313, %get3A_2314] {strides = array<i32>} : memref<1x2080xf32, #tpu.memory_space<vmem>>, vector<16xf32>,
    %add3A_2316 = arith.addf %add3A_2306, %get3A_2315 : vector<16xf32>
    %get3A_2317 = arith.constant 0 : i32
    %get3A_2318 = arith.index_cast %get3A_2317 : i32 to index
    %get3A_2319 = arith.constant 1968 : index
    %get3A_2320 = tpu.vector_load %arg7[%get3A_2318, %get3A_2319] {strides = array<i32>} : memref<1x2080xf32, #tpu.memory_space<vmem>>, vector<16xf32>,
    %add3A_2321 = arith.addf %add3A_2311, %get3A_2320 : vector<16xf32>
    %get3A_2322 = arith.constant 0 : i32
    %get3A_2323 = arith.index_cast %get3A_2322 : i32 to index
    %get3A_2324 = arith.constant 1984 : index
    %get3A_2325 = tpu.vector_load %arg7[%get3A_2323, %get3A_2324] {strides = array<i32>} : memref<1x2080xf32, #tpu.memory_space<vmem>>, vector<16xf32>,
    %add3A_2326 = arith.addf %add3A_2316, %get3A_2325 : vector<16xf32>
    %get3A_2327 = arith.constant 0 : i32
    %get3A_2328 = arith.index_cast %get3A_2327 : i32 to index
    %get3A_2329 = arith.constant 2000 : index
    %get3A_2330 = tpu.vector_load %arg7[%get3A_2328, %get3A_2329] {strides = array<i32>} : memref<1x2080xf32, #tpu.memory_space<vmem>>, vector<16xf32>,
    %add3A_2331 = arith.addf %add3A_2321, %get3A_2330 : vector<16xf32>
    %get3A_2332 = arith.constant 0 : i32
    %get3A_2333 = arith.index_cast %get3A_2332 : i32 to index
    %get3A_2334 = arith.constant 2016 : index
    %get3A_2335 = tpu.vector_load %arg7[%get3A_2333, %get3A_2334] {strides = array<i32>} : memref<1x2080xf32, #tpu.memory_space<vmem>>, vector<16xf32>,
    %add3A_2336 = arith.addf %add3A_2326, %get3A_2335 : vector<16xf32>
    %get3A_2337 = arith.constant 0 : i32
    %get3A_2338 = arith.index_cast %get3A_2337 : i32 to index
    %get3A_2339 = arith.constant 2032 : index
    %get3A_2340 = tpu.vector_load %arg7[%get3A_2338, %get3A_2339] {strides = array<i32>} : memref<1x2080xf32, #tpu.memory_space<vmem>>, vector<16xf32>,
    %add3A_2341 = arith.addf %add3A_2331, %get3A_2340 : vector<16xf32>
    %get3A_2342 = arith.constant 0 : i32
    %get3A_2343 = arith.index_cast %get3A_2342 : i32 to index
    %get3A_2344 = arith.constant 2048 : index
    %get3A_2345 = tpu.vector_load %arg7[%get3A_2343, %get3A_2344] {strides = array<i32>} : memref<1x2080xf32, #tpu.memory_space<vmem>>, vector<16xf32>,
    %add3A_2346 = arith.addf %add3A_2336, %get3A_2345 : vector<16xf32>
    %get3A_2347 = arith.constant 0 : i32
    %get3A_2348 = arith.index_cast %get3A_2347 : i32 to index
    %get3A_2349 = arith.constant 2064 : index
    %get3A_2350 = tpu.vector_load %arg7[%get3A_2348, %get3A_2349] {strides = array<i32>} : memref<1x2080xf32, #tpu.memory_space<vmem>>, vector<16xf32>,
    %lt3A_2351 = arith.constant 4 : i32
    %lt3A_2352 = vector.broadcast %lt3A_2351 : i32 to vector<16xi32>
    %lt3A_2353 = arith.cmpi slt, %iota3A, %lt3A_2352 : vector<16xi32>
    %jit3A_2354 = arith.constant 0.000000e+00 : f32
    %broadcast_in_dim3A_2355 = vector.broadcast %jit3A_2354 : f32 to vector<16xf32>
    %select_n3A_2356 = arith.select %lt3A_2353, %get3A_2350, %broadcast_in_dim3A_2355 : vector<16xi1>, vector<16xf32>
    %add3A_2357 = arith.addf %add3A_2346, %select_n3A_2356 : vector<16xf32>
    %add3A_2358 = arith.addf %add3A_2341, %add3A_2357 : vector<16xf32>
    %reduce_sum3A_2359 = arith.constant true
    %reduce_sum3A_2360 = vector.broadcast %reduce_sum3A_2359 : i1 to vector<16xi1>
    %reduce_sum3A_2361 = tpu.scan <sum>, %add3A_2358 masked %reduce_sum3A_2360 : vector<16xf32>, vector<16xi1> -> vector<16xf32>
    %reduce_sum3A_2362 = vector.extract %reduce_sum3A_2361[15] : f32 from vector<16xf32>
    %eq3A_2363 = arith.constant 9 : i32
    %eq3A_2364 = vector.broadcast %eq3A_2363 : i32 to vector<16xi32>
    %eq3A_2365 = arith.cmpi eq, %iota3A, %eq3A_2364 : vector<16xi32>
    %jit3A_2366 = arith.constant 0.000000e+00 : f32
    %broadcast_in_dim3A_2367 = vector.broadcast %reduce_sum3A_2362 : f32 to vector<16xf32>
    %broadcast_in_dim3A_2368 = vector.broadcast %jit3A_2366 : f32 to vector<16xf32>
    %select_n3A_2369 = arith.select %eq3A_2365, %broadcast_in_dim3A_2367, %broadcast_in_dim3A_2368 : vector<16xi1>, vector<16xf32>
    %add3A_2370 = arith.addf %add3A_2282, %select_n3A_2369 : vector<16xf32>
    %swap3A_2371 = arith.constant 0 : index
    %swap3A_2372 = tpu.vector_load %arg8[%swap3A_2371] {strides = array<i32>} : memref<16xf32, #tpu.memory_space<vmem>>, vector<16xf32>,
    tpu.vector_store %arg8[%swap3A_2371], %add3A_2370 {strides = array<i32>} : memref<16xf32, #tpu.memory_space<vmem>>, vector<16xf32>,
    "tpu.region"() ({
      %run_scoped3A_2373 = tpu.sem_alloc : memref<!tpu.dma_semaphore, #tpu.memory_space<semaphore_mem>>
      %dma_start3A_2374 = arith.constant 0 : i32
      %dma_start3A_2375 = tpu.memref_slice %arg4[%add3A_1474, %dma_start3A_2374] : memref<32x16xf32, #tpu.memory_space<hbm>> -> memref<1x16xf32, #tpu.memory_space<hbm>>
      %dma_start3A_2376 = tpu.memref_squeeze %dma_start3A_2375 : memref<1x16xf32, #tpu.memory_space<hbm>> -> memref<16xf32, #tpu.memory_space<hbm>>
      %dma_start3A_2377 = arith.constant 0 : i32
      %dma_start3A_2378 = tpu.memref_slice %arg4[%add3A_1474, %dma_start3A_2377] : memref<32x16xf32, #tpu.memory_space<hbm>> -> memref<1x16xf32, #tpu.memory_space<hbm>>
      %dma_start3A_2379 = tpu.memref_squeeze %dma_start3A_2378 : memref<1x16xf32, #tpu.memory_space<hbm>> -> memref<16xf32, #tpu.memory_space<hbm>>
      tpu.enqueue_dma source(%arg8 : memref<16xf32, #tpu.memory_space<vmem>>) target(%dma_start3A_2379 : memref<16xf32, #tpu.memory_space<hbm>>) target_semaphore(%run_scoped3A_2373 : memref<!tpu.dma_semaphore, #tpu.memory_space<semaphore_mem>>)
      %dma_wait3A_2380 = arith.constant 0 : i32
      %dma_wait3A_2381 = tpu.memref_slice %arg4[%add3A_1474, %dma_wait3A_2380] : memref<32x16xf32, #tpu.memory_space<hbm>> -> memref<1x16xf32, #tpu.memory_space<hbm>>
      %dma_wait3A_2382 = tpu.memref_squeeze %dma_wait3A_2381 : memref<1x16xf32, #tpu.memory_space<hbm>> -> memref<16xf32, #tpu.memory_space<hbm>>
      %dma_wait3A_2383 = arith.constant 0 : i32
      %dma_wait3A_2384 = tpu.memref_slice %arg4[%add3A_1474, %dma_wait3A_2383] : memref<32x16xf32, #tpu.memory_space<hbm>> -> memref<1x16xf32, #tpu.memory_space<hbm>>
      %dma_wait3A_2385 = tpu.memref_squeeze %dma_wait3A_2384 : memref<1x16xf32, #tpu.memory_space<hbm>> -> memref<16xf32, #tpu.memory_space<hbm>>
      tpu.wait_dma2 semaphore(%run_scoped3A_2373 : memref<!tpu.dma_semaphore, #tpu.memory_space<semaphore_mem>>) src(%arg8 : memref<16xf32, #tpu.memory_space<vmem>>) dst(%dma_wait3A_2385 : memref<16xf32, #tpu.memory_space<hbm>>)
      tpu.yield
    }) : () -> ()
    return
  }
}

#map = affine_map<(d0, d1) -> (0, 0, 0)>
#map1 = affine_map<(d0, d1) -> (0)>
#map2 = affine_map<(d0, d1) -> (0, 0)>
module attributes {stable_mosaic.version = 14 : i64} {
  func.func @_sc_body(%arg0: i32, %arg1: i32, %arg2: memref<32x2x128xi32, #tpu.memory_space<hbm>>, %arg3: memref<2007040xf32, #tpu.memory_space<hbm>>, %arg4: memref<32x16xf32, #tpu.memory_space<hbm>>, %arg5: memref<1x2x128xi32, #tpu.memory_space<vmem>>, %arg6: memref<1x2080xi32, #tpu.memory_space<vmem>>, %arg7: memref<1x2080xf32, #tpu.memory_space<vmem>>, %arg8: memref<16xf32, #tpu.memory_space<vmem>>, %arg9: memref<!tpu.dma_semaphore, #tpu.memory_space<semaphore_mem>>) attributes {dimension_semantics = [#tpu.dimension_semantics<core_parallel>, #tpu.dimension_semantics<subcore_parallel>], iteration_bounds = array<i64: 2, 16>, scalar_prefetch = 0 : i64, scratch_operands = 5 : i64, tpu.core_type = #tpu.core_type<sc_vector_subcore>, window_params = [{transform_indices = #map}, {transform_indices = #map1}, {transform_indices = #map2}]} {
    %mul3A = arith.constant 2 : i32
    %mul3A_0 = arith.muli %arg1, %mul3A : i32
    %add3A = arith.addi %mul3A_0, %arg0 : i32
    %iota3A = tpu.iota {dimensions = array<i32: 0>} : vector<16xi32>
    %mul3A_1 = arith.constant 1 : i32
    %mul3A_2 = arith.muli %add3A, %mul3A_1 : i32
    %add3A_3 = arith.constant 0 : i32
    %add3A_4 = arith.addi %mul3A_2, %add3A_3 : i32
    %run_scoped3A = arith.constant 0 : i32
    "tpu.region"() ({
      %run_scoped3A_2373 = tpu.sem_alloc : memref<!tpu.dma_semaphore, #tpu.memory_space<semaphore_mem>>
      %dma_start3A_2374 = arith.constant 0 : i32
      %dma_start3A_2375 = arith.constant 0 : i32
      %dma_start3A_2376 = tpu.memref_slice %arg5[%run_scoped3A, %dma_start3A_2374, %dma_start3A_2375] : memref<1x2x128xi32, #tpu.memory_space<vmem>> -> memref<1x2x128xi32, #tpu.memory_space<vmem>>
      %dma_start3A_2377 = tpu.memref_squeeze %dma_start3A_2376 : memref<1x2x128xi32, #tpu.memory_space<vmem>> -> memref<2x128xi32, #tpu.memory_space<vmem>>
      %dma_start3A_2378 = arith.constant 0 : i32
      %dma_start3A_2379 = arith.constant 0 : i32
      %dma_start3A_2380 = tpu.memref_slice %arg2[%add3A_4, %dma_start3A_2378, %dma_start3A_2379] : memref<32x2x128xi32, #tpu.memory_space<hbm>> -> memref<1x2x128xi32, #tpu.memory_space<hbm>>
      %dma_start3A_2381 = tpu.memref_squeeze %dma_start3A_2380 : memref<1x2x128xi32, #tpu.memory_space<hbm>> -> memref<2x128xi32, #tpu.memory_space<hbm>>
      %dma_start3A_2382 = arith.constant 0 : i32
      %dma_start3A_2383 = arith.constant 0 : i32
      %dma_start3A_2384 = tpu.memref_slice %arg5[%run_scoped3A, %dma_start3A_2382, %dma_start3A_2383] : memref<1x2x128xi32, #tpu.memory_space<vmem>> -> memref<1x2x128xi32, #tpu.memory_space<vmem>>
      %dma_start3A_2385 = tpu.memref_squeeze %dma_start3A_2384 : memref<1x2x128xi32, #tpu.memory_space<vmem>> -> memref<2x128xi32, #tpu.memory_space<vmem>>
      %dma_start3A_2386 = arith.constant 0 : i32
      %dma_start3A_2387 = arith.constant 0 : i32
      %dma_start3A_2388 = tpu.memref_slice %arg2[%add3A_4, %dma_start3A_2386, %dma_start3A_2387] : memref<32x2x128xi32, #tpu.memory_space<hbm>> -> memref<1x2x128xi32, #tpu.memory_space<hbm>>
      %dma_start3A_2389 = tpu.memref_squeeze %dma_start3A_2388 : memref<1x2x128xi32, #tpu.memory_space<hbm>> -> memref<2x128xi32, #tpu.memory_space<hbm>>
      tpu.enqueue_dma source(%dma_start3A_2389 : memref<2x128xi32, #tpu.memory_space<hbm>>) target(%dma_start3A_2385 : memref<2x128xi32, #tpu.memory_space<vmem>>) target_semaphore(%run_scoped3A_2373 : memref<!tpu.dma_semaphore, #tpu.memory_space<semaphore_mem>>)
      %dma_wait3A_2390 = arith.constant 0 : i32
      %dma_wait3A_2391 = arith.constant 0 : i32
      %dma_wait3A_2392 = tpu.memref_slice %arg5[%run_scoped3A, %dma_wait3A_2390, %dma_wait3A_2391] : memref<1x2x128xi32, #tpu.memory_space<vmem>> -> memref<1x2x128xi32, #tpu.memory_space<vmem>>
      %dma_wait3A_2393 = tpu.memref_squeeze %dma_wait3A_2392 : memref<1x2x128xi32, #tpu.memory_space<vmem>> -> memref<2x128xi32, #tpu.memory_space<vmem>>
      %dma_wait3A_2394 = arith.constant 0 : i32
      %dma_wait3A_2395 = arith.constant 0 : i32
      %dma_wait3A_2396 = tpu.memref_slice %arg2[%add3A_4, %dma_wait3A_2394, %dma_wait3A_2395] : memref<32x2x128xi32, #tpu.memory_space<hbm>> -> memref<1x2x128xi32, #tpu.memory_space<hbm>>
      %dma_wait3A_2397 = tpu.memref_squeeze %dma_wait3A_2396 : memref<1x2x128xi32, #tpu.memory_space<hbm>> -> memref<2x128xi32, #tpu.memory_space<hbm>>
      %dma_wait3A_2398 = arith.constant 0 : i32
      %dma_wait3A_2399 = arith.constant 0 : i32
      %dma_wait3A_2400 = tpu.memref_slice %arg5[%run_scoped3A, %dma_wait3A_2398, %dma_wait3A_2399] : memref<1x2x128xi32, #tpu.memory_space<vmem>> -> memref<1x2x128xi32, #tpu.memory_space<vmem>>
      %dma_wait3A_2401 = tpu.memref_squeeze %dma_wait3A_2400 : memref<1x2x128xi32, #tpu.memory_space<vmem>> -> memref<2x128xi32, #tpu.memory_space<vmem>>
      %dma_wait3A_2402 = arith.constant 0 : i32
      %dma_wait3A_2403 = arith.constant 0 : i32
      %dma_wait3A_2404 = tpu.memref_slice %arg2[%add3A_4, %dma_wait3A_2402, %dma_wait3A_2403] : memref<32x2x128xi32, #tpu.memory_space<hbm>> -> memref<1x2x128xi32, #tpu.memory_space<hbm>>
      %dma_wait3A_2405 = tpu.memref_squeeze %dma_wait3A_2404 : memref<1x2x128xi32, #tpu.memory_space<hbm>> -> memref<2x128xi32, #tpu.memory_space<hbm>>
      tpu.wait_dma2 semaphore(%run_scoped3A_2373 : memref<!tpu.dma_semaphore, #tpu.memory_space<semaphore_mem>>) src(%dma_wait3A_2405 : memref<2x128xi32, #tpu.memory_space<hbm>>) dst(%dma_wait3A_2401 : memref<2x128xi32, #tpu.memory_space<vmem>>)
      tpu.yield
    }) : () -> ()
    %broadcast_in_dim3A = arith.constant 0 : i32
    %broadcast_in_dim3A_5 = vector.broadcast %broadcast_in_dim3A : i32 to vector<16xi32>
    %get3A = arith.constant 0 : i32
    %get3A_6 = arith.constant 0 : i32
    %get3A_7 = arith.index_cast %get3A : i32 to index
    %get3A_8 = arith.index_cast %get3A_6 : i32 to index
    %get3A_9 = arith.constant 0 : index
    %get3A_10 = tpu.vector_load %arg5[%get3A_7, %get3A_8, %get3A_9] {strides = array<i32>} : memref<1x2x128xi32, #tpu.memory_space<vmem>>, vector<16xi32>,
    %add3A_11 = arith.addi %get3A_10, %broadcast_in_dim3A_5 : vector<16xi32>
    %swap3A = arith.constant 0 : i32
    %swap3A_12 = arith.index_cast %swap3A : i32 to index
    %swap3A_13 = arith.constant 0 : index
    %swap3A_14 = tpu.vector_load %arg6[%swap3A_12, %swap3A_13] {strides = array<i32>} : memref<1x2080xi32, #tpu.memory_space<vmem>>, vector<16xi32>,
    tpu.vector_store %arg6[%swap3A_12, %swap3A_13], %add3A_11 {strides = array<i32>} : memref<1x2080xi32, #tpu.memory_space<vmem>>, vector<16xi32>,
    %get3A_15 = arith.constant 0 : i32
    %get3A_16 = arith.constant 0 : i32
    %get3A_17 = arith.index_cast %get3A_15 : i32 to index
    %get3A_18 = arith.index_cast %get3A_16 : i32 to index
    %get3A_19 = arith.constant 16 : index
    %get3A_20 = tpu.vector_load %arg5[%get3A_17, %get3A_18, %get3A_19] {strides = array<i32>} : memref<1x2x128xi32, #tpu.memory_space<vmem>>, vector<16xi32>,
    %add3A_21 = arith.addi %get3A_20, %broadcast_in_dim3A_5 : vector<16xi32>
    %swap3A_22 = arith.constant 0 : i32
    %swap3A_23 = arith.index_cast %swap3A_22 : i32 to index
    %swap3A_24 = arith.constant 16 : index
    %swap3A_25 = tpu.vector_load %arg6[%swap3A_23, %swap3A_24] {strides = array<i32>} : memref<1x2080xi32, #tpu.memory_space<vmem>>, vector<16xi32>,
    tpu.vector_store %arg6[%swap3A_23, %swap3A_24], %add3A_21 {strides = array<i32>} : memref<1x2080xi32, #tpu.memory_space<vmem>>, vector<16xi32>,
    %get3A_26 = arith.constant 0 : i32
    %get3A_27 = arith.constant 0 : i32
    %get3A_28 = arith.index_cast %get3A_26 : i32 to index
    %get3A_29 = arith.index_cast %get3A_27 : i32 to index
    %get3A_30 = arith.constant 32 : index
    %get3A_31 = tpu.vector_load %arg5[%get3A_28, %get3A_29, %get3A_30] {strides = array<i32>} : memref<1x2x128xi32, #tpu.memory_space<vmem>>, vector<16xi32>,
    %add3A_32 = arith.addi %get3A_31, %broadcast_in_dim3A_5 : vector<16xi32>
    %swap3A_33 = arith.constant 0 : i32
    %swap3A_34 = arith.index_cast %swap3A_33 : i32 to index
    %swap3A_35 = arith.constant 32 : index
    %swap3A_36 = tpu.vector_load %arg6[%swap3A_34, %swap3A_35] {strides = array<i32>} : memref<1x2080xi32, #tpu.memory_space<vmem>>, vector<16xi32>,
    tpu.vector_store %arg6[%swap3A_34, %swap3A_35], %add3A_32 {strides = array<i32>} : memref<1x2080xi32, #tpu.memory_space<vmem>>, vector<16xi32>,
    %get3A_37 = arith.constant 0 : i32
    %get3A_38 = arith.constant 0 : i32
    %get3A_39 = arith.index_cast %get3A_37 : i32 to index
    %get3A_40 = arith.index_cast %get3A_38 : i32 to index
    %get3A_41 = arith.constant 48 : index
    %get3A_42 = tpu.vector_load %arg5[%get3A_39, %get3A_40, %get3A_41] {strides = array<i32>} : memref<1x2x128xi32, #tpu.memory_space<vmem>>, vector<16xi32>,
    %add3A_43 = arith.addi %get3A_42, %broadcast_in_dim3A_5 : vector<16xi32>
    %swap3A_44 = arith.constant 0 : i32
    %swap3A_45 = arith.index_cast %swap3A_44 : i32 to index
    %swap3A_46 = arith.constant 48 : index
    %swap3A_47 = tpu.vector_load %arg6[%swap3A_45, %swap3A_46] {strides = array<i32>} : memref<1x2080xi32, #tpu.memory_space<vmem>>, vector<16xi32>,
    tpu.vector_store %arg6[%swap3A_45, %swap3A_46], %add3A_43 {strides = array<i32>} : memref<1x2080xi32, #tpu.memory_space<vmem>>, vector<16xi32>,
    %get3A_48 = arith.constant 0 : i32
    %get3A_49 = arith.constant 0 : i32
    %get3A_50 = arith.index_cast %get3A_48 : i32 to index
    %get3A_51 = arith.index_cast %get3A_49 : i32 to index
    %get3A_52 = arith.constant 64 : index
    %get3A_53 = tpu.vector_load %arg5[%get3A_50, %get3A_51, %get3A_52] {strides = array<i32>} : memref<1x2x128xi32, #tpu.memory_space<vmem>>, vector<16xi32>,
    %add3A_54 = arith.addi %get3A_53, %broadcast_in_dim3A_5 : vector<16xi32>
    %swap3A_55 = arith.constant 0 : i32
    %swap3A_56 = arith.index_cast %swap3A_55 : i32 to index
    %swap3A_57 = arith.constant 64 : index
    %swap3A_58 = tpu.vector_load %arg6[%swap3A_56, %swap3A_57] {strides = array<i32>} : memref<1x2080xi32, #tpu.memory_space<vmem>>, vector<16xi32>,
    tpu.vector_store %arg6[%swap3A_56, %swap3A_57], %add3A_54 {strides = array<i32>} : memref<1x2080xi32, #tpu.memory_space<vmem>>, vector<16xi32>,
    %get3A_59 = arith.constant 0 : i32
    %get3A_60 = arith.constant 0 : i32
    %get3A_61 = arith.index_cast %get3A_59 : i32 to index
    %get3A_62 = arith.index_cast %get3A_60 : i32 to index
    %get3A_63 = arith.constant 80 : index
    %get3A_64 = tpu.vector_load %arg5[%get3A_61, %get3A_62, %get3A_63] {strides = array<i32>} : memref<1x2x128xi32, #tpu.memory_space<vmem>>, vector<16xi32>,
    %add3A_65 = arith.addi %get3A_64, %broadcast_in_dim3A_5 : vector<16xi32>
    %swap3A_66 = arith.constant 0 : i32
    %swap3A_67 = arith.index_cast %swap3A_66 : i32 to index
    %swap3A_68 = arith.constant 80 : index
    %swap3A_69 = tpu.vector_load %arg6[%swap3A_67, %swap3A_68] {strides = array<i32>} : memref<1x2080xi32, #tpu.memory_space<vmem>>, vector<16xi32>,
    tpu.vector_store %arg6[%swap3A_67, %swap3A_68], %add3A_65 {strides = array<i32>} : memref<1x2080xi32, #tpu.memory_space<vmem>>, vector<16xi32>,
    %get3A_70 = arith.constant 0 : i32
    %get3A_71 = arith.constant 0 : i32
    %get3A_72 = arith.index_cast %get3A_70 : i32 to index
    %get3A_73 = arith.index_cast %get3A_71 : i32 to index
    %get3A_74 = arith.constant 96 : index
    %get3A_75 = tpu.vector_load %arg5[%get3A_72, %get3A_73, %get3A_74] {strides = array<i32>} : memref<1x2x128xi32, #tpu.memory_space<vmem>>, vector<16xi32>,
    %add3A_76 = arith.addi %get3A_75, %broadcast_in_dim3A_5 : vector<16xi32>
    %swap3A_77 = arith.constant 0 : i32
    %swap3A_78 = arith.index_cast %swap3A_77 : i32 to index
    %swap3A_79 = arith.constant 96 : index
    %swap3A_80 = tpu.vector_load %arg6[%swap3A_78, %swap3A_79] {strides = array<i32>} : memref<1x2080xi32, #tpu.memory_space<vmem>>, vector<16xi32>,
    tpu.vector_store %arg6[%swap3A_78, %swap3A_79], %add3A_76 {strides = array<i32>} : memref<1x2080xi32, #tpu.memory_space<vmem>>, vector<16xi32>,
    %get3A_81 = arith.constant 0 : i32
    %get3A_82 = arith.constant 0 : i32
    %get3A_83 = arith.index_cast %get3A_81 : i32 to index
    %get3A_84 = arith.index_cast %get3A_82 : i32 to index
    %get3A_85 = arith.constant 112 : index
    %get3A_86 = tpu.vector_load %arg5[%get3A_83, %get3A_84, %get3A_85] {strides = array<i32>} : memref<1x2x128xi32, #tpu.memory_space<vmem>>, vector<16xi32>,
    %add3A_87 = arith.addi %get3A_86, %broadcast_in_dim3A_5 : vector<16xi32>
    %swap3A_88 = arith.constant 0 : i32
    %swap3A_89 = arith.index_cast %swap3A_88 : i32 to index
    %swap3A_90 = arith.constant 112 : index
    %swap3A_91 = tpu.vector_load %arg6[%swap3A_89, %swap3A_90] {strides = array<i32>} : memref<1x2080xi32, #tpu.memory_space<vmem>>, vector<16xi32>,
    tpu.vector_store %arg6[%swap3A_89, %swap3A_90], %add3A_87 {strides = array<i32>} : memref<1x2080xi32, #tpu.memory_space<vmem>>, vector<16xi32>,
    %get3A_92 = arith.constant 0 : i32
    %get3A_93 = arith.constant 1 : i32
    %get3A_94 = arith.index_cast %get3A_92 : i32 to index
    %get3A_95 = arith.index_cast %get3A_93 : i32 to index
    %get3A_96 = arith.constant 0 : index
    %get3A_97 = tpu.vector_load %arg5[%get3A_94, %get3A_95, %get3A_96] {strides = array<i32>} : memref<1x2x128xi32, #tpu.memory_space<vmem>>, vector<16xi32>,
    %add3A_98 = arith.addi %get3A_97, %broadcast_in_dim3A_5 : vector<16xi32>
    %swap3A_99 = arith.constant 0 : i32
    %swap3A_100 = arith.index_cast %swap3A_99 : i32 to index
    %swap3A_101 = arith.constant 128 : index
    %swap3A_102 = tpu.vector_load %arg6[%swap3A_100, %swap3A_101] {strides = array<i32>} : memref<1x2080xi32, #tpu.memory_space<vmem>>, vector<16xi32>,
    tpu.vector_store %arg6[%swap3A_100, %swap3A_101], %add3A_98 {strides = array<i32>} : memref<1x2080xi32, #tpu.memory_space<vmem>>, vector<16xi32>,
    %get3A_103 = arith.constant 0 : i32
    %get3A_104 = arith.constant 1 : i32
    %get3A_105 = arith.index_cast %get3A_103 : i32 to index
    %get3A_106 = arith.index_cast %get3A_104 : i32 to index
    %get3A_107 = arith.constant 16 : index
    %get3A_108 = tpu.vector_load %arg5[%get3A_105, %get3A_106, %get3A_107] {strides = array<i32>} : memref<1x2x128xi32, #tpu.memory_space<vmem>>, vector<16xi32>,
    %add3A_109 = arith.addi %get3A_108, %broadcast_in_dim3A_5 : vector<16xi32>
    %swap3A_110 = arith.constant 0 : i32
    %swap3A_111 = arith.index_cast %swap3A_110 : i32 to index
    %swap3A_112 = arith.constant 144 : index
    %swap3A_113 = tpu.vector_load %arg6[%swap3A_111, %swap3A_112] {strides = array<i32>} : memref<1x2080xi32, #tpu.memory_space<vmem>>, vector<16xi32>,
    tpu.vector_store %arg6[%swap3A_111, %swap3A_112], %add3A_109 {strides = array<i32>} : memref<1x2080xi32, #tpu.memory_space<vmem>>, vector<16xi32>,
    %get3A_114 = arith.constant 0 : i32
    %get3A_115 = arith.constant 1 : i32
    %get3A_116 = arith.index_cast %get3A_114 : i32 to index
    %get3A_117 = arith.index_cast %get3A_115 : i32 to index
    %get3A_118 = arith.constant 32 : index
    %get3A_119 = tpu.vector_load %arg5[%get3A_116, %get3A_117, %get3A_118] {strides = array<i32>} : memref<1x2x128xi32, #tpu.memory_space<vmem>>, vector<16xi32>,
    %add3A_120 = arith.addi %get3A_119, %broadcast_in_dim3A_5 : vector<16xi32>
    %swap3A_121 = arith.constant 0 : i32
    %swap3A_122 = arith.index_cast %swap3A_121 : i32 to index
    %swap3A_123 = arith.constant 160 : index
    %swap3A_124 = tpu.vector_load %arg6[%swap3A_122, %swap3A_123] {strides = array<i32>} : memref<1x2080xi32, #tpu.memory_space<vmem>>, vector<16xi32>,
    tpu.vector_store %arg6[%swap3A_122, %swap3A_123], %add3A_120 {strides = array<i32>} : memref<1x2080xi32, #tpu.memory_space<vmem>>, vector<16xi32>,
    %get3A_125 = arith.constant 0 : i32
    %get3A_126 = arith.constant 1 : i32
    %get3A_127 = arith.index_cast %get3A_125 : i32 to index
    %get3A_128 = arith.index_cast %get3A_126 : i32 to index
    %get3A_129 = arith.constant 48 : index
    %get3A_130 = tpu.vector_load %arg5[%get3A_127, %get3A_128, %get3A_129] {strides = array<i32>} : memref<1x2x128xi32, #tpu.memory_space<vmem>>, vector<16xi32>,
    %add3A_131 = arith.addi %get3A_130, %broadcast_in_dim3A_5 : vector<16xi32>
    %swap3A_132 = arith.constant 0 : i32
    %swap3A_133 = arith.index_cast %swap3A_132 : i32 to index
    %swap3A_134 = arith.constant 176 : index
    %swap3A_135 = tpu.vector_load %arg6[%swap3A_133, %swap3A_134] {strides = array<i32>} : memref<1x2080xi32, #tpu.memory_space<vmem>>, vector<16xi32>,
    tpu.vector_store %arg6[%swap3A_133, %swap3A_134], %add3A_131 {strides = array<i32>} : memref<1x2080xi32, #tpu.memory_space<vmem>>, vector<16xi32>,
    %get3A_136 = arith.constant 0 : i32
    %get3A_137 = arith.constant 1 : i32
    %get3A_138 = arith.index_cast %get3A_136 : i32 to index
    %get3A_139 = arith.index_cast %get3A_137 : i32 to index
    %get3A_140 = arith.constant 64 : index
    %get3A_141 = tpu.vector_load %arg5[%get3A_138, %get3A_139, %get3A_140] {strides = array<i32>} : memref<1x2x128xi32, #tpu.memory_space<vmem>>, vector<16xi32>,
    %add3A_142 = arith.addi %get3A_141, %broadcast_in_dim3A_5 : vector<16xi32>
    %swap3A_143 = arith.constant 0 : i32
    %swap3A_144 = arith.index_cast %swap3A_143 : i32 to index
    %swap3A_145 = arith.constant 192 : index
    %swap3A_146 = tpu.vector_load %arg6[%swap3A_144, %swap3A_145] {strides = array<i32>} : memref<1x2080xi32, #tpu.memory_space<vmem>>, vector<16xi32>,
    tpu.vector_store %arg6[%swap3A_144, %swap3A_145], %add3A_142 {strides = array<i32>} : memref<1x2080xi32, #tpu.memory_space<vmem>>, vector<16xi32>,
    %broadcast_in_dim3A_147 = arith.constant 200704 : i32
    %broadcast_in_dim3A_148 = vector.broadcast %broadcast_in_dim3A_147 : i32 to vector<16xi32>
    %get3A_149 = arith.constant 0 : i32
    %get3A_150 = arith.constant 0 : i32
    %get3A_151 = arith.index_cast %get3A_149 : i32 to index
    %get3A_152 = arith.index_cast %get3A_150 : i32 to index
    %get3A_153 = arith.constant 0 : index
    %get3A_154 = tpu.vector_load %arg5[%get3A_151, %get3A_152, %get3A_153] {strides = array<i32>} : memref<1x2x128xi32, #tpu.memory_space<vmem>>, vector<16xi32>,
    %add3A_155 = arith.addi %get3A_154, %broadcast_in_dim3A_148 : vector<16xi32>
    %swap3A_156 = arith.constant 0 : i32
    %swap3A_157 = arith.index_cast %swap3A_156 : i32 to index
    %swap3A_158 = arith.constant 208 : index
    %swap3A_159 = tpu.vector_load %arg6[%swap3A_157, %swap3A_158] {strides = array<i32>} : memref<1x2080xi32, #tpu.memory_space<vmem>>, vector<16xi32>,
    tpu.vector_store %arg6[%swap3A_157, %swap3A_158], %add3A_155 {strides = array<i32>} : memref<1x2080xi32, #tpu.memory_space<vmem>>, vector<16xi32>,
    %get3A_160 = arith.constant 0 : i32
    %get3A_161 = arith.constant 0 : i32
    %get3A_162 = arith.index_cast %get3A_160 : i32 to index
    %get3A_163 = arith.index_cast %get3A_161 : i32 to index
    %get3A_164 = arith.constant 16 : index
    %get3A_165 = tpu.vector_load %arg5[%get3A_162, %get3A_163, %get3A_164] {strides = array<i32>} : memref<1x2x128xi32, #tpu.memory_space<vmem>>, vector<16xi32>,
    %add3A_166 = arith.addi %get3A_165, %broadcast_in_dim3A_148 : vector<16xi32>
    %swap3A_167 = arith.constant 0 : i32
    %swap3A_168 = arith.index_cast %swap3A_167 : i32 to index
    %swap3A_169 = arith.constant 224 : index
    %swap3A_170 = tpu.vector_load %arg6[%swap3A_168, %swap3A_169] {strides = array<i32>} : memref<1x2080xi32, #tpu.memory_space<vmem>>, vector<16xi32>,
    tpu.vector_store %arg6[%swap3A_168, %swap3A_169], %add3A_166 {strides = array<i32>} : memref<1x2080xi32, #tpu.memory_space<vmem>>, vector<16xi32>,
    %get3A_171 = arith.constant 0 : i32
    %get3A_172 = arith.constant 0 : i32
    %get3A_173 = arith.index_cast %get3A_171 : i32 to index
    %get3A_174 = arith.index_cast %get3A_172 : i32 to index
    %get3A_175 = arith.constant 32 : index
    %get3A_176 = tpu.vector_load %arg5[%get3A_173, %get3A_174, %get3A_175] {strides = array<i32>} : memref<1x2x128xi32, #tpu.memory_space<vmem>>, vector<16xi32>,
    %add3A_177 = arith.addi %get3A_176, %broadcast_in_dim3A_148 : vector<16xi32>
    %swap3A_178 = arith.constant 0 : i32
    %swap3A_179 = arith.index_cast %swap3A_178 : i32 to index
    %swap3A_180 = arith.constant 240 : index
    %swap3A_181 = tpu.vector_load %arg6[%swap3A_179, %swap3A_180] {strides = array<i32>} : memref<1x2080xi32, #tpu.memory_space<vmem>>, vector<16xi32>,
    tpu.vector_store %arg6[%swap3A_179, %swap3A_180], %add3A_177 {strides = array<i32>} : memref<1x2080xi32, #tpu.memory_space<vmem>>, vector<16xi32>,
    %get3A_182 = arith.constant 0 : i32
    %get3A_183 = arith.constant 0 : i32
    %get3A_184 = arith.index_cast %get3A_182 : i32 to index
    %get3A_185 = arith.index_cast %get3A_183 : i32 to index
    %get3A_186 = arith.constant 48 : index
    %get3A_187 = tpu.vector_load %arg5[%get3A_184, %get3A_185, %get3A_186] {strides = array<i32>} : memref<1x2x128xi32, #tpu.memory_space<vmem>>, vector<16xi32>,
    %add3A_188 = arith.addi %get3A_187, %broadcast_in_dim3A_148 : vector<16xi32>
    %swap3A_189 = arith.constant 0 : i32
    %swap3A_190 = arith.index_cast %swap3A_189 : i32 to index
    %swap3A_191 = arith.constant 256 : index
    %swap3A_192 = tpu.vector_load %arg6[%swap3A_190, %swap3A_191] {strides = array<i32>} : memref<1x2080xi32, #tpu.memory_space<vmem>>, vector<16xi32>,
    tpu.vector_store %arg6[%swap3A_190, %swap3A_191], %add3A_188 {strides = array<i32>} : memref<1x2080xi32, #tpu.memory_space<vmem>>, vector<16xi32>,
    %get3A_193 = arith.constant 0 : i32
    %get3A_194 = arith.constant 0 : i32
    %get3A_195 = arith.index_cast %get3A_193 : i32 to index
    %get3A_196 = arith.index_cast %get3A_194 : i32 to index
    %get3A_197 = arith.constant 64 : index
    %get3A_198 = tpu.vector_load %arg5[%get3A_195, %get3A_196, %get3A_197] {strides = array<i32>} : memref<1x2x128xi32, #tpu.memory_space<vmem>>, vector<16xi32>,
    %add3A_199 = arith.addi %get3A_198, %broadcast_in_dim3A_148 : vector<16xi32>
    %swap3A_200 = arith.constant 0 : i32
    %swap3A_201 = arith.index_cast %swap3A_200 : i32 to index
    %swap3A_202 = arith.constant 272 : index
    %swap3A_203 = tpu.vector_load %arg6[%swap3A_201, %swap3A_202] {strides = array<i32>} : memref<1x2080xi32, #tpu.memory_space<vmem>>, vector<16xi32>,
    tpu.vector_store %arg6[%swap3A_201, %swap3A_202], %add3A_199 {strides = array<i32>} : memref<1x2080xi32, #tpu.memory_space<vmem>>, vector<16xi32>,
    %get3A_204 = arith.constant 0 : i32
    %get3A_205 = arith.constant 0 : i32
    %get3A_206 = arith.index_cast %get3A_204 : i32 to index
    %get3A_207 = arith.index_cast %get3A_205 : i32 to index
    %get3A_208 = arith.constant 80 : index
    %get3A_209 = tpu.vector_load %arg5[%get3A_206, %get3A_207, %get3A_208] {strides = array<i32>} : memref<1x2x128xi32, #tpu.memory_space<vmem>>, vector<16xi32>,
    %add3A_210 = arith.addi %get3A_209, %broadcast_in_dim3A_148 : vector<16xi32>
    %swap3A_211 = arith.constant 0 : i32
    %swap3A_212 = arith.index_cast %swap3A_211 : i32 to index
    %swap3A_213 = arith.constant 288 : index
    %swap3A_214 = tpu.vector_load %arg6[%swap3A_212, %swap3A_213] {strides = array<i32>} : memref<1x2080xi32, #tpu.memory_space<vmem>>, vector<16xi32>,
    tpu.vector_store %arg6[%swap3A_212, %swap3A_213], %add3A_210 {strides = array<i32>} : memref<1x2080xi32, #tpu.memory_space<vmem>>, vector<16xi32>,
    %get3A_215 = arith.constant 0 : i32
    %get3A_216 = arith.constant 0 : i32
    %get3A_217 = arith.index_cast %get3A_215 : i32 to index
    %get3A_218 = arith.index_cast %get3A_216 : i32 to index
    %get3A_219 = arith.constant 96 : index
    %get3A_220 = tpu.vector_load %arg5[%get3A_217, %get3A_218, %get3A_219] {strides = array<i32>} : memref<1x2x128xi32, #tpu.memory_space<vmem>>, vector<16xi32>,
    %add3A_221 = arith.addi %get3A_220, %broadcast_in_dim3A_148 : vector<16xi32>
    %swap3A_222 = arith.constant 0 : i32
    %swap3A_223 = arith.index_cast %swap3A_222 : i32 to index
    %swap3A_224 = arith.constant 304 : index
    %swap3A_225 = tpu.vector_load %arg6[%swap3A_223, %swap3A_224] {strides = array<i32>} : memref<1x2080xi32, #tpu.memory_space<vmem>>, vector<16xi32>,
    tpu.vector_store %arg6[%swap3A_223, %swap3A_224], %add3A_221 {strides = array<i32>} : memref<1x2080xi32, #tpu.memory_space<vmem>>, vector<16xi32>,
    %get3A_226 = arith.constant 0 : i32
    %get3A_227 = arith.constant 0 : i32
    %get3A_228 = arith.index_cast %get3A_226 : i32 to index
    %get3A_229 = arith.index_cast %get3A_227 : i32 to index
    %get3A_230 = arith.constant 112 : index
    %get3A_231 = tpu.vector_load %arg5[%get3A_228, %get3A_229, %get3A_230] {strides = array<i32>} : memref<1x2x128xi32, #tpu.memory_space<vmem>>, vector<16xi32>,
    %add3A_232 = arith.addi %get3A_231, %broadcast_in_dim3A_148 : vector<16xi32>
    %swap3A_233 = arith.constant 0 : i32
    %swap3A_234 = arith.index_cast %swap3A_233 : i32 to index
    %swap3A_235 = arith.constant 320 : index
    %swap3A_236 = tpu.vector_load %arg6[%swap3A_234, %swap3A_235] {strides = array<i32>} : memref<1x2080xi32, #tpu.memory_space<vmem>>, vector<16xi32>,
    tpu.vector_store %arg6[%swap3A_234, %swap3A_235], %add3A_232 {strides = array<i32>} : memref<1x2080xi32, #tpu.memory_space<vmem>>, vector<16xi32>,
    %get3A_237 = arith.constant 0 : i32
    %get3A_238 = arith.constant 1 : i32
    %get3A_239 = arith.index_cast %get3A_237 : i32 to index
    %get3A_240 = arith.index_cast %get3A_238 : i32 to index
    %get3A_241 = arith.constant 0 : index
    %get3A_242 = tpu.vector_load %arg5[%get3A_239, %get3A_240, %get3A_241] {strides = array<i32>} : memref<1x2x128xi32, #tpu.memory_space<vmem>>, vector<16xi32>,
    %add3A_243 = arith.addi %get3A_242, %broadcast_in_dim3A_148 : vector<16xi32>
    %swap3A_244 = arith.constant 0 : i32
    %swap3A_245 = arith.index_cast %swap3A_244 : i32 to index
    %swap3A_246 = arith.constant 336 : index
    %swap3A_247 = tpu.vector_load %arg6[%swap3A_245, %swap3A_246] {strides = array<i32>} : memref<1x2080xi32, #tpu.memory_space<vmem>>, vector<16xi32>,
    tpu.vector_store %arg6[%swap3A_245, %swap3A_246], %add3A_243 {strides = array<i32>} : memref<1x2080xi32, #tpu.memory_space<vmem>>, vector<16xi32>,
    %get3A_248 = arith.constant 0 : i32
    %get3A_249 = arith.constant 1 : i32
    %get3A_250 = arith.index_cast %get3A_248 : i32 to index
    %get3A_251 = arith.index_cast %get3A_249 : i32 to index
    %get3A_252 = arith.constant 16 : index
    %get3A_253 = tpu.vector_load %arg5[%get3A_250, %get3A_251, %get3A_252] {strides = array<i32>} : memref<1x2x128xi32, #tpu.memory_space<vmem>>, vector<16xi32>,
    %add3A_254 = arith.addi %get3A_253, %broadcast_in_dim3A_148 : vector<16xi32>
    %swap3A_255 = arith.constant 0 : i32
    %swap3A_256 = arith.index_cast %swap3A_255 : i32 to index
    %swap3A_257 = arith.constant 352 : index
    %swap3A_258 = tpu.vector_load %arg6[%swap3A_256, %swap3A_257] {strides = array<i32>} : memref<1x2080xi32, #tpu.memory_space<vmem>>, vector<16xi32>,
    tpu.vector_store %arg6[%swap3A_256, %swap3A_257], %add3A_254 {strides = array<i32>} : memref<1x2080xi32, #tpu.memory_space<vmem>>, vector<16xi32>,
    %get3A_259 = arith.constant 0 : i32
    %get3A_260 = arith.constant 1 : i32
    %get3A_261 = arith.index_cast %get3A_259 : i32 to index
    %get3A_262 = arith.index_cast %get3A_260 : i32 to index
    %get3A_263 = arith.constant 32 : index
    %get3A_264 = tpu.vector_load %arg5[%get3A_261, %get3A_262, %get3A_263] {strides = array<i32>} : memref<1x2x128xi32, #tpu.memory_space<vmem>>, vector<16xi32>,
    %add3A_265 = arith.addi %get3A_264, %broadcast_in_dim3A_148 : vector<16xi32>
    %swap3A_266 = arith.constant 0 : i32
    %swap3A_267 = arith.index_cast %swap3A_266 : i32 to index
    %swap3A_268 = arith.constant 368 : index
    %swap3A_269 = tpu.vector_load %arg6[%swap3A_267, %swap3A_268] {strides = array<i32>} : memref<1x2080xi32, #tpu.memory_space<vmem>>, vector<16xi32>,
    tpu.vector_store %arg6[%swap3A_267, %swap3A_268], %add3A_265 {strides = array<i32>} : memref<1x2080xi32, #tpu.memory_space<vmem>>, vector<16xi32>,
    %get3A_270 = arith.constant 0 : i32
    %get3A_271 = arith.constant 1 : i32
    %get3A_272 = arith.index_cast %get3A_270 : i32 to index
    %get3A_273 = arith.index_cast %get3A_271 : i32 to index
    %get3A_274 = arith.constant 48 : index
    %get3A_275 = tpu.vector_load %arg5[%get3A_272, %get3A_273, %get3A_274] {strides = array<i32>} : memref<1x2x128xi32, #tpu.memory_space<vmem>>, vector<16xi32>,
    %add3A_276 = arith.addi %get3A_275, %broadcast_in_dim3A_148 : vector<16xi32>
    %swap3A_277 = arith.constant 0 : i32
    %swap3A_278 = arith.index_cast %swap3A_277 : i32 to index
    %swap3A_279 = arith.constant 384 : index
    %swap3A_280 = tpu.vector_load %arg6[%swap3A_278, %swap3A_279] {strides = array<i32>} : memref<1x2080xi32, #tpu.memory_space<vmem>>, vector<16xi32>,
    tpu.vector_store %arg6[%swap3A_278, %swap3A_279], %add3A_276 {strides = array<i32>} : memref<1x2080xi32, #tpu.memory_space<vmem>>, vector<16xi32>,
    %get3A_281 = arith.constant 0 : i32
    %get3A_282 = arith.constant 1 : i32
    %get3A_283 = arith.index_cast %get3A_281 : i32 to index
    %get3A_284 = arith.index_cast %get3A_282 : i32 to index
    %get3A_285 = arith.constant 64 : index
    %get3A_286 = tpu.vector_load %arg5[%get3A_283, %get3A_284, %get3A_285] {strides = array<i32>} : memref<1x2x128xi32, #tpu.memory_space<vmem>>, vector<16xi32>,
    %add3A_287 = arith.addi %get3A_286, %broadcast_in_dim3A_148 : vector<16xi32>
    %swap3A_288 = arith.constant 0 : i32
    %swap3A_289 = arith.index_cast %swap3A_288 : i32 to index
    %swap3A_290 = arith.constant 400 : index
    %swap3A_291 = tpu.vector_load %arg6[%swap3A_289, %swap3A_290] {strides = array<i32>} : memref<1x2080xi32, #tpu.memory_space<vmem>>, vector<16xi32>,
    tpu.vector_store %arg6[%swap3A_289, %swap3A_290], %add3A_287 {strides = array<i32>} : memref<1x2080xi32, #tpu.memory_space<vmem>>, vector<16xi32>,
    %broadcast_in_dim3A_292 = arith.constant 401408 : i32
    %broadcast_in_dim3A_293 = vector.broadcast %broadcast_in_dim3A_292 : i32 to vector<16xi32>
    %get3A_294 = arith.constant 0 : i32
    %get3A_295 = arith.constant 0 : i32
    %get3A_296 = arith.index_cast %get3A_294 : i32 to index
    %get3A_297 = arith.index_cast %get3A_295 : i32 to index
    %get3A_298 = arith.constant 0 : index
    %get3A_299 = tpu.vector_load %arg5[%get3A_296, %get3A_297, %get3A_298] {strides = array<i32>} : memref<1x2x128xi32, #tpu.memory_space<vmem>>, vector<16xi32>,
    %add3A_300 = arith.addi %get3A_299, %broadcast_in_dim3A_293 : vector<16xi32>
    %swap3A_301 = arith.constant 0 : i32
    %swap3A_302 = arith.index_cast %swap3A_301 : i32 to index
    %swap3A_303 = arith.constant 416 : index
    %swap3A_304 = tpu.vector_load %arg6[%swap3A_302, %swap3A_303] {strides = array<i32>} : memref<1x2080xi32, #tpu.memory_space<vmem>>, vector<16xi32>,
    tpu.vector_store %arg6[%swap3A_302, %swap3A_303], %add3A_300 {strides = array<i32>} : memref<1x2080xi32, #tpu.memory_space<vmem>>, vector<16xi32>,
    %get3A_305 = arith.constant 0 : i32
    %get3A_306 = arith.constant 0 : i32
    %get3A_307 = arith.index_cast %get3A_305 : i32 to index
    %get3A_308 = arith.index_cast %get3A_306 : i32 to index
    %get3A_309 = arith.constant 16 : index
    %get3A_310 = tpu.vector_load %arg5[%get3A_307, %get3A_308, %get3A_309] {strides = array<i32>} : memref<1x2x128xi32, #tpu.memory_space<vmem>>, vector<16xi32>,
    %add3A_311 = arith.addi %get3A_310, %broadcast_in_dim3A_293 : vector<16xi32>
    %swap3A_312 = arith.constant 0 : i32
    %swap3A_313 = arith.index_cast %swap3A_312 : i32 to index
    %swap3A_314 = arith.constant 432 : index
    %swap3A_315 = tpu.vector_load %arg6[%swap3A_313, %swap3A_314] {strides = array<i32>} : memref<1x2080xi32, #tpu.memory_space<vmem>>, vector<16xi32>,
    tpu.vector_store %arg6[%swap3A_313, %swap3A_314], %add3A_311 {strides = array<i32>} : memref<1x2080xi32, #tpu.memory_space<vmem>>, vector<16xi32>,
    %get3A_316 = arith.constant 0 : i32
    %get3A_317 = arith.constant 0 : i32
    %get3A_318 = arith.index_cast %get3A_316 : i32 to index
    %get3A_319 = arith.index_cast %get3A_317 : i32 to index
    %get3A_320 = arith.constant 32 : index
    %get3A_321 = tpu.vector_load %arg5[%get3A_318, %get3A_319, %get3A_320] {strides = array<i32>} : memref<1x2x128xi32, #tpu.memory_space<vmem>>, vector<16xi32>,
    %add3A_322 = arith.addi %get3A_321, %broadcast_in_dim3A_293 : vector<16xi32>
    %swap3A_323 = arith.constant 0 : i32
    %swap3A_324 = arith.index_cast %swap3A_323 : i32 to index
    %swap3A_325 = arith.constant 448 : index
    %swap3A_326 = tpu.vector_load %arg6[%swap3A_324, %swap3A_325] {strides = array<i32>} : memref<1x2080xi32, #tpu.memory_space<vmem>>, vector<16xi32>,
    tpu.vector_store %arg6[%swap3A_324, %swap3A_325], %add3A_322 {strides = array<i32>} : memref<1x2080xi32, #tpu.memory_space<vmem>>, vector<16xi32>,
    %get3A_327 = arith.constant 0 : i32
    %get3A_328 = arith.constant 0 : i32
    %get3A_329 = arith.index_cast %get3A_327 : i32 to index
    %get3A_330 = arith.index_cast %get3A_328 : i32 to index
    %get3A_331 = arith.constant 48 : index
    %get3A_332 = tpu.vector_load %arg5[%get3A_329, %get3A_330, %get3A_331] {strides = array<i32>} : memref<1x2x128xi32, #tpu.memory_space<vmem>>, vector<16xi32>,
    %add3A_333 = arith.addi %get3A_332, %broadcast_in_dim3A_293 : vector<16xi32>
    %swap3A_334 = arith.constant 0 : i32
    %swap3A_335 = arith.index_cast %swap3A_334 : i32 to index
    %swap3A_336 = arith.constant 464 : index
    %swap3A_337 = tpu.vector_load %arg6[%swap3A_335, %swap3A_336] {strides = array<i32>} : memref<1x2080xi32, #tpu.memory_space<vmem>>, vector<16xi32>,
    tpu.vector_store %arg6[%swap3A_335, %swap3A_336], %add3A_333 {strides = array<i32>} : memref<1x2080xi32, #tpu.memory_space<vmem>>, vector<16xi32>,
    %get3A_338 = arith.constant 0 : i32
    %get3A_339 = arith.constant 0 : i32
    %get3A_340 = arith.index_cast %get3A_338 : i32 to index
    %get3A_341 = arith.index_cast %get3A_339 : i32 to index
    %get3A_342 = arith.constant 64 : index
    %get3A_343 = tpu.vector_load %arg5[%get3A_340, %get3A_341, %get3A_342] {strides = array<i32>} : memref<1x2x128xi32, #tpu.memory_space<vmem>>, vector<16xi32>,
    %add3A_344 = arith.addi %get3A_343, %broadcast_in_dim3A_293 : vector<16xi32>
    %swap3A_345 = arith.constant 0 : i32
    %swap3A_346 = arith.index_cast %swap3A_345 : i32 to index
    %swap3A_347 = arith.constant 480 : index
    %swap3A_348 = tpu.vector_load %arg6[%swap3A_346, %swap3A_347] {strides = array<i32>} : memref<1x2080xi32, #tpu.memory_space<vmem>>, vector<16xi32>,
    tpu.vector_store %arg6[%swap3A_346, %swap3A_347], %add3A_344 {strides = array<i32>} : memref<1x2080xi32, #tpu.memory_space<vmem>>, vector<16xi32>,
    %get3A_349 = arith.constant 0 : i32
    %get3A_350 = arith.constant 0 : i32
    %get3A_351 = arith.index_cast %get3A_349 : i32 to index
    %get3A_352 = arith.index_cast %get3A_350 : i32 to index
    %get3A_353 = arith.constant 80 : index
    %get3A_354 = tpu.vector_load %arg5[%get3A_351, %get3A_352, %get3A_353] {strides = array<i32>} : memref<1x2x128xi32, #tpu.memory_space<vmem>>, vector<16xi32>,
    %add3A_355 = arith.addi %get3A_354, %broadcast_in_dim3A_293 : vector<16xi32>
    %swap3A_356 = arith.constant 0 : i32
    %swap3A_357 = arith.index_cast %swap3A_356 : i32 to index
    %swap3A_358 = arith.constant 496 : index
    %swap3A_359 = tpu.vector_load %arg6[%swap3A_357, %swap3A_358] {strides = array<i32>} : memref<1x2080xi32, #tpu.memory_space<vmem>>, vector<16xi32>,
    tpu.vector_store %arg6[%swap3A_357, %swap3A_358], %add3A_355 {strides = array<i32>} : memref<1x2080xi32, #tpu.memory_space<vmem>>, vector<16xi32>,
    %get3A_360 = arith.constant 0 : i32
    %get3A_361 = arith.constant 0 : i32
    %get3A_362 = arith.index_cast %get3A_360 : i32 to index
    %get3A_363 = arith.index_cast %get3A_361 : i32 to index
    %get3A_364 = arith.constant 96 : index
    %get3A_365 = tpu.vector_load %arg5[%get3A_362, %get3A_363, %get3A_364] {strides = array<i32>} : memref<1x2x128xi32, #tpu.memory_space<vmem>>, vector<16xi32>,
    %add3A_366 = arith.addi %get3A_365, %broadcast_in_dim3A_293 : vector<16xi32>
    %swap3A_367 = arith.constant 0 : i32
    %swap3A_368 = arith.index_cast %swap3A_367 : i32 to index
    %swap3A_369 = arith.constant 512 : index
    %swap3A_370 = tpu.vector_load %arg6[%swap3A_368, %swap3A_369] {strides = array<i32>} : memref<1x2080xi32, #tpu.memory_space<vmem>>, vector<16xi32>,
    tpu.vector_store %arg6[%swap3A_368, %swap3A_369], %add3A_366 {strides = array<i32>} : memref<1x2080xi32, #tpu.memory_space<vmem>>, vector<16xi32>,
    %get3A_371 = arith.constant 0 : i32
    %get3A_372 = arith.constant 0 : i32
    %get3A_373 = arith.index_cast %get3A_371 : i32 to index
    %get3A_374 = arith.index_cast %get3A_372 : i32 to index
    %get3A_375 = arith.constant 112 : index
    %get3A_376 = tpu.vector_load %arg5[%get3A_373, %get3A_374, %get3A_375] {strides = array<i32>} : memref<1x2x128xi32, #tpu.memory_space<vmem>>, vector<16xi32>,
    %add3A_377 = arith.addi %get3A_376, %broadcast_in_dim3A_293 : vector<16xi32>
    %swap3A_378 = arith.constant 0 : i32
    %swap3A_379 = arith.index_cast %swap3A_378 : i32 to index
    %swap3A_380 = arith.constant 528 : index
    %swap3A_381 = tpu.vector_load %arg6[%swap3A_379, %swap3A_380] {strides = array<i32>} : memref<1x2080xi32, #tpu.memory_space<vmem>>, vector<16xi32>,
    tpu.vector_store %arg6[%swap3A_379, %swap3A_380], %add3A_377 {strides = array<i32>} : memref<1x2080xi32, #tpu.memory_space<vmem>>, vector<16xi32>,
    %get3A_382 = arith.constant 0 : i32
    %get3A_383 = arith.constant 1 : i32
    %get3A_384 = arith.index_cast %get3A_382 : i32 to index
    %get3A_385 = arith.index_cast %get3A_383 : i32 to index
    %get3A_386 = arith.constant 0 : index
    %get3A_387 = tpu.vector_load %arg5[%get3A_384, %get3A_385, %get3A_386] {strides = array<i32>} : memref<1x2x128xi32, #tpu.memory_space<vmem>>, vector<16xi32>,
    %add3A_388 = arith.addi %get3A_387, %broadcast_in_dim3A_293 : vector<16xi32>
    %swap3A_389 = arith.constant 0 : i32
    %swap3A_390 = arith.index_cast %swap3A_389 : i32 to index
    %swap3A_391 = arith.constant 544 : index
    %swap3A_392 = tpu.vector_load %arg6[%swap3A_390, %swap3A_391] {strides = array<i32>} : memref<1x2080xi32, #tpu.memory_space<vmem>>, vector<16xi32>,
    tpu.vector_store %arg6[%swap3A_390, %swap3A_391], %add3A_388 {strides = array<i32>} : memref<1x2080xi32, #tpu.memory_space<vmem>>, vector<16xi32>,
    %get3A_393 = arith.constant 0 : i32
    %get3A_394 = arith.constant 1 : i32
    %get3A_395 = arith.index_cast %get3A_393 : i32 to index
    %get3A_396 = arith.index_cast %get3A_394 : i32 to index
    %get3A_397 = arith.constant 16 : index
    %get3A_398 = tpu.vector_load %arg5[%get3A_395, %get3A_396, %get3A_397] {strides = array<i32>} : memref<1x2x128xi32, #tpu.memory_space<vmem>>, vector<16xi32>,
    %add3A_399 = arith.addi %get3A_398, %broadcast_in_dim3A_293 : vector<16xi32>
    %swap3A_400 = arith.constant 0 : i32
    %swap3A_401 = arith.index_cast %swap3A_400 : i32 to index
    %swap3A_402 = arith.constant 560 : index
    %swap3A_403 = tpu.vector_load %arg6[%swap3A_401, %swap3A_402] {strides = array<i32>} : memref<1x2080xi32, #tpu.memory_space<vmem>>, vector<16xi32>,
    tpu.vector_store %arg6[%swap3A_401, %swap3A_402], %add3A_399 {strides = array<i32>} : memref<1x2080xi32, #tpu.memory_space<vmem>>, vector<16xi32>,
    %get3A_404 = arith.constant 0 : i32
    %get3A_405 = arith.constant 1 : i32
    %get3A_406 = arith.index_cast %get3A_404 : i32 to index
    %get3A_407 = arith.index_cast %get3A_405 : i32 to index
    %get3A_408 = arith.constant 32 : index
    %get3A_409 = tpu.vector_load %arg5[%get3A_406, %get3A_407, %get3A_408] {strides = array<i32>} : memref<1x2x128xi32, #tpu.memory_space<vmem>>, vector<16xi32>,
    %add3A_410 = arith.addi %get3A_409, %broadcast_in_dim3A_293 : vector<16xi32>
    %swap3A_411 = arith.constant 0 : i32
    %swap3A_412 = arith.index_cast %swap3A_411 : i32 to index
    %swap3A_413 = arith.constant 576 : index
    %swap3A_414 = tpu.vector_load %arg6[%swap3A_412, %swap3A_413] {strides = array<i32>} : memref<1x2080xi32, #tpu.memory_space<vmem>>, vector<16xi32>,
    tpu.vector_store %arg6[%swap3A_412, %swap3A_413], %add3A_410 {strides = array<i32>} : memref<1x2080xi32, #tpu.memory_space<vmem>>, vector<16xi32>,
    %get3A_415 = arith.constant 0 : i32
    %get3A_416 = arith.constant 1 : i32
    %get3A_417 = arith.index_cast %get3A_415 : i32 to index
    %get3A_418 = arith.index_cast %get3A_416 : i32 to index
    %get3A_419 = arith.constant 48 : index
    %get3A_420 = tpu.vector_load %arg5[%get3A_417, %get3A_418, %get3A_419] {strides = array<i32>} : memref<1x2x128xi32, #tpu.memory_space<vmem>>, vector<16xi32>,
    %add3A_421 = arith.addi %get3A_420, %broadcast_in_dim3A_293 : vector<16xi32>
    %swap3A_422 = arith.constant 0 : i32
    %swap3A_423 = arith.index_cast %swap3A_422 : i32 to index
    %swap3A_424 = arith.constant 592 : index
    %swap3A_425 = tpu.vector_load %arg6[%swap3A_423, %swap3A_424] {strides = array<i32>} : memref<1x2080xi32, #tpu.memory_space<vmem>>, vector<16xi32>,
    tpu.vector_store %arg6[%swap3A_423, %swap3A_424], %add3A_421 {strides = array<i32>} : memref<1x2080xi32, #tpu.memory_space<vmem>>, vector<16xi32>,
    %get3A_426 = arith.constant 0 : i32
    %get3A_427 = arith.constant 1 : i32
    %get3A_428 = arith.index_cast %get3A_426 : i32 to index
    %get3A_429 = arith.index_cast %get3A_427 : i32 to index
    %get3A_430 = arith.constant 64 : index
    %get3A_431 = tpu.vector_load %arg5[%get3A_428, %get3A_429, %get3A_430] {strides = array<i32>} : memref<1x2x128xi32, #tpu.memory_space<vmem>>, vector<16xi32>,
    %add3A_432 = arith.addi %get3A_431, %broadcast_in_dim3A_293 : vector<16xi32>
    %swap3A_433 = arith.constant 0 : i32
    %swap3A_434 = arith.index_cast %swap3A_433 : i32 to index
    %swap3A_435 = arith.constant 608 : index
    %swap3A_436 = tpu.vector_load %arg6[%swap3A_434, %swap3A_435] {strides = array<i32>} : memref<1x2080xi32, #tpu.memory_space<vmem>>, vector<16xi32>,
    tpu.vector_store %arg6[%swap3A_434, %swap3A_435], %add3A_432 {strides = array<i32>} : memref<1x2080xi32, #tpu.memory_space<vmem>>, vector<16xi32>,
    %broadcast_in_dim3A_437 = arith.constant 602112 : i32
    %broadcast_in_dim3A_438 = vector.broadcast %broadcast_in_dim3A_437 : i32 to vector<16xi32>
    %get3A_439 = arith.constant 0 : i32
    %get3A_440 = arith.constant 0 : i32
    %get3A_441 = arith.index_cast %get3A_439 : i32 to index
    %get3A_442 = arith.index_cast %get3A_440 : i32 to index
    %get3A_443 = arith.constant 0 : index
    %get3A_444 = tpu.vector_load %arg5[%get3A_441, %get3A_442, %get3A_443] {strides = array<i32>} : memref<1x2x128xi32, #tpu.memory_space<vmem>>, vector<16xi32>,
    %add3A_445 = arith.addi %get3A_444, %broadcast_in_dim3A_438 : vector<16xi32>
    %swap3A_446 = arith.constant 0 : i32
    %swap3A_447 = arith.index_cast %swap3A_446 : i32 to index
    %swap3A_448 = arith.constant 624 : index
    %swap3A_449 = tpu.vector_load %arg6[%swap3A_447, %swap3A_448] {strides = array<i32>} : memref<1x2080xi32, #tpu.memory_space<vmem>>, vector<16xi32>,
    tpu.vector_store %arg6[%swap3A_447, %swap3A_448], %add3A_445 {strides = array<i32>} : memref<1x2080xi32, #tpu.memory_space<vmem>>, vector<16xi32>,
    %get3A_450 = arith.constant 0 : i32
    %get3A_451 = arith.constant 0 : i32
    %get3A_452 = arith.index_cast %get3A_450 : i32 to index
    %get3A_453 = arith.index_cast %get3A_451 : i32 to index
    %get3A_454 = arith.constant 16 : index
    %get3A_455 = tpu.vector_load %arg5[%get3A_452, %get3A_453, %get3A_454] {strides = array<i32>} : memref<1x2x128xi32, #tpu.memory_space<vmem>>, vector<16xi32>,
    %add3A_456 = arith.addi %get3A_455, %broadcast_in_dim3A_438 : vector<16xi32>
    %swap3A_457 = arith.constant 0 : i32
    %swap3A_458 = arith.index_cast %swap3A_457 : i32 to index
    %swap3A_459 = arith.constant 640 : index
    %swap3A_460 = tpu.vector_load %arg6[%swap3A_458, %swap3A_459] {strides = array<i32>} : memref<1x2080xi32, #tpu.memory_space<vmem>>, vector<16xi32>,
    tpu.vector_store %arg6[%swap3A_458, %swap3A_459], %add3A_456 {strides = array<i32>} : memref<1x2080xi32, #tpu.memory_space<vmem>>, vector<16xi32>,
    %get3A_461 = arith.constant 0 : i32
    %get3A_462 = arith.constant 0 : i32
    %get3A_463 = arith.index_cast %get3A_461 : i32 to index
    %get3A_464 = arith.index_cast %get3A_462 : i32 to index
    %get3A_465 = arith.constant 32 : index
    %get3A_466 = tpu.vector_load %arg5[%get3A_463, %get3A_464, %get3A_465] {strides = array<i32>} : memref<1x2x128xi32, #tpu.memory_space<vmem>>, vector<16xi32>,
    %add3A_467 = arith.addi %get3A_466, %broadcast_in_dim3A_438 : vector<16xi32>
    %swap3A_468 = arith.constant 0 : i32
    %swap3A_469 = arith.index_cast %swap3A_468 : i32 to index
    %swap3A_470 = arith.constant 656 : index
    %swap3A_471 = tpu.vector_load %arg6[%swap3A_469, %swap3A_470] {strides = array<i32>} : memref<1x2080xi32, #tpu.memory_space<vmem>>, vector<16xi32>,
    tpu.vector_store %arg6[%swap3A_469, %swap3A_470], %add3A_467 {strides = array<i32>} : memref<1x2080xi32, #tpu.memory_space<vmem>>, vector<16xi32>,
    %get3A_472 = arith.constant 0 : i32
    %get3A_473 = arith.constant 0 : i32
    %get3A_474 = arith.index_cast %get3A_472 : i32 to index
    %get3A_475 = arith.index_cast %get3A_473 : i32 to index
    %get3A_476 = arith.constant 48 : index
    %get3A_477 = tpu.vector_load %arg5[%get3A_474, %get3A_475, %get3A_476] {strides = array<i32>} : memref<1x2x128xi32, #tpu.memory_space<vmem>>, vector<16xi32>,
    %add3A_478 = arith.addi %get3A_477, %broadcast_in_dim3A_438 : vector<16xi32>
    %swap3A_479 = arith.constant 0 : i32
    %swap3A_480 = arith.index_cast %swap3A_479 : i32 to index
    %swap3A_481 = arith.constant 672 : index
    %swap3A_482 = tpu.vector_load %arg6[%swap3A_480, %swap3A_481] {strides = array<i32>} : memref<1x2080xi32, #tpu.memory_space<vmem>>, vector<16xi32>,
    tpu.vector_store %arg6[%swap3A_480, %swap3A_481], %add3A_478 {strides = array<i32>} : memref<1x2080xi32, #tpu.memory_space<vmem>>, vector<16xi32>,
    %get3A_483 = arith.constant 0 : i32
    %get3A_484 = arith.constant 0 : i32
    %get3A_485 = arith.index_cast %get3A_483 : i32 to index
    %get3A_486 = arith.index_cast %get3A_484 : i32 to index
    %get3A_487 = arith.constant 64 : index
    %get3A_488 = tpu.vector_load %arg5[%get3A_485, %get3A_486, %get3A_487] {strides = array<i32>} : memref<1x2x128xi32, #tpu.memory_space<vmem>>, vector<16xi32>,
    %add3A_489 = arith.addi %get3A_488, %broadcast_in_dim3A_438 : vector<16xi32>
    %swap3A_490 = arith.constant 0 : i32
    %swap3A_491 = arith.index_cast %swap3A_490 : i32 to index
    %swap3A_492 = arith.constant 688 : index
    %swap3A_493 = tpu.vector_load %arg6[%swap3A_491, %swap3A_492] {strides = array<i32>} : memref<1x2080xi32, #tpu.memory_space<vmem>>, vector<16xi32>,
    tpu.vector_store %arg6[%swap3A_491, %swap3A_492], %add3A_489 {strides = array<i32>} : memref<1x2080xi32, #tpu.memory_space<vmem>>, vector<16xi32>,
    %get3A_494 = arith.constant 0 : i32
    %get3A_495 = arith.constant 0 : i32
    %get3A_496 = arith.index_cast %get3A_494 : i32 to index
    %get3A_497 = arith.index_cast %get3A_495 : i32 to index
    %get3A_498 = arith.constant 80 : index
    %get3A_499 = tpu.vector_load %arg5[%get3A_496, %get3A_497, %get3A_498] {strides = array<i32>} : memref<1x2x128xi32, #tpu.memory_space<vmem>>, vector<16xi32>,
    %add3A_500 = arith.addi %get3A_499, %broadcast_in_dim3A_438 : vector<16xi32>
    %swap3A_501 = arith.constant 0 : i32
    %swap3A_502 = arith.index_cast %swap3A_501 : i32 to index
    %swap3A_503 = arith.constant 704 : index
    %swap3A_504 = tpu.vector_load %arg6[%swap3A_502, %swap3A_503] {strides = array<i32>} : memref<1x2080xi32, #tpu.memory_space<vmem>>, vector<16xi32>,
    tpu.vector_store %arg6[%swap3A_502, %swap3A_503], %add3A_500 {strides = array<i32>} : memref<1x2080xi32, #tpu.memory_space<vmem>>, vector<16xi32>,
    %get3A_505 = arith.constant 0 : i32
    %get3A_506 = arith.constant 0 : i32
    %get3A_507 = arith.index_cast %get3A_505 : i32 to index
    %get3A_508 = arith.index_cast %get3A_506 : i32 to index
    %get3A_509 = arith.constant 96 : index
    %get3A_510 = tpu.vector_load %arg5[%get3A_507, %get3A_508, %get3A_509] {strides = array<i32>} : memref<1x2x128xi32, #tpu.memory_space<vmem>>, vector<16xi32>,
    %add3A_511 = arith.addi %get3A_510, %broadcast_in_dim3A_438 : vector<16xi32>
    %swap3A_512 = arith.constant 0 : i32
    %swap3A_513 = arith.index_cast %swap3A_512 : i32 to index
    %swap3A_514 = arith.constant 720 : index
    %swap3A_515 = tpu.vector_load %arg6[%swap3A_513, %swap3A_514] {strides = array<i32>} : memref<1x2080xi32, #tpu.memory_space<vmem>>, vector<16xi32>,
    tpu.vector_store %arg6[%swap3A_513, %swap3A_514], %add3A_511 {strides = array<i32>} : memref<1x2080xi32, #tpu.memory_space<vmem>>, vector<16xi32>,
    %get3A_516 = arith.constant 0 : i32
    %get3A_517 = arith.constant 0 : i32
    %get3A_518 = arith.index_cast %get3A_516 : i32 to index
    %get3A_519 = arith.index_cast %get3A_517 : i32 to index
    %get3A_520 = arith.constant 112 : index
    %get3A_521 = tpu.vector_load %arg5[%get3A_518, %get3A_519, %get3A_520] {strides = array<i32>} : memref<1x2x128xi32, #tpu.memory_space<vmem>>, vector<16xi32>,
    %add3A_522 = arith.addi %get3A_521, %broadcast_in_dim3A_438 : vector<16xi32>
    %swap3A_523 = arith.constant 0 : i32
    %swap3A_524 = arith.index_cast %swap3A_523 : i32 to index
    %swap3A_525 = arith.constant 736 : index
    %swap3A_526 = tpu.vector_load %arg6[%swap3A_524, %swap3A_525] {strides = array<i32>} : memref<1x2080xi32, #tpu.memory_space<vmem>>, vector<16xi32>,
    tpu.vector_store %arg6[%swap3A_524, %swap3A_525], %add3A_522 {strides = array<i32>} : memref<1x2080xi32, #tpu.memory_space<vmem>>, vector<16xi32>,
    %get3A_527 = arith.constant 0 : i32
    %get3A_528 = arith.constant 1 : i32
    %get3A_529 = arith.index_cast %get3A_527 : i32 to index
    %get3A_530 = arith.index_cast %get3A_528 : i32 to index
    %get3A_531 = arith.constant 0 : index
    %get3A_532 = tpu.vector_load %arg5[%get3A_529, %get3A_530, %get3A_531] {strides = array<i32>} : memref<1x2x128xi32, #tpu.memory_space<vmem>>, vector<16xi32>,
    %add3A_533 = arith.addi %get3A_532, %broadcast_in_dim3A_438 : vector<16xi32>
    %swap3A_534 = arith.constant 0 : i32
    %swap3A_535 = arith.index_cast %swap3A_534 : i32 to index
    %swap3A_536 = arith.constant 752 : index
    %swap3A_537 = tpu.vector_load %arg6[%swap3A_535, %swap3A_536] {strides = array<i32>} : memref<1x2080xi32, #tpu.memory_space<vmem>>, vector<16xi32>,
    tpu.vector_store %arg6[%swap3A_535, %swap3A_536], %add3A_533 {strides = array<i32>} : memref<1x2080xi32, #tpu.memory_space<vmem>>, vector<16xi32>,
    %get3A_538 = arith.constant 0 : i32
    %get3A_539 = arith.constant 1 : i32
    %get3A_540 = arith.index_cast %get3A_538 : i32 to index
    %get3A_541 = arith.index_cast %get3A_539 : i32 to index
    %get3A_542 = arith.constant 16 : index
    %get3A_543 = tpu.vector_load %arg5[%get3A_540, %get3A_541, %get3A_542] {strides = array<i32>} : memref<1x2x128xi32, #tpu.memory_space<vmem>>, vector<16xi32>,
    %add3A_544 = arith.addi %get3A_543, %broadcast_in_dim3A_438 : vector<16xi32>
    %swap3A_545 = arith.constant 0 : i32
    %swap3A_546 = arith.index_cast %swap3A_545 : i32 to index
    %swap3A_547 = arith.constant 768 : index
    %swap3A_548 = tpu.vector_load %arg6[%swap3A_546, %swap3A_547] {strides = array<i32>} : memref<1x2080xi32, #tpu.memory_space<vmem>>, vector<16xi32>,
    tpu.vector_store %arg6[%swap3A_546, %swap3A_547], %add3A_544 {strides = array<i32>} : memref<1x2080xi32, #tpu.memory_space<vmem>>, vector<16xi32>,
    %get3A_549 = arith.constant 0 : i32
    %get3A_550 = arith.constant 1 : i32
    %get3A_551 = arith.index_cast %get3A_549 : i32 to index
    %get3A_552 = arith.index_cast %get3A_550 : i32 to index
    %get3A_553 = arith.constant 32 : index
    %get3A_554 = tpu.vector_load %arg5[%get3A_551, %get3A_552, %get3A_553] {strides = array<i32>} : memref<1x2x128xi32, #tpu.memory_space<vmem>>, vector<16xi32>,
    %add3A_555 = arith.addi %get3A_554, %broadcast_in_dim3A_438 : vector<16xi32>
    %swap3A_556 = arith.constant 0 : i32
    %swap3A_557 = arith.index_cast %swap3A_556 : i32 to index
    %swap3A_558 = arith.constant 784 : index
    %swap3A_559 = tpu.vector_load %arg6[%swap3A_557, %swap3A_558] {strides = array<i32>} : memref<1x2080xi32, #tpu.memory_space<vmem>>, vector<16xi32>,
    tpu.vector_store %arg6[%swap3A_557, %swap3A_558], %add3A_555 {strides = array<i32>} : memref<1x2080xi32, #tpu.memory_space<vmem>>, vector<16xi32>,
    %get3A_560 = arith.constant 0 : i32
    %get3A_561 = arith.constant 1 : i32
    %get3A_562 = arith.index_cast %get3A_560 : i32 to index
    %get3A_563 = arith.index_cast %get3A_561 : i32 to index
    %get3A_564 = arith.constant 48 : index
    %get3A_565 = tpu.vector_load %arg5[%get3A_562, %get3A_563, %get3A_564] {strides = array<i32>} : memref<1x2x128xi32, #tpu.memory_space<vmem>>, vector<16xi32>,
    %add3A_566 = arith.addi %get3A_565, %broadcast_in_dim3A_438 : vector<16xi32>
    %swap3A_567 = arith.constant 0 : i32
    %swap3A_568 = arith.index_cast %swap3A_567 : i32 to index
    %swap3A_569 = arith.constant 800 : index
    %swap3A_570 = tpu.vector_load %arg6[%swap3A_568, %swap3A_569] {strides = array<i32>} : memref<1x2080xi32, #tpu.memory_space<vmem>>, vector<16xi32>,
    tpu.vector_store %arg6[%swap3A_568, %swap3A_569], %add3A_566 {strides = array<i32>} : memref<1x2080xi32, #tpu.memory_space<vmem>>, vector<16xi32>,
    %get3A_571 = arith.constant 0 : i32
    %get3A_572 = arith.constant 1 : i32
    %get3A_573 = arith.index_cast %get3A_571 : i32 to index
    %get3A_574 = arith.index_cast %get3A_572 : i32 to index
    %get3A_575 = arith.constant 64 : index
    %get3A_576 = tpu.vector_load %arg5[%get3A_573, %get3A_574, %get3A_575] {strides = array<i32>} : memref<1x2x128xi32, #tpu.memory_space<vmem>>, vector<16xi32>,
    %add3A_577 = arith.addi %get3A_576, %broadcast_in_dim3A_438 : vector<16xi32>
    %swap3A_578 = arith.constant 0 : i32
    %swap3A_579 = arith.index_cast %swap3A_578 : i32 to index
    %swap3A_580 = arith.constant 816 : index
    %swap3A_581 = tpu.vector_load %arg6[%swap3A_579, %swap3A_580] {strides = array<i32>} : memref<1x2080xi32, #tpu.memory_space<vmem>>, vector<16xi32>,
    tpu.vector_store %arg6[%swap3A_579, %swap3A_580], %add3A_577 {strides = array<i32>} : memref<1x2080xi32, #tpu.memory_space<vmem>>, vector<16xi32>,
    %broadcast_in_dim3A_582 = arith.constant 802816 : i32
    %broadcast_in_dim3A_583 = vector.broadcast %broadcast_in_dim3A_582 : i32 to vector<16xi32>
    %get3A_584 = arith.constant 0 : i32
    %get3A_585 = arith.constant 0 : i32
    %get3A_586 = arith.index_cast %get3A_584 : i32 to index
    %get3A_587 = arith.index_cast %get3A_585 : i32 to index
    %get3A_588 = arith.constant 0 : index
    %get3A_589 = tpu.vector_load %arg5[%get3A_586, %get3A_587, %get3A_588] {strides = array<i32>} : memref<1x2x128xi32, #tpu.memory_space<vmem>>, vector<16xi32>,
    %add3A_590 = arith.addi %get3A_589, %broadcast_in_dim3A_583 : vector<16xi32>
    %swap3A_591 = arith.constant 0 : i32
    %swap3A_592 = arith.index_cast %swap3A_591 : i32 to index
    %swap3A_593 = arith.constant 832 : index
    %swap3A_594 = tpu.vector_load %arg6[%swap3A_592, %swap3A_593] {strides = array<i32>} : memref<1x2080xi32, #tpu.memory_space<vmem>>, vector<16xi32>,
    tpu.vector_store %arg6[%swap3A_592, %swap3A_593], %add3A_590 {strides = array<i32>} : memref<1x2080xi32, #tpu.memory_space<vmem>>, vector<16xi32>,
    %get3A_595 = arith.constant 0 : i32
    %get3A_596 = arith.constant 0 : i32
    %get3A_597 = arith.index_cast %get3A_595 : i32 to index
    %get3A_598 = arith.index_cast %get3A_596 : i32 to index
    %get3A_599 = arith.constant 16 : index
    %get3A_600 = tpu.vector_load %arg5[%get3A_597, %get3A_598, %get3A_599] {strides = array<i32>} : memref<1x2x128xi32, #tpu.memory_space<vmem>>, vector<16xi32>,
    %add3A_601 = arith.addi %get3A_600, %broadcast_in_dim3A_583 : vector<16xi32>
    %swap3A_602 = arith.constant 0 : i32
    %swap3A_603 = arith.index_cast %swap3A_602 : i32 to index
    %swap3A_604 = arith.constant 848 : index
    %swap3A_605 = tpu.vector_load %arg6[%swap3A_603, %swap3A_604] {strides = array<i32>} : memref<1x2080xi32, #tpu.memory_space<vmem>>, vector<16xi32>,
    tpu.vector_store %arg6[%swap3A_603, %swap3A_604], %add3A_601 {strides = array<i32>} : memref<1x2080xi32, #tpu.memory_space<vmem>>, vector<16xi32>,
    %get3A_606 = arith.constant 0 : i32
    %get3A_607 = arith.constant 0 : i32
    %get3A_608 = arith.index_cast %get3A_606 : i32 to index
    %get3A_609 = arith.index_cast %get3A_607 : i32 to index
    %get3A_610 = arith.constant 32 : index
    %get3A_611 = tpu.vector_load %arg5[%get3A_608, %get3A_609, %get3A_610] {strides = array<i32>} : memref<1x2x128xi32, #tpu.memory_space<vmem>>, vector<16xi32>,
    %add3A_612 = arith.addi %get3A_611, %broadcast_in_dim3A_583 : vector<16xi32>
    %swap3A_613 = arith.constant 0 : i32
    %swap3A_614 = arith.index_cast %swap3A_613 : i32 to index
    %swap3A_615 = arith.constant 864 : index
    %swap3A_616 = tpu.vector_load %arg6[%swap3A_614, %swap3A_615] {strides = array<i32>} : memref<1x2080xi32, #tpu.memory_space<vmem>>, vector<16xi32>,
    tpu.vector_store %arg6[%swap3A_614, %swap3A_615], %add3A_612 {strides = array<i32>} : memref<1x2080xi32, #tpu.memory_space<vmem>>, vector<16xi32>,
    %get3A_617 = arith.constant 0 : i32
    %get3A_618 = arith.constant 0 : i32
    %get3A_619 = arith.index_cast %get3A_617 : i32 to index
    %get3A_620 = arith.index_cast %get3A_618 : i32 to index
    %get3A_621 = arith.constant 48 : index
    %get3A_622 = tpu.vector_load %arg5[%get3A_619, %get3A_620, %get3A_621] {strides = array<i32>} : memref<1x2x128xi32, #tpu.memory_space<vmem>>, vector<16xi32>,
    %add3A_623 = arith.addi %get3A_622, %broadcast_in_dim3A_583 : vector<16xi32>
    %swap3A_624 = arith.constant 0 : i32
    %swap3A_625 = arith.index_cast %swap3A_624 : i32 to index
    %swap3A_626 = arith.constant 880 : index
    %swap3A_627 = tpu.vector_load %arg6[%swap3A_625, %swap3A_626] {strides = array<i32>} : memref<1x2080xi32, #tpu.memory_space<vmem>>, vector<16xi32>,
    tpu.vector_store %arg6[%swap3A_625, %swap3A_626], %add3A_623 {strides = array<i32>} : memref<1x2080xi32, #tpu.memory_space<vmem>>, vector<16xi32>,
    %get3A_628 = arith.constant 0 : i32
    %get3A_629 = arith.constant 0 : i32
    %get3A_630 = arith.index_cast %get3A_628 : i32 to index
    %get3A_631 = arith.index_cast %get3A_629 : i32 to index
    %get3A_632 = arith.constant 64 : index
    %get3A_633 = tpu.vector_load %arg5[%get3A_630, %get3A_631, %get3A_632] {strides = array<i32>} : memref<1x2x128xi32, #tpu.memory_space<vmem>>, vector<16xi32>,
    %add3A_634 = arith.addi %get3A_633, %broadcast_in_dim3A_583 : vector<16xi32>
    %swap3A_635 = arith.constant 0 : i32
    %swap3A_636 = arith.index_cast %swap3A_635 : i32 to index
    %swap3A_637 = arith.constant 896 : index
    %swap3A_638 = tpu.vector_load %arg6[%swap3A_636, %swap3A_637] {strides = array<i32>} : memref<1x2080xi32, #tpu.memory_space<vmem>>, vector<16xi32>,
    tpu.vector_store %arg6[%swap3A_636, %swap3A_637], %add3A_634 {strides = array<i32>} : memref<1x2080xi32, #tpu.memory_space<vmem>>, vector<16xi32>,
    %get3A_639 = arith.constant 0 : i32
    %get3A_640 = arith.constant 0 : i32
    %get3A_641 = arith.index_cast %get3A_639 : i32 to index
    %get3A_642 = arith.index_cast %get3A_640 : i32 to index
    %get3A_643 = arith.constant 80 : index
    %get3A_644 = tpu.vector_load %arg5[%get3A_641, %get3A_642, %get3A_643] {strides = array<i32>} : memref<1x2x128xi32, #tpu.memory_space<vmem>>, vector<16xi32>,
    %add3A_645 = arith.addi %get3A_644, %broadcast_in_dim3A_583 : vector<16xi32>
    %swap3A_646 = arith.constant 0 : i32
    %swap3A_647 = arith.index_cast %swap3A_646 : i32 to index
    %swap3A_648 = arith.constant 912 : index
    %swap3A_649 = tpu.vector_load %arg6[%swap3A_647, %swap3A_648] {strides = array<i32>} : memref<1x2080xi32, #tpu.memory_space<vmem>>, vector<16xi32>,
    tpu.vector_store %arg6[%swap3A_647, %swap3A_648], %add3A_645 {strides = array<i32>} : memref<1x2080xi32, #tpu.memory_space<vmem>>, vector<16xi32>,
    %get3A_650 = arith.constant 0 : i32
    %get3A_651 = arith.constant 0 : i32
    %get3A_652 = arith.index_cast %get3A_650 : i32 to index
    %get3A_653 = arith.index_cast %get3A_651 : i32 to index
    %get3A_654 = arith.constant 96 : index
    %get3A_655 = tpu.vector_load %arg5[%get3A_652, %get3A_653, %get3A_654] {strides = array<i32>} : memref<1x2x128xi32, #tpu.memory_space<vmem>>, vector<16xi32>,
    %add3A_656 = arith.addi %get3A_655, %broadcast_in_dim3A_583 : vector<16xi32>
    %swap3A_657 = arith.constant 0 : i32
    %swap3A_658 = arith.index_cast %swap3A_657 : i32 to index
    %swap3A_659 = arith.constant 928 : index
    %swap3A_660 = tpu.vector_load %arg6[%swap3A_658, %swap3A_659] {strides = array<i32>} : memref<1x2080xi32, #tpu.memory_space<vmem>>, vector<16xi32>,
    tpu.vector_store %arg6[%swap3A_658, %swap3A_659], %add3A_656 {strides = array<i32>} : memref<1x2080xi32, #tpu.memory_space<vmem>>, vector<16xi32>,
    %get3A_661 = arith.constant 0 : i32
    %get3A_662 = arith.constant 0 : i32
    %get3A_663 = arith.index_cast %get3A_661 : i32 to index
    %get3A_664 = arith.index_cast %get3A_662 : i32 to index
    %get3A_665 = arith.constant 112 : index
    %get3A_666 = tpu.vector_load %arg5[%get3A_663, %get3A_664, %get3A_665] {strides = array<i32>} : memref<1x2x128xi32, #tpu.memory_space<vmem>>, vector<16xi32>,
    %add3A_667 = arith.addi %get3A_666, %broadcast_in_dim3A_583 : vector<16xi32>
    %swap3A_668 = arith.constant 0 : i32
    %swap3A_669 = arith.index_cast %swap3A_668 : i32 to index
    %swap3A_670 = arith.constant 944 : index
    %swap3A_671 = tpu.vector_load %arg6[%swap3A_669, %swap3A_670] {strides = array<i32>} : memref<1x2080xi32, #tpu.memory_space<vmem>>, vector<16xi32>,
    tpu.vector_store %arg6[%swap3A_669, %swap3A_670], %add3A_667 {strides = array<i32>} : memref<1x2080xi32, #tpu.memory_space<vmem>>, vector<16xi32>,
    %get3A_672 = arith.constant 0 : i32
    %get3A_673 = arith.constant 1 : i32
    %get3A_674 = arith.index_cast %get3A_672 : i32 to index
    %get3A_675 = arith.index_cast %get3A_673 : i32 to index
    %get3A_676 = arith.constant 0 : index
    %get3A_677 = tpu.vector_load %arg5[%get3A_674, %get3A_675, %get3A_676] {strides = array<i32>} : memref<1x2x128xi32, #tpu.memory_space<vmem>>, vector<16xi32>,
    %add3A_678 = arith.addi %get3A_677, %broadcast_in_dim3A_583 : vector<16xi32>
    %swap3A_679 = arith.constant 0 : i32
    %swap3A_680 = arith.index_cast %swap3A_679 : i32 to index
    %swap3A_681 = arith.constant 960 : index
    %swap3A_682 = tpu.vector_load %arg6[%swap3A_680, %swap3A_681] {strides = array<i32>} : memref<1x2080xi32, #tpu.memory_space<vmem>>, vector<16xi32>,
    tpu.vector_store %arg6[%swap3A_680, %swap3A_681], %add3A_678 {strides = array<i32>} : memref<1x2080xi32, #tpu.memory_space<vmem>>, vector<16xi32>,
    %get3A_683 = arith.constant 0 : i32
    %get3A_684 = arith.constant 1 : i32
    %get3A_685 = arith.index_cast %get3A_683 : i32 to index
    %get3A_686 = arith.index_cast %get3A_684 : i32 to index
    %get3A_687 = arith.constant 16 : index
    %get3A_688 = tpu.vector_load %arg5[%get3A_685, %get3A_686, %get3A_687] {strides = array<i32>} : memref<1x2x128xi32, #tpu.memory_space<vmem>>, vector<16xi32>,
    %add3A_689 = arith.addi %get3A_688, %broadcast_in_dim3A_583 : vector<16xi32>
    %swap3A_690 = arith.constant 0 : i32
    %swap3A_691 = arith.index_cast %swap3A_690 : i32 to index
    %swap3A_692 = arith.constant 976 : index
    %swap3A_693 = tpu.vector_load %arg6[%swap3A_691, %swap3A_692] {strides = array<i32>} : memref<1x2080xi32, #tpu.memory_space<vmem>>, vector<16xi32>,
    tpu.vector_store %arg6[%swap3A_691, %swap3A_692], %add3A_689 {strides = array<i32>} : memref<1x2080xi32, #tpu.memory_space<vmem>>, vector<16xi32>,
    %get3A_694 = arith.constant 0 : i32
    %get3A_695 = arith.constant 1 : i32
    %get3A_696 = arith.index_cast %get3A_694 : i32 to index
    %get3A_697 = arith.index_cast %get3A_695 : i32 to index
    %get3A_698 = arith.constant 32 : index
    %get3A_699 = tpu.vector_load %arg5[%get3A_696, %get3A_697, %get3A_698] {strides = array<i32>} : memref<1x2x128xi32, #tpu.memory_space<vmem>>, vector<16xi32>,
    %add3A_700 = arith.addi %get3A_699, %broadcast_in_dim3A_583 : vector<16xi32>
    %swap3A_701 = arith.constant 0 : i32
    %swap3A_702 = arith.index_cast %swap3A_701 : i32 to index
    %swap3A_703 = arith.constant 992 : index
    %swap3A_704 = tpu.vector_load %arg6[%swap3A_702, %swap3A_703] {strides = array<i32>} : memref<1x2080xi32, #tpu.memory_space<vmem>>, vector<16xi32>,
    tpu.vector_store %arg6[%swap3A_702, %swap3A_703], %add3A_700 {strides = array<i32>} : memref<1x2080xi32, #tpu.memory_space<vmem>>, vector<16xi32>,
    %get3A_705 = arith.constant 0 : i32
    %get3A_706 = arith.constant 1 : i32
    %get3A_707 = arith.index_cast %get3A_705 : i32 to index
    %get3A_708 = arith.index_cast %get3A_706 : i32 to index
    %get3A_709 = arith.constant 48 : index
    %get3A_710 = tpu.vector_load %arg5[%get3A_707, %get3A_708, %get3A_709] {strides = array<i32>} : memref<1x2x128xi32, #tpu.memory_space<vmem>>, vector<16xi32>,
    %add3A_711 = arith.addi %get3A_710, %broadcast_in_dim3A_583 : vector<16xi32>
    %swap3A_712 = arith.constant 0 : i32
    %swap3A_713 = arith.index_cast %swap3A_712 : i32 to index
    %swap3A_714 = arith.constant 1008 : index
    %swap3A_715 = tpu.vector_load %arg6[%swap3A_713, %swap3A_714] {strides = array<i32>} : memref<1x2080xi32, #tpu.memory_space<vmem>>, vector<16xi32>,
    tpu.vector_store %arg6[%swap3A_713, %swap3A_714], %add3A_711 {strides = array<i32>} : memref<1x2080xi32, #tpu.memory_space<vmem>>, vector<16xi32>,
    %get3A_716 = arith.constant 0 : i32
    %get3A_717 = arith.constant 1 : i32
    %get3A_718 = arith.index_cast %get3A_716 : i32 to index
    %get3A_719 = arith.index_cast %get3A_717 : i32 to index
    %get3A_720 = arith.constant 64 : index
    %get3A_721 = tpu.vector_load %arg5[%get3A_718, %get3A_719, %get3A_720] {strides = array<i32>} : memref<1x2x128xi32, #tpu.memory_space<vmem>>, vector<16xi32>,
    %add3A_722 = arith.addi %get3A_721, %broadcast_in_dim3A_583 : vector<16xi32>
    %swap3A_723 = arith.constant 0 : i32
    %swap3A_724 = arith.index_cast %swap3A_723 : i32 to index
    %swap3A_725 = arith.constant 1024 : index
    %swap3A_726 = tpu.vector_load %arg6[%swap3A_724, %swap3A_725] {strides = array<i32>} : memref<1x2080xi32, #tpu.memory_space<vmem>>, vector<16xi32>,
    tpu.vector_store %arg6[%swap3A_724, %swap3A_725], %add3A_722 {strides = array<i32>} : memref<1x2080xi32, #tpu.memory_space<vmem>>, vector<16xi32>,
    %broadcast_in_dim3A_727 = arith.constant 1003520 : i32
    %broadcast_in_dim3A_728 = vector.broadcast %broadcast_in_dim3A_727 : i32 to vector<16xi32>
    %get3A_729 = arith.constant 0 : i32
    %get3A_730 = arith.constant 0 : i32
    %get3A_731 = arith.index_cast %get3A_729 : i32 to index
    %get3A_732 = arith.index_cast %get3A_730 : i32 to index
    %get3A_733 = arith.constant 0 : index
    %get3A_734 = tpu.vector_load %arg5[%get3A_731, %get3A_732, %get3A_733] {strides = array<i32>} : memref<1x2x128xi32, #tpu.memory_space<vmem>>, vector<16xi32>,
    %add3A_735 = arith.addi %get3A_734, %broadcast_in_dim3A_728 : vector<16xi32>
    %swap3A_736 = arith.constant 0 : i32
    %swap3A_737 = arith.index_cast %swap3A_736 : i32 to index
    %swap3A_738 = arith.constant 1040 : index
    %swap3A_739 = tpu.vector_load %arg6[%swap3A_737, %swap3A_738] {strides = array<i32>} : memref<1x2080xi32, #tpu.memory_space<vmem>>, vector<16xi32>,
    tpu.vector_store %arg6[%swap3A_737, %swap3A_738], %add3A_735 {strides = array<i32>} : memref<1x2080xi32, #tpu.memory_space<vmem>>, vector<16xi32>,
    %get3A_740 = arith.constant 0 : i32
    %get3A_741 = arith.constant 0 : i32
    %get3A_742 = arith.index_cast %get3A_740 : i32 to index
    %get3A_743 = arith.index_cast %get3A_741 : i32 to index
    %get3A_744 = arith.constant 16 : index
    %get3A_745 = tpu.vector_load %arg5[%get3A_742, %get3A_743, %get3A_744] {strides = array<i32>} : memref<1x2x128xi32, #tpu.memory_space<vmem>>, vector<16xi32>,
    %add3A_746 = arith.addi %get3A_745, %broadcast_in_dim3A_728 : vector<16xi32>
    %swap3A_747 = arith.constant 0 : i32
    %swap3A_748 = arith.index_cast %swap3A_747 : i32 to index
    %swap3A_749 = arith.constant 1056 : index
    %swap3A_750 = tpu.vector_load %arg6[%swap3A_748, %swap3A_749] {strides = array<i32>} : memref<1x2080xi32, #tpu.memory_space<vmem>>, vector<16xi32>,
    tpu.vector_store %arg6[%swap3A_748, %swap3A_749], %add3A_746 {strides = array<i32>} : memref<1x2080xi32, #tpu.memory_space<vmem>>, vector<16xi32>,
    %get3A_751 = arith.constant 0 : i32
    %get3A_752 = arith.constant 0 : i32
    %get3A_753 = arith.index_cast %get3A_751 : i32 to index
    %get3A_754 = arith.index_cast %get3A_752 : i32 to index
    %get3A_755 = arith.constant 32 : index
    %get3A_756 = tpu.vector_load %arg5[%get3A_753, %get3A_754, %get3A_755] {strides = array<i32>} : memref<1x2x128xi32, #tpu.memory_space<vmem>>, vector<16xi32>,
    %add3A_757 = arith.addi %get3A_756, %broadcast_in_dim3A_728 : vector<16xi32>
    %swap3A_758 = arith.constant 0 : i32
    %swap3A_759 = arith.index_cast %swap3A_758 : i32 to index
    %swap3A_760 = arith.constant 1072 : index
    %swap3A_761 = tpu.vector_load %arg6[%swap3A_759, %swap3A_760] {strides = array<i32>} : memref<1x2080xi32, #tpu.memory_space<vmem>>, vector<16xi32>,
    tpu.vector_store %arg6[%swap3A_759, %swap3A_760], %add3A_757 {strides = array<i32>} : memref<1x2080xi32, #tpu.memory_space<vmem>>, vector<16xi32>,
    %get3A_762 = arith.constant 0 : i32
    %get3A_763 = arith.constant 0 : i32
    %get3A_764 = arith.index_cast %get3A_762 : i32 to index
    %get3A_765 = arith.index_cast %get3A_763 : i32 to index
    %get3A_766 = arith.constant 48 : index
    %get3A_767 = tpu.vector_load %arg5[%get3A_764, %get3A_765, %get3A_766] {strides = array<i32>} : memref<1x2x128xi32, #tpu.memory_space<vmem>>, vector<16xi32>,
    %add3A_768 = arith.addi %get3A_767, %broadcast_in_dim3A_728 : vector<16xi32>
    %swap3A_769 = arith.constant 0 : i32
    %swap3A_770 = arith.index_cast %swap3A_769 : i32 to index
    %swap3A_771 = arith.constant 1088 : index
    %swap3A_772 = tpu.vector_load %arg6[%swap3A_770, %swap3A_771] {strides = array<i32>} : memref<1x2080xi32, #tpu.memory_space<vmem>>, vector<16xi32>,
    tpu.vector_store %arg6[%swap3A_770, %swap3A_771], %add3A_768 {strides = array<i32>} : memref<1x2080xi32, #tpu.memory_space<vmem>>, vector<16xi32>,
    %get3A_773 = arith.constant 0 : i32
    %get3A_774 = arith.constant 0 : i32
    %get3A_775 = arith.index_cast %get3A_773 : i32 to index
    %get3A_776 = arith.index_cast %get3A_774 : i32 to index
    %get3A_777 = arith.constant 64 : index
    %get3A_778 = tpu.vector_load %arg5[%get3A_775, %get3A_776, %get3A_777] {strides = array<i32>} : memref<1x2x128xi32, #tpu.memory_space<vmem>>, vector<16xi32>,
    %add3A_779 = arith.addi %get3A_778, %broadcast_in_dim3A_728 : vector<16xi32>
    %swap3A_780 = arith.constant 0 : i32
    %swap3A_781 = arith.index_cast %swap3A_780 : i32 to index
    %swap3A_782 = arith.constant 1104 : index
    %swap3A_783 = tpu.vector_load %arg6[%swap3A_781, %swap3A_782] {strides = array<i32>} : memref<1x2080xi32, #tpu.memory_space<vmem>>, vector<16xi32>,
    tpu.vector_store %arg6[%swap3A_781, %swap3A_782], %add3A_779 {strides = array<i32>} : memref<1x2080xi32, #tpu.memory_space<vmem>>, vector<16xi32>,
    %get3A_784 = arith.constant 0 : i32
    %get3A_785 = arith.constant 0 : i32
    %get3A_786 = arith.index_cast %get3A_784 : i32 to index
    %get3A_787 = arith.index_cast %get3A_785 : i32 to index
    %get3A_788 = arith.constant 80 : index
    %get3A_789 = tpu.vector_load %arg5[%get3A_786, %get3A_787, %get3A_788] {strides = array<i32>} : memref<1x2x128xi32, #tpu.memory_space<vmem>>, vector<16xi32>,
    %add3A_790 = arith.addi %get3A_789, %broadcast_in_dim3A_728 : vector<16xi32>
    %swap3A_791 = arith.constant 0 : i32
    %swap3A_792 = arith.index_cast %swap3A_791 : i32 to index
    %swap3A_793 = arith.constant 1120 : index
    %swap3A_794 = tpu.vector_load %arg6[%swap3A_792, %swap3A_793] {strides = array<i32>} : memref<1x2080xi32, #tpu.memory_space<vmem>>, vector<16xi32>,
    tpu.vector_store %arg6[%swap3A_792, %swap3A_793], %add3A_790 {strides = array<i32>} : memref<1x2080xi32, #tpu.memory_space<vmem>>, vector<16xi32>,
    %get3A_795 = arith.constant 0 : i32
    %get3A_796 = arith.constant 0 : i32
    %get3A_797 = arith.index_cast %get3A_795 : i32 to index
    %get3A_798 = arith.index_cast %get3A_796 : i32 to index
    %get3A_799 = arith.constant 96 : index
    %get3A_800 = tpu.vector_load %arg5[%get3A_797, %get3A_798, %get3A_799] {strides = array<i32>} : memref<1x2x128xi32, #tpu.memory_space<vmem>>, vector<16xi32>,
    %add3A_801 = arith.addi %get3A_800, %broadcast_in_dim3A_728 : vector<16xi32>
    %swap3A_802 = arith.constant 0 : i32
    %swap3A_803 = arith.index_cast %swap3A_802 : i32 to index
    %swap3A_804 = arith.constant 1136 : index
    %swap3A_805 = tpu.vector_load %arg6[%swap3A_803, %swap3A_804] {strides = array<i32>} : memref<1x2080xi32, #tpu.memory_space<vmem>>, vector<16xi32>,
    tpu.vector_store %arg6[%swap3A_803, %swap3A_804], %add3A_801 {strides = array<i32>} : memref<1x2080xi32, #tpu.memory_space<vmem>>, vector<16xi32>,
    %get3A_806 = arith.constant 0 : i32
    %get3A_807 = arith.constant 0 : i32
    %get3A_808 = arith.index_cast %get3A_806 : i32 to index
    %get3A_809 = arith.index_cast %get3A_807 : i32 to index
    %get3A_810 = arith.constant 112 : index
    %get3A_811 = tpu.vector_load %arg5[%get3A_808, %get3A_809, %get3A_810] {strides = array<i32>} : memref<1x2x128xi32, #tpu.memory_space<vmem>>, vector<16xi32>,
    %add3A_812 = arith.addi %get3A_811, %broadcast_in_dim3A_728 : vector<16xi32>
    %swap3A_813 = arith.constant 0 : i32
    %swap3A_814 = arith.index_cast %swap3A_813 : i32 to index
    %swap3A_815 = arith.constant 1152 : index
    %swap3A_816 = tpu.vector_load %arg6[%swap3A_814, %swap3A_815] {strides = array<i32>} : memref<1x2080xi32, #tpu.memory_space<vmem>>, vector<16xi32>,
    tpu.vector_store %arg6[%swap3A_814, %swap3A_815], %add3A_812 {strides = array<i32>} : memref<1x2080xi32, #tpu.memory_space<vmem>>, vector<16xi32>,
    %get3A_817 = arith.constant 0 : i32
    %get3A_818 = arith.constant 1 : i32
    %get3A_819 = arith.index_cast %get3A_817 : i32 to index
    %get3A_820 = arith.index_cast %get3A_818 : i32 to index
    %get3A_821 = arith.constant 0 : index
    %get3A_822 = tpu.vector_load %arg5[%get3A_819, %get3A_820, %get3A_821] {strides = array<i32>} : memref<1x2x128xi32, #tpu.memory_space<vmem>>, vector<16xi32>,
    %add3A_823 = arith.addi %get3A_822, %broadcast_in_dim3A_728 : vector<16xi32>
    %swap3A_824 = arith.constant 0 : i32
    %swap3A_825 = arith.index_cast %swap3A_824 : i32 to index
    %swap3A_826 = arith.constant 1168 : index
    %swap3A_827 = tpu.vector_load %arg6[%swap3A_825, %swap3A_826] {strides = array<i32>} : memref<1x2080xi32, #tpu.memory_space<vmem>>, vector<16xi32>,
    tpu.vector_store %arg6[%swap3A_825, %swap3A_826], %add3A_823 {strides = array<i32>} : memref<1x2080xi32, #tpu.memory_space<vmem>>, vector<16xi32>,
    %get3A_828 = arith.constant 0 : i32
    %get3A_829 = arith.constant 1 : i32
    %get3A_830 = arith.index_cast %get3A_828 : i32 to index
    %get3A_831 = arith.index_cast %get3A_829 : i32 to index
    %get3A_832 = arith.constant 16 : index
    %get3A_833 = tpu.vector_load %arg5[%get3A_830, %get3A_831, %get3A_832] {strides = array<i32>} : memref<1x2x128xi32, #tpu.memory_space<vmem>>, vector<16xi32>,
    %add3A_834 = arith.addi %get3A_833, %broadcast_in_dim3A_728 : vector<16xi32>
    %swap3A_835 = arith.constant 0 : i32
    %swap3A_836 = arith.index_cast %swap3A_835 : i32 to index
    %swap3A_837 = arith.constant 1184 : index
    %swap3A_838 = tpu.vector_load %arg6[%swap3A_836, %swap3A_837] {strides = array<i32>} : memref<1x2080xi32, #tpu.memory_space<vmem>>, vector<16xi32>,
    tpu.vector_store %arg6[%swap3A_836, %swap3A_837], %add3A_834 {strides = array<i32>} : memref<1x2080xi32, #tpu.memory_space<vmem>>, vector<16xi32>,
    %get3A_839 = arith.constant 0 : i32
    %get3A_840 = arith.constant 1 : i32
    %get3A_841 = arith.index_cast %get3A_839 : i32 to index
    %get3A_842 = arith.index_cast %get3A_840 : i32 to index
    %get3A_843 = arith.constant 32 : index
    %get3A_844 = tpu.vector_load %arg5[%get3A_841, %get3A_842, %get3A_843] {strides = array<i32>} : memref<1x2x128xi32, #tpu.memory_space<vmem>>, vector<16xi32>,
    %add3A_845 = arith.addi %get3A_844, %broadcast_in_dim3A_728 : vector<16xi32>
    %swap3A_846 = arith.constant 0 : i32
    %swap3A_847 = arith.index_cast %swap3A_846 : i32 to index
    %swap3A_848 = arith.constant 1200 : index
    %swap3A_849 = tpu.vector_load %arg6[%swap3A_847, %swap3A_848] {strides = array<i32>} : memref<1x2080xi32, #tpu.memory_space<vmem>>, vector<16xi32>,
    tpu.vector_store %arg6[%swap3A_847, %swap3A_848], %add3A_845 {strides = array<i32>} : memref<1x2080xi32, #tpu.memory_space<vmem>>, vector<16xi32>,
    %get3A_850 = arith.constant 0 : i32
    %get3A_851 = arith.constant 1 : i32
    %get3A_852 = arith.index_cast %get3A_850 : i32 to index
    %get3A_853 = arith.index_cast %get3A_851 : i32 to index
    %get3A_854 = arith.constant 48 : index
    %get3A_855 = tpu.vector_load %arg5[%get3A_852, %get3A_853, %get3A_854] {strides = array<i32>} : memref<1x2x128xi32, #tpu.memory_space<vmem>>, vector<16xi32>,
    %add3A_856 = arith.addi %get3A_855, %broadcast_in_dim3A_728 : vector<16xi32>
    %swap3A_857 = arith.constant 0 : i32
    %swap3A_858 = arith.index_cast %swap3A_857 : i32 to index
    %swap3A_859 = arith.constant 1216 : index
    %swap3A_860 = tpu.vector_load %arg6[%swap3A_858, %swap3A_859] {strides = array<i32>} : memref<1x2080xi32, #tpu.memory_space<vmem>>, vector<16xi32>,
    tpu.vector_store %arg6[%swap3A_858, %swap3A_859], %add3A_856 {strides = array<i32>} : memref<1x2080xi32, #tpu.memory_space<vmem>>, vector<16xi32>,
    %get3A_861 = arith.constant 0 : i32
    %get3A_862 = arith.constant 1 : i32
    %get3A_863 = arith.index_cast %get3A_861 : i32 to index
    %get3A_864 = arith.index_cast %get3A_862 : i32 to index
    %get3A_865 = arith.constant 64 : index
    %get3A_866 = tpu.vector_load %arg5[%get3A_863, %get3A_864, %get3A_865] {strides = array<i32>} : memref<1x2x128xi32, #tpu.memory_space<vmem>>, vector<16xi32>,
    %add3A_867 = arith.addi %get3A_866, %broadcast_in_dim3A_728 : vector<16xi32>
    %swap3A_868 = arith.constant 0 : i32
    %swap3A_869 = arith.index_cast %swap3A_868 : i32 to index
    %swap3A_870 = arith.constant 1232 : index
    %swap3A_871 = tpu.vector_load %arg6[%swap3A_869, %swap3A_870] {strides = array<i32>} : memref<1x2080xi32, #tpu.memory_space<vmem>>, vector<16xi32>,
    tpu.vector_store %arg6[%swap3A_869, %swap3A_870], %add3A_867 {strides = array<i32>} : memref<1x2080xi32, #tpu.memory_space<vmem>>, vector<16xi32>,
    %broadcast_in_dim3A_872 = arith.constant 1204224 : i32
    %broadcast_in_dim3A_873 = vector.broadcast %broadcast_in_dim3A_872 : i32 to vector<16xi32>
    %get3A_874 = arith.constant 0 : i32
    %get3A_875 = arith.constant 0 : i32
    %get3A_876 = arith.index_cast %get3A_874 : i32 to index
    %get3A_877 = arith.index_cast %get3A_875 : i32 to index
    %get3A_878 = arith.constant 0 : index
    %get3A_879 = tpu.vector_load %arg5[%get3A_876, %get3A_877, %get3A_878] {strides = array<i32>} : memref<1x2x128xi32, #tpu.memory_space<vmem>>, vector<16xi32>,
    %add3A_880 = arith.addi %get3A_879, %broadcast_in_dim3A_873 : vector<16xi32>
    %swap3A_881 = arith.constant 0 : i32
    %swap3A_882 = arith.index_cast %swap3A_881 : i32 to index
    %swap3A_883 = arith.constant 1248 : index
    %swap3A_884 = tpu.vector_load %arg6[%swap3A_882, %swap3A_883] {strides = array<i32>} : memref<1x2080xi32, #tpu.memory_space<vmem>>, vector<16xi32>,
    tpu.vector_store %arg6[%swap3A_882, %swap3A_883], %add3A_880 {strides = array<i32>} : memref<1x2080xi32, #tpu.memory_space<vmem>>, vector<16xi32>,
    %get3A_885 = arith.constant 0 : i32
    %get3A_886 = arith.constant 0 : i32
    %get3A_887 = arith.index_cast %get3A_885 : i32 to index
    %get3A_888 = arith.index_cast %get3A_886 : i32 to index
    %get3A_889 = arith.constant 16 : index
    %get3A_890 = tpu.vector_load %arg5[%get3A_887, %get3A_888, %get3A_889] {strides = array<i32>} : memref<1x2x128xi32, #tpu.memory_space<vmem>>, vector<16xi32>,
    %add3A_891 = arith.addi %get3A_890, %broadcast_in_dim3A_873 : vector<16xi32>
    %swap3A_892 = arith.constant 0 : i32
    %swap3A_893 = arith.index_cast %swap3A_892 : i32 to index
    %swap3A_894 = arith.constant 1264 : index
    %swap3A_895 = tpu.vector_load %arg6[%swap3A_893, %swap3A_894] {strides = array<i32>} : memref<1x2080xi32, #tpu.memory_space<vmem>>, vector<16xi32>,
    tpu.vector_store %arg6[%swap3A_893, %swap3A_894], %add3A_891 {strides = array<i32>} : memref<1x2080xi32, #tpu.memory_space<vmem>>, vector<16xi32>,
    %get3A_896 = arith.constant 0 : i32
    %get3A_897 = arith.constant 0 : i32
    %get3A_898 = arith.index_cast %get3A_896 : i32 to index
    %get3A_899 = arith.index_cast %get3A_897 : i32 to index
    %get3A_900 = arith.constant 32 : index
    %get3A_901 = tpu.vector_load %arg5[%get3A_898, %get3A_899, %get3A_900] {strides = array<i32>} : memref<1x2x128xi32, #tpu.memory_space<vmem>>, vector<16xi32>,
    %add3A_902 = arith.addi %get3A_901, %broadcast_in_dim3A_873 : vector<16xi32>
    %swap3A_903 = arith.constant 0 : i32
    %swap3A_904 = arith.index_cast %swap3A_903 : i32 to index
    %swap3A_905 = arith.constant 1280 : index
    %swap3A_906 = tpu.vector_load %arg6[%swap3A_904, %swap3A_905] {strides = array<i32>} : memref<1x2080xi32, #tpu.memory_space<vmem>>, vector<16xi32>,
    tpu.vector_store %arg6[%swap3A_904, %swap3A_905], %add3A_902 {strides = array<i32>} : memref<1x2080xi32, #tpu.memory_space<vmem>>, vector<16xi32>,
    %get3A_907 = arith.constant 0 : i32
    %get3A_908 = arith.constant 0 : i32
    %get3A_909 = arith.index_cast %get3A_907 : i32 to index
    %get3A_910 = arith.index_cast %get3A_908 : i32 to index
    %get3A_911 = arith.constant 48 : index
    %get3A_912 = tpu.vector_load %arg5[%get3A_909, %get3A_910, %get3A_911] {strides = array<i32>} : memref<1x2x128xi32, #tpu.memory_space<vmem>>, vector<16xi32>,
    %add3A_913 = arith.addi %get3A_912, %broadcast_in_dim3A_873 : vector<16xi32>
    %swap3A_914 = arith.constant 0 : i32
    %swap3A_915 = arith.index_cast %swap3A_914 : i32 to index
    %swap3A_916 = arith.constant 1296 : index
    %swap3A_917 = tpu.vector_load %arg6[%swap3A_915, %swap3A_916] {strides = array<i32>} : memref<1x2080xi32, #tpu.memory_space<vmem>>, vector<16xi32>,
    tpu.vector_store %arg6[%swap3A_915, %swap3A_916], %add3A_913 {strides = array<i32>} : memref<1x2080xi32, #tpu.memory_space<vmem>>, vector<16xi32>,
    %get3A_918 = arith.constant 0 : i32
    %get3A_919 = arith.constant 0 : i32
    %get3A_920 = arith.index_cast %get3A_918 : i32 to index
    %get3A_921 = arith.index_cast %get3A_919 : i32 to index
    %get3A_922 = arith.constant 64 : index
    %get3A_923 = tpu.vector_load %arg5[%get3A_920, %get3A_921, %get3A_922] {strides = array<i32>} : memref<1x2x128xi32, #tpu.memory_space<vmem>>, vector<16xi32>,
    %add3A_924 = arith.addi %get3A_923, %broadcast_in_dim3A_873 : vector<16xi32>
    %swap3A_925 = arith.constant 0 : i32
    %swap3A_926 = arith.index_cast %swap3A_925 : i32 to index
    %swap3A_927 = arith.constant 1312 : index
    %swap3A_928 = tpu.vector_load %arg6[%swap3A_926, %swap3A_927] {strides = array<i32>} : memref<1x2080xi32, #tpu.memory_space<vmem>>, vector<16xi32>,
    tpu.vector_store %arg6[%swap3A_926, %swap3A_927], %add3A_924 {strides = array<i32>} : memref<1x2080xi32, #tpu.memory_space<vmem>>, vector<16xi32>,
    %get3A_929 = arith.constant 0 : i32
    %get3A_930 = arith.constant 0 : i32
    %get3A_931 = arith.index_cast %get3A_929 : i32 to index
    %get3A_932 = arith.index_cast %get3A_930 : i32 to index
    %get3A_933 = arith.constant 80 : index
    %get3A_934 = tpu.vector_load %arg5[%get3A_931, %get3A_932, %get3A_933] {strides = array<i32>} : memref<1x2x128xi32, #tpu.memory_space<vmem>>, vector<16xi32>,
    %add3A_935 = arith.addi %get3A_934, %broadcast_in_dim3A_873 : vector<16xi32>
    %swap3A_936 = arith.constant 0 : i32
    %swap3A_937 = arith.index_cast %swap3A_936 : i32 to index
    %swap3A_938 = arith.constant 1328 : index
    %swap3A_939 = tpu.vector_load %arg6[%swap3A_937, %swap3A_938] {strides = array<i32>} : memref<1x2080xi32, #tpu.memory_space<vmem>>, vector<16xi32>,
    tpu.vector_store %arg6[%swap3A_937, %swap3A_938], %add3A_935 {strides = array<i32>} : memref<1x2080xi32, #tpu.memory_space<vmem>>, vector<16xi32>,
    %get3A_940 = arith.constant 0 : i32
    %get3A_941 = arith.constant 0 : i32
    %get3A_942 = arith.index_cast %get3A_940 : i32 to index
    %get3A_943 = arith.index_cast %get3A_941 : i32 to index
    %get3A_944 = arith.constant 96 : index
    %get3A_945 = tpu.vector_load %arg5[%get3A_942, %get3A_943, %get3A_944] {strides = array<i32>} : memref<1x2x128xi32, #tpu.memory_space<vmem>>, vector<16xi32>,
    %add3A_946 = arith.addi %get3A_945, %broadcast_in_dim3A_873 : vector<16xi32>
    %swap3A_947 = arith.constant 0 : i32
    %swap3A_948 = arith.index_cast %swap3A_947 : i32 to index
    %swap3A_949 = arith.constant 1344 : index
    %swap3A_950 = tpu.vector_load %arg6[%swap3A_948, %swap3A_949] {strides = array<i32>} : memref<1x2080xi32, #tpu.memory_space<vmem>>, vector<16xi32>,
    tpu.vector_store %arg6[%swap3A_948, %swap3A_949], %add3A_946 {strides = array<i32>} : memref<1x2080xi32, #tpu.memory_space<vmem>>, vector<16xi32>,
    %get3A_951 = arith.constant 0 : i32
    %get3A_952 = arith.constant 0 : i32
    %get3A_953 = arith.index_cast %get3A_951 : i32 to index
    %get3A_954 = arith.index_cast %get3A_952 : i32 to index
    %get3A_955 = arith.constant 112 : index
    %get3A_956 = tpu.vector_load %arg5[%get3A_953, %get3A_954, %get3A_955] {strides = array<i32>} : memref<1x2x128xi32, #tpu.memory_space<vmem>>, vector<16xi32>,
    %add3A_957 = arith.addi %get3A_956, %broadcast_in_dim3A_873 : vector<16xi32>
    %swap3A_958 = arith.constant 0 : i32
    %swap3A_959 = arith.index_cast %swap3A_958 : i32 to index
    %swap3A_960 = arith.constant 1360 : index
    %swap3A_961 = tpu.vector_load %arg6[%swap3A_959, %swap3A_960] {strides = array<i32>} : memref<1x2080xi32, #tpu.memory_space<vmem>>, vector<16xi32>,
    tpu.vector_store %arg6[%swap3A_959, %swap3A_960], %add3A_957 {strides = array<i32>} : memref<1x2080xi32, #tpu.memory_space<vmem>>, vector<16xi32>,
    %get3A_962 = arith.constant 0 : i32
    %get3A_963 = arith.constant 1 : i32
    %get3A_964 = arith.index_cast %get3A_962 : i32 to index
    %get3A_965 = arith.index_cast %get3A_963 : i32 to index
    %get3A_966 = arith.constant 0 : index
    %get3A_967 = tpu.vector_load %arg5[%get3A_964, %get3A_965, %get3A_966] {strides = array<i32>} : memref<1x2x128xi32, #tpu.memory_space<vmem>>, vector<16xi32>,
    %add3A_968 = arith.addi %get3A_967, %broadcast_in_dim3A_873 : vector<16xi32>
    %swap3A_969 = arith.constant 0 : i32
    %swap3A_970 = arith.index_cast %swap3A_969 : i32 to index
    %swap3A_971 = arith.constant 1376 : index
    %swap3A_972 = tpu.vector_load %arg6[%swap3A_970, %swap3A_971] {strides = array<i32>} : memref<1x2080xi32, #tpu.memory_space<vmem>>, vector<16xi32>,
    tpu.vector_store %arg6[%swap3A_970, %swap3A_971], %add3A_968 {strides = array<i32>} : memref<1x2080xi32, #tpu.memory_space<vmem>>, vector<16xi32>,
    %get3A_973 = arith.constant 0 : i32
    %get3A_974 = arith.constant 1 : i32
    %get3A_975 = arith.index_cast %get3A_973 : i32 to index
    %get3A_976 = arith.index_cast %get3A_974 : i32 to index
    %get3A_977 = arith.constant 16 : index
    %get3A_978 = tpu.vector_load %arg5[%get3A_975, %get3A_976, %get3A_977] {strides = array<i32>} : memref<1x2x128xi32, #tpu.memory_space<vmem>>, vector<16xi32>,
    %add3A_979 = arith.addi %get3A_978, %broadcast_in_dim3A_873 : vector<16xi32>
    %swap3A_980 = arith.constant 0 : i32
    %swap3A_981 = arith.index_cast %swap3A_980 : i32 to index
    %swap3A_982 = arith.constant 1392 : index
    %swap3A_983 = tpu.vector_load %arg6[%swap3A_981, %swap3A_982] {strides = array<i32>} : memref<1x2080xi32, #tpu.memory_space<vmem>>, vector<16xi32>,
    tpu.vector_store %arg6[%swap3A_981, %swap3A_982], %add3A_979 {strides = array<i32>} : memref<1x2080xi32, #tpu.memory_space<vmem>>, vector<16xi32>,
    %get3A_984 = arith.constant 0 : i32
    %get3A_985 = arith.constant 1 : i32
    %get3A_986 = arith.index_cast %get3A_984 : i32 to index
    %get3A_987 = arith.index_cast %get3A_985 : i32 to index
    %get3A_988 = arith.constant 32 : index
    %get3A_989 = tpu.vector_load %arg5[%get3A_986, %get3A_987, %get3A_988] {strides = array<i32>} : memref<1x2x128xi32, #tpu.memory_space<vmem>>, vector<16xi32>,
    %add3A_990 = arith.addi %get3A_989, %broadcast_in_dim3A_873 : vector<16xi32>
    %swap3A_991 = arith.constant 0 : i32
    %swap3A_992 = arith.index_cast %swap3A_991 : i32 to index
    %swap3A_993 = arith.constant 1408 : index
    %swap3A_994 = tpu.vector_load %arg6[%swap3A_992, %swap3A_993] {strides = array<i32>} : memref<1x2080xi32, #tpu.memory_space<vmem>>, vector<16xi32>,
    tpu.vector_store %arg6[%swap3A_992, %swap3A_993], %add3A_990 {strides = array<i32>} : memref<1x2080xi32, #tpu.memory_space<vmem>>, vector<16xi32>,
    %get3A_995 = arith.constant 0 : i32
    %get3A_996 = arith.constant 1 : i32
    %get3A_997 = arith.index_cast %get3A_995 : i32 to index
    %get3A_998 = arith.index_cast %get3A_996 : i32 to index
    %get3A_999 = arith.constant 48 : index
    %get3A_1000 = tpu.vector_load %arg5[%get3A_997, %get3A_998, %get3A_999] {strides = array<i32>} : memref<1x2x128xi32, #tpu.memory_space<vmem>>, vector<16xi32>,
    %add3A_1001 = arith.addi %get3A_1000, %broadcast_in_dim3A_873 : vector<16xi32>
    %swap3A_1002 = arith.constant 0 : i32
    %swap3A_1003 = arith.index_cast %swap3A_1002 : i32 to index
    %swap3A_1004 = arith.constant 1424 : index
    %swap3A_1005 = tpu.vector_load %arg6[%swap3A_1003, %swap3A_1004] {strides = array<i32>} : memref<1x2080xi32, #tpu.memory_space<vmem>>, vector<16xi32>,
    tpu.vector_store %arg6[%swap3A_1003, %swap3A_1004], %add3A_1001 {strides = array<i32>} : memref<1x2080xi32, #tpu.memory_space<vmem>>, vector<16xi32>,
    %get3A_1006 = arith.constant 0 : i32
    %get3A_1007 = arith.constant 1 : i32
    %get3A_1008 = arith.index_cast %get3A_1006 : i32 to index
    %get3A_1009 = arith.index_cast %get3A_1007 : i32 to index
    %get3A_1010 = arith.constant 64 : index
    %get3A_1011 = tpu.vector_load %arg5[%get3A_1008, %get3A_1009, %get3A_1010] {strides = array<i32>} : memref<1x2x128xi32, #tpu.memory_space<vmem>>, vector<16xi32>,
    %add3A_1012 = arith.addi %get3A_1011, %broadcast_in_dim3A_873 : vector<16xi32>
    %swap3A_1013 = arith.constant 0 : i32
    %swap3A_1014 = arith.index_cast %swap3A_1013 : i32 to index
    %swap3A_1015 = arith.constant 1440 : index
    %swap3A_1016 = tpu.vector_load %arg6[%swap3A_1014, %swap3A_1015] {strides = array<i32>} : memref<1x2080xi32, #tpu.memory_space<vmem>>, vector<16xi32>,
    tpu.vector_store %arg6[%swap3A_1014, %swap3A_1015], %add3A_1012 {strides = array<i32>} : memref<1x2080xi32, #tpu.memory_space<vmem>>, vector<16xi32>,
    %broadcast_in_dim3A_1017 = arith.constant 1404928 : i32
    %broadcast_in_dim3A_1018 = vector.broadcast %broadcast_in_dim3A_1017 : i32 to vector<16xi32>
    %get3A_1019 = arith.constant 0 : i32
    %get3A_1020 = arith.constant 0 : i32
    %get3A_1021 = arith.index_cast %get3A_1019 : i32 to index
    %get3A_1022 = arith.index_cast %get3A_1020 : i32 to index
    %get3A_1023 = arith.constant 0 : index
    %get3A_1024 = tpu.vector_load %arg5[%get3A_1021, %get3A_1022, %get3A_1023] {strides = array<i32>} : memref<1x2x128xi32, #tpu.memory_space<vmem>>, vector<16xi32>,
    %add3A_1025 = arith.addi %get3A_1024, %broadcast_in_dim3A_1018 : vector<16xi32>
    %swap3A_1026 = arith.constant 0 : i32
    %swap3A_1027 = arith.index_cast %swap3A_1026 : i32 to index
    %swap3A_1028 = arith.constant 1456 : index
    %swap3A_1029 = tpu.vector_load %arg6[%swap3A_1027, %swap3A_1028] {strides = array<i32>} : memref<1x2080xi32, #tpu.memory_space<vmem>>, vector<16xi32>,
    tpu.vector_store %arg6[%swap3A_1027, %swap3A_1028], %add3A_1025 {strides = array<i32>} : memref<1x2080xi32, #tpu.memory_space<vmem>>, vector<16xi32>,
    %get3A_1030 = arith.constant 0 : i32
    %get3A_1031 = arith.constant 0 : i32
    %get3A_1032 = arith.index_cast %get3A_1030 : i32 to index
    %get3A_1033 = arith.index_cast %get3A_1031 : i32 to index
    %get3A_1034 = arith.constant 16 : index
    %get3A_1035 = tpu.vector_load %arg5[%get3A_1032, %get3A_1033, %get3A_1034] {strides = array<i32>} : memref<1x2x128xi32, #tpu.memory_space<vmem>>, vector<16xi32>,
    %add3A_1036 = arith.addi %get3A_1035, %broadcast_in_dim3A_1018 : vector<16xi32>
    %swap3A_1037 = arith.constant 0 : i32
    %swap3A_1038 = arith.index_cast %swap3A_1037 : i32 to index
    %swap3A_1039 = arith.constant 1472 : index
    %swap3A_1040 = tpu.vector_load %arg6[%swap3A_1038, %swap3A_1039] {strides = array<i32>} : memref<1x2080xi32, #tpu.memory_space<vmem>>, vector<16xi32>,
    tpu.vector_store %arg6[%swap3A_1038, %swap3A_1039], %add3A_1036 {strides = array<i32>} : memref<1x2080xi32, #tpu.memory_space<vmem>>, vector<16xi32>,
    %get3A_1041 = arith.constant 0 : i32
    %get3A_1042 = arith.constant 0 : i32
    %get3A_1043 = arith.index_cast %get3A_1041 : i32 to index
    %get3A_1044 = arith.index_cast %get3A_1042 : i32 to index
    %get3A_1045 = arith.constant 32 : index
    %get3A_1046 = tpu.vector_load %arg5[%get3A_1043, %get3A_1044, %get3A_1045] {strides = array<i32>} : memref<1x2x128xi32, #tpu.memory_space<vmem>>, vector<16xi32>,
    %add3A_1047 = arith.addi %get3A_1046, %broadcast_in_dim3A_1018 : vector<16xi32>
    %swap3A_1048 = arith.constant 0 : i32
    %swap3A_1049 = arith.index_cast %swap3A_1048 : i32 to index
    %swap3A_1050 = arith.constant 1488 : index
    %swap3A_1051 = tpu.vector_load %arg6[%swap3A_1049, %swap3A_1050] {strides = array<i32>} : memref<1x2080xi32, #tpu.memory_space<vmem>>, vector<16xi32>,
    tpu.vector_store %arg6[%swap3A_1049, %swap3A_1050], %add3A_1047 {strides = array<i32>} : memref<1x2080xi32, #tpu.memory_space<vmem>>, vector<16xi32>,
    %get3A_1052 = arith.constant 0 : i32
    %get3A_1053 = arith.constant 0 : i32
    %get3A_1054 = arith.index_cast %get3A_1052 : i32 to index
    %get3A_1055 = arith.index_cast %get3A_1053 : i32 to index
    %get3A_1056 = arith.constant 48 : index
    %get3A_1057 = tpu.vector_load %arg5[%get3A_1054, %get3A_1055, %get3A_1056] {strides = array<i32>} : memref<1x2x128xi32, #tpu.memory_space<vmem>>, vector<16xi32>,
    %add3A_1058 = arith.addi %get3A_1057, %broadcast_in_dim3A_1018 : vector<16xi32>
    %swap3A_1059 = arith.constant 0 : i32
    %swap3A_1060 = arith.index_cast %swap3A_1059 : i32 to index
    %swap3A_1061 = arith.constant 1504 : index
    %swap3A_1062 = tpu.vector_load %arg6[%swap3A_1060, %swap3A_1061] {strides = array<i32>} : memref<1x2080xi32, #tpu.memory_space<vmem>>, vector<16xi32>,
    tpu.vector_store %arg6[%swap3A_1060, %swap3A_1061], %add3A_1058 {strides = array<i32>} : memref<1x2080xi32, #tpu.memory_space<vmem>>, vector<16xi32>,
    %get3A_1063 = arith.constant 0 : i32
    %get3A_1064 = arith.constant 0 : i32
    %get3A_1065 = arith.index_cast %get3A_1063 : i32 to index
    %get3A_1066 = arith.index_cast %get3A_1064 : i32 to index
    %get3A_1067 = arith.constant 64 : index
    %get3A_1068 = tpu.vector_load %arg5[%get3A_1065, %get3A_1066, %get3A_1067] {strides = array<i32>} : memref<1x2x128xi32, #tpu.memory_space<vmem>>, vector<16xi32>,
    %add3A_1069 = arith.addi %get3A_1068, %broadcast_in_dim3A_1018 : vector<16xi32>
    %swap3A_1070 = arith.constant 0 : i32
    %swap3A_1071 = arith.index_cast %swap3A_1070 : i32 to index
    %swap3A_1072 = arith.constant 1520 : index
    %swap3A_1073 = tpu.vector_load %arg6[%swap3A_1071, %swap3A_1072] {strides = array<i32>} : memref<1x2080xi32, #tpu.memory_space<vmem>>, vector<16xi32>,
    tpu.vector_store %arg6[%swap3A_1071, %swap3A_1072], %add3A_1069 {strides = array<i32>} : memref<1x2080xi32, #tpu.memory_space<vmem>>, vector<16xi32>,
    %get3A_1074 = arith.constant 0 : i32
    %get3A_1075 = arith.constant 0 : i32
    %get3A_1076 = arith.index_cast %get3A_1074 : i32 to index
    %get3A_1077 = arith.index_cast %get3A_1075 : i32 to index
    %get3A_1078 = arith.constant 80 : index
    %get3A_1079 = tpu.vector_load %arg5[%get3A_1076, %get3A_1077, %get3A_1078] {strides = array<i32>} : memref<1x2x128xi32, #tpu.memory_space<vmem>>, vector<16xi32>,
    %add3A_1080 = arith.addi %get3A_1079, %broadcast_in_dim3A_1018 : vector<16xi32>
    %swap3A_1081 = arith.constant 0 : i32
    %swap3A_1082 = arith.index_cast %swap3A_1081 : i32 to index
    %swap3A_1083 = arith.constant 1536 : index
    %swap3A_1084 = tpu.vector_load %arg6[%swap3A_1082, %swap3A_1083] {strides = array<i32>} : memref<1x2080xi32, #tpu.memory_space<vmem>>, vector<16xi32>,
    tpu.vector_store %arg6[%swap3A_1082, %swap3A_1083], %add3A_1080 {strides = array<i32>} : memref<1x2080xi32, #tpu.memory_space<vmem>>, vector<16xi32>,
    %get3A_1085 = arith.constant 0 : i32
    %get3A_1086 = arith.constant 0 : i32
    %get3A_1087 = arith.index_cast %get3A_1085 : i32 to index
    %get3A_1088 = arith.index_cast %get3A_1086 : i32 to index
    %get3A_1089 = arith.constant 96 : index
    %get3A_1090 = tpu.vector_load %arg5[%get3A_1087, %get3A_1088, %get3A_1089] {strides = array<i32>} : memref<1x2x128xi32, #tpu.memory_space<vmem>>, vector<16xi32>,
    %add3A_1091 = arith.addi %get3A_1090, %broadcast_in_dim3A_1018 : vector<16xi32>
    %swap3A_1092 = arith.constant 0 : i32
    %swap3A_1093 = arith.index_cast %swap3A_1092 : i32 to index
    %swap3A_1094 = arith.constant 1552 : index
    %swap3A_1095 = tpu.vector_load %arg6[%swap3A_1093, %swap3A_1094] {strides = array<i32>} : memref<1x2080xi32, #tpu.memory_space<vmem>>, vector<16xi32>,
    tpu.vector_store %arg6[%swap3A_1093, %swap3A_1094], %add3A_1091 {strides = array<i32>} : memref<1x2080xi32, #tpu.memory_space<vmem>>, vector<16xi32>,
    %get3A_1096 = arith.constant 0 : i32
    %get3A_1097 = arith.constant 0 : i32
    %get3A_1098 = arith.index_cast %get3A_1096 : i32 to index
    %get3A_1099 = arith.index_cast %get3A_1097 : i32 to index
    %get3A_1100 = arith.constant 112 : index
    %get3A_1101 = tpu.vector_load %arg5[%get3A_1098, %get3A_1099, %get3A_1100] {strides = array<i32>} : memref<1x2x128xi32, #tpu.memory_space<vmem>>, vector<16xi32>,
    %add3A_1102 = arith.addi %get3A_1101, %broadcast_in_dim3A_1018 : vector<16xi32>
    %swap3A_1103 = arith.constant 0 : i32
    %swap3A_1104 = arith.index_cast %swap3A_1103 : i32 to index
    %swap3A_1105 = arith.constant 1568 : index
    %swap3A_1106 = tpu.vector_load %arg6[%swap3A_1104, %swap3A_1105] {strides = array<i32>} : memref<1x2080xi32, #tpu.memory_space<vmem>>, vector<16xi32>,
    tpu.vector_store %arg6[%swap3A_1104, %swap3A_1105], %add3A_1102 {strides = array<i32>} : memref<1x2080xi32, #tpu.memory_space<vmem>>, vector<16xi32>,
    %get3A_1107 = arith.constant 0 : i32
    %get3A_1108 = arith.constant 1 : i32
    %get3A_1109 = arith.index_cast %get3A_1107 : i32 to index
    %get3A_1110 = arith.index_cast %get3A_1108 : i32 to index
    %get3A_1111 = arith.constant 0 : index
    %get3A_1112 = tpu.vector_load %arg5[%get3A_1109, %get3A_1110, %get3A_1111] {strides = array<i32>} : memref<1x2x128xi32, #tpu.memory_space<vmem>>, vector<16xi32>,
    %add3A_1113 = arith.addi %get3A_1112, %broadcast_in_dim3A_1018 : vector<16xi32>
    %swap3A_1114 = arith.constant 0 : i32
    %swap3A_1115 = arith.index_cast %swap3A_1114 : i32 to index
    %swap3A_1116 = arith.constant 1584 : index
    %swap3A_1117 = tpu.vector_load %arg6[%swap3A_1115, %swap3A_1116] {strides = array<i32>} : memref<1x2080xi32, #tpu.memory_space<vmem>>, vector<16xi32>,
    tpu.vector_store %arg6[%swap3A_1115, %swap3A_1116], %add3A_1113 {strides = array<i32>} : memref<1x2080xi32, #tpu.memory_space<vmem>>, vector<16xi32>,
    %get3A_1118 = arith.constant 0 : i32
    %get3A_1119 = arith.constant 1 : i32
    %get3A_1120 = arith.index_cast %get3A_1118 : i32 to index
    %get3A_1121 = arith.index_cast %get3A_1119 : i32 to index
    %get3A_1122 = arith.constant 16 : index
    %get3A_1123 = tpu.vector_load %arg5[%get3A_1120, %get3A_1121, %get3A_1122] {strides = array<i32>} : memref<1x2x128xi32, #tpu.memory_space<vmem>>, vector<16xi32>,
    %add3A_1124 = arith.addi %get3A_1123, %broadcast_in_dim3A_1018 : vector<16xi32>
    %swap3A_1125 = arith.constant 0 : i32
    %swap3A_1126 = arith.index_cast %swap3A_1125 : i32 to index
    %swap3A_1127 = arith.constant 1600 : index
    %swap3A_1128 = tpu.vector_load %arg6[%swap3A_1126, %swap3A_1127] {strides = array<i32>} : memref<1x2080xi32, #tpu.memory_space<vmem>>, vector<16xi32>,
    tpu.vector_store %arg6[%swap3A_1126, %swap3A_1127], %add3A_1124 {strides = array<i32>} : memref<1x2080xi32, #tpu.memory_space<vmem>>, vector<16xi32>,
    %get3A_1129 = arith.constant 0 : i32
    %get3A_1130 = arith.constant 1 : i32
    %get3A_1131 = arith.index_cast %get3A_1129 : i32 to index
    %get3A_1132 = arith.index_cast %get3A_1130 : i32 to index
    %get3A_1133 = arith.constant 32 : index
    %get3A_1134 = tpu.vector_load %arg5[%get3A_1131, %get3A_1132, %get3A_1133] {strides = array<i32>} : memref<1x2x128xi32, #tpu.memory_space<vmem>>, vector<16xi32>,
    %add3A_1135 = arith.addi %get3A_1134, %broadcast_in_dim3A_1018 : vector<16xi32>
    %swap3A_1136 = arith.constant 0 : i32
    %swap3A_1137 = arith.index_cast %swap3A_1136 : i32 to index
    %swap3A_1138 = arith.constant 1616 : index
    %swap3A_1139 = tpu.vector_load %arg6[%swap3A_1137, %swap3A_1138] {strides = array<i32>} : memref<1x2080xi32, #tpu.memory_space<vmem>>, vector<16xi32>,
    tpu.vector_store %arg6[%swap3A_1137, %swap3A_1138], %add3A_1135 {strides = array<i32>} : memref<1x2080xi32, #tpu.memory_space<vmem>>, vector<16xi32>,
    %get3A_1140 = arith.constant 0 : i32
    %get3A_1141 = arith.constant 1 : i32
    %get3A_1142 = arith.index_cast %get3A_1140 : i32 to index
    %get3A_1143 = arith.index_cast %get3A_1141 : i32 to index
    %get3A_1144 = arith.constant 48 : index
    %get3A_1145 = tpu.vector_load %arg5[%get3A_1142, %get3A_1143, %get3A_1144] {strides = array<i32>} : memref<1x2x128xi32, #tpu.memory_space<vmem>>, vector<16xi32>,
    %add3A_1146 = arith.addi %get3A_1145, %broadcast_in_dim3A_1018 : vector<16xi32>
    %swap3A_1147 = arith.constant 0 : i32
    %swap3A_1148 = arith.index_cast %swap3A_1147 : i32 to index
    %swap3A_1149 = arith.constant 1632 : index
    %swap3A_1150 = tpu.vector_load %arg6[%swap3A_1148, %swap3A_1149] {strides = array<i32>} : memref<1x2080xi32, #tpu.memory_space<vmem>>, vector<16xi32>,
    tpu.vector_store %arg6[%swap3A_1148, %swap3A_1149], %add3A_1146 {strides = array<i32>} : memref<1x2080xi32, #tpu.memory_space<vmem>>, vector<16xi32>,
    %get3A_1151 = arith.constant 0 : i32
    %get3A_1152 = arith.constant 1 : i32
    %get3A_1153 = arith.index_cast %get3A_1151 : i32 to index
    %get3A_1154 = arith.index_cast %get3A_1152 : i32 to index
    %get3A_1155 = arith.constant 64 : index
    %get3A_1156 = tpu.vector_load %arg5[%get3A_1153, %get3A_1154, %get3A_1155] {strides = array<i32>} : memref<1x2x128xi32, #tpu.memory_space<vmem>>, vector<16xi32>,
    %add3A_1157 = arith.addi %get3A_1156, %broadcast_in_dim3A_1018 : vector<16xi32>
    %swap3A_1158 = arith.constant 0 : i32
    %swap3A_1159 = arith.index_cast %swap3A_1158 : i32 to index
    %swap3A_1160 = arith.constant 1648 : index
    %swap3A_1161 = tpu.vector_load %arg6[%swap3A_1159, %swap3A_1160] {strides = array<i32>} : memref<1x2080xi32, #tpu.memory_space<vmem>>, vector<16xi32>,
    tpu.vector_store %arg6[%swap3A_1159, %swap3A_1160], %add3A_1157 {strides = array<i32>} : memref<1x2080xi32, #tpu.memory_space<vmem>>, vector<16xi32>,
    %broadcast_in_dim3A_1162 = arith.constant 1605632 : i32
    %broadcast_in_dim3A_1163 = vector.broadcast %broadcast_in_dim3A_1162 : i32 to vector<16xi32>
    %get3A_1164 = arith.constant 0 : i32
    %get3A_1165 = arith.constant 0 : i32
    %get3A_1166 = arith.index_cast %get3A_1164 : i32 to index
    %get3A_1167 = arith.index_cast %get3A_1165 : i32 to index
    %get3A_1168 = arith.constant 0 : index
    %get3A_1169 = tpu.vector_load %arg5[%get3A_1166, %get3A_1167, %get3A_1168] {strides = array<i32>} : memref<1x2x128xi32, #tpu.memory_space<vmem>>, vector<16xi32>,
    %add3A_1170 = arith.addi %get3A_1169, %broadcast_in_dim3A_1163 : vector<16xi32>
    %swap3A_1171 = arith.constant 0 : i32
    %swap3A_1172 = arith.index_cast %swap3A_1171 : i32 to index
    %swap3A_1173 = arith.constant 1664 : index
    %swap3A_1174 = tpu.vector_load %arg6[%swap3A_1172, %swap3A_1173] {strides = array<i32>} : memref<1x2080xi32, #tpu.memory_space<vmem>>, vector<16xi32>,
    tpu.vector_store %arg6[%swap3A_1172, %swap3A_1173], %add3A_1170 {strides = array<i32>} : memref<1x2080xi32, #tpu.memory_space<vmem>>, vector<16xi32>,
    %get3A_1175 = arith.constant 0 : i32
    %get3A_1176 = arith.constant 0 : i32
    %get3A_1177 = arith.index_cast %get3A_1175 : i32 to index
    %get3A_1178 = arith.index_cast %get3A_1176 : i32 to index
    %get3A_1179 = arith.constant 16 : index
    %get3A_1180 = tpu.vector_load %arg5[%get3A_1177, %get3A_1178, %get3A_1179] {strides = array<i32>} : memref<1x2x128xi32, #tpu.memory_space<vmem>>, vector<16xi32>,
    %add3A_1181 = arith.addi %get3A_1180, %broadcast_in_dim3A_1163 : vector<16xi32>
    %swap3A_1182 = arith.constant 0 : i32
    %swap3A_1183 = arith.index_cast %swap3A_1182 : i32 to index
    %swap3A_1184 = arith.constant 1680 : index
    %swap3A_1185 = tpu.vector_load %arg6[%swap3A_1183, %swap3A_1184] {strides = array<i32>} : memref<1x2080xi32, #tpu.memory_space<vmem>>, vector<16xi32>,
    tpu.vector_store %arg6[%swap3A_1183, %swap3A_1184], %add3A_1181 {strides = array<i32>} : memref<1x2080xi32, #tpu.memory_space<vmem>>, vector<16xi32>,
    %get3A_1186 = arith.constant 0 : i32
    %get3A_1187 = arith.constant 0 : i32
    %get3A_1188 = arith.index_cast %get3A_1186 : i32 to index
    %get3A_1189 = arith.index_cast %get3A_1187 : i32 to index
    %get3A_1190 = arith.constant 32 : index
    %get3A_1191 = tpu.vector_load %arg5[%get3A_1188, %get3A_1189, %get3A_1190] {strides = array<i32>} : memref<1x2x128xi32, #tpu.memory_space<vmem>>, vector<16xi32>,
    %add3A_1192 = arith.addi %get3A_1191, %broadcast_in_dim3A_1163 : vector<16xi32>
    %swap3A_1193 = arith.constant 0 : i32
    %swap3A_1194 = arith.index_cast %swap3A_1193 : i32 to index
    %swap3A_1195 = arith.constant 1696 : index
    %swap3A_1196 = tpu.vector_load %arg6[%swap3A_1194, %swap3A_1195] {strides = array<i32>} : memref<1x2080xi32, #tpu.memory_space<vmem>>, vector<16xi32>,
    tpu.vector_store %arg6[%swap3A_1194, %swap3A_1195], %add3A_1192 {strides = array<i32>} : memref<1x2080xi32, #tpu.memory_space<vmem>>, vector<16xi32>,
    %get3A_1197 = arith.constant 0 : i32
    %get3A_1198 = arith.constant 0 : i32
    %get3A_1199 = arith.index_cast %get3A_1197 : i32 to index
    %get3A_1200 = arith.index_cast %get3A_1198 : i32 to index
    %get3A_1201 = arith.constant 48 : index
    %get3A_1202 = tpu.vector_load %arg5[%get3A_1199, %get3A_1200, %get3A_1201] {strides = array<i32>} : memref<1x2x128xi32, #tpu.memory_space<vmem>>, vector<16xi32>,
    %add3A_1203 = arith.addi %get3A_1202, %broadcast_in_dim3A_1163 : vector<16xi32>
    %swap3A_1204 = arith.constant 0 : i32
    %swap3A_1205 = arith.index_cast %swap3A_1204 : i32 to index
    %swap3A_1206 = arith.constant 1712 : index
    %swap3A_1207 = tpu.vector_load %arg6[%swap3A_1205, %swap3A_1206] {strides = array<i32>} : memref<1x2080xi32, #tpu.memory_space<vmem>>, vector<16xi32>,
    tpu.vector_store %arg6[%swap3A_1205, %swap3A_1206], %add3A_1203 {strides = array<i32>} : memref<1x2080xi32, #tpu.memory_space<vmem>>, vector<16xi32>,
    %get3A_1208 = arith.constant 0 : i32
    %get3A_1209 = arith.constant 0 : i32
    %get3A_1210 = arith.index_cast %get3A_1208 : i32 to index
    %get3A_1211 = arith.index_cast %get3A_1209 : i32 to index
    %get3A_1212 = arith.constant 64 : index
    %get3A_1213 = tpu.vector_load %arg5[%get3A_1210, %get3A_1211, %get3A_1212] {strides = array<i32>} : memref<1x2x128xi32, #tpu.memory_space<vmem>>, vector<16xi32>,
    %add3A_1214 = arith.addi %get3A_1213, %broadcast_in_dim3A_1163 : vector<16xi32>
    %swap3A_1215 = arith.constant 0 : i32
    %swap3A_1216 = arith.index_cast %swap3A_1215 : i32 to index
    %swap3A_1217 = arith.constant 1728 : index
    %swap3A_1218 = tpu.vector_load %arg6[%swap3A_1216, %swap3A_1217] {strides = array<i32>} : memref<1x2080xi32, #tpu.memory_space<vmem>>, vector<16xi32>,
    tpu.vector_store %arg6[%swap3A_1216, %swap3A_1217], %add3A_1214 {strides = array<i32>} : memref<1x2080xi32, #tpu.memory_space<vmem>>, vector<16xi32>,
    %get3A_1219 = arith.constant 0 : i32
    %get3A_1220 = arith.constant 0 : i32
    %get3A_1221 = arith.index_cast %get3A_1219 : i32 to index
    %get3A_1222 = arith.index_cast %get3A_1220 : i32 to index
    %get3A_1223 = arith.constant 80 : index
    %get3A_1224 = tpu.vector_load %arg5[%get3A_1221, %get3A_1222, %get3A_1223] {strides = array<i32>} : memref<1x2x128xi32, #tpu.memory_space<vmem>>, vector<16xi32>,
    %add3A_1225 = arith.addi %get3A_1224, %broadcast_in_dim3A_1163 : vector<16xi32>
    %swap3A_1226 = arith.constant 0 : i32
    %swap3A_1227 = arith.index_cast %swap3A_1226 : i32 to index
    %swap3A_1228 = arith.constant 1744 : index
    %swap3A_1229 = tpu.vector_load %arg6[%swap3A_1227, %swap3A_1228] {strides = array<i32>} : memref<1x2080xi32, #tpu.memory_space<vmem>>, vector<16xi32>,
    tpu.vector_store %arg6[%swap3A_1227, %swap3A_1228], %add3A_1225 {strides = array<i32>} : memref<1x2080xi32, #tpu.memory_space<vmem>>, vector<16xi32>,
    %get3A_1230 = arith.constant 0 : i32
    %get3A_1231 = arith.constant 0 : i32
    %get3A_1232 = arith.index_cast %get3A_1230 : i32 to index
    %get3A_1233 = arith.index_cast %get3A_1231 : i32 to index
    %get3A_1234 = arith.constant 96 : index
    %get3A_1235 = tpu.vector_load %arg5[%get3A_1232, %get3A_1233, %get3A_1234] {strides = array<i32>} : memref<1x2x128xi32, #tpu.memory_space<vmem>>, vector<16xi32>,
    %add3A_1236 = arith.addi %get3A_1235, %broadcast_in_dim3A_1163 : vector<16xi32>
    %swap3A_1237 = arith.constant 0 : i32
    %swap3A_1238 = arith.index_cast %swap3A_1237 : i32 to index
    %swap3A_1239 = arith.constant 1760 : index
    %swap3A_1240 = tpu.vector_load %arg6[%swap3A_1238, %swap3A_1239] {strides = array<i32>} : memref<1x2080xi32, #tpu.memory_space<vmem>>, vector<16xi32>,
    tpu.vector_store %arg6[%swap3A_1238, %swap3A_1239], %add3A_1236 {strides = array<i32>} : memref<1x2080xi32, #tpu.memory_space<vmem>>, vector<16xi32>,
    %get3A_1241 = arith.constant 0 : i32
    %get3A_1242 = arith.constant 0 : i32
    %get3A_1243 = arith.index_cast %get3A_1241 : i32 to index
    %get3A_1244 = arith.index_cast %get3A_1242 : i32 to index
    %get3A_1245 = arith.constant 112 : index
    %get3A_1246 = tpu.vector_load %arg5[%get3A_1243, %get3A_1244, %get3A_1245] {strides = array<i32>} : memref<1x2x128xi32, #tpu.memory_space<vmem>>, vector<16xi32>,
    %add3A_1247 = arith.addi %get3A_1246, %broadcast_in_dim3A_1163 : vector<16xi32>
    %swap3A_1248 = arith.constant 0 : i32
    %swap3A_1249 = arith.index_cast %swap3A_1248 : i32 to index
    %swap3A_1250 = arith.constant 1776 : index
    %swap3A_1251 = tpu.vector_load %arg6[%swap3A_1249, %swap3A_1250] {strides = array<i32>} : memref<1x2080xi32, #tpu.memory_space<vmem>>, vector<16xi32>,
    tpu.vector_store %arg6[%swap3A_1249, %swap3A_1250], %add3A_1247 {strides = array<i32>} : memref<1x2080xi32, #tpu.memory_space<vmem>>, vector<16xi32>,
    %get3A_1252 = arith.constant 0 : i32
    %get3A_1253 = arith.constant 1 : i32
    %get3A_1254 = arith.index_cast %get3A_1252 : i32 to index
    %get3A_1255 = arith.index_cast %get3A_1253 : i32 to index
    %get3A_1256 = arith.constant 0 : index
    %get3A_1257 = tpu.vector_load %arg5[%get3A_1254, %get3A_1255, %get3A_1256] {strides = array<i32>} : memref<1x2x128xi32, #tpu.memory_space<vmem>>, vector<16xi32>,
    %add3A_1258 = arith.addi %get3A_1257, %broadcast_in_dim3A_1163 : vector<16xi32>
    %swap3A_1259 = arith.constant 0 : i32
    %swap3A_1260 = arith.index_cast %swap3A_1259 : i32 to index
    %swap3A_1261 = arith.constant 1792 : index
    %swap3A_1262 = tpu.vector_load %arg6[%swap3A_1260, %swap3A_1261] {strides = array<i32>} : memref<1x2080xi32, #tpu.memory_space<vmem>>, vector<16xi32>,
    tpu.vector_store %arg6[%swap3A_1260, %swap3A_1261], %add3A_1258 {strides = array<i32>} : memref<1x2080xi32, #tpu.memory_space<vmem>>, vector<16xi32>,
    %get3A_1263 = arith.constant 0 : i32
    %get3A_1264 = arith.constant 1 : i32
    %get3A_1265 = arith.index_cast %get3A_1263 : i32 to index
    %get3A_1266 = arith.index_cast %get3A_1264 : i32 to index
    %get3A_1267 = arith.constant 16 : index
    %get3A_1268 = tpu.vector_load %arg5[%get3A_1265, %get3A_1266, %get3A_1267] {strides = array<i32>} : memref<1x2x128xi32, #tpu.memory_space<vmem>>, vector<16xi32>,
    %add3A_1269 = arith.addi %get3A_1268, %broadcast_in_dim3A_1163 : vector<16xi32>
    %swap3A_1270 = arith.constant 0 : i32
    %swap3A_1271 = arith.index_cast %swap3A_1270 : i32 to index
    %swap3A_1272 = arith.constant 1808 : index
    %swap3A_1273 = tpu.vector_load %arg6[%swap3A_1271, %swap3A_1272] {strides = array<i32>} : memref<1x2080xi32, #tpu.memory_space<vmem>>, vector<16xi32>,
    tpu.vector_store %arg6[%swap3A_1271, %swap3A_1272], %add3A_1269 {strides = array<i32>} : memref<1x2080xi32, #tpu.memory_space<vmem>>, vector<16xi32>,
    %get3A_1274 = arith.constant 0 : i32
    %get3A_1275 = arith.constant 1 : i32
    %get3A_1276 = arith.index_cast %get3A_1274 : i32 to index
    %get3A_1277 = arith.index_cast %get3A_1275 : i32 to index
    %get3A_1278 = arith.constant 32 : index
    %get3A_1279 = tpu.vector_load %arg5[%get3A_1276, %get3A_1277, %get3A_1278] {strides = array<i32>} : memref<1x2x128xi32, #tpu.memory_space<vmem>>, vector<16xi32>,
    %add3A_1280 = arith.addi %get3A_1279, %broadcast_in_dim3A_1163 : vector<16xi32>
    %swap3A_1281 = arith.constant 0 : i32
    %swap3A_1282 = arith.index_cast %swap3A_1281 : i32 to index
    %swap3A_1283 = arith.constant 1824 : index
    %swap3A_1284 = tpu.vector_load %arg6[%swap3A_1282, %swap3A_1283] {strides = array<i32>} : memref<1x2080xi32, #tpu.memory_space<vmem>>, vector<16xi32>,
    tpu.vector_store %arg6[%swap3A_1282, %swap3A_1283], %add3A_1280 {strides = array<i32>} : memref<1x2080xi32, #tpu.memory_space<vmem>>, vector<16xi32>,
    %get3A_1285 = arith.constant 0 : i32
    %get3A_1286 = arith.constant 1 : i32
    %get3A_1287 = arith.index_cast %get3A_1285 : i32 to index
    %get3A_1288 = arith.index_cast %get3A_1286 : i32 to index
    %get3A_1289 = arith.constant 48 : index
    %get3A_1290 = tpu.vector_load %arg5[%get3A_1287, %get3A_1288, %get3A_1289] {strides = array<i32>} : memref<1x2x128xi32, #tpu.memory_space<vmem>>, vector<16xi32>,
    %add3A_1291 = arith.addi %get3A_1290, %broadcast_in_dim3A_1163 : vector<16xi32>
    %swap3A_1292 = arith.constant 0 : i32
    %swap3A_1293 = arith.index_cast %swap3A_1292 : i32 to index
    %swap3A_1294 = arith.constant 1840 : index
    %swap3A_1295 = tpu.vector_load %arg6[%swap3A_1293, %swap3A_1294] {strides = array<i32>} : memref<1x2080xi32, #tpu.memory_space<vmem>>, vector<16xi32>,
    tpu.vector_store %arg6[%swap3A_1293, %swap3A_1294], %add3A_1291 {strides = array<i32>} : memref<1x2080xi32, #tpu.memory_space<vmem>>, vector<16xi32>,
    %get3A_1296 = arith.constant 0 : i32
    %get3A_1297 = arith.constant 1 : i32
    %get3A_1298 = arith.index_cast %get3A_1296 : i32 to index
    %get3A_1299 = arith.index_cast %get3A_1297 : i32 to index
    %get3A_1300 = arith.constant 64 : index
    %get3A_1301 = tpu.vector_load %arg5[%get3A_1298, %get3A_1299, %get3A_1300] {strides = array<i32>} : memref<1x2x128xi32, #tpu.memory_space<vmem>>, vector<16xi32>,
    %add3A_1302 = arith.addi %get3A_1301, %broadcast_in_dim3A_1163 : vector<16xi32>
    %swap3A_1303 = arith.constant 0 : i32
    %swap3A_1304 = arith.index_cast %swap3A_1303 : i32 to index
    %swap3A_1305 = arith.constant 1856 : index
    %swap3A_1306 = tpu.vector_load %arg6[%swap3A_1304, %swap3A_1305] {strides = array<i32>} : memref<1x2080xi32, #tpu.memory_space<vmem>>, vector<16xi32>,
    tpu.vector_store %arg6[%swap3A_1304, %swap3A_1305], %add3A_1302 {strides = array<i32>} : memref<1x2080xi32, #tpu.memory_space<vmem>>, vector<16xi32>,
    %broadcast_in_dim3A_1307 = arith.constant 1806336 : i32
    %broadcast_in_dim3A_1308 = vector.broadcast %broadcast_in_dim3A_1307 : i32 to vector<16xi32>
    %get3A_1309 = arith.constant 0 : i32
    %get3A_1310 = arith.constant 0 : i32
    %get3A_1311 = arith.index_cast %get3A_1309 : i32 to index
    %get3A_1312 = arith.index_cast %get3A_1310 : i32 to index
    %get3A_1313 = arith.constant 0 : index
    %get3A_1314 = tpu.vector_load %arg5[%get3A_1311, %get3A_1312, %get3A_1313] {strides = array<i32>} : memref<1x2x128xi32, #tpu.memory_space<vmem>>, vector<16xi32>,
    %add3A_1315 = arith.addi %get3A_1314, %broadcast_in_dim3A_1308 : vector<16xi32>
    %swap3A_1316 = arith.constant 0 : i32
    %swap3A_1317 = arith.index_cast %swap3A_1316 : i32 to index
    %swap3A_1318 = arith.constant 1872 : index
    %swap3A_1319 = tpu.vector_load %arg6[%swap3A_1317, %swap3A_1318] {strides = array<i32>} : memref<1x2080xi32, #tpu.memory_space<vmem>>, vector<16xi32>,
    tpu.vector_store %arg6[%swap3A_1317, %swap3A_1318], %add3A_1315 {strides = array<i32>} : memref<1x2080xi32, #tpu.memory_space<vmem>>, vector<16xi32>,
    %get3A_1320 = arith.constant 0 : i32
    %get3A_1321 = arith.constant 0 : i32
    %get3A_1322 = arith.index_cast %get3A_1320 : i32 to index
    %get3A_1323 = arith.index_cast %get3A_1321 : i32 to index
    %get3A_1324 = arith.constant 16 : index
    %get3A_1325 = tpu.vector_load %arg5[%get3A_1322, %get3A_1323, %get3A_1324] {strides = array<i32>} : memref<1x2x128xi32, #tpu.memory_space<vmem>>, vector<16xi32>,
    %add3A_1326 = arith.addi %get3A_1325, %broadcast_in_dim3A_1308 : vector<16xi32>
    %swap3A_1327 = arith.constant 0 : i32
    %swap3A_1328 = arith.index_cast %swap3A_1327 : i32 to index
    %swap3A_1329 = arith.constant 1888 : index
    %swap3A_1330 = tpu.vector_load %arg6[%swap3A_1328, %swap3A_1329] {strides = array<i32>} : memref<1x2080xi32, #tpu.memory_space<vmem>>, vector<16xi32>,
    tpu.vector_store %arg6[%swap3A_1328, %swap3A_1329], %add3A_1326 {strides = array<i32>} : memref<1x2080xi32, #tpu.memory_space<vmem>>, vector<16xi32>,
    %get3A_1331 = arith.constant 0 : i32
    %get3A_1332 = arith.constant 0 : i32
    %get3A_1333 = arith.index_cast %get3A_1331 : i32 to index
    %get3A_1334 = arith.index_cast %get3A_1332 : i32 to index
    %get3A_1335 = arith.constant 32 : index
    %get3A_1336 = tpu.vector_load %arg5[%get3A_1333, %get3A_1334, %get3A_1335] {strides = array<i32>} : memref<1x2x128xi32, #tpu.memory_space<vmem>>, vector<16xi32>,
    %add3A_1337 = arith.addi %get3A_1336, %broadcast_in_dim3A_1308 : vector<16xi32>
    %swap3A_1338 = arith.constant 0 : i32
    %swap3A_1339 = arith.index_cast %swap3A_1338 : i32 to index
    %swap3A_1340 = arith.constant 1904 : index
    %swap3A_1341 = tpu.vector_load %arg6[%swap3A_1339, %swap3A_1340] {strides = array<i32>} : memref<1x2080xi32, #tpu.memory_space<vmem>>, vector<16xi32>,
    tpu.vector_store %arg6[%swap3A_1339, %swap3A_1340], %add3A_1337 {strides = array<i32>} : memref<1x2080xi32, #tpu.memory_space<vmem>>, vector<16xi32>,
    %get3A_1342 = arith.constant 0 : i32
    %get3A_1343 = arith.constant 0 : i32
    %get3A_1344 = arith.index_cast %get3A_1342 : i32 to index
    %get3A_1345 = arith.index_cast %get3A_1343 : i32 to index
    %get3A_1346 = arith.constant 48 : index
    %get3A_1347 = tpu.vector_load %arg5[%get3A_1344, %get3A_1345, %get3A_1346] {strides = array<i32>} : memref<1x2x128xi32, #tpu.memory_space<vmem>>, vector<16xi32>,
    %add3A_1348 = arith.addi %get3A_1347, %broadcast_in_dim3A_1308 : vector<16xi32>
    %swap3A_1349 = arith.constant 0 : i32
    %swap3A_1350 = arith.index_cast %swap3A_1349 : i32 to index
    %swap3A_1351 = arith.constant 1920 : index
    %swap3A_1352 = tpu.vector_load %arg6[%swap3A_1350, %swap3A_1351] {strides = array<i32>} : memref<1x2080xi32, #tpu.memory_space<vmem>>, vector<16xi32>,
    tpu.vector_store %arg6[%swap3A_1350, %swap3A_1351], %add3A_1348 {strides = array<i32>} : memref<1x2080xi32, #tpu.memory_space<vmem>>, vector<16xi32>,
    %get3A_1353 = arith.constant 0 : i32
    %get3A_1354 = arith.constant 0 : i32
    %get3A_1355 = arith.index_cast %get3A_1353 : i32 to index
    %get3A_1356 = arith.index_cast %get3A_1354 : i32 to index
    %get3A_1357 = arith.constant 64 : index
    %get3A_1358 = tpu.vector_load %arg5[%get3A_1355, %get3A_1356, %get3A_1357] {strides = array<i32>} : memref<1x2x128xi32, #tpu.memory_space<vmem>>, vector<16xi32>,
    %add3A_1359 = arith.addi %get3A_1358, %broadcast_in_dim3A_1308 : vector<16xi32>
    %swap3A_1360 = arith.constant 0 : i32
    %swap3A_1361 = arith.index_cast %swap3A_1360 : i32 to index
    %swap3A_1362 = arith.constant 1936 : index
    %swap3A_1363 = tpu.vector_load %arg6[%swap3A_1361, %swap3A_1362] {strides = array<i32>} : memref<1x2080xi32, #tpu.memory_space<vmem>>, vector<16xi32>,
    tpu.vector_store %arg6[%swap3A_1361, %swap3A_1362], %add3A_1359 {strides = array<i32>} : memref<1x2080xi32, #tpu.memory_space<vmem>>, vector<16xi32>,
    %get3A_1364 = arith.constant 0 : i32
    %get3A_1365 = arith.constant 0 : i32
    %get3A_1366 = arith.index_cast %get3A_1364 : i32 to index
    %get3A_1367 = arith.index_cast %get3A_1365 : i32 to index
    %get3A_1368 = arith.constant 80 : index
    %get3A_1369 = tpu.vector_load %arg5[%get3A_1366, %get3A_1367, %get3A_1368] {strides = array<i32>} : memref<1x2x128xi32, #tpu.memory_space<vmem>>, vector<16xi32>,
    %add3A_1370 = arith.addi %get3A_1369, %broadcast_in_dim3A_1308 : vector<16xi32>
    %swap3A_1371 = arith.constant 0 : i32
    %swap3A_1372 = arith.index_cast %swap3A_1371 : i32 to index
    %swap3A_1373 = arith.constant 1952 : index
    %swap3A_1374 = tpu.vector_load %arg6[%swap3A_1372, %swap3A_1373] {strides = array<i32>} : memref<1x2080xi32, #tpu.memory_space<vmem>>, vector<16xi32>,
    tpu.vector_store %arg6[%swap3A_1372, %swap3A_1373], %add3A_1370 {strides = array<i32>} : memref<1x2080xi32, #tpu.memory_space<vmem>>, vector<16xi32>,
    %get3A_1375 = arith.constant 0 : i32
    %get3A_1376 = arith.constant 0 : i32
    %get3A_1377 = arith.index_cast %get3A_1375 : i32 to index
    %get3A_1378 = arith.index_cast %get3A_1376 : i32 to index
    %get3A_1379 = arith.constant 96 : index
    %get3A_1380 = tpu.vector_load %arg5[%get3A_1377, %get3A_1378, %get3A_1379] {strides = array<i32>} : memref<1x2x128xi32, #tpu.memory_space<vmem>>, vector<16xi32>,
    %add3A_1381 = arith.addi %get3A_1380, %broadcast_in_dim3A_1308 : vector<16xi32>
    %swap3A_1382 = arith.constant 0 : i32
    %swap3A_1383 = arith.index_cast %swap3A_1382 : i32 to index
    %swap3A_1384 = arith.constant 1968 : index
    %swap3A_1385 = tpu.vector_load %arg6[%swap3A_1383, %swap3A_1384] {strides = array<i32>} : memref<1x2080xi32, #tpu.memory_space<vmem>>, vector<16xi32>,
    tpu.vector_store %arg6[%swap3A_1383, %swap3A_1384], %add3A_1381 {strides = array<i32>} : memref<1x2080xi32, #tpu.memory_space<vmem>>, vector<16xi32>,
    %get3A_1386 = arith.constant 0 : i32
    %get3A_1387 = arith.constant 0 : i32
    %get3A_1388 = arith.index_cast %get3A_1386 : i32 to index
    %get3A_1389 = arith.index_cast %get3A_1387 : i32 to index
    %get3A_1390 = arith.constant 112 : index
    %get3A_1391 = tpu.vector_load %arg5[%get3A_1388, %get3A_1389, %get3A_1390] {strides = array<i32>} : memref<1x2x128xi32, #tpu.memory_space<vmem>>, vector<16xi32>,
    %add3A_1392 = arith.addi %get3A_1391, %broadcast_in_dim3A_1308 : vector<16xi32>
    %swap3A_1393 = arith.constant 0 : i32
    %swap3A_1394 = arith.index_cast %swap3A_1393 : i32 to index
    %swap3A_1395 = arith.constant 1984 : index
    %swap3A_1396 = tpu.vector_load %arg6[%swap3A_1394, %swap3A_1395] {strides = array<i32>} : memref<1x2080xi32, #tpu.memory_space<vmem>>, vector<16xi32>,
    tpu.vector_store %arg6[%swap3A_1394, %swap3A_1395], %add3A_1392 {strides = array<i32>} : memref<1x2080xi32, #tpu.memory_space<vmem>>, vector<16xi32>,
    %get3A_1397 = arith.constant 0 : i32
    %get3A_1398 = arith.constant 1 : i32
    %get3A_1399 = arith.index_cast %get3A_1397 : i32 to index
    %get3A_1400 = arith.index_cast %get3A_1398 : i32 to index
    %get3A_1401 = arith.constant 0 : index
    %get3A_1402 = tpu.vector_load %arg5[%get3A_1399, %get3A_1400, %get3A_1401] {strides = array<i32>} : memref<1x2x128xi32, #tpu.memory_space<vmem>>, vector<16xi32>,
    %add3A_1403 = arith.addi %get3A_1402, %broadcast_in_dim3A_1308 : vector<16xi32>
    %swap3A_1404 = arith.constant 0 : i32
    %swap3A_1405 = arith.index_cast %swap3A_1404 : i32 to index
    %swap3A_1406 = arith.constant 2000 : index
    %swap3A_1407 = tpu.vector_load %arg6[%swap3A_1405, %swap3A_1406] {strides = array<i32>} : memref<1x2080xi32, #tpu.memory_space<vmem>>, vector<16xi32>,
    tpu.vector_store %arg6[%swap3A_1405, %swap3A_1406], %add3A_1403 {strides = array<i32>} : memref<1x2080xi32, #tpu.memory_space<vmem>>, vector<16xi32>,
    %get3A_1408 = arith.constant 0 : i32
    %get3A_1409 = arith.constant 1 : i32
    %get3A_1410 = arith.index_cast %get3A_1408 : i32 to index
    %get3A_1411 = arith.index_cast %get3A_1409 : i32 to index
    %get3A_1412 = arith.constant 16 : index
    %get3A_1413 = tpu.vector_load %arg5[%get3A_1410, %get3A_1411, %get3A_1412] {strides = array<i32>} : memref<1x2x128xi32, #tpu.memory_space<vmem>>, vector<16xi32>,
    %add3A_1414 = arith.addi %get3A_1413, %broadcast_in_dim3A_1308 : vector<16xi32>
    %swap3A_1415 = arith.constant 0 : i32
    %swap3A_1416 = arith.index_cast %swap3A_1415 : i32 to index
    %swap3A_1417 = arith.constant 2016 : index
    %swap3A_1418 = tpu.vector_load %arg6[%swap3A_1416, %swap3A_1417] {strides = array<i32>} : memref<1x2080xi32, #tpu.memory_space<vmem>>, vector<16xi32>,
    tpu.vector_store %arg6[%swap3A_1416, %swap3A_1417], %add3A_1414 {strides = array<i32>} : memref<1x2080xi32, #tpu.memory_space<vmem>>, vector<16xi32>,
    %get3A_1419 = arith.constant 0 : i32
    %get3A_1420 = arith.constant 1 : i32
    %get3A_1421 = arith.index_cast %get3A_1419 : i32 to index
    %get3A_1422 = arith.index_cast %get3A_1420 : i32 to index
    %get3A_1423 = arith.constant 32 : index
    %get3A_1424 = tpu.vector_load %arg5[%get3A_1421, %get3A_1422, %get3A_1423] {strides = array<i32>} : memref<1x2x128xi32, #tpu.memory_space<vmem>>, vector<16xi32>,
    %add3A_1425 = arith.addi %get3A_1424, %broadcast_in_dim3A_1308 : vector<16xi32>
    %swap3A_1426 = arith.constant 0 : i32
    %swap3A_1427 = arith.index_cast %swap3A_1426 : i32 to index
    %swap3A_1428 = arith.constant 2032 : index
    %swap3A_1429 = tpu.vector_load %arg6[%swap3A_1427, %swap3A_1428] {strides = array<i32>} : memref<1x2080xi32, #tpu.memory_space<vmem>>, vector<16xi32>,
    tpu.vector_store %arg6[%swap3A_1427, %swap3A_1428], %add3A_1425 {strides = array<i32>} : memref<1x2080xi32, #tpu.memory_space<vmem>>, vector<16xi32>,
    %get3A_1430 = arith.constant 0 : i32
    %get3A_1431 = arith.constant 1 : i32
    %get3A_1432 = arith.index_cast %get3A_1430 : i32 to index
    %get3A_1433 = arith.index_cast %get3A_1431 : i32 to index
    %get3A_1434 = arith.constant 48 : index
    %get3A_1435 = tpu.vector_load %arg5[%get3A_1432, %get3A_1433, %get3A_1434] {strides = array<i32>} : memref<1x2x128xi32, #tpu.memory_space<vmem>>, vector<16xi32>,
    %add3A_1436 = arith.addi %get3A_1435, %broadcast_in_dim3A_1308 : vector<16xi32>
    %swap3A_1437 = arith.constant 0 : i32
    %swap3A_1438 = arith.index_cast %swap3A_1437 : i32 to index
    %swap3A_1439 = arith.constant 2048 : index
    %swap3A_1440 = tpu.vector_load %arg6[%swap3A_1438, %swap3A_1439] {strides = array<i32>} : memref<1x2080xi32, #tpu.memory_space<vmem>>, vector<16xi32>,
    tpu.vector_store %arg6[%swap3A_1438, %swap3A_1439], %add3A_1436 {strides = array<i32>} : memref<1x2080xi32, #tpu.memory_space<vmem>>, vector<16xi32>,
    %get3A_1441 = arith.constant 0 : i32
    %get3A_1442 = arith.constant 1 : i32
    %get3A_1443 = arith.index_cast %get3A_1441 : i32 to index
    %get3A_1444 = arith.index_cast %get3A_1442 : i32 to index
    %get3A_1445 = arith.constant 64 : index
    %get3A_1446 = tpu.vector_load %arg5[%get3A_1443, %get3A_1444, %get3A_1445] {strides = array<i32>} : memref<1x2x128xi32, #tpu.memory_space<vmem>>, vector<16xi32>,
    %add3A_1447 = arith.addi %get3A_1446, %broadcast_in_dim3A_1308 : vector<16xi32>
    %swap3A_1448 = arith.constant 0 : i32
    %swap3A_1449 = arith.index_cast %swap3A_1448 : i32 to index
    %swap3A_1450 = arith.constant 2064 : index
    %swap3A_1451 = tpu.vector_load %arg6[%swap3A_1449, %swap3A_1450] {strides = array<i32>} : memref<1x2080xi32, #tpu.memory_space<vmem>>, vector<16xi32>,
    tpu.vector_store %arg6[%swap3A_1449, %swap3A_1450], %add3A_1447 {strides = array<i32>} : memref<1x2080xi32, #tpu.memory_space<vmem>>, vector<16xi32>,
    %dma_start3A = arith.constant 0 : i32
    %dma_start3A_1452 = arith.constant 0 : i32
    %dma_start3A_1453 = arith.constant 0 : i32
    %dma_start3A_1454 = tpu.memref_slice %arg7[%dma_start3A_1452, %dma_start3A_1453] : memref<1x2080xf32, #tpu.memory_space<vmem>> -> memref<1x1040xf32, #tpu.memory_space<vmem>>
    %dma_start3A_1455 = tpu.memref_squeeze %dma_start3A_1454 : memref<1x1040xf32, #tpu.memory_space<vmem>> -> memref<1040xf32, #tpu.memory_space<vmem>>
    %dma_start3A_1456 = arith.constant 0 : i32
    %dma_start3A_1457 = tpu.memref_slice %arg6[%dma_start3A, %dma_start3A_1456] : memref<1x2080xi32, #tpu.memory_space<vmem>> -> memref<1x1040xi32, #tpu.memory_space<vmem>>
    %dma_start3A_1458 = tpu.memref_squeeze %dma_start3A_1457 : memref<1x1040xi32, #tpu.memory_space<vmem>> -> memref<1040xi32, #tpu.memory_space<vmem>>
    %dma_start3A_1459 = arith.constant 0 : i32
    %dma_start3A_1460 = tpu.memref_slice %arg3[%dma_start3A_1459] : memref<2007040xf32, #tpu.memory_space<hbm>> -> memref<2007040xf32, #tpu.memory_space<hbm>>
    tpu.enqueue_indirect_dma source(%dma_start3A_1460 : memref<2007040xf32, #tpu.memory_space<hbm>>) target(%dma_start3A_1455 : memref<1040xf32, #tpu.memory_space<vmem>>) offsets(%dma_start3A_1458 : memref<1040xi32, #tpu.memory_space<vmem>>) semaphore(%arg9 : memref<!tpu.dma_semaphore, #tpu.memory_space<semaphore_mem>>)
    %dma_start3A_1461 = arith.constant 0 : i32
    %dma_start3A_1462 = arith.constant 0 : i32
    %dma_start3A_1463 = arith.constant 1040 : i32
    %dma_start3A_1464 = tpu.memref_slice %arg7[%dma_start3A_1462, %dma_start3A_1463] : memref<1x2080xf32, #tpu.memory_space<vmem>> -> memref<1x1040xf32, #tpu.memory_space<vmem>>
    %dma_start3A_1465 = tpu.memref_squeeze %dma_start3A_1464 : memref<1x1040xf32, #tpu.memory_space<vmem>> -> memref<1040xf32, #tpu.memory_space<vmem>>
    %dma_start3A_1466 = arith.constant 1040 : i32
    %dma_start3A_1467 = tpu.memref_slice %arg6[%dma_start3A_1461, %dma_start3A_1466] : memref<1x2080xi32, #tpu.memory_space<vmem>> -> memref<1x1040xi32, #tpu.memory_space<vmem>>
    %dma_start3A_1468 = tpu.memref_squeeze %dma_start3A_1467 : memref<1x1040xi32, #tpu.memory_space<vmem>> -> memref<1040xi32, #tpu.memory_space<vmem>>
    %dma_start3A_1469 = arith.constant 0 : i32
    %dma_start3A_1470 = tpu.memref_slice %arg3[%dma_start3A_1469] : memref<2007040xf32, #tpu.memory_space<hbm>> -> memref<2007040xf32, #tpu.memory_space<hbm>>
    tpu.enqueue_indirect_dma source(%dma_start3A_1470 : memref<2007040xf32, #tpu.memory_space<hbm>>) target(%dma_start3A_1465 : memref<1040xf32, #tpu.memory_space<vmem>>) offsets(%dma_start3A_1468 : memref<1040xi32, #tpu.memory_space<vmem>>) semaphore(%arg9 : memref<!tpu.dma_semaphore, #tpu.memory_space<semaphore_mem>>)
    %mul3A_1471 = arith.constant 1 : i32
    %mul3A_1472 = arith.muli %add3A, %mul3A_1471 : i32
    %add3A_1473 = arith.constant 0 : i32
    %add3A_1474 = arith.addi %mul3A_1472, %add3A_1473 : i32
    %dma_wait3A = arith.constant 0 : i32
    %dma_wait3A_1475 = arith.constant 0 : i32
    %dma_wait3A_1476 = arith.constant 0 : i32
    %dma_wait3A_1477 = tpu.memref_slice %arg7[%dma_wait3A_1475, %dma_wait3A_1476] : memref<1x2080xf32, #tpu.memory_space<vmem>> -> memref<1x1040xf32, #tpu.memory_space<vmem>>
    %dma_wait3A_1478 = tpu.memref_squeeze %dma_wait3A_1477 : memref<1x1040xf32, #tpu.memory_space<vmem>> -> memref<1040xf32, #tpu.memory_space<vmem>>
    %dma_wait3A_1479 = arith.constant 0 : i32
    %dma_wait3A_1480 = tpu.memref_slice %arg6[%dma_wait3A, %dma_wait3A_1479] : memref<1x2080xi32, #tpu.memory_space<vmem>> -> memref<1x1040xi32, #tpu.memory_space<vmem>>
    %dma_wait3A_1481 = tpu.memref_squeeze %dma_wait3A_1480 : memref<1x1040xi32, #tpu.memory_space<vmem>> -> memref<1040xi32, #tpu.memory_space<vmem>>
    %dma_wait3A_1482 = arith.constant 0 : i32
    %dma_wait3A_1483 = tpu.memref_slice %arg3[%dma_wait3A_1482] : memref<2007040xf32, #tpu.memory_space<hbm>> -> memref<2007040xf32, #tpu.memory_space<hbm>>
    tpu.wait_indirect_dma semaphore(%arg9 : memref<!tpu.dma_semaphore, #tpu.memory_space<semaphore_mem>>) src(%dma_wait3A_1483 : memref<2007040xf32, #tpu.memory_space<hbm>>) dst(%dma_wait3A_1478 : memref<1040xf32, #tpu.memory_space<vmem>>)
    %dma_wait3A_1484 = arith.constant 0 : i32
    %dma_wait3A_1485 = arith.constant 0 : i32
    %dma_wait3A_1486 = arith.constant 1040 : i32
    %dma_wait3A_1487 = tpu.memref_slice %arg7[%dma_wait3A_1485, %dma_wait3A_1486] : memref<1x2080xf32, #tpu.memory_space<vmem>> -> memref<1x1040xf32, #tpu.memory_space<vmem>>
    %dma_wait3A_1488 = tpu.memref_squeeze %dma_wait3A_1487 : memref<1x1040xf32, #tpu.memory_space<vmem>> -> memref<1040xf32, #tpu.memory_space<vmem>>
    %dma_wait3A_1489 = arith.constant 1040 : i32
    %dma_wait3A_1490 = tpu.memref_slice %arg6[%dma_wait3A_1484, %dma_wait3A_1489] : memref<1x2080xi32, #tpu.memory_space<vmem>> -> memref<1x1040xi32, #tpu.memory_space<vmem>>
    %dma_wait3A_1491 = tpu.memref_squeeze %dma_wait3A_1490 : memref<1x1040xi32, #tpu.memory_space<vmem>> -> memref<1040xi32, #tpu.memory_space<vmem>>
    %dma_wait3A_1492 = arith.constant 0 : i32
    %dma_wait3A_1493 = tpu.memref_slice %arg3[%dma_wait3A_1492] : memref<2007040xf32, #tpu.memory_space<hbm>> -> memref<2007040xf32, #tpu.memory_space<hbm>>
    tpu.wait_indirect_dma semaphore(%arg9 : memref<!tpu.dma_semaphore, #tpu.memory_space<semaphore_mem>>) src(%dma_wait3A_1493 : memref<2007040xf32, #tpu.memory_space<hbm>>) dst(%dma_wait3A_1488 : memref<1040xf32, #tpu.memory_space<vmem>>)
    %broadcast_in_dim3A_1494 = arith.constant 0.000000e+00 : f32
    %broadcast_in_dim3A_1495 = vector.broadcast %broadcast_in_dim3A_1494 : f32 to vector<16xf32>
    %broadcast_in_dim3A_1496 = arith.constant 0.000000e+00 : f32
    %broadcast_in_dim3A_1497 = vector.broadcast %broadcast_in_dim3A_1496 : f32 to vector<16xf32>
    %broadcast_in_dim3A_1498 = arith.constant 0.000000e+00 : f32
    %broadcast_in_dim3A_1499 = vector.broadcast %broadcast_in_dim3A_1498 : f32 to vector<16xf32>
    %get3A_1500 = arith.constant 0 : i32
    %get3A_1501 = arith.index_cast %get3A_1500 : i32 to index
    %get3A_1502 = arith.constant 0 : index
    %get3A_1503 = tpu.vector_load %arg7[%get3A_1501, %get3A_1502] {strides = array<i32>} : memref<1x2080xf32, #tpu.memory_space<vmem>>, vector<16xf32>,
    %add3A_1504 = arith.addf %broadcast_in_dim3A_1497, %get3A_1503 : vector<16xf32>
    %get3A_1505 = arith.constant 0 : i32
    %get3A_1506 = arith.index_cast %get3A_1505 : i32 to index
    %get3A_1507 = arith.constant 16 : index
    %get3A_1508 = tpu.vector_load %arg7[%get3A_1506, %get3A_1507] {strides = array<i32>} : memref<1x2080xf32, #tpu.memory_space<vmem>>, vector<16xf32>,
    %add3A_1509 = arith.addf %broadcast_in_dim3A_1499, %get3A_1508 : vector<16xf32>
    %get3A_1510 = arith.constant 0 : i32
    %get3A_1511 = arith.index_cast %get3A_1510 : i32 to index
    %get3A_1512 = arith.constant 32 : index
    %get3A_1513 = tpu.vector_load %arg7[%get3A_1511, %get3A_1512] {strides = array<i32>} : memref<1x2080xf32, #tpu.memory_space<vmem>>, vector<16xf32>,
    %add3A_1514 = arith.addf %add3A_1504, %get3A_1513 : vector<16xf32>
    %get3A_1515 = arith.constant 0 : i32
    %get3A_1516 = arith.index_cast %get3A_1515 : i32 to index
    %get3A_1517 = arith.constant 48 : index
    %get3A_1518 = tpu.vector_load %arg7[%get3A_1516, %get3A_1517] {strides = array<i32>} : memref<1x2080xf32, #tpu.memory_space<vmem>>, vector<16xf32>,
    %add3A_1519 = arith.addf %add3A_1509, %get3A_1518 : vector<16xf32>
    %get3A_1520 = arith.constant 0 : i32
    %get3A_1521 = arith.index_cast %get3A_1520 : i32 to index
    %get3A_1522 = arith.constant 64 : index
    %get3A_1523 = tpu.vector_load %arg7[%get3A_1521, %get3A_1522] {strides = array<i32>} : memref<1x2080xf32, #tpu.memory_space<vmem>>, vector<16xf32>,
    %add3A_1524 = arith.addf %add3A_1514, %get3A_1523 : vector<16xf32>
    %get3A_1525 = arith.constant 0 : i32
    %get3A_1526 = arith.index_cast %get3A_1525 : i32 to index
    %get3A_1527 = arith.constant 80 : index
    %get3A_1528 = tpu.vector_load %arg7[%get3A_1526, %get3A_1527] {strides = array<i32>} : memref<1x2080xf32, #tpu.memory_space<vmem>>, vector<16xf32>,
    %add3A_1529 = arith.addf %add3A_1519, %get3A_1528 : vector<16xf32>
    %get3A_1530 = arith.constant 0 : i32
    %get3A_1531 = arith.index_cast %get3A_1530 : i32 to index
    %get3A_1532 = arith.constant 96 : index
    %get3A_1533 = tpu.vector_load %arg7[%get3A_1531, %get3A_1532] {strides = array<i32>} : memref<1x2080xf32, #tpu.memory_space<vmem>>, vector<16xf32>,
    %add3A_1534 = arith.addf %add3A_1524, %get3A_1533 : vector<16xf32>
    %get3A_1535 = arith.constant 0 : i32
    %get3A_1536 = arith.index_cast %get3A_1535 : i32 to index
    %get3A_1537 = arith.constant 112 : index
    %get3A_1538 = tpu.vector_load %arg7[%get3A_1536, %get3A_1537] {strides = array<i32>} : memref<1x2080xf32, #tpu.memory_space<vmem>>, vector<16xf32>,
    %add3A_1539 = arith.addf %add3A_1529, %get3A_1538 : vector<16xf32>
    %get3A_1540 = arith.constant 0 : i32
    %get3A_1541 = arith.index_cast %get3A_1540 : i32 to index
    %get3A_1542 = arith.constant 128 : index
    %get3A_1543 = tpu.vector_load %arg7[%get3A_1541, %get3A_1542] {strides = array<i32>} : memref<1x2080xf32, #tpu.memory_space<vmem>>, vector<16xf32>,
    %add3A_1544 = arith.addf %add3A_1534, %get3A_1543 : vector<16xf32>
    %get3A_1545 = arith.constant 0 : i32
    %get3A_1546 = arith.index_cast %get3A_1545 : i32 to index
    %get3A_1547 = arith.constant 144 : index
    %get3A_1548 = tpu.vector_load %arg7[%get3A_1546, %get3A_1547] {strides = array<i32>} : memref<1x2080xf32, #tpu.memory_space<vmem>>, vector<16xf32>,
    %add3A_1549 = arith.addf %add3A_1539, %get3A_1548 : vector<16xf32>
    %get3A_1550 = arith.constant 0 : i32
    %get3A_1551 = arith.index_cast %get3A_1550 : i32 to index
    %get3A_1552 = arith.constant 160 : index
    %get3A_1553 = tpu.vector_load %arg7[%get3A_1551, %get3A_1552] {strides = array<i32>} : memref<1x2080xf32, #tpu.memory_space<vmem>>, vector<16xf32>,
    %add3A_1554 = arith.addf %add3A_1544, %get3A_1553 : vector<16xf32>
    %get3A_1555 = arith.constant 0 : i32
    %get3A_1556 = arith.index_cast %get3A_1555 : i32 to index
    %get3A_1557 = arith.constant 176 : index
    %get3A_1558 = tpu.vector_load %arg7[%get3A_1556, %get3A_1557] {strides = array<i32>} : memref<1x2080xf32, #tpu.memory_space<vmem>>, vector<16xf32>,
    %add3A_1559 = arith.addf %add3A_1549, %get3A_1558 : vector<16xf32>
    %get3A_1560 = arith.constant 0 : i32
    %get3A_1561 = arith.index_cast %get3A_1560 : i32 to index
    %get3A_1562 = arith.constant 192 : index
    %get3A_1563 = tpu.vector_load %arg7[%get3A_1561, %get3A_1562] {strides = array<i32>} : memref<1x2080xf32, #tpu.memory_space<vmem>>, vector<16xf32>,
    %lt3A = arith.constant 4 : i32
    %lt3A_1564 = vector.broadcast %lt3A : i32 to vector<16xi32>
    %lt3A_1565 = arith.cmpi slt, %iota3A, %lt3A_1564 : vector<16xi32>
    %jit3A = arith.constant 0.000000e+00 : f32
    %broadcast_in_dim3A_1566 = vector.broadcast %jit3A : f32 to vector<16xf32>
    %select_n3A = arith.select %lt3A_1565, %get3A_1563, %broadcast_in_dim3A_1566 : vector<16xi1>, vector<16xf32>
    %add3A_1567 = arith.addf %add3A_1559, %select_n3A : vector<16xf32>
    %add3A_1568 = arith.addf %add3A_1554, %add3A_1567 : vector<16xf32>
    %reduce_sum3A = arith.constant true
    %reduce_sum3A_1569 = vector.broadcast %reduce_sum3A : i1 to vector<16xi1>
    %reduce_sum3A_1570 = tpu.scan <sum>, %add3A_1568 masked %reduce_sum3A_1569 : vector<16xf32>, vector<16xi1> -> vector<16xf32>
    %reduce_sum3A_1571 = vector.extract %reduce_sum3A_1570[15] : f32 from vector<16xf32>
    %eq3A = arith.constant 0 : i32
    %eq3A_1572 = vector.broadcast %eq3A : i32 to vector<16xi32>
    %eq3A_1573 = arith.cmpi eq, %iota3A, %eq3A_1572 : vector<16xi32>
    %jit3A_1574 = arith.constant 0.000000e+00 : f32
    %broadcast_in_dim3A_1575 = vector.broadcast %reduce_sum3A_1571 : f32 to vector<16xf32>
    %broadcast_in_dim3A_1576 = vector.broadcast %jit3A_1574 : f32 to vector<16xf32>
    %select_n3A_1577 = arith.select %eq3A_1573, %broadcast_in_dim3A_1575, %broadcast_in_dim3A_1576 : vector<16xi1>, vector<16xf32>
    %add3A_1578 = arith.addf %broadcast_in_dim3A_1495, %select_n3A_1577 : vector<16xf32>
    %broadcast_in_dim3A_1579 = arith.constant 0.000000e+00 : f32
    %broadcast_in_dim3A_1580 = vector.broadcast %broadcast_in_dim3A_1579 : f32 to vector<16xf32>
    %broadcast_in_dim3A_1581 = arith.constant 0.000000e+00 : f32
    %broadcast_in_dim3A_1582 = vector.broadcast %broadcast_in_dim3A_1581 : f32 to vector<16xf32>
    %get3A_1583 = arith.constant 0 : i32
    %get3A_1584 = arith.index_cast %get3A_1583 : i32 to index
    %get3A_1585 = arith.constant 208 : index
    %get3A_1586 = tpu.vector_load %arg7[%get3A_1584, %get3A_1585] {strides = array<i32>} : memref<1x2080xf32, #tpu.memory_space<vmem>>, vector<16xf32>,
    %add3A_1587 = arith.addf %broadcast_in_dim3A_1580, %get3A_1586 : vector<16xf32>
    %get3A_1588 = arith.constant 0 : i32
    %get3A_1589 = arith.index_cast %get3A_1588 : i32 to index
    %get3A_1590 = arith.constant 224 : index
    %get3A_1591 = tpu.vector_load %arg7[%get3A_1589, %get3A_1590] {strides = array<i32>} : memref<1x2080xf32, #tpu.memory_space<vmem>>, vector<16xf32>,
    %add3A_1592 = arith.addf %broadcast_in_dim3A_1582, %get3A_1591 : vector<16xf32>
    %get3A_1593 = arith.constant 0 : i32
    %get3A_1594 = arith.index_cast %get3A_1593 : i32 to index
    %get3A_1595 = arith.constant 240 : index
    %get3A_1596 = tpu.vector_load %arg7[%get3A_1594, %get3A_1595] {strides = array<i32>} : memref<1x2080xf32, #tpu.memory_space<vmem>>, vector<16xf32>,
    %add3A_1597 = arith.addf %add3A_1587, %get3A_1596 : vector<16xf32>
    %get3A_1598 = arith.constant 0 : i32
    %get3A_1599 = arith.index_cast %get3A_1598 : i32 to index
    %get3A_1600 = arith.constant 256 : index
    %get3A_1601 = tpu.vector_load %arg7[%get3A_1599, %get3A_1600] {strides = array<i32>} : memref<1x2080xf32, #tpu.memory_space<vmem>>, vector<16xf32>,
    %add3A_1602 = arith.addf %add3A_1592, %get3A_1601 : vector<16xf32>
    %get3A_1603 = arith.constant 0 : i32
    %get3A_1604 = arith.index_cast %get3A_1603 : i32 to index
    %get3A_1605 = arith.constant 272 : index
    %get3A_1606 = tpu.vector_load %arg7[%get3A_1604, %get3A_1605] {strides = array<i32>} : memref<1x2080xf32, #tpu.memory_space<vmem>>, vector<16xf32>,
    %add3A_1607 = arith.addf %add3A_1597, %get3A_1606 : vector<16xf32>
    %get3A_1608 = arith.constant 0 : i32
    %get3A_1609 = arith.index_cast %get3A_1608 : i32 to index
    %get3A_1610 = arith.constant 288 : index
    %get3A_1611 = tpu.vector_load %arg7[%get3A_1609, %get3A_1610] {strides = array<i32>} : memref<1x2080xf32, #tpu.memory_space<vmem>>, vector<16xf32>,
    %add3A_1612 = arith.addf %add3A_1602, %get3A_1611 : vector<16xf32>
    %get3A_1613 = arith.constant 0 : i32
    %get3A_1614 = arith.index_cast %get3A_1613 : i32 to index
    %get3A_1615 = arith.constant 304 : index
    %get3A_1616 = tpu.vector_load %arg7[%get3A_1614, %get3A_1615] {strides = array<i32>} : memref<1x2080xf32, #tpu.memory_space<vmem>>, vector<16xf32>,
    %add3A_1617 = arith.addf %add3A_1607, %get3A_1616 : vector<16xf32>
    %get3A_1618 = arith.constant 0 : i32
    %get3A_1619 = arith.index_cast %get3A_1618 : i32 to index
    %get3A_1620 = arith.constant 320 : index
    %get3A_1621 = tpu.vector_load %arg7[%get3A_1619, %get3A_1620] {strides = array<i32>} : memref<1x2080xf32, #tpu.memory_space<vmem>>, vector<16xf32>,
    %add3A_1622 = arith.addf %add3A_1612, %get3A_1621 : vector<16xf32>
    %get3A_1623 = arith.constant 0 : i32
    %get3A_1624 = arith.index_cast %get3A_1623 : i32 to index
    %get3A_1625 = arith.constant 336 : index
    %get3A_1626 = tpu.vector_load %arg7[%get3A_1624, %get3A_1625] {strides = array<i32>} : memref<1x2080xf32, #tpu.memory_space<vmem>>, vector<16xf32>,
    %add3A_1627 = arith.addf %add3A_1617, %get3A_1626 : vector<16xf32>
    %get3A_1628 = arith.constant 0 : i32
    %get3A_1629 = arith.index_cast %get3A_1628 : i32 to index
    %get3A_1630 = arith.constant 352 : index
    %get3A_1631 = tpu.vector_load %arg7[%get3A_1629, %get3A_1630] {strides = array<i32>} : memref<1x2080xf32, #tpu.memory_space<vmem>>, vector<16xf32>,
    %add3A_1632 = arith.addf %add3A_1622, %get3A_1631 : vector<16xf32>
    %get3A_1633 = arith.constant 0 : i32
    %get3A_1634 = arith.index_cast %get3A_1633 : i32 to index
    %get3A_1635 = arith.constant 368 : index
    %get3A_1636 = tpu.vector_load %arg7[%get3A_1634, %get3A_1635] {strides = array<i32>} : memref<1x2080xf32, #tpu.memory_space<vmem>>, vector<16xf32>,
    %add3A_1637 = arith.addf %add3A_1627, %get3A_1636 : vector<16xf32>
    %get3A_1638 = arith.constant 0 : i32
    %get3A_1639 = arith.index_cast %get3A_1638 : i32 to index
    %get3A_1640 = arith.constant 384 : index
    %get3A_1641 = tpu.vector_load %arg7[%get3A_1639, %get3A_1640] {strides = array<i32>} : memref<1x2080xf32, #tpu.memory_space<vmem>>, vector<16xf32>,
    %add3A_1642 = arith.addf %add3A_1632, %get3A_1641 : vector<16xf32>
    %get3A_1643 = arith.constant 0 : i32
    %get3A_1644 = arith.index_cast %get3A_1643 : i32 to index
    %get3A_1645 = arith.constant 400 : index
    %get3A_1646 = tpu.vector_load %arg7[%get3A_1644, %get3A_1645] {strides = array<i32>} : memref<1x2080xf32, #tpu.memory_space<vmem>>, vector<16xf32>,
    %lt3A_1647 = arith.constant 4 : i32
    %lt3A_1648 = vector.broadcast %lt3A_1647 : i32 to vector<16xi32>
    %lt3A_1649 = arith.cmpi slt, %iota3A, %lt3A_1648 : vector<16xi32>
    %jit3A_1650 = arith.constant 0.000000e+00 : f32
    %broadcast_in_dim3A_1651 = vector.broadcast %jit3A_1650 : f32 to vector<16xf32>
    %select_n3A_1652 = arith.select %lt3A_1649, %get3A_1646, %broadcast_in_dim3A_1651 : vector<16xi1>, vector<16xf32>
    %add3A_1653 = arith.addf %add3A_1642, %select_n3A_1652 : vector<16xf32>
    %add3A_1654 = arith.addf %add3A_1637, %add3A_1653 : vector<16xf32>
    %reduce_sum3A_1655 = arith.constant true
    %reduce_sum3A_1656 = vector.broadcast %reduce_sum3A_1655 : i1 to vector<16xi1>
    %reduce_sum3A_1657 = tpu.scan <sum>, %add3A_1654 masked %reduce_sum3A_1656 : vector<16xf32>, vector<16xi1> -> vector<16xf32>
    %reduce_sum3A_1658 = vector.extract %reduce_sum3A_1657[15] : f32 from vector<16xf32>
    %eq3A_1659 = arith.constant 1 : i32
    %eq3A_1660 = vector.broadcast %eq3A_1659 : i32 to vector<16xi32>
    %eq3A_1661 = arith.cmpi eq, %iota3A, %eq3A_1660 : vector<16xi32>
    %jit3A_1662 = arith.constant 0.000000e+00 : f32
    %broadcast_in_dim3A_1663 = vector.broadcast %reduce_sum3A_1658 : f32 to vector<16xf32>
    %broadcast_in_dim3A_1664 = vector.broadcast %jit3A_1662 : f32 to vector<16xf32>
    %select_n3A_1665 = arith.select %eq3A_1661, %broadcast_in_dim3A_1663, %broadcast_in_dim3A_1664 : vector<16xi1>, vector<16xf32>
    %add3A_1666 = arith.addf %add3A_1578, %select_n3A_1665 : vector<16xf32>
    %broadcast_in_dim3A_1667 = arith.constant 0.000000e+00 : f32
    %broadcast_in_dim3A_1668 = vector.broadcast %broadcast_in_dim3A_1667 : f32 to vector<16xf32>
    %broadcast_in_dim3A_1669 = arith.constant 0.000000e+00 : f32
    %broadcast_in_dim3A_1670 = vector.broadcast %broadcast_in_dim3A_1669 : f32 to vector<16xf32>
    %get3A_1671 = arith.constant 0 : i32
    %get3A_1672 = arith.index_cast %get3A_1671 : i32 to index
    %get3A_1673 = arith.constant 416 : index
    %get3A_1674 = tpu.vector_load %arg7[%get3A_1672, %get3A_1673] {strides = array<i32>} : memref<1x2080xf32, #tpu.memory_space<vmem>>, vector<16xf32>,
    %add3A_1675 = arith.addf %broadcast_in_dim3A_1668, %get3A_1674 : vector<16xf32>
    %get3A_1676 = arith.constant 0 : i32
    %get3A_1677 = arith.index_cast %get3A_1676 : i32 to index
    %get3A_1678 = arith.constant 432 : index
    %get3A_1679 = tpu.vector_load %arg7[%get3A_1677, %get3A_1678] {strides = array<i32>} : memref<1x2080xf32, #tpu.memory_space<vmem>>, vector<16xf32>,
    %add3A_1680 = arith.addf %broadcast_in_dim3A_1670, %get3A_1679 : vector<16xf32>
    %get3A_1681 = arith.constant 0 : i32
    %get3A_1682 = arith.index_cast %get3A_1681 : i32 to index
    %get3A_1683 = arith.constant 448 : index
    %get3A_1684 = tpu.vector_load %arg7[%get3A_1682, %get3A_1683] {strides = array<i32>} : memref<1x2080xf32, #tpu.memory_space<vmem>>, vector<16xf32>,
    %add3A_1685 = arith.addf %add3A_1675, %get3A_1684 : vector<16xf32>
    %get3A_1686 = arith.constant 0 : i32
    %get3A_1687 = arith.index_cast %get3A_1686 : i32 to index
    %get3A_1688 = arith.constant 464 : index
    %get3A_1689 = tpu.vector_load %arg7[%get3A_1687, %get3A_1688] {strides = array<i32>} : memref<1x2080xf32, #tpu.memory_space<vmem>>, vector<16xf32>,
    %add3A_1690 = arith.addf %add3A_1680, %get3A_1689 : vector<16xf32>
    %get3A_1691 = arith.constant 0 : i32
    %get3A_1692 = arith.index_cast %get3A_1691 : i32 to index
    %get3A_1693 = arith.constant 480 : index
    %get3A_1694 = tpu.vector_load %arg7[%get3A_1692, %get3A_1693] {strides = array<i32>} : memref<1x2080xf32, #tpu.memory_space<vmem>>, vector<16xf32>,
    %add3A_1695 = arith.addf %add3A_1685, %get3A_1694 : vector<16xf32>
    %get3A_1696 = arith.constant 0 : i32
    %get3A_1697 = arith.index_cast %get3A_1696 : i32 to index
    %get3A_1698 = arith.constant 496 : index
    %get3A_1699 = tpu.vector_load %arg7[%get3A_1697, %get3A_1698] {strides = array<i32>} : memref<1x2080xf32, #tpu.memory_space<vmem>>, vector<16xf32>,
    %add3A_1700 = arith.addf %add3A_1690, %get3A_1699 : vector<16xf32>
    %get3A_1701 = arith.constant 0 : i32
    %get3A_1702 = arith.index_cast %get3A_1701 : i32 to index
    %get3A_1703 = arith.constant 512 : index
    %get3A_1704 = tpu.vector_load %arg7[%get3A_1702, %get3A_1703] {strides = array<i32>} : memref<1x2080xf32, #tpu.memory_space<vmem>>, vector<16xf32>,
    %add3A_1705 = arith.addf %add3A_1695, %get3A_1704 : vector<16xf32>
    %get3A_1706 = arith.constant 0 : i32
    %get3A_1707 = arith.index_cast %get3A_1706 : i32 to index
    %get3A_1708 = arith.constant 528 : index
    %get3A_1709 = tpu.vector_load %arg7[%get3A_1707, %get3A_1708] {strides = array<i32>} : memref<1x2080xf32, #tpu.memory_space<vmem>>, vector<16xf32>,
    %add3A_1710 = arith.addf %add3A_1700, %get3A_1709 : vector<16xf32>
    %get3A_1711 = arith.constant 0 : i32
    %get3A_1712 = arith.index_cast %get3A_1711 : i32 to index
    %get3A_1713 = arith.constant 544 : index
    %get3A_1714 = tpu.vector_load %arg7[%get3A_1712, %get3A_1713] {strides = array<i32>} : memref<1x2080xf32, #tpu.memory_space<vmem>>, vector<16xf32>,
    %add3A_1715 = arith.addf %add3A_1705, %get3A_1714 : vector<16xf32>
    %get3A_1716 = arith.constant 0 : i32
    %get3A_1717 = arith.index_cast %get3A_1716 : i32 to index
    %get3A_1718 = arith.constant 560 : index
    %get3A_1719 = tpu.vector_load %arg7[%get3A_1717, %get3A_1718] {strides = array<i32>} : memref<1x2080xf32, #tpu.memory_space<vmem>>, vector<16xf32>,
    %add3A_1720 = arith.addf %add3A_1710, %get3A_1719 : vector<16xf32>
    %get3A_1721 = arith.constant 0 : i32
    %get3A_1722 = arith.index_cast %get3A_1721 : i32 to index
    %get3A_1723 = arith.constant 576 : index
    %get3A_1724 = tpu.vector_load %arg7[%get3A_1722, %get3A_1723] {strides = array<i32>} : memref<1x2080xf32, #tpu.memory_space<vmem>>, vector<16xf32>,
    %add3A_1725 = arith.addf %add3A_1715, %get3A_1724 : vector<16xf32>
    %get3A_1726 = arith.constant 0 : i32
    %get3A_1727 = arith.index_cast %get3A_1726 : i32 to index
    %get3A_1728 = arith.constant 592 : index
    %get3A_1729 = tpu.vector_load %arg7[%get3A_1727, %get3A_1728] {strides = array<i32>} : memref<1x2080xf32, #tpu.memory_space<vmem>>, vector<16xf32>,
    %add3A_1730 = arith.addf %add3A_1720, %get3A_1729 : vector<16xf32>
    %get3A_1731 = arith.constant 0 : i32
    %get3A_1732 = arith.index_cast %get3A_1731 : i32 to index
    %get3A_1733 = arith.constant 608 : index
    %get3A_1734 = tpu.vector_load %arg7[%get3A_1732, %get3A_1733] {strides = array<i32>} : memref<1x2080xf32, #tpu.memory_space<vmem>>, vector<16xf32>,
    %lt3A_1735 = arith.constant 4 : i32
    %lt3A_1736 = vector.broadcast %lt3A_1735 : i32 to vector<16xi32>
    %lt3A_1737 = arith.cmpi slt, %iota3A, %lt3A_1736 : vector<16xi32>
    %jit3A_1738 = arith.constant 0.000000e+00 : f32
    %broadcast_in_dim3A_1739 = vector.broadcast %jit3A_1738 : f32 to vector<16xf32>
    %select_n3A_1740 = arith.select %lt3A_1737, %get3A_1734, %broadcast_in_dim3A_1739 : vector<16xi1>, vector<16xf32>
    %add3A_1741 = arith.addf %add3A_1730, %select_n3A_1740 : vector<16xf32>
    %add3A_1742 = arith.addf %add3A_1725, %add3A_1741 : vector<16xf32>
    %reduce_sum3A_1743 = arith.constant true
    %reduce_sum3A_1744 = vector.broadcast %reduce_sum3A_1743 : i1 to vector<16xi1>
    %reduce_sum3A_1745 = tpu.scan <sum>, %add3A_1742 masked %reduce_sum3A_1744 : vector<16xf32>, vector<16xi1> -> vector<16xf32>
    %reduce_sum3A_1746 = vector.extract %reduce_sum3A_1745[15] : f32 from vector<16xf32>
    %eq3A_1747 = arith.constant 2 : i32
    %eq3A_1748 = vector.broadcast %eq3A_1747 : i32 to vector<16xi32>
    %eq3A_1749 = arith.cmpi eq, %iota3A, %eq3A_1748 : vector<16xi32>
    %jit3A_1750 = arith.constant 0.000000e+00 : f32
    %broadcast_in_dim3A_1751 = vector.broadcast %reduce_sum3A_1746 : f32 to vector<16xf32>
    %broadcast_in_dim3A_1752 = vector.broadcast %jit3A_1750 : f32 to vector<16xf32>
    %select_n3A_1753 = arith.select %eq3A_1749, %broadcast_in_dim3A_1751, %broadcast_in_dim3A_1752 : vector<16xi1>, vector<16xf32>
    %add3A_1754 = arith.addf %add3A_1666, %select_n3A_1753 : vector<16xf32>
    %broadcast_in_dim3A_1755 = arith.constant 0.000000e+00 : f32
    %broadcast_in_dim3A_1756 = vector.broadcast %broadcast_in_dim3A_1755 : f32 to vector<16xf32>
    %broadcast_in_dim3A_1757 = arith.constant 0.000000e+00 : f32
    %broadcast_in_dim3A_1758 = vector.broadcast %broadcast_in_dim3A_1757 : f32 to vector<16xf32>
    %get3A_1759 = arith.constant 0 : i32
    %get3A_1760 = arith.index_cast %get3A_1759 : i32 to index
    %get3A_1761 = arith.constant 624 : index
    %get3A_1762 = tpu.vector_load %arg7[%get3A_1760, %get3A_1761] {strides = array<i32>} : memref<1x2080xf32, #tpu.memory_space<vmem>>, vector<16xf32>,
    %add3A_1763 = arith.addf %broadcast_in_dim3A_1756, %get3A_1762 : vector<16xf32>
    %get3A_1764 = arith.constant 0 : i32
    %get3A_1765 = arith.index_cast %get3A_1764 : i32 to index
    %get3A_1766 = arith.constant 640 : index
    %get3A_1767 = tpu.vector_load %arg7[%get3A_1765, %get3A_1766] {strides = array<i32>} : memref<1x2080xf32, #tpu.memory_space<vmem>>, vector<16xf32>,
    %add3A_1768 = arith.addf %broadcast_in_dim3A_1758, %get3A_1767 : vector<16xf32>
    %get3A_1769 = arith.constant 0 : i32
    %get3A_1770 = arith.index_cast %get3A_1769 : i32 to index
    %get3A_1771 = arith.constant 656 : index
    %get3A_1772 = tpu.vector_load %arg7[%get3A_1770, %get3A_1771] {strides = array<i32>} : memref<1x2080xf32, #tpu.memory_space<vmem>>, vector<16xf32>,
    %add3A_1773 = arith.addf %add3A_1763, %get3A_1772 : vector<16xf32>
    %get3A_1774 = arith.constant 0 : i32
    %get3A_1775 = arith.index_cast %get3A_1774 : i32 to index
    %get3A_1776 = arith.constant 672 : index
    %get3A_1777 = tpu.vector_load %arg7[%get3A_1775, %get3A_1776] {strides = array<i32>} : memref<1x2080xf32, #tpu.memory_space<vmem>>, vector<16xf32>,
    %add3A_1778 = arith.addf %add3A_1768, %get3A_1777 : vector<16xf32>
    %get3A_1779 = arith.constant 0 : i32
    %get3A_1780 = arith.index_cast %get3A_1779 : i32 to index
    %get3A_1781 = arith.constant 688 : index
    %get3A_1782 = tpu.vector_load %arg7[%get3A_1780, %get3A_1781] {strides = array<i32>} : memref<1x2080xf32, #tpu.memory_space<vmem>>, vector<16xf32>,
    %add3A_1783 = arith.addf %add3A_1773, %get3A_1782 : vector<16xf32>
    %get3A_1784 = arith.constant 0 : i32
    %get3A_1785 = arith.index_cast %get3A_1784 : i32 to index
    %get3A_1786 = arith.constant 704 : index
    %get3A_1787 = tpu.vector_load %arg7[%get3A_1785, %get3A_1786] {strides = array<i32>} : memref<1x2080xf32, #tpu.memory_space<vmem>>, vector<16xf32>,
    %add3A_1788 = arith.addf %add3A_1778, %get3A_1787 : vector<16xf32>
    %get3A_1789 = arith.constant 0 : i32
    %get3A_1790 = arith.index_cast %get3A_1789 : i32 to index
    %get3A_1791 = arith.constant 720 : index
    %get3A_1792 = tpu.vector_load %arg7[%get3A_1790, %get3A_1791] {strides = array<i32>} : memref<1x2080xf32, #tpu.memory_space<vmem>>, vector<16xf32>,
    %add3A_1793 = arith.addf %add3A_1783, %get3A_1792 : vector<16xf32>
    %get3A_1794 = arith.constant 0 : i32
    %get3A_1795 = arith.index_cast %get3A_1794 : i32 to index
    %get3A_1796 = arith.constant 736 : index
    %get3A_1797 = tpu.vector_load %arg7[%get3A_1795, %get3A_1796] {strides = array<i32>} : memref<1x2080xf32, #tpu.memory_space<vmem>>, vector<16xf32>,
    %add3A_1798 = arith.addf %add3A_1788, %get3A_1797 : vector<16xf32>
    %get3A_1799 = arith.constant 0 : i32
    %get3A_1800 = arith.index_cast %get3A_1799 : i32 to index
    %get3A_1801 = arith.constant 752 : index
    %get3A_1802 = tpu.vector_load %arg7[%get3A_1800, %get3A_1801] {strides = array<i32>} : memref<1x2080xf32, #tpu.memory_space<vmem>>, vector<16xf32>,
    %add3A_1803 = arith.addf %add3A_1793, %get3A_1802 : vector<16xf32>
    %get3A_1804 = arith.constant 0 : i32
    %get3A_1805 = arith.index_cast %get3A_1804 : i32 to index
    %get3A_1806 = arith.constant 768 : index
    %get3A_1807 = tpu.vector_load %arg7[%get3A_1805, %get3A_1806] {strides = array<i32>} : memref<1x2080xf32, #tpu.memory_space<vmem>>, vector<16xf32>,
    %add3A_1808 = arith.addf %add3A_1798, %get3A_1807 : vector<16xf32>
    %get3A_1809 = arith.constant 0 : i32
    %get3A_1810 = arith.index_cast %get3A_1809 : i32 to index
    %get3A_1811 = arith.constant 784 : index
    %get3A_1812 = tpu.vector_load %arg7[%get3A_1810, %get3A_1811] {strides = array<i32>} : memref<1x2080xf32, #tpu.memory_space<vmem>>, vector<16xf32>,
    %add3A_1813 = arith.addf %add3A_1803, %get3A_1812 : vector<16xf32>
    %get3A_1814 = arith.constant 0 : i32
    %get3A_1815 = arith.index_cast %get3A_1814 : i32 to index
    %get3A_1816 = arith.constant 800 : index
    %get3A_1817 = tpu.vector_load %arg7[%get3A_1815, %get3A_1816] {strides = array<i32>} : memref<1x2080xf32, #tpu.memory_space<vmem>>, vector<16xf32>,
    %add3A_1818 = arith.addf %add3A_1808, %get3A_1817 : vector<16xf32>
    %get3A_1819 = arith.constant 0 : i32
    %get3A_1820 = arith.index_cast %get3A_1819 : i32 to index
    %get3A_1821 = arith.constant 816 : index
    %get3A_1822 = tpu.vector_load %arg7[%get3A_1820, %get3A_1821] {strides = array<i32>} : memref<1x2080xf32, #tpu.memory_space<vmem>>, vector<16xf32>,
    %lt3A_1823 = arith.constant 4 : i32
    %lt3A_1824 = vector.broadcast %lt3A_1823 : i32 to vector<16xi32>
    %lt3A_1825 = arith.cmpi slt, %iota3A, %lt3A_1824 : vector<16xi32>
    %jit3A_1826 = arith.constant 0.000000e+00 : f32
    %broadcast_in_dim3A_1827 = vector.broadcast %jit3A_1826 : f32 to vector<16xf32>
    %select_n3A_1828 = arith.select %lt3A_1825, %get3A_1822, %broadcast_in_dim3A_1827 : vector<16xi1>, vector<16xf32>
    %add3A_1829 = arith.addf %add3A_1818, %select_n3A_1828 : vector<16xf32>
    %add3A_1830 = arith.addf %add3A_1813, %add3A_1829 : vector<16xf32>
    %reduce_sum3A_1831 = arith.constant true
    %reduce_sum3A_1832 = vector.broadcast %reduce_sum3A_1831 : i1 to vector<16xi1>
    %reduce_sum3A_1833 = tpu.scan <sum>, %add3A_1830 masked %reduce_sum3A_1832 : vector<16xf32>, vector<16xi1> -> vector<16xf32>
    %reduce_sum3A_1834 = vector.extract %reduce_sum3A_1833[15] : f32 from vector<16xf32>
    %eq3A_1835 = arith.constant 3 : i32
    %eq3A_1836 = vector.broadcast %eq3A_1835 : i32 to vector<16xi32>
    %eq3A_1837 = arith.cmpi eq, %iota3A, %eq3A_1836 : vector<16xi32>
    %jit3A_1838 = arith.constant 0.000000e+00 : f32
    %broadcast_in_dim3A_1839 = vector.broadcast %reduce_sum3A_1834 : f32 to vector<16xf32>
    %broadcast_in_dim3A_1840 = vector.broadcast %jit3A_1838 : f32 to vector<16xf32>
    %select_n3A_1841 = arith.select %eq3A_1837, %broadcast_in_dim3A_1839, %broadcast_in_dim3A_1840 : vector<16xi1>, vector<16xf32>
    %add3A_1842 = arith.addf %add3A_1754, %select_n3A_1841 : vector<16xf32>
    %broadcast_in_dim3A_1843 = arith.constant 0.000000e+00 : f32
    %broadcast_in_dim3A_1844 = vector.broadcast %broadcast_in_dim3A_1843 : f32 to vector<16xf32>
    %broadcast_in_dim3A_1845 = arith.constant 0.000000e+00 : f32
    %broadcast_in_dim3A_1846 = vector.broadcast %broadcast_in_dim3A_1845 : f32 to vector<16xf32>
    %get3A_1847 = arith.constant 0 : i32
    %get3A_1848 = arith.index_cast %get3A_1847 : i32 to index
    %get3A_1849 = arith.constant 832 : index
    %get3A_1850 = tpu.vector_load %arg7[%get3A_1848, %get3A_1849] {strides = array<i32>} : memref<1x2080xf32, #tpu.memory_space<vmem>>, vector<16xf32>,
    %add3A_1851 = arith.addf %broadcast_in_dim3A_1844, %get3A_1850 : vector<16xf32>
    %get3A_1852 = arith.constant 0 : i32
    %get3A_1853 = arith.index_cast %get3A_1852 : i32 to index
    %get3A_1854 = arith.constant 848 : index
    %get3A_1855 = tpu.vector_load %arg7[%get3A_1853, %get3A_1854] {strides = array<i32>} : memref<1x2080xf32, #tpu.memory_space<vmem>>, vector<16xf32>,
    %add3A_1856 = arith.addf %broadcast_in_dim3A_1846, %get3A_1855 : vector<16xf32>
    %get3A_1857 = arith.constant 0 : i32
    %get3A_1858 = arith.index_cast %get3A_1857 : i32 to index
    %get3A_1859 = arith.constant 864 : index
    %get3A_1860 = tpu.vector_load %arg7[%get3A_1858, %get3A_1859] {strides = array<i32>} : memref<1x2080xf32, #tpu.memory_space<vmem>>, vector<16xf32>,
    %add3A_1861 = arith.addf %add3A_1851, %get3A_1860 : vector<16xf32>
    %get3A_1862 = arith.constant 0 : i32
    %get3A_1863 = arith.index_cast %get3A_1862 : i32 to index
    %get3A_1864 = arith.constant 880 : index
    %get3A_1865 = tpu.vector_load %arg7[%get3A_1863, %get3A_1864] {strides = array<i32>} : memref<1x2080xf32, #tpu.memory_space<vmem>>, vector<16xf32>,
    %add3A_1866 = arith.addf %add3A_1856, %get3A_1865 : vector<16xf32>
    %get3A_1867 = arith.constant 0 : i32
    %get3A_1868 = arith.index_cast %get3A_1867 : i32 to index
    %get3A_1869 = arith.constant 896 : index
    %get3A_1870 = tpu.vector_load %arg7[%get3A_1868, %get3A_1869] {strides = array<i32>} : memref<1x2080xf32, #tpu.memory_space<vmem>>, vector<16xf32>,
    %add3A_1871 = arith.addf %add3A_1861, %get3A_1870 : vector<16xf32>
    %get3A_1872 = arith.constant 0 : i32
    %get3A_1873 = arith.index_cast %get3A_1872 : i32 to index
    %get3A_1874 = arith.constant 912 : index
    %get3A_1875 = tpu.vector_load %arg7[%get3A_1873, %get3A_1874] {strides = array<i32>} : memref<1x2080xf32, #tpu.memory_space<vmem>>, vector<16xf32>,
    %add3A_1876 = arith.addf %add3A_1866, %get3A_1875 : vector<16xf32>
    %get3A_1877 = arith.constant 0 : i32
    %get3A_1878 = arith.index_cast %get3A_1877 : i32 to index
    %get3A_1879 = arith.constant 928 : index
    %get3A_1880 = tpu.vector_load %arg7[%get3A_1878, %get3A_1879] {strides = array<i32>} : memref<1x2080xf32, #tpu.memory_space<vmem>>, vector<16xf32>,
    %add3A_1881 = arith.addf %add3A_1871, %get3A_1880 : vector<16xf32>
    %get3A_1882 = arith.constant 0 : i32
    %get3A_1883 = arith.index_cast %get3A_1882 : i32 to index
    %get3A_1884 = arith.constant 944 : index
    %get3A_1885 = tpu.vector_load %arg7[%get3A_1883, %get3A_1884] {strides = array<i32>} : memref<1x2080xf32, #tpu.memory_space<vmem>>, vector<16xf32>,
    %add3A_1886 = arith.addf %add3A_1876, %get3A_1885 : vector<16xf32>
    %get3A_1887 = arith.constant 0 : i32
    %get3A_1888 = arith.index_cast %get3A_1887 : i32 to index
    %get3A_1889 = arith.constant 960 : index
    %get3A_1890 = tpu.vector_load %arg7[%get3A_1888, %get3A_1889] {strides = array<i32>} : memref<1x2080xf32, #tpu.memory_space<vmem>>, vector<16xf32>,
    %add3A_1891 = arith.addf %add3A_1881, %get3A_1890 : vector<16xf32>
    %get3A_1892 = arith.constant 0 : i32
    %get3A_1893 = arith.index_cast %get3A_1892 : i32 to index
    %get3A_1894 = arith.constant 976 : index
    %get3A_1895 = tpu.vector_load %arg7[%get3A_1893, %get3A_1894] {strides = array<i32>} : memref<1x2080xf32, #tpu.memory_space<vmem>>, vector<16xf32>,
    %add3A_1896 = arith.addf %add3A_1886, %get3A_1895 : vector<16xf32>
    %get3A_1897 = arith.constant 0 : i32
    %get3A_1898 = arith.index_cast %get3A_1897 : i32 to index
    %get3A_1899 = arith.constant 992 : index
    %get3A_1900 = tpu.vector_load %arg7[%get3A_1898, %get3A_1899] {strides = array<i32>} : memref<1x2080xf32, #tpu.memory_space<vmem>>, vector<16xf32>,
    %add3A_1901 = arith.addf %add3A_1891, %get3A_1900 : vector<16xf32>
    %get3A_1902 = arith.constant 0 : i32
    %get3A_1903 = arith.index_cast %get3A_1902 : i32 to index
    %get3A_1904 = arith.constant 1008 : index
    %get3A_1905 = tpu.vector_load %arg7[%get3A_1903, %get3A_1904] {strides = array<i32>} : memref<1x2080xf32, #tpu.memory_space<vmem>>, vector<16xf32>,
    %add3A_1906 = arith.addf %add3A_1896, %get3A_1905 : vector<16xf32>
    %get3A_1907 = arith.constant 0 : i32
    %get3A_1908 = arith.index_cast %get3A_1907 : i32 to index
    %get3A_1909 = arith.constant 1024 : index
    %get3A_1910 = tpu.vector_load %arg7[%get3A_1908, %get3A_1909] {strides = array<i32>} : memref<1x2080xf32, #tpu.memory_space<vmem>>, vector<16xf32>,
    %lt3A_1911 = arith.constant 4 : i32
    %lt3A_1912 = vector.broadcast %lt3A_1911 : i32 to vector<16xi32>
    %lt3A_1913 = arith.cmpi slt, %iota3A, %lt3A_1912 : vector<16xi32>
    %jit3A_1914 = arith.constant 0.000000e+00 : f32
    %broadcast_in_dim3A_1915 = vector.broadcast %jit3A_1914 : f32 to vector<16xf32>
    %select_n3A_1916 = arith.select %lt3A_1913, %get3A_1910, %broadcast_in_dim3A_1915 : vector<16xi1>, vector<16xf32>
    %add3A_1917 = arith.addf %add3A_1906, %select_n3A_1916 : vector<16xf32>
    %add3A_1918 = arith.addf %add3A_1901, %add3A_1917 : vector<16xf32>
    %reduce_sum3A_1919 = arith.constant true
    %reduce_sum3A_1920 = vector.broadcast %reduce_sum3A_1919 : i1 to vector<16xi1>
    %reduce_sum3A_1921 = tpu.scan <sum>, %add3A_1918 masked %reduce_sum3A_1920 : vector<16xf32>, vector<16xi1> -> vector<16xf32>
    %reduce_sum3A_1922 = vector.extract %reduce_sum3A_1921[15] : f32 from vector<16xf32>
    %eq3A_1923 = arith.constant 4 : i32
    %eq3A_1924 = vector.broadcast %eq3A_1923 : i32 to vector<16xi32>
    %eq3A_1925 = arith.cmpi eq, %iota3A, %eq3A_1924 : vector<16xi32>
    %jit3A_1926 = arith.constant 0.000000e+00 : f32
    %broadcast_in_dim3A_1927 = vector.broadcast %reduce_sum3A_1922 : f32 to vector<16xf32>
    %broadcast_in_dim3A_1928 = vector.broadcast %jit3A_1926 : f32 to vector<16xf32>
    %select_n3A_1929 = arith.select %eq3A_1925, %broadcast_in_dim3A_1927, %broadcast_in_dim3A_1928 : vector<16xi1>, vector<16xf32>
    %add3A_1930 = arith.addf %add3A_1842, %select_n3A_1929 : vector<16xf32>
    %broadcast_in_dim3A_1931 = arith.constant 0.000000e+00 : f32
    %broadcast_in_dim3A_1932 = vector.broadcast %broadcast_in_dim3A_1931 : f32 to vector<16xf32>
    %broadcast_in_dim3A_1933 = arith.constant 0.000000e+00 : f32
    %broadcast_in_dim3A_1934 = vector.broadcast %broadcast_in_dim3A_1933 : f32 to vector<16xf32>
    %get3A_1935 = arith.constant 0 : i32
    %get3A_1936 = arith.index_cast %get3A_1935 : i32 to index
    %get3A_1937 = arith.constant 1040 : index
    %get3A_1938 = tpu.vector_load %arg7[%get3A_1936, %get3A_1937] {strides = array<i32>} : memref<1x2080xf32, #tpu.memory_space<vmem>>, vector<16xf32>,
    %add3A_1939 = arith.addf %broadcast_in_dim3A_1932, %get3A_1938 : vector<16xf32>
    %get3A_1940 = arith.constant 0 : i32
    %get3A_1941 = arith.index_cast %get3A_1940 : i32 to index
    %get3A_1942 = arith.constant 1056 : index
    %get3A_1943 = tpu.vector_load %arg7[%get3A_1941, %get3A_1942] {strides = array<i32>} : memref<1x2080xf32, #tpu.memory_space<vmem>>, vector<16xf32>,
    %add3A_1944 = arith.addf %broadcast_in_dim3A_1934, %get3A_1943 : vector<16xf32>
    %get3A_1945 = arith.constant 0 : i32
    %get3A_1946 = arith.index_cast %get3A_1945 : i32 to index
    %get3A_1947 = arith.constant 1072 : index
    %get3A_1948 = tpu.vector_load %arg7[%get3A_1946, %get3A_1947] {strides = array<i32>} : memref<1x2080xf32, #tpu.memory_space<vmem>>, vector<16xf32>,
    %add3A_1949 = arith.addf %add3A_1939, %get3A_1948 : vector<16xf32>
    %get3A_1950 = arith.constant 0 : i32
    %get3A_1951 = arith.index_cast %get3A_1950 : i32 to index
    %get3A_1952 = arith.constant 1088 : index
    %get3A_1953 = tpu.vector_load %arg7[%get3A_1951, %get3A_1952] {strides = array<i32>} : memref<1x2080xf32, #tpu.memory_space<vmem>>, vector<16xf32>,
    %add3A_1954 = arith.addf %add3A_1944, %get3A_1953 : vector<16xf32>
    %get3A_1955 = arith.constant 0 : i32
    %get3A_1956 = arith.index_cast %get3A_1955 : i32 to index
    %get3A_1957 = arith.constant 1104 : index
    %get3A_1958 = tpu.vector_load %arg7[%get3A_1956, %get3A_1957] {strides = array<i32>} : memref<1x2080xf32, #tpu.memory_space<vmem>>, vector<16xf32>,
    %add3A_1959 = arith.addf %add3A_1949, %get3A_1958 : vector<16xf32>
    %get3A_1960 = arith.constant 0 : i32
    %get3A_1961 = arith.index_cast %get3A_1960 : i32 to index
    %get3A_1962 = arith.constant 1120 : index
    %get3A_1963 = tpu.vector_load %arg7[%get3A_1961, %get3A_1962] {strides = array<i32>} : memref<1x2080xf32, #tpu.memory_space<vmem>>, vector<16xf32>,
    %add3A_1964 = arith.addf %add3A_1954, %get3A_1963 : vector<16xf32>
    %get3A_1965 = arith.constant 0 : i32
    %get3A_1966 = arith.index_cast %get3A_1965 : i32 to index
    %get3A_1967 = arith.constant 1136 : index
    %get3A_1968 = tpu.vector_load %arg7[%get3A_1966, %get3A_1967] {strides = array<i32>} : memref<1x2080xf32, #tpu.memory_space<vmem>>, vector<16xf32>,
    %add3A_1969 = arith.addf %add3A_1959, %get3A_1968 : vector<16xf32>
    %get3A_1970 = arith.constant 0 : i32
    %get3A_1971 = arith.index_cast %get3A_1970 : i32 to index
    %get3A_1972 = arith.constant 1152 : index
    %get3A_1973 = tpu.vector_load %arg7[%get3A_1971, %get3A_1972] {strides = array<i32>} : memref<1x2080xf32, #tpu.memory_space<vmem>>, vector<16xf32>,
    %add3A_1974 = arith.addf %add3A_1964, %get3A_1973 : vector<16xf32>
    %get3A_1975 = arith.constant 0 : i32
    %get3A_1976 = arith.index_cast %get3A_1975 : i32 to index
    %get3A_1977 = arith.constant 1168 : index
    %get3A_1978 = tpu.vector_load %arg7[%get3A_1976, %get3A_1977] {strides = array<i32>} : memref<1x2080xf32, #tpu.memory_space<vmem>>, vector<16xf32>,
    %add3A_1979 = arith.addf %add3A_1969, %get3A_1978 : vector<16xf32>
    %get3A_1980 = arith.constant 0 : i32
    %get3A_1981 = arith.index_cast %get3A_1980 : i32 to index
    %get3A_1982 = arith.constant 1184 : index
    %get3A_1983 = tpu.vector_load %arg7[%get3A_1981, %get3A_1982] {strides = array<i32>} : memref<1x2080xf32, #tpu.memory_space<vmem>>, vector<16xf32>,
    %add3A_1984 = arith.addf %add3A_1974, %get3A_1983 : vector<16xf32>
    %get3A_1985 = arith.constant 0 : i32
    %get3A_1986 = arith.index_cast %get3A_1985 : i32 to index
    %get3A_1987 = arith.constant 1200 : index
    %get3A_1988 = tpu.vector_load %arg7[%get3A_1986, %get3A_1987] {strides = array<i32>} : memref<1x2080xf32, #tpu.memory_space<vmem>>, vector<16xf32>,
    %add3A_1989 = arith.addf %add3A_1979, %get3A_1988 : vector<16xf32>
    %get3A_1990 = arith.constant 0 : i32
    %get3A_1991 = arith.index_cast %get3A_1990 : i32 to index
    %get3A_1992 = arith.constant 1216 : index
    %get3A_1993 = tpu.vector_load %arg7[%get3A_1991, %get3A_1992] {strides = array<i32>} : memref<1x2080xf32, #tpu.memory_space<vmem>>, vector<16xf32>,
    %add3A_1994 = arith.addf %add3A_1984, %get3A_1993 : vector<16xf32>
    %get3A_1995 = arith.constant 0 : i32
    %get3A_1996 = arith.index_cast %get3A_1995 : i32 to index
    %get3A_1997 = arith.constant 1232 : index
    %get3A_1998 = tpu.vector_load %arg7[%get3A_1996, %get3A_1997] {strides = array<i32>} : memref<1x2080xf32, #tpu.memory_space<vmem>>, vector<16xf32>,
    %lt3A_1999 = arith.constant 4 : i32
    %lt3A_2000 = vector.broadcast %lt3A_1999 : i32 to vector<16xi32>
    %lt3A_2001 = arith.cmpi slt, %iota3A, %lt3A_2000 : vector<16xi32>
    %jit3A_2002 = arith.constant 0.000000e+00 : f32
    %broadcast_in_dim3A_2003 = vector.broadcast %jit3A_2002 : f32 to vector<16xf32>
    %select_n3A_2004 = arith.select %lt3A_2001, %get3A_1998, %broadcast_in_dim3A_2003 : vector<16xi1>, vector<16xf32>
    %add3A_2005 = arith.addf %add3A_1994, %select_n3A_2004 : vector<16xf32>
    %add3A_2006 = arith.addf %add3A_1989, %add3A_2005 : vector<16xf32>
    %reduce_sum3A_2007 = arith.constant true
    %reduce_sum3A_2008 = vector.broadcast %reduce_sum3A_2007 : i1 to vector<16xi1>
    %reduce_sum3A_2009 = tpu.scan <sum>, %add3A_2006 masked %reduce_sum3A_2008 : vector<16xf32>, vector<16xi1> -> vector<16xf32>
    %reduce_sum3A_2010 = vector.extract %reduce_sum3A_2009[15] : f32 from vector<16xf32>
    %eq3A_2011 = arith.constant 5 : i32
    %eq3A_2012 = vector.broadcast %eq3A_2011 : i32 to vector<16xi32>
    %eq3A_2013 = arith.cmpi eq, %iota3A, %eq3A_2012 : vector<16xi32>
    %jit3A_2014 = arith.constant 0.000000e+00 : f32
    %broadcast_in_dim3A_2015 = vector.broadcast %reduce_sum3A_2010 : f32 to vector<16xf32>
    %broadcast_in_dim3A_2016 = vector.broadcast %jit3A_2014 : f32 to vector<16xf32>
    %select_n3A_2017 = arith.select %eq3A_2013, %broadcast_in_dim3A_2015, %broadcast_in_dim3A_2016 : vector<16xi1>, vector<16xf32>
    %add3A_2018 = arith.addf %add3A_1930, %select_n3A_2017 : vector<16xf32>
    %broadcast_in_dim3A_2019 = arith.constant 0.000000e+00 : f32
    %broadcast_in_dim3A_2020 = vector.broadcast %broadcast_in_dim3A_2019 : f32 to vector<16xf32>
    %broadcast_in_dim3A_2021 = arith.constant 0.000000e+00 : f32
    %broadcast_in_dim3A_2022 = vector.broadcast %broadcast_in_dim3A_2021 : f32 to vector<16xf32>
    %get3A_2023 = arith.constant 0 : i32
    %get3A_2024 = arith.index_cast %get3A_2023 : i32 to index
    %get3A_2025 = arith.constant 1248 : index
    %get3A_2026 = tpu.vector_load %arg7[%get3A_2024, %get3A_2025] {strides = array<i32>} : memref<1x2080xf32, #tpu.memory_space<vmem>>, vector<16xf32>,
    %add3A_2027 = arith.addf %broadcast_in_dim3A_2020, %get3A_2026 : vector<16xf32>
    %get3A_2028 = arith.constant 0 : i32
    %get3A_2029 = arith.index_cast %get3A_2028 : i32 to index
    %get3A_2030 = arith.constant 1264 : index
    %get3A_2031 = tpu.vector_load %arg7[%get3A_2029, %get3A_2030] {strides = array<i32>} : memref<1x2080xf32, #tpu.memory_space<vmem>>, vector<16xf32>,
    %add3A_2032 = arith.addf %broadcast_in_dim3A_2022, %get3A_2031 : vector<16xf32>
    %get3A_2033 = arith.constant 0 : i32
    %get3A_2034 = arith.index_cast %get3A_2033 : i32 to index
    %get3A_2035 = arith.constant 1280 : index
    %get3A_2036 = tpu.vector_load %arg7[%get3A_2034, %get3A_2035] {strides = array<i32>} : memref<1x2080xf32, #tpu.memory_space<vmem>>, vector<16xf32>,
    %add3A_2037 = arith.addf %add3A_2027, %get3A_2036 : vector<16xf32>
    %get3A_2038 = arith.constant 0 : i32
    %get3A_2039 = arith.index_cast %get3A_2038 : i32 to index
    %get3A_2040 = arith.constant 1296 : index
    %get3A_2041 = tpu.vector_load %arg7[%get3A_2039, %get3A_2040] {strides = array<i32>} : memref<1x2080xf32, #tpu.memory_space<vmem>>, vector<16xf32>,
    %add3A_2042 = arith.addf %add3A_2032, %get3A_2041 : vector<16xf32>
    %get3A_2043 = arith.constant 0 : i32
    %get3A_2044 = arith.index_cast %get3A_2043 : i32 to index
    %get3A_2045 = arith.constant 1312 : index
    %get3A_2046 = tpu.vector_load %arg7[%get3A_2044, %get3A_2045] {strides = array<i32>} : memref<1x2080xf32, #tpu.memory_space<vmem>>, vector<16xf32>,
    %add3A_2047 = arith.addf %add3A_2037, %get3A_2046 : vector<16xf32>
    %get3A_2048 = arith.constant 0 : i32
    %get3A_2049 = arith.index_cast %get3A_2048 : i32 to index
    %get3A_2050 = arith.constant 1328 : index
    %get3A_2051 = tpu.vector_load %arg7[%get3A_2049, %get3A_2050] {strides = array<i32>} : memref<1x2080xf32, #tpu.memory_space<vmem>>, vector<16xf32>,
    %add3A_2052 = arith.addf %add3A_2042, %get3A_2051 : vector<16xf32>
    %get3A_2053 = arith.constant 0 : i32
    %get3A_2054 = arith.index_cast %get3A_2053 : i32 to index
    %get3A_2055 = arith.constant 1344 : index
    %get3A_2056 = tpu.vector_load %arg7[%get3A_2054, %get3A_2055] {strides = array<i32>} : memref<1x2080xf32, #tpu.memory_space<vmem>>, vector<16xf32>,
    %add3A_2057 = arith.addf %add3A_2047, %get3A_2056 : vector<16xf32>
    %get3A_2058 = arith.constant 0 : i32
    %get3A_2059 = arith.index_cast %get3A_2058 : i32 to index
    %get3A_2060 = arith.constant 1360 : index
    %get3A_2061 = tpu.vector_load %arg7[%get3A_2059, %get3A_2060] {strides = array<i32>} : memref<1x2080xf32, #tpu.memory_space<vmem>>, vector<16xf32>,
    %add3A_2062 = arith.addf %add3A_2052, %get3A_2061 : vector<16xf32>
    %get3A_2063 = arith.constant 0 : i32
    %get3A_2064 = arith.index_cast %get3A_2063 : i32 to index
    %get3A_2065 = arith.constant 1376 : index
    %get3A_2066 = tpu.vector_load %arg7[%get3A_2064, %get3A_2065] {strides = array<i32>} : memref<1x2080xf32, #tpu.memory_space<vmem>>, vector<16xf32>,
    %add3A_2067 = arith.addf %add3A_2057, %get3A_2066 : vector<16xf32>
    %get3A_2068 = arith.constant 0 : i32
    %get3A_2069 = arith.index_cast %get3A_2068 : i32 to index
    %get3A_2070 = arith.constant 1392 : index
    %get3A_2071 = tpu.vector_load %arg7[%get3A_2069, %get3A_2070] {strides = array<i32>} : memref<1x2080xf32, #tpu.memory_space<vmem>>, vector<16xf32>,
    %add3A_2072 = arith.addf %add3A_2062, %get3A_2071 : vector<16xf32>
    %get3A_2073 = arith.constant 0 : i32
    %get3A_2074 = arith.index_cast %get3A_2073 : i32 to index
    %get3A_2075 = arith.constant 1408 : index
    %get3A_2076 = tpu.vector_load %arg7[%get3A_2074, %get3A_2075] {strides = array<i32>} : memref<1x2080xf32, #tpu.memory_space<vmem>>, vector<16xf32>,
    %add3A_2077 = arith.addf %add3A_2067, %get3A_2076 : vector<16xf32>
    %get3A_2078 = arith.constant 0 : i32
    %get3A_2079 = arith.index_cast %get3A_2078 : i32 to index
    %get3A_2080 = arith.constant 1424 : index
    %get3A_2081 = tpu.vector_load %arg7[%get3A_2079, %get3A_2080] {strides = array<i32>} : memref<1x2080xf32, #tpu.memory_space<vmem>>, vector<16xf32>,
    %add3A_2082 = arith.addf %add3A_2072, %get3A_2081 : vector<16xf32>
    %get3A_2083 = arith.constant 0 : i32
    %get3A_2084 = arith.index_cast %get3A_2083 : i32 to index
    %get3A_2085 = arith.constant 1440 : index
    %get3A_2086 = tpu.vector_load %arg7[%get3A_2084, %get3A_2085] {strides = array<i32>} : memref<1x2080xf32, #tpu.memory_space<vmem>>, vector<16xf32>,
    %lt3A_2087 = arith.constant 4 : i32
    %lt3A_2088 = vector.broadcast %lt3A_2087 : i32 to vector<16xi32>
    %lt3A_2089 = arith.cmpi slt, %iota3A, %lt3A_2088 : vector<16xi32>
    %jit3A_2090 = arith.constant 0.000000e+00 : f32
    %broadcast_in_dim3A_2091 = vector.broadcast %jit3A_2090 : f32 to vector<16xf32>
    %select_n3A_2092 = arith.select %lt3A_2089, %get3A_2086, %broadcast_in_dim3A_2091 : vector<16xi1>, vector<16xf32>
    %add3A_2093 = arith.addf %add3A_2082, %select_n3A_2092 : vector<16xf32>
    %add3A_2094 = arith.addf %add3A_2077, %add3A_2093 : vector<16xf32>
    %reduce_sum3A_2095 = arith.constant true
    %reduce_sum3A_2096 = vector.broadcast %reduce_sum3A_2095 : i1 to vector<16xi1>
    %reduce_sum3A_2097 = tpu.scan <sum>, %add3A_2094 masked %reduce_sum3A_2096 : vector<16xf32>, vector<16xi1> -> vector<16xf32>
    %reduce_sum3A_2098 = vector.extract %reduce_sum3A_2097[15] : f32 from vector<16xf32>
    %eq3A_2099 = arith.constant 6 : i32
    %eq3A_2100 = vector.broadcast %eq3A_2099 : i32 to vector<16xi32>
    %eq3A_2101 = arith.cmpi eq, %iota3A, %eq3A_2100 : vector<16xi32>
    %jit3A_2102 = arith.constant 0.000000e+00 : f32
    %broadcast_in_dim3A_2103 = vector.broadcast %reduce_sum3A_2098 : f32 to vector<16xf32>
    %broadcast_in_dim3A_2104 = vector.broadcast %jit3A_2102 : f32 to vector<16xf32>
    %select_n3A_2105 = arith.select %eq3A_2101, %broadcast_in_dim3A_2103, %broadcast_in_dim3A_2104 : vector<16xi1>, vector<16xf32>
    %add3A_2106 = arith.addf %add3A_2018, %select_n3A_2105 : vector<16xf32>
    %broadcast_in_dim3A_2107 = arith.constant 0.000000e+00 : f32
    %broadcast_in_dim3A_2108 = vector.broadcast %broadcast_in_dim3A_2107 : f32 to vector<16xf32>
    %broadcast_in_dim3A_2109 = arith.constant 0.000000e+00 : f32
    %broadcast_in_dim3A_2110 = vector.broadcast %broadcast_in_dim3A_2109 : f32 to vector<16xf32>
    %get3A_2111 = arith.constant 0 : i32
    %get3A_2112 = arith.index_cast %get3A_2111 : i32 to index
    %get3A_2113 = arith.constant 1456 : index
    %get3A_2114 = tpu.vector_load %arg7[%get3A_2112, %get3A_2113] {strides = array<i32>} : memref<1x2080xf32, #tpu.memory_space<vmem>>, vector<16xf32>,
    %add3A_2115 = arith.addf %broadcast_in_dim3A_2108, %get3A_2114 : vector<16xf32>
    %get3A_2116 = arith.constant 0 : i32
    %get3A_2117 = arith.index_cast %get3A_2116 : i32 to index
    %get3A_2118 = arith.constant 1472 : index
    %get3A_2119 = tpu.vector_load %arg7[%get3A_2117, %get3A_2118] {strides = array<i32>} : memref<1x2080xf32, #tpu.memory_space<vmem>>, vector<16xf32>,
    %add3A_2120 = arith.addf %broadcast_in_dim3A_2110, %get3A_2119 : vector<16xf32>
    %get3A_2121 = arith.constant 0 : i32
    %get3A_2122 = arith.index_cast %get3A_2121 : i32 to index
    %get3A_2123 = arith.constant 1488 : index
    %get3A_2124 = tpu.vector_load %arg7[%get3A_2122, %get3A_2123] {strides = array<i32>} : memref<1x2080xf32, #tpu.memory_space<vmem>>, vector<16xf32>,
    %add3A_2125 = arith.addf %add3A_2115, %get3A_2124 : vector<16xf32>
    %get3A_2126 = arith.constant 0 : i32
    %get3A_2127 = arith.index_cast %get3A_2126 : i32 to index
    %get3A_2128 = arith.constant 1504 : index
    %get3A_2129 = tpu.vector_load %arg7[%get3A_2127, %get3A_2128] {strides = array<i32>} : memref<1x2080xf32, #tpu.memory_space<vmem>>, vector<16xf32>,
    %add3A_2130 = arith.addf %add3A_2120, %get3A_2129 : vector<16xf32>
    %get3A_2131 = arith.constant 0 : i32
    %get3A_2132 = arith.index_cast %get3A_2131 : i32 to index
    %get3A_2133 = arith.constant 1520 : index
    %get3A_2134 = tpu.vector_load %arg7[%get3A_2132, %get3A_2133] {strides = array<i32>} : memref<1x2080xf32, #tpu.memory_space<vmem>>, vector<16xf32>,
    %add3A_2135 = arith.addf %add3A_2125, %get3A_2134 : vector<16xf32>
    %get3A_2136 = arith.constant 0 : i32
    %get3A_2137 = arith.index_cast %get3A_2136 : i32 to index
    %get3A_2138 = arith.constant 1536 : index
    %get3A_2139 = tpu.vector_load %arg7[%get3A_2137, %get3A_2138] {strides = array<i32>} : memref<1x2080xf32, #tpu.memory_space<vmem>>, vector<16xf32>,
    %add3A_2140 = arith.addf %add3A_2130, %get3A_2139 : vector<16xf32>
    %get3A_2141 = arith.constant 0 : i32
    %get3A_2142 = arith.index_cast %get3A_2141 : i32 to index
    %get3A_2143 = arith.constant 1552 : index
    %get3A_2144 = tpu.vector_load %arg7[%get3A_2142, %get3A_2143] {strides = array<i32>} : memref<1x2080xf32, #tpu.memory_space<vmem>>, vector<16xf32>,
    %add3A_2145 = arith.addf %add3A_2135, %get3A_2144 : vector<16xf32>
    %get3A_2146 = arith.constant 0 : i32
    %get3A_2147 = arith.index_cast %get3A_2146 : i32 to index
    %get3A_2148 = arith.constant 1568 : index
    %get3A_2149 = tpu.vector_load %arg7[%get3A_2147, %get3A_2148] {strides = array<i32>} : memref<1x2080xf32, #tpu.memory_space<vmem>>, vector<16xf32>,
    %add3A_2150 = arith.addf %add3A_2140, %get3A_2149 : vector<16xf32>
    %get3A_2151 = arith.constant 0 : i32
    %get3A_2152 = arith.index_cast %get3A_2151 : i32 to index
    %get3A_2153 = arith.constant 1584 : index
    %get3A_2154 = tpu.vector_load %arg7[%get3A_2152, %get3A_2153] {strides = array<i32>} : memref<1x2080xf32, #tpu.memory_space<vmem>>, vector<16xf32>,
    %add3A_2155 = arith.addf %add3A_2145, %get3A_2154 : vector<16xf32>
    %get3A_2156 = arith.constant 0 : i32
    %get3A_2157 = arith.index_cast %get3A_2156 : i32 to index
    %get3A_2158 = arith.constant 1600 : index
    %get3A_2159 = tpu.vector_load %arg7[%get3A_2157, %get3A_2158] {strides = array<i32>} : memref<1x2080xf32, #tpu.memory_space<vmem>>, vector<16xf32>,
    %add3A_2160 = arith.addf %add3A_2150, %get3A_2159 : vector<16xf32>
    %get3A_2161 = arith.constant 0 : i32
    %get3A_2162 = arith.index_cast %get3A_2161 : i32 to index
    %get3A_2163 = arith.constant 1616 : index
    %get3A_2164 = tpu.vector_load %arg7[%get3A_2162, %get3A_2163] {strides = array<i32>} : memref<1x2080xf32, #tpu.memory_space<vmem>>, vector<16xf32>,
    %add3A_2165 = arith.addf %add3A_2155, %get3A_2164 : vector<16xf32>
    %get3A_2166 = arith.constant 0 : i32
    %get3A_2167 = arith.index_cast %get3A_2166 : i32 to index
    %get3A_2168 = arith.constant 1632 : index
    %get3A_2169 = tpu.vector_load %arg7[%get3A_2167, %get3A_2168] {strides = array<i32>} : memref<1x2080xf32, #tpu.memory_space<vmem>>, vector<16xf32>,
    %add3A_2170 = arith.addf %add3A_2160, %get3A_2169 : vector<16xf32>
    %get3A_2171 = arith.constant 0 : i32
    %get3A_2172 = arith.index_cast %get3A_2171 : i32 to index
    %get3A_2173 = arith.constant 1648 : index
    %get3A_2174 = tpu.vector_load %arg7[%get3A_2172, %get3A_2173] {strides = array<i32>} : memref<1x2080xf32, #tpu.memory_space<vmem>>, vector<16xf32>,
    %lt3A_2175 = arith.constant 4 : i32
    %lt3A_2176 = vector.broadcast %lt3A_2175 : i32 to vector<16xi32>
    %lt3A_2177 = arith.cmpi slt, %iota3A, %lt3A_2176 : vector<16xi32>
    %jit3A_2178 = arith.constant 0.000000e+00 : f32
    %broadcast_in_dim3A_2179 = vector.broadcast %jit3A_2178 : f32 to vector<16xf32>
    %select_n3A_2180 = arith.select %lt3A_2177, %get3A_2174, %broadcast_in_dim3A_2179 : vector<16xi1>, vector<16xf32>
    %add3A_2181 = arith.addf %add3A_2170, %select_n3A_2180 : vector<16xf32>
    %add3A_2182 = arith.addf %add3A_2165, %add3A_2181 : vector<16xf32>
    %reduce_sum3A_2183 = arith.constant true
    %reduce_sum3A_2184 = vector.broadcast %reduce_sum3A_2183 : i1 to vector<16xi1>
    %reduce_sum3A_2185 = tpu.scan <sum>, %add3A_2182 masked %reduce_sum3A_2184 : vector<16xf32>, vector<16xi1> -> vector<16xf32>
    %reduce_sum3A_2186 = vector.extract %reduce_sum3A_2185[15] : f32 from vector<16xf32>
    %eq3A_2187 = arith.constant 7 : i32
    %eq3A_2188 = vector.broadcast %eq3A_2187 : i32 to vector<16xi32>
    %eq3A_2189 = arith.cmpi eq, %iota3A, %eq3A_2188 : vector<16xi32>
    %jit3A_2190 = arith.constant 0.000000e+00 : f32
    %broadcast_in_dim3A_2191 = vector.broadcast %reduce_sum3A_2186 : f32 to vector<16xf32>
    %broadcast_in_dim3A_2192 = vector.broadcast %jit3A_2190 : f32 to vector<16xf32>
    %select_n3A_2193 = arith.select %eq3A_2189, %broadcast_in_dim3A_2191, %broadcast_in_dim3A_2192 : vector<16xi1>, vector<16xf32>
    %add3A_2194 = arith.addf %add3A_2106, %select_n3A_2193 : vector<16xf32>
    %broadcast_in_dim3A_2195 = arith.constant 0.000000e+00 : f32
    %broadcast_in_dim3A_2196 = vector.broadcast %broadcast_in_dim3A_2195 : f32 to vector<16xf32>
    %broadcast_in_dim3A_2197 = arith.constant 0.000000e+00 : f32
    %broadcast_in_dim3A_2198 = vector.broadcast %broadcast_in_dim3A_2197 : f32 to vector<16xf32>
    %get3A_2199 = arith.constant 0 : i32
    %get3A_2200 = arith.index_cast %get3A_2199 : i32 to index
    %get3A_2201 = arith.constant 1664 : index
    %get3A_2202 = tpu.vector_load %arg7[%get3A_2200, %get3A_2201] {strides = array<i32>} : memref<1x2080xf32, #tpu.memory_space<vmem>>, vector<16xf32>,
    %add3A_2203 = arith.addf %broadcast_in_dim3A_2196, %get3A_2202 : vector<16xf32>
    %get3A_2204 = arith.constant 0 : i32
    %get3A_2205 = arith.index_cast %get3A_2204 : i32 to index
    %get3A_2206 = arith.constant 1680 : index
    %get3A_2207 = tpu.vector_load %arg7[%get3A_2205, %get3A_2206] {strides = array<i32>} : memref<1x2080xf32, #tpu.memory_space<vmem>>, vector<16xf32>,
    %add3A_2208 = arith.addf %broadcast_in_dim3A_2198, %get3A_2207 : vector<16xf32>
    %get3A_2209 = arith.constant 0 : i32
    %get3A_2210 = arith.index_cast %get3A_2209 : i32 to index
    %get3A_2211 = arith.constant 1696 : index
    %get3A_2212 = tpu.vector_load %arg7[%get3A_2210, %get3A_2211] {strides = array<i32>} : memref<1x2080xf32, #tpu.memory_space<vmem>>, vector<16xf32>,
    %add3A_2213 = arith.addf %add3A_2203, %get3A_2212 : vector<16xf32>
    %get3A_2214 = arith.constant 0 : i32
    %get3A_2215 = arith.index_cast %get3A_2214 : i32 to index
    %get3A_2216 = arith.constant 1712 : index
    %get3A_2217 = tpu.vector_load %arg7[%get3A_2215, %get3A_2216] {strides = array<i32>} : memref<1x2080xf32, #tpu.memory_space<vmem>>, vector<16xf32>,
    %add3A_2218 = arith.addf %add3A_2208, %get3A_2217 : vector<16xf32>
    %get3A_2219 = arith.constant 0 : i32
    %get3A_2220 = arith.index_cast %get3A_2219 : i32 to index
    %get3A_2221 = arith.constant 1728 : index
    %get3A_2222 = tpu.vector_load %arg7[%get3A_2220, %get3A_2221] {strides = array<i32>} : memref<1x2080xf32, #tpu.memory_space<vmem>>, vector<16xf32>,
    %add3A_2223 = arith.addf %add3A_2213, %get3A_2222 : vector<16xf32>
    %get3A_2224 = arith.constant 0 : i32
    %get3A_2225 = arith.index_cast %get3A_2224 : i32 to index
    %get3A_2226 = arith.constant 1744 : index
    %get3A_2227 = tpu.vector_load %arg7[%get3A_2225, %get3A_2226] {strides = array<i32>} : memref<1x2080xf32, #tpu.memory_space<vmem>>, vector<16xf32>,
    %add3A_2228 = arith.addf %add3A_2218, %get3A_2227 : vector<16xf32>
    %get3A_2229 = arith.constant 0 : i32
    %get3A_2230 = arith.index_cast %get3A_2229 : i32 to index
    %get3A_2231 = arith.constant 1760 : index
    %get3A_2232 = tpu.vector_load %arg7[%get3A_2230, %get3A_2231] {strides = array<i32>} : memref<1x2080xf32, #tpu.memory_space<vmem>>, vector<16xf32>,
    %add3A_2233 = arith.addf %add3A_2223, %get3A_2232 : vector<16xf32>
    %get3A_2234 = arith.constant 0 : i32
    %get3A_2235 = arith.index_cast %get3A_2234 : i32 to index
    %get3A_2236 = arith.constant 1776 : index
    %get3A_2237 = tpu.vector_load %arg7[%get3A_2235, %get3A_2236] {strides = array<i32>} : memref<1x2080xf32, #tpu.memory_space<vmem>>, vector<16xf32>,
    %add3A_2238 = arith.addf %add3A_2228, %get3A_2237 : vector<16xf32>
    %get3A_2239 = arith.constant 0 : i32
    %get3A_2240 = arith.index_cast %get3A_2239 : i32 to index
    %get3A_2241 = arith.constant 1792 : index
    %get3A_2242 = tpu.vector_load %arg7[%get3A_2240, %get3A_2241] {strides = array<i32>} : memref<1x2080xf32, #tpu.memory_space<vmem>>, vector<16xf32>,
    %add3A_2243 = arith.addf %add3A_2233, %get3A_2242 : vector<16xf32>
    %get3A_2244 = arith.constant 0 : i32
    %get3A_2245 = arith.index_cast %get3A_2244 : i32 to index
    %get3A_2246 = arith.constant 1808 : index
    %get3A_2247 = tpu.vector_load %arg7[%get3A_2245, %get3A_2246] {strides = array<i32>} : memref<1x2080xf32, #tpu.memory_space<vmem>>, vector<16xf32>,
    %add3A_2248 = arith.addf %add3A_2238, %get3A_2247 : vector<16xf32>
    %get3A_2249 = arith.constant 0 : i32
    %get3A_2250 = arith.index_cast %get3A_2249 : i32 to index
    %get3A_2251 = arith.constant 1824 : index
    %get3A_2252 = tpu.vector_load %arg7[%get3A_2250, %get3A_2251] {strides = array<i32>} : memref<1x2080xf32, #tpu.memory_space<vmem>>, vector<16xf32>,
    %add3A_2253 = arith.addf %add3A_2243, %get3A_2252 : vector<16xf32>
    %get3A_2254 = arith.constant 0 : i32
    %get3A_2255 = arith.index_cast %get3A_2254 : i32 to index
    %get3A_2256 = arith.constant 1840 : index
    %get3A_2257 = tpu.vector_load %arg7[%get3A_2255, %get3A_2256] {strides = array<i32>} : memref<1x2080xf32, #tpu.memory_space<vmem>>, vector<16xf32>,
    %add3A_2258 = arith.addf %add3A_2248, %get3A_2257 : vector<16xf32>
    %get3A_2259 = arith.constant 0 : i32
    %get3A_2260 = arith.index_cast %get3A_2259 : i32 to index
    %get3A_2261 = arith.constant 1856 : index
    %get3A_2262 = tpu.vector_load %arg7[%get3A_2260, %get3A_2261] {strides = array<i32>} : memref<1x2080xf32, #tpu.memory_space<vmem>>, vector<16xf32>,
    %lt3A_2263 = arith.constant 4 : i32
    %lt3A_2264 = vector.broadcast %lt3A_2263 : i32 to vector<16xi32>
    %lt3A_2265 = arith.cmpi slt, %iota3A, %lt3A_2264 : vector<16xi32>
    %jit3A_2266 = arith.constant 0.000000e+00 : f32
    %broadcast_in_dim3A_2267 = vector.broadcast %jit3A_2266 : f32 to vector<16xf32>
    %select_n3A_2268 = arith.select %lt3A_2265, %get3A_2262, %broadcast_in_dim3A_2267 : vector<16xi1>, vector<16xf32>
    %add3A_2269 = arith.addf %add3A_2258, %select_n3A_2268 : vector<16xf32>
    %add3A_2270 = arith.addf %add3A_2253, %add3A_2269 : vector<16xf32>
    %reduce_sum3A_2271 = arith.constant true
    %reduce_sum3A_2272 = vector.broadcast %reduce_sum3A_2271 : i1 to vector<16xi1>
    %reduce_sum3A_2273 = tpu.scan <sum>, %add3A_2270 masked %reduce_sum3A_2272 : vector<16xf32>, vector<16xi1> -> vector<16xf32>
    %reduce_sum3A_2274 = vector.extract %reduce_sum3A_2273[15] : f32 from vector<16xf32>
    %eq3A_2275 = arith.constant 8 : i32
    %eq3A_2276 = vector.broadcast %eq3A_2275 : i32 to vector<16xi32>
    %eq3A_2277 = arith.cmpi eq, %iota3A, %eq3A_2276 : vector<16xi32>
    %jit3A_2278 = arith.constant 0.000000e+00 : f32
    %broadcast_in_dim3A_2279 = vector.broadcast %reduce_sum3A_2274 : f32 to vector<16xf32>
    %broadcast_in_dim3A_2280 = vector.broadcast %jit3A_2278 : f32 to vector<16xf32>
    %select_n3A_2281 = arith.select %eq3A_2277, %broadcast_in_dim3A_2279, %broadcast_in_dim3A_2280 : vector<16xi1>, vector<16xf32>
    %add3A_2282 = arith.addf %add3A_2194, %select_n3A_2281 : vector<16xf32>
    %broadcast_in_dim3A_2283 = arith.constant 0.000000e+00 : f32
    %broadcast_in_dim3A_2284 = vector.broadcast %broadcast_in_dim3A_2283 : f32 to vector<16xf32>
    %broadcast_in_dim3A_2285 = arith.constant 0.000000e+00 : f32
    %broadcast_in_dim3A_2286 = vector.broadcast %broadcast_in_dim3A_2285 : f32 to vector<16xf32>
    %get3A_2287 = arith.constant 0 : i32
    %get3A_2288 = arith.index_cast %get3A_2287 : i32 to index
    %get3A_2289 = arith.constant 1872 : index
    %get3A_2290 = tpu.vector_load %arg7[%get3A_2288, %get3A_2289] {strides = array<i32>} : memref<1x2080xf32, #tpu.memory_space<vmem>>, vector<16xf32>,
    %add3A_2291 = arith.addf %broadcast_in_dim3A_2284, %get3A_2290 : vector<16xf32>
    %get3A_2292 = arith.constant 0 : i32
    %get3A_2293 = arith.index_cast %get3A_2292 : i32 to index
    %get3A_2294 = arith.constant 1888 : index
    %get3A_2295 = tpu.vector_load %arg7[%get3A_2293, %get3A_2294] {strides = array<i32>} : memref<1x2080xf32, #tpu.memory_space<vmem>>, vector<16xf32>,
    %add3A_2296 = arith.addf %broadcast_in_dim3A_2286, %get3A_2295 : vector<16xf32>
    %get3A_2297 = arith.constant 0 : i32
    %get3A_2298 = arith.index_cast %get3A_2297 : i32 to index
    %get3A_2299 = arith.constant 1904 : index
    %get3A_2300 = tpu.vector_load %arg7[%get3A_2298, %get3A_2299] {strides = array<i32>} : memref<1x2080xf32, #tpu.memory_space<vmem>>, vector<16xf32>,
    %add3A_2301 = arith.addf %add3A_2291, %get3A_2300 : vector<16xf32>
    %get3A_2302 = arith.constant 0 : i32
    %get3A_2303 = arith.index_cast %get3A_2302 : i32 to index
    %get3A_2304 = arith.constant 1920 : index
    %get3A_2305 = tpu.vector_load %arg7[%get3A_2303, %get3A_2304] {strides = array<i32>} : memref<1x2080xf32, #tpu.memory_space<vmem>>, vector<16xf32>,
    %add3A_2306 = arith.addf %add3A_2296, %get3A_2305 : vector<16xf32>
    %get3A_2307 = arith.constant 0 : i32
    %get3A_2308 = arith.index_cast %get3A_2307 : i32 to index
    %get3A_2309 = arith.constant 1936 : index
    %get3A_2310 = tpu.vector_load %arg7[%get3A_2308, %get3A_2309] {strides = array<i32>} : memref<1x2080xf32, #tpu.memory_space<vmem>>, vector<16xf32>,
    %add3A_2311 = arith.addf %add3A_2301, %get3A_2310 : vector<16xf32>
    %get3A_2312 = arith.constant 0 : i32
    %get3A_2313 = arith.index_cast %get3A_2312 : i32 to index
    %get3A_2314 = arith.constant 1952 : index
    %get3A_2315 = tpu.vector_load %arg7[%get3A_2313, %get3A_2314] {strides = array<i32>} : memref<1x2080xf32, #tpu.memory_space<vmem>>, vector<16xf32>,
    %add3A_2316 = arith.addf %add3A_2306, %get3A_2315 : vector<16xf32>
    %get3A_2317 = arith.constant 0 : i32
    %get3A_2318 = arith.index_cast %get3A_2317 : i32 to index
    %get3A_2319 = arith.constant 1968 : index
    %get3A_2320 = tpu.vector_load %arg7[%get3A_2318, %get3A_2319] {strides = array<i32>} : memref<1x2080xf32, #tpu.memory_space<vmem>>, vector<16xf32>,
    %add3A_2321 = arith.addf %add3A_2311, %get3A_2320 : vector<16xf32>
    %get3A_2322 = arith.constant 0 : i32
    %get3A_2323 = arith.index_cast %get3A_2322 : i32 to index
    %get3A_2324 = arith.constant 1984 : index
    %get3A_2325 = tpu.vector_load %arg7[%get3A_2323, %get3A_2324] {strides = array<i32>} : memref<1x2080xf32, #tpu.memory_space<vmem>>, vector<16xf32>,
    %add3A_2326 = arith.addf %add3A_2316, %get3A_2325 : vector<16xf32>
    %get3A_2327 = arith.constant 0 : i32
    %get3A_2328 = arith.index_cast %get3A_2327 : i32 to index
    %get3A_2329 = arith.constant 2000 : index
    %get3A_2330 = tpu.vector_load %arg7[%get3A_2328, %get3A_2329] {strides = array<i32>} : memref<1x2080xf32, #tpu.memory_space<vmem>>, vector<16xf32>,
    %add3A_2331 = arith.addf %add3A_2321, %get3A_2330 : vector<16xf32>
    %get3A_2332 = arith.constant 0 : i32
    %get3A_2333 = arith.index_cast %get3A_2332 : i32 to index
    %get3A_2334 = arith.constant 2016 : index
    %get3A_2335 = tpu.vector_load %arg7[%get3A_2333, %get3A_2334] {strides = array<i32>} : memref<1x2080xf32, #tpu.memory_space<vmem>>, vector<16xf32>,
    %add3A_2336 = arith.addf %add3A_2326, %get3A_2335 : vector<16xf32>
    %get3A_2337 = arith.constant 0 : i32
    %get3A_2338 = arith.index_cast %get3A_2337 : i32 to index
    %get3A_2339 = arith.constant 2032 : index
    %get3A_2340 = tpu.vector_load %arg7[%get3A_2338, %get3A_2339] {strides = array<i32>} : memref<1x2080xf32, #tpu.memory_space<vmem>>, vector<16xf32>,
    %add3A_2341 = arith.addf %add3A_2331, %get3A_2340 : vector<16xf32>
    %get3A_2342 = arith.constant 0 : i32
    %get3A_2343 = arith.index_cast %get3A_2342 : i32 to index
    %get3A_2344 = arith.constant 2048 : index
    %get3A_2345 = tpu.vector_load %arg7[%get3A_2343, %get3A_2344] {strides = array<i32>} : memref<1x2080xf32, #tpu.memory_space<vmem>>, vector<16xf32>,
    %add3A_2346 = arith.addf %add3A_2336, %get3A_2345 : vector<16xf32>
    %get3A_2347 = arith.constant 0 : i32
    %get3A_2348 = arith.index_cast %get3A_2347 : i32 to index
    %get3A_2349 = arith.constant 2064 : index
    %get3A_2350 = tpu.vector_load %arg7[%get3A_2348, %get3A_2349] {strides = array<i32>} : memref<1x2080xf32, #tpu.memory_space<vmem>>, vector<16xf32>,
    %lt3A_2351 = arith.constant 4 : i32
    %lt3A_2352 = vector.broadcast %lt3A_2351 : i32 to vector<16xi32>
    %lt3A_2353 = arith.cmpi slt, %iota3A, %lt3A_2352 : vector<16xi32>
    %jit3A_2354 = arith.constant 0.000000e+00 : f32
    %broadcast_in_dim3A_2355 = vector.broadcast %jit3A_2354 : f32 to vector<16xf32>
    %select_n3A_2356 = arith.select %lt3A_2353, %get3A_2350, %broadcast_in_dim3A_2355 : vector<16xi1>, vector<16xf32>
    %add3A_2357 = arith.addf %add3A_2346, %select_n3A_2356 : vector<16xf32>
    %add3A_2358 = arith.addf %add3A_2341, %add3A_2357 : vector<16xf32>
    %reduce_sum3A_2359 = arith.constant true
    %reduce_sum3A_2360 = vector.broadcast %reduce_sum3A_2359 : i1 to vector<16xi1>
    %reduce_sum3A_2361 = tpu.scan <sum>, %add3A_2358 masked %reduce_sum3A_2360 : vector<16xf32>, vector<16xi1> -> vector<16xf32>
    %reduce_sum3A_2362 = vector.extract %reduce_sum3A_2361[15] : f32 from vector<16xf32>
    %eq3A_2363 = arith.constant 9 : i32
    %eq3A_2364 = vector.broadcast %eq3A_2363 : i32 to vector<16xi32>
    %eq3A_2365 = arith.cmpi eq, %iota3A, %eq3A_2364 : vector<16xi32>
    %jit3A_2366 = arith.constant 0.000000e+00 : f32
    %broadcast_in_dim3A_2367 = vector.broadcast %reduce_sum3A_2362 : f32 to vector<16xf32>
    %broadcast_in_dim3A_2368 = vector.broadcast %jit3A_2366 : f32 to vector<16xf32>
    %select_n3A_2369 = arith.select %eq3A_2365, %broadcast_in_dim3A_2367, %broadcast_in_dim3A_2368 : vector<16xi1>, vector<16xf32>
    %add3A_2370 = arith.addf %add3A_2282, %select_n3A_2369 : vector<16xf32>
    %swap3A_2371 = arith.constant 0 : index
    %swap3A_2372 = tpu.vector_load %arg8[%swap3A_2371] {strides = array<i32>} : memref<16xf32, #tpu.memory_space<vmem>>, vector<16xf32>,
    tpu.vector_store %arg8[%swap3A_2371], %add3A_2370 {strides = array<i32>} : memref<16xf32, #tpu.memory_space<vmem>>, vector<16xf32>,
    "tpu.region"() ({
      %run_scoped3A_2373 = tpu.sem_alloc : memref<!tpu.dma_semaphore, #tpu.memory_space<semaphore_mem>>
      %dma_start3A_2374 = arith.constant 0 : i32
      %dma_start3A_2375 = tpu.memref_slice %arg4[%add3A_1474, %dma_start3A_2374] : memref<32x16xf32, #tpu.memory_space<hbm>> -> memref<1x16xf32, #tpu.memory_space<hbm>>
      %dma_start3A_2376 = tpu.memref_squeeze %dma_start3A_2375 : memref<1x16xf32, #tpu.memory_space<hbm>> -> memref<16xf32, #tpu.memory_space<hbm>>
      %dma_start3A_2377 = arith.constant 0 : i32
      %dma_start3A_2378 = tpu.memref_slice %arg4[%add3A_1474, %dma_start3A_2377] : memref<32x16xf32, #tpu.memory_space<hbm>> -> memref<1x16xf32, #tpu.memory_space<hbm>>
      %dma_start3A_2379 = tpu.memref_squeeze %dma_start3A_2378 : memref<1x16xf32, #tpu.memory_space<hbm>> -> memref<16xf32, #tpu.memory_space<hbm>>
      tpu.enqueue_dma source(%arg8 : memref<16xf32, #tpu.memory_space<vmem>>) target(%dma_start3A_2379 : memref<16xf32, #tpu.memory_space<hbm>>) target_semaphore(%run_scoped3A_2373 : memref<!tpu.dma_semaphore, #tpu.memory_space<semaphore_mem>>)
      %dma_wait3A_2380 = arith.constant 0 : i32
      %dma_wait3A_2381 = tpu.memref_slice %arg4[%add3A_1474, %dma_wait3A_2380] : memref<32x16xf32, #tpu.memory_space<hbm>> -> memref<1x16xf32, #tpu.memory_space<hbm>>
      %dma_wait3A_2382 = tpu.memref_squeeze %dma_wait3A_2381 : memref<1x16xf32, #tpu.memory_space<hbm>> -> memref<16xf32, #tpu.memory_space<hbm>>
      %dma_wait3A_2383 = arith.constant 0 : i32
      %dma_wait3A_2384 = tpu.memref_slice %arg4[%add3A_1474, %dma_wait3A_2383] : memref<32x16xf32, #tpu.memory_space<hbm>> -> memref<1x16xf32, #tpu.memory_space<hbm>>
      %dma_wait3A_2385 = tpu.memref_squeeze %dma_wait3A_2384 : memref<1x16xf32, #tpu.memory_space<hbm>> -> memref<16xf32, #tpu.memory_space<hbm>>
      tpu.wait_dma2 semaphore(%run_scoped3A_2373 : memref<!tpu.dma_semaphore, #tpu.memory_space<semaphore_mem>>) src(%arg8 : memref<16xf32, #tpu.memory_space<vmem>>) dst(%dma_wait3A_2385 : memref<16xf32, #tpu.memory_space<hbm>>)
      tpu.yield
    }) : () -> ()
    return
  }
}

module attributes {stable_mosaic.version = 14 : i64} {
  func.func @_tok_body(%arg0: i32, %arg1: memref<4x224x224xf32, #tpu.memory_space<vmem>>, %arg2: memref<1024x256xf32, #tpu.memory_space<vmem>>, %arg3: memref<1x1x784xi32, #tpu.memory_space<vmem>>) attributes {dimension_semantics = [#tpu.dimension_semantics<arbitrary>], iteration_bounds = array<i64: 8>, scalar_prefetch = 0 : i64, scratch_operands = 0 : i64, tpu.core_type = #tpu.core_type<tc>, window_params = [{transform_indices = @transform_0, window_bounds = array<i64: 4, 224, 224>}, {pipeline_mode = #tpu.pipeline_mode<synchronous>, transform_indices = @transform_1, window_bounds = array<i64: 1024, 256>}, {transform_indices = @transform_2, window_bounds = array<i64: 1, 1, 784>}]} {
    %get3A = arith.constant 0 : index
    %get3A_0 = arith.constant 0 : index
    %get3A_1 = arith.constant 0 : index
    %get3A_2 = vector.load %arg1[%get3A, %get3A_0, %get3A_1] : memref<4x224x224xf32, #tpu.memory_space<vmem>>, vector<4x224x224xf32>
    %reshape3A = vector.shape_cast %get3A_2 : vector<4x224x224xf32> to vector<4x14x16x14x16xf32>
    %transpose3A = tpu.transpose %reshape3A, [0, 1, 3, 2, 4] : vector<4x14x16x14x16xf32> -> vector<4x14x14x16x16xf32>
    %reshape3A_3 = vector.shape_cast %transpose3A : vector<4x14x14x16x16xf32> to vector<784x256xf32>
    %get3A_4 = arith.constant 0 : index
    %get3A_5 = arith.constant 0 : index
    %get3A_6 = vector.load %arg2[%get3A_4, %get3A_5] : memref<1024x256xf32, #tpu.memory_space<vmem>>, vector<1024x256xf32>
    %dot_general3A = arith.constant dense<0.000000e+00> : vector<1024x784xf32>
    %dot_general3A_7 = tpu.matmul %get3A_6, %reshape3A_3, %dot_general3A {dimension_numbers = #tpu.dot_dimension_numbers<[1], [1], [0], [0], [0, 0, 1, 0], [], []>, transpose_lhs_hint = false} : vector<1024x256xf32>, vector<784x256xf32>, vector<1024x784xf32> -> vector<1024x784xf32>
    %mul3A = arith.mulf %get3A_6, %get3A_6 : vector<1024x256xf32>
    %reduce_sum3A = arith.constant dense<0.000000e+00> : vector<1024xf32>
    %reduce_sum3A_8 = vector.multi_reduction <add>, %mul3A, %reduce_sum3A [1] : vector<1024x256xf32> to vector<1024xf32>
    %broadcast_in_dim3A = vector.shape_cast %reduce_sum3A_8 : vector<1024xf32> to vector<1024x1xf32>
    %mul3A_9 = arith.constant 2.000000e+00 : f32
    %mul3A_10 = vector.broadcast %mul3A_9 : f32 to vector<1024x784xf32>
    %mul3A_11 = arith.mulf %mul3A_10, %dot_general3A_7 : vector<1024x784xf32>
    %sub3A = vector.broadcast %broadcast_in_dim3A : vector<1024x1xf32> to vector<1024x784xf32>
    %sub3A_12 = arith.subf %sub3A, %mul3A_11 : vector<1024x784xf32>
    %argmin3A = tpu.reduce_index %sub3A_12 {axis = 0 : i32, kind = #tpu.reduction_kind<arg_min>} : vector<1024x784xf32> -> vector<784xi32>
    %iota3A = tpu.iota {dimensions = array<i32: 1>} : vector<1x784xi32>
    %iota3A_13 = vector.shape_cast %iota3A : vector<1x784xi32> to vector<784xi32>
    %jit3A = arith.constant 196 : i32
    %eq3A = arith.constant 0 : i32
    %eq3A_14 = arith.cmpi eq, %jit3A, %eq3A : i32
    %jit3A_15 = arith.constant 1 : i32
    %select_n3A = arith.select %eq3A_14, %jit3A_15, %jit3A : i32
    %rem3A = vector.broadcast %select_n3A : i32 to vector<784xi32>
    %rem3A_16 = arith.remsi %iota3A_13, %rem3A : vector<784xi32>
    %ne3A = arith.constant 0 : i32
    %ne3A_17 = vector.broadcast %ne3A : i32 to vector<784xi32>
    %ne3A_18 = arith.cmpi ne, %rem3A_16, %ne3A_17 : vector<784xi32>
    %lt3A = arith.constant 0 : i32
    %lt3A_19 = vector.broadcast %lt3A : i32 to vector<784xi32>
    %lt3A_20 = arith.cmpi slt, %rem3A_16, %lt3A_19 : vector<784xi32>
    %lt3A_21 = arith.constant 0 : i32
    %lt3A_22 = arith.cmpi slt, %select_n3A, %lt3A_21 : i32
    %ne3A_23 = vector.broadcast %lt3A_22 : i1 to vector<784xi1>
    %ne3A_24 = vector.broadcast %ne3A_23 : vector<784xi1> to vector<784xi1>
    %ne3A_25 = arith.xori %lt3A_20, %ne3A_24 : vector<784xi1>
    %and3A = arith.andi %ne3A_25, %ne3A_18 : vector<784xi1>
    %add3A = vector.broadcast %select_n3A : i32 to vector<784xi32>
    %add3A_26 = arith.addi %rem3A_16, %add3A : vector<784xi32>
    %select_n3A_27 = arith.select %and3A, %add3A_26, %rem3A_16 : vector<784xi1>, vector<784xi32>
    %mul3A_28 = arith.constant 1024 : i32
    %mul3A_29 = vector.broadcast %mul3A_28 : i32 to vector<784xi32>
    %mul3A_30 = arith.muli %select_n3A_27, %mul3A_29 : vector<784xi32>
    %add3A_31 = arith.addi %argmin3A, %mul3A_30 : vector<784xi32>
    %reshape3A_32 = vector.shape_cast %add3A_31 : vector<784xi32> to vector<1x1x784xi32>
    %swap3A = arith.constant 0 : index
    %swap3A_33 = arith.constant 0 : index
    %swap3A_34 = arith.constant 0 : index
    %swap3A_35 = vector.load %arg3[%swap3A, %swap3A_33, %swap3A_34] : memref<1x1x784xi32, #tpu.memory_space<vmem>>, vector<1x1x784xi32>
    tpu.vector_store %arg3[%swap3A, %swap3A_33, %swap3A_34], %reshape3A_32 {strides = array<i32>} : memref<1x1x784xi32, #tpu.memory_space<vmem>>, vector<1x1x784xi32>,
    return
  }
  func.func @transform_0(%arg0: i32) -> (i32, i32, i32) {
    %add3A = arith.constant 0 : i32
    %add3A_0 = arith.addi %arg0, %add3A : i32
    %c0_i32 = arith.constant 0 : i32
    %c0_i32_1 = arith.constant 0 : i32
    %c0_i32_2 = arith.constant 0 : i32
    return %add3A_0, %c0_i32, %c0_i32_1 : i32, i32, i32
  }
  func.func @transform_1(%arg0: i32) -> (i32, i32) {
    %c0_i32 = arith.constant 0 : i32
    %c0_i32_0 = arith.constant 0 : i32
    %c0_i32_1 = arith.constant 0 : i32
    return %c0_i32, %c0_i32_0 : i32, i32
  }
  func.func @transform_2(%arg0: i32) -> (i32, i32, i32) {
    %c0_i32 = arith.constant 0 : i32
    %c0_i32_0 = arith.constant 0 : i32
    %c0_i32_1 = arith.constant 0 : i32
    return %arg0, %c0_i32, %c0_i32_0 : i32, i32, i32
  }
}

module attributes {stable_mosaic.version = 14 : i64} {
  func.func @_tok_body(%arg0: i32, %arg1: memref<4x224x224xf32, #tpu.memory_space<vmem>>, %arg2: memref<1024x256xf32, #tpu.memory_space<vmem>>, %arg3: memref<1x1x784xi32, #tpu.memory_space<vmem>>) attributes {dimension_semantics = [#tpu.dimension_semantics<arbitrary>], iteration_bounds = array<i64: 8>, scalar_prefetch = 0 : i64, scratch_operands = 0 : i64, tpu.core_type = #tpu.core_type<tc>, window_params = [{transform_indices = @transform_0, window_bounds = array<i64: 4, 224, 224>}, {pipeline_mode = #tpu.pipeline_mode<synchronous>, transform_indices = @transform_1, window_bounds = array<i64: 1024, 256>}, {transform_indices = @transform_2, window_bounds = array<i64: 1, 1, 784>}]} {
    %get3A = arith.constant 0 : index
    %get3A_0 = arith.constant 0 : index
    %get3A_1 = arith.constant 0 : index
    %get3A_2 = vector.load %arg1[%get3A, %get3A_0, %get3A_1] : memref<4x224x224xf32, #tpu.memory_space<vmem>>, vector<4x224x224xf32>
    %reshape3A = vector.shape_cast %get3A_2 : vector<4x224x224xf32> to vector<4x14x16x14x16xf32>
    %transpose3A = tpu.transpose %reshape3A, [0, 1, 3, 2, 4] : vector<4x14x16x14x16xf32> -> vector<4x14x14x16x16xf32>
    %reshape3A_3 = vector.shape_cast %transpose3A : vector<4x14x14x16x16xf32> to vector<784x256xf32>
    %get3A_4 = arith.constant 0 : index
    %get3A_5 = arith.constant 0 : index
    %get3A_6 = vector.load %arg2[%get3A_4, %get3A_5] : memref<1024x256xf32, #tpu.memory_space<vmem>>, vector<1024x256xf32>
    %dot_general3A = arith.constant dense<0.000000e+00> : vector<1024x784xf32>
    %dot_general3A_7 = tpu.matmul %get3A_6, %reshape3A_3, %dot_general3A {dimension_numbers = #tpu.dot_dimension_numbers<[1], [1], [0], [0], [0, 0, 1, 0], [], []>, transpose_lhs_hint = false} : vector<1024x256xf32>, vector<784x256xf32>, vector<1024x784xf32> -> vector<1024x784xf32>
    %mul3A = arith.mulf %get3A_6, %get3A_6 : vector<1024x256xf32>
    %reduce_sum3A = arith.constant dense<0.000000e+00> : vector<1024xf32>
    %reduce_sum3A_8 = vector.multi_reduction <add>, %mul3A, %reduce_sum3A [1] : vector<1024x256xf32> to vector<1024xf32>
    %broadcast_in_dim3A = vector.shape_cast %reduce_sum3A_8 : vector<1024xf32> to vector<1024x1xf32>
    %mul3A_9 = arith.constant 2.000000e+00 : f32
    %mul3A_10 = vector.broadcast %mul3A_9 : f32 to vector<1024x784xf32>
    %mul3A_11 = arith.mulf %mul3A_10, %dot_general3A_7 : vector<1024x784xf32>
    %sub3A = vector.broadcast %broadcast_in_dim3A : vector<1024x1xf32> to vector<1024x784xf32>
    %sub3A_12 = arith.subf %sub3A, %mul3A_11 : vector<1024x784xf32>
    %argmin3A = tpu.reduce_index %sub3A_12 {axis = 0 : i32, kind = #tpu.reduction_kind<arg_min>} : vector<1024x784xf32> -> vector<784xi32>
    %iota3A = tpu.iota {dimensions = array<i32: 1>} : vector<1x784xi32>
    %iota3A_13 = vector.shape_cast %iota3A : vector<1x784xi32> to vector<784xi32>
    %jit3A = arith.constant 196 : i32
    %eq3A = arith.constant 0 : i32
    %eq3A_14 = arith.cmpi eq, %jit3A, %eq3A : i32
    %jit3A_15 = arith.constant 1 : i32
    %select_n3A = arith.select %eq3A_14, %jit3A_15, %jit3A : i32
    %rem3A = vector.broadcast %select_n3A : i32 to vector<784xi32>
    %rem3A_16 = arith.remsi %iota3A_13, %rem3A : vector<784xi32>
    %ne3A = arith.constant 0 : i32
    %ne3A_17 = vector.broadcast %ne3A : i32 to vector<784xi32>
    %ne3A_18 = arith.cmpi ne, %rem3A_16, %ne3A_17 : vector<784xi32>
    %lt3A = arith.constant 0 : i32
    %lt3A_19 = vector.broadcast %lt3A : i32 to vector<784xi32>
    %lt3A_20 = arith.cmpi slt, %rem3A_16, %lt3A_19 : vector<784xi32>
    %lt3A_21 = arith.constant 0 : i32
    %lt3A_22 = arith.cmpi slt, %select_n3A, %lt3A_21 : i32
    %ne3A_23 = vector.broadcast %lt3A_22 : i1 to vector<784xi1>
    %ne3A_24 = vector.broadcast %ne3A_23 : vector<784xi1> to vector<784xi1>
    %ne3A_25 = arith.xori %lt3A_20, %ne3A_24 : vector<784xi1>
    %and3A = arith.andi %ne3A_25, %ne3A_18 : vector<784xi1>
    %add3A = vector.broadcast %select_n3A : i32 to vector<784xi32>
    %add3A_26 = arith.addi %rem3A_16, %add3A : vector<784xi32>
    %select_n3A_27 = arith.select %and3A, %add3A_26, %rem3A_16 : vector<784xi1>, vector<784xi32>
    %mul3A_28 = arith.constant 1024 : i32
    %mul3A_29 = vector.broadcast %mul3A_28 : i32 to vector<784xi32>
    %mul3A_30 = arith.muli %select_n3A_27, %mul3A_29 : vector<784xi32>
    %add3A_31 = arith.addi %argmin3A, %mul3A_30 : vector<784xi32>
    %reshape3A_32 = vector.shape_cast %add3A_31 : vector<784xi32> to vector<1x1x784xi32>
    %swap3A = arith.constant 0 : index
    %swap3A_33 = arith.constant 0 : index
    %swap3A_34 = arith.constant 0 : index
    %swap3A_35 = vector.load %arg3[%swap3A, %swap3A_33, %swap3A_34] : memref<1x1x784xi32, #tpu.memory_space<vmem>>, vector<1x1x784xi32>
    tpu.vector_store %arg3[%swap3A, %swap3A_33, %swap3A_34], %reshape3A_32 {strides = array<i32>} : memref<1x1x784xi32, #tpu.memory_space<vmem>>, vector<1x1x784xi32>,
    return
  }
  func.func @transform_0(%arg0: i32) -> (i32, i32, i32) {
    %add3A = arith.constant 8 : i32
    %add3A_0 = arith.addi %arg0, %add3A : i32
    %c0_i32 = arith.constant 0 : i32
    %c0_i32_1 = arith.constant 0 : i32
    %c0_i32_2 = arith.constant 0 : i32
    return %add3A_0, %c0_i32, %c0_i32_1 : i32, i32, i32
  }
  func.func @transform_1(%arg0: i32) -> (i32, i32) {
    %c0_i32 = arith.constant 0 : i32
    %c0_i32_0 = arith.constant 0 : i32
    %c0_i32_1 = arith.constant 0 : i32
    return %c0_i32, %c0_i32_0 : i32, i32
  }
  func.func @transform_2(%arg0: i32) -> (i32, i32, i32) {
    %c0_i32 = arith.constant 0 : i32
    %c0_i32_0 = arith.constant 0 : i32
    %c0_i32_1 = arith.constant 0 : i32
    return %arg0, %c0_i32, %c0_i32_0 : i32, i32, i32
  }
}

</mosaic_0001>

<sc_bundles>
// kernel: kernel.6.cloned.1.call-start
scs
__scs_entry_jumppad:
0x0: {  	(pc) =	sbr.rel $0x88, $3  }
0x1: {  	(tag) =	ssettag $0x0;
	lr =	simm.s32 $0x1  }
0x2: {  	[smem:$0x3F9E] =	sst lr;
	_ =	strace $0xD0000000  }
0x3: {  	_ = 	snop  }
0x4: {  	_ = 	snop  }
0x5: {  	_ = 	snop  }
0x6: {  	_ = 	snop  }
0x7: {  	_ = 	snop  }
__scs_overlays_trampoline_lowered:
0x8: {  	[smem:$0x3FAD] =	sst s0  }
0x9: {  	[smem:$0x3FAE] =	sst s1  }
0xa: {  	[smem:$0x3FAF] =	sst s2  }
0xb: {  	[smem:$0x3FB0] =	sst s3  }
0xc: {  	[smem:$0x3FB1] =	sst s4  }
0xd: {  	[smem:$0x3FB2] =	sst s5  }
0xe: {  	[smem:$0x3FB3] =	sst s6  }
0xf: {  	[smem:$0x3FB4] =	sst s7  }
0x10: {  	[smem:$0x3FB5] =	sst s8  }
0x11: {  	[smem:$0x3FB6] =	sst s9;
	s0 =	simm.s32 @!p0 $0x0  }
0x12: {  	s1 =	sld [smem:$0x3F9C];
	s0 =	simm.s32 @p0 $0x1  }
0x13: {  	[smem:$0x3FB7] =	sst s0;
	s0 =	simm.s32 @!p1 $0x0  }
0x14: {  	s2 =	sld [smem:$0x3F9B];
	s0 =	simm.s32 @p1 $0x1  }
0x15: {  	[smem:$0x3FB8] =	sst s0;
	s0 =	simm.s32 @!p2 $0x0  }
0x16: {  	s3 =	sld [smem:$0x3FDB];
	s0 =	simm.s32 @p2 $0x1  }
0x17: {  	s4 =	simm.s32 $0x1BF5;
	[smem:$0x3FBA] =	sst s0  }
0x18: {  	s0 =	sld [smem:$0x3F9D];
	_ =	swait.ge [sflag:s4], $0x0  }
0x19: {  	s7 =	sld [smem:$0x3F9E]  }
0x1a: {  	s8 =	sadd.s32 $0xFFFFE003, lr  }
0x1b: {  	s9 =	sadd.s32 $0xFFFFFEF7, lr;
	s5 =	simm.s32 $0xFFFFFFFF;
	p2 =	slt.u32 s8, $0xFFFFF086  }
0x1c: {  	p1 =	slt.u32 s9, $0xF7A;
	s5 =	simm.s32 @!p2 $0x0  }
0x1d: {  	s5 =	simm.s32 @p1 $0x1;
	p0 =	seq.s32 s7, s2  }
0x1e: {  	s7 =	smul.u32 @!p0 $0xF7A, s2;
	p2 =	seq.s32 @!p0 s5, $0x0  }
0x1f: {  	s9 =	smul.u32 $0xF7A, s1;
	s8 =	simm.s32 @!p0 $0x1BF5;
	p2 =	por !p2, p0  }
0x20: {  	[sflag:s8] =	ssyncset.s32 @!p0 $0xFFFFF086;
	s6 =	sadd.s32 @!p0 s3, s7;
	s7 =	simm.s32 @!p0 $0x108  }
0x21: {  	s3 =	sadd.s32 s3, s9;
	s6 =	sadd.s32 @!p0 $0x88, s6;
	s7 =	simm.s32 @p2 $0x1082  }
0x22: {  	[simem:s7], [sflag:s8] =	dma.local @!p0 [hbm:s6], $0xF7A  }
0x23: {  	s9 =	sor.u32 $0xD0000000, s2;
	s6 =	simm.s32 $0x108;
	_ =	swait.ge @!p0 [sflag:s8], $0x0  }
0x24: {  	s3 =	sadd.s32 $0x88, s3;
	s6 =	simm.s32 @!p1 $0x1082;
	[sflag:s4] =	ssyncset.s32 $0xFFFFF086  }
0x25: {  	[simem:s6], [sflag:s4] =	dma.local [hbm:s3], $0xF7A  }
0x26: {  	[smem:$0x3F9E] =	sst s1;
	(tag) =	ssettag s2;
	_ =	strace s9  }
0x27: {  	s1 =	sld [smem:$0x3FAE]  }
0x28: {  	s2 =	sld [smem:$0x3FAF]  }
0x29: {  	s4 =	sld [smem:$0x3FB1]  }
0x2a: {  	p0 =	seq.s32 s5, $0x0;
	s5 =	sld [smem:$0x3FB2]  }
0x2b: {  	s6 =	sld [smem:$0x3FB3]  }
0x2c: {  	s7 =	sld [smem:$0x3FB4]  }
0x2d: {  	s3 =	simm.s32 $0x108;
	s8 =	sld [smem:$0x3FB5]  }
0x2e: {  	s3 =	simm.s32 @!p0 $0x1082;
	s9 =	sld [smem:$0x3FB6]  }
0x2f: {  	lr =	sadd.s32 s0, s3;
	s0 =	sld [smem:$0x3FAD]  }
0x30: {  	s3 =	sld [smem:$0x3FB0]  }
0x31: {  	[smem:$0x3FB9] =	sst s10  }
0x32: {  	s10 =	sld [smem:$0x3FB7];
	_ =	sdelay $0x3  }
0x33: {  	p0 =	seq.s32 s10, $0x1;
	s10 =	sld [smem:$0x3FB9];
	_ =	sdelay $0x3  }
0x34: {  	[smem:$0x3FB9] =	sst s10  }
0x35: {  	s10 =	sld [smem:$0x3FB8];
	_ =	sdelay $0x3  }
0x36: {  	p1 =	seq.s32 s10, $0x1;
	s10 =	sld [smem:$0x3FB9];
	_ =	sdelay $0x3  }
0x37: {  	[smem:$0x3FB9] =	sst s10  }
0x38: {  	s10 =	sld [smem:$0x3FBA]  }
0x39: {  	_ = 	snop;
	(pc) =	sbr.ind lr, $3  }
0x3a: {  	_ = 	snop  }
0x3b: {  	_ = 	snop  }
0x3c: {  	p2 =	seq.s32 s10, $0x1;
	s10 =	sld [smem:$0x3FB9]  }
0x3d: {  	_ =	shalt  }
0x3e: {  	_ =	shalt  }
0x3f: {  	_ =	shalt  }
0x40: {  	_ =	shalt  }
0x41: {  	_ =	shalt  }
0x42: {  	_ =	shalt  }
0x43: {  	_ =	shalt  }
0x44: {  	_ =	shalt  }
0x45: {  	_ =	shalt  }
0x46: {  	_ =	shalt  }
0x47: {  	_ =	shalt  }
0x48: {  	_ =	shalt  }
0x49: {  	_ =	shalt  }
0x4a: {  	_ =	shalt  }
0x4b: {  	_ =	shalt  }
0x4c: {  	_ =	shalt  }
0x4d: {  	_ =	shalt  }
0x4e: {  	_ =	shalt  }
0x4f: {  	_ =	shalt  }
0x50: {  	_ =	shalt  }
0x51: {  	_ =	shalt  }
0x52: {  	_ =	shalt  }
0x53: {  	_ =	shalt  }
0x54: {  	_ =	shalt  }
0x55: {  	_ =	shalt  }
0x56: {  	_ =	shalt  }
0x57: {  	_ =	shalt  }
0x58: {  	_ =	shalt  }
0x59: {  	_ =	shalt  }
0x5a: {  	_ =	shalt  }
0x5b: {  	_ =	shalt  }
0x5c: {  	_ =	shalt  }
0x5d: {  	_ =	shalt  }
0x5e: {  	_ =	shalt  }
0x5f: {  	_ =	shalt  }
0x60: {  	_ =	shalt  }
0x61: {  	_ =	shalt  }
0x62: {  	_ =	shalt  }
0x63: {  	_ =	shalt  }
0x64: {  	_ =	shalt  }
0x65: {  	_ =	shalt  }
0x66: {  	_ =	shalt  }
0x67: {  	_ =	shalt  }
0x68: {  	_ =	shalt  }
0x69: {  	_ =	shalt  }
0x6a: {  	_ =	shalt  }
0x6b: {  	_ =	shalt  }
0x6c: {  	_ =	shalt  }
0x6d: {  	_ =	shalt  }
0x6e: {  	_ =	shalt  }
0x6f: {  	_ =	shalt  }
0x70: {  	_ =	shalt  }
0x71: {  	_ =	shalt  }
0x72: {  	_ =	shalt  }
0x73: {  	_ =	shalt  }
0x74: {  	_ =	shalt  }
0x75: {  	_ =	shalt  }
0x76: {  	_ =	shalt  }
0x77: {  	_ =	shalt  }
0x78: {  	_ =	shalt  }
0x79: {  	_ =	shalt  }
0x7a: {  	_ =	shalt  }
0x7b: {  	_ =	shalt  }
0x7c: {  	_ =	shalt  }
0x7d: {  	_ =	shalt  }
0x7e: {  	_ =	shalt  }
0x7f: {  	_ =	shalt  }
0x80: {  	_ =	shalt  }
0x81: {  	_ =	shalt  }
0x82: {  	_ =	shalt  }
0x83: {  	_ =	shalt  }
0x84: {  	_ =	shalt  }
0x85: {  	_ =	shalt  }
0x86: {  	_ =	shalt  }
0x87: {  	_ =	shalt  }
.Lfunc_end0:
.L_simem_size_0:
called_computation_lowered:
.L_overlay_start_0:
0x88: {  	s2 =	sld [smem:$0x3FD9]  }
0x89: {  	s3 =	sld [smem:$0x3FFE];
	_ =	sdelay $0x1  }
0x8a: {  	s1 =	srdreg.scid  }
0x8b: {  	s0 =	sand.u32 $0x1, s1  }
0x8c: {  	s16 =	sshll.u32 s0, $0xA;
	s2 =	sadd.s32 s3, s2  }
0x8d: {  	s2 =	sadd.s32 s2, s16  }
0x8e: {  	[smem:$0x3FC5] =	sst s2  }
0x8f: {  	_ = 	snop  }
0x90: {  	(tm) =	ssettm $0x1  }
0x91: {  	s17 =	sld [smem:$0x3FFB];
	_ =	sdelay $0x3  }
0x92: {  	_ =	strace s17  }
0x93: {  	s2 =	sld [smem:$0x3FFC];
	_ =	sdelay $0x3  }
0x94: {  	_ =	strace s2  }
0x95: {  	s2 =	sld [smem:$0x3FFD];
	_ =	sdelay $0x3  }
0x96: {  	_ =	strace s2  }
0x97: {  	_ =	strace $0x8FFFFFFF  }
0x98: {  	s18 =	sld [smem:$0x3FDB];
	_ =	sdelay $0x1  }
0x99: {  	s19 =	simm.s32 $_scs_section_size  }
0x9a: {  	s4 =	simm.s32 $_size__tile_overlayer_lowered;
	s5 =	simm.s32 $_tile_overlayer_lowered  }
0x9b: {  	s22 =	simm.s32 $0x1BFF;
	s21 =	sshll.u32 s5, $0x1;
	s2 =	sadd.s32 s19, s18  }
0x9c: {  	s6 =	simm.s32 $0x0;
	s20 =	sshll.u32 s4, $0x1;
	s4 =	sadd.s32 s21, s2  }
0x9d: {  	[timem:s6], [sflag:s22] =	dma.local [hbm:s4], s20  }
0x9e: {  	_ =	swait.ge [sflag:s22], s20  }
0x9f: {  	s3 =	ssub.s32 $0x0, s20;
	[sflag:s22] =	ssyncset.done $0x0  }
0xa0: {  	[sflag:s22] =	ssyncadd.s32 s3;
	_ =	sdelay $0x1  }
0xa1: {  	s23 =	simm.s32 $0x1B8B  }
0xa2: {  	_ =	swait.ge [sflag:s23], $0x1  }
0xa3: {  	[sflag:s23] =	ssyncset.done $0x0  }
0xa4: {  	s25 =	simm.s32 $0x1B8E;
	s24 =	sld [smem:$0x3FFE];
	[sflag:s23] =	ssyncadd.s32 $0xFFFFFFFF  }
0xa5: {  	s26 =	simm.s32 $execute0_lowered;
	[smem:$0x3FD2] =	sst s25  }
0xa6: {  	s4 =	sshll.u32 s26, $0x1;
	_ =	strace $0x80000046;
	[dreg:$0x1] =	wrdreg $0xFFFFFFFF  }
0xa7: {  	s28 =	simm.s32 $_size_execute0_lowered;
	s2 =	sadd.s32 s2, s4;
	[dreg:$0x0] =	wrdreg $0x0  }
0xa8: {  	s4 =	sshll.u32 s28, $0x1;
	[dreg:$0x2] =	wrdreg s2  }
0xa9: {  	[dreg:$0x3] =	wrdreg s4  }
0xaa: {  	[dreg:$0x4] =	wrdreg $0xC0  }
0xab: {  	_ =	task [dreg:s6], $0x5FFFF  }
0xac: {  	[dreg:$0x1] =	wrdreg $0xFFFFFFFF  }
0xad: {  	[dreg:$0x0] =	wrdreg $0x60  }
0xae: {  	[dreg:$0x2] =	wrdreg s24  }
0xaf: {  	[dreg:$0x3] =	wrdreg $0x9  }
0xb0: {  	_ =	task.clear_ibuf [dreg:s6], $0x4FFFF;
	_ =	strace $0x90000046  }
0xb1: {  	s29 =	simm.s32 $0x9;
	_ =	strace $0x80000048  }
0xb2: {  	_ =	swait.ge [sflag:s29], $0x1  }
0xb3: {  	[sflag:s29] =	ssyncadd.s32 $0xFFFFFFFF  }
0xb4: {  	_ =	strace $0x90000048  }
0xb5: {  	_ =	sfence  }
0xb6: {  	s30 =	sld [smem:$0x0];
	_ =	sdelay $0x2  }
0xb7: {  	s31 =	sshll.u32 s1, $0xD;
	s1 =	sshrl.u32 s1, $0x2  }
0xb8: {  	s3 =	sand.u32 $0x4000, s31;
	s1 =	sadd.s32 s1, s30  }
0xb9: {  	s0 =	sor.u32 s3, s0;
	s1 =	sshll.u32 s1, $0x11  }
0xba: {  	s0 =	sor.u32 s1, s0  }
0xbb: {  	s0 =	sadd.s32 $0x8F2B, s0  }
0xbc: {  	[sflag:s0] =	ssyncadd.remote.s32 $0x1  }
0xbd: {  	_ =	sfence.sel $0xFFFF  }
0xbe: {  	[dreg:$0x0] =	wrdreg $0xFFFFFFFF;
	(pc) =	sbr.abs _section_cstart, $3  }
0xbf: {  	[dreg:$0x1] =	wrdreg $0xFFFFFFFF  }
0xc0: {  	_ =	task.clear_ibuf [dreg:s6], $0x2FFFF;
	_ =	strace $0x9FFFFFFF  }
0xc1: {  	(tm) =	ssettm $0x7FFFFFFF  }
tec
execute0_lowered:
.L_overlay_start_1:
0x0: {  	(tag) =	ssettag $0x1  }
0x1: {  	s4 =	rddreg [dreg:$0x0]  }
0x2: {  	s0 =	rddreg [dreg:$0x1]  }
0x3: {  	s3 =	srdreg.scid;
	s1 =	stileid.u32;
	s2 =	simm.s32 $0x0  }
0x4: {  	s8 =	simm.s32 $0x410;
	s9 =	simm.s32 $0x100;
	s10 =	simm.s32 $0x920  }
0x5: {  	s11 =	simm.s32 $0x510;
	s12 =	simm.s32 $0xD30;
	s13 =	simm.s32 $0x1  }
0x6: {  	s3 =	sand.u32 $0x1, s3;
	s5 =	sshll.u32 s1, $0x1;
	[smem:$0x7FF] =	sst s2  }
0x7: {  	s14 =	simm.s32 $0x1140;
	s5 =	sor.u32 s3, s5;
	_ =	strace $0x80000047  }
0x8: {  	vm0 =	vmmov $0xf;
	vm1 =	vmmov $0x1;
	s7 =	ssub.s32 $0x2, s3;
	s3 =	sadd.s32 $0x800, s4;
	s6 =	sshll.u32 s5, $0x5  }
0x9: {  	vm2 =	vcmask $0x704;
	vm3 =	vcmask $0xB08;
	vm4 =	vcmask $0xF0C;
	s5 =	sshll.u32 s5, $0x1;
	s31 =	sshrl.u32 s7, $0x1;
	s6 =	sadd.s32 s6, s4  }
0xa: {  	vm5 =	vcmask $0x1310;
	vm6 =	vcmask $0x1714;
	vm7 =	vcmask $0x1B18;
	s5 =	sadd.s32 s5, s4;
	s7 =	ssub.s32 s7, s31;
	s4 =	sadd.s32 $0x400, s6  }
0xb: {  	vm8 =	vcmask $0x1F1C;
	vm9 =	vcmask $0x2320;
	vm10 =	vcmask $0x2724;
	s5 =	sadd.s32 $0x3DC00, s5;
	s6 =	smax.u32 s7, $0x1;
	s7 =	simm.s32 $0x2  }
.LBB2_1:
0xc: {  	[tilespmem:s2], [sflag:$0x2] =	stream.linear.gather [hbm4b:s4+s2], $0x100, $0x38;
	[tilespmem:$0x1150] =	vst v63  }
0xd: {  	_ =	swait.ge [sflag:s7], $0x100  }
0xe: {  	[sflag:s7] =	ssyncset.done $0x0  }
0xf: {  	[sflag:s7] =	ssyncadd.s32 $0xFFFFFF00  }
0x10: {  	v0 =	vld [tilespmem:$0x0]  }
0x11: {  	v1 =	vld [tilespmem:$0x10]  }
0x12: {  	v2 =	vld [tilespmem:$0x20]  }
0x13: {  	v3 =	vld [tilespmem:$0x30]  }
0x14: {  	v4 =	vld [tilespmem:$0x40]  }
0x15: {  	v5 =	vld [tilespmem:$0x50]  }
0x16: {  	v44 =	vld [tilespmem:$0x60];
	[tilespmem:$0x100] =	vst v0  }
0x17: {  	v45 =	vld [tilespmem:$0x70];
	[tilespmem:$0x110] =	vst v1  }
0x18: {  	v46 =	vld [tilespmem:$0x80];
	[tilespmem:$0x120] =	vst v2  }
0x19: {  	v47 =	vld [tilespmem:$0x90];
	[tilespmem:$0x130] =	vst v3  }
0x1a: {  	v48 =	vld [tilespmem:$0xA0];
	[tilespmem:$0x140] =	vst v4  }
0x1b: {  	v49 =	vld [tilespmem:$0xB0];
	[tilespmem:$0x150] =	vst v5  }
0x1c: {  	v50 =	vld [tilespmem:$0xC0];
	[tilespmem:$0x160] =	vst v44  }
0x1d: {  	v51 =	vld [tilespmem:$0x0];
	[tilespmem:$0x170] =	vst v45  }
0x1e: {  	v52 =	vld [tilespmem:$0x10];
	[tilespmem:$0x180] =	vst v46  }
0x1f: {  	v53 =	vld [tilespmem:$0x20];
	[tilespmem:$0x190] =	vst v47  }
0x20: {  	v54 =	vld [tilespmem:$0x30];
	[tilespmem:$0x1A0] =	vst v48  }
0x21: {  	v55 =	vld [tilespmem:$0x40];
	[tilespmem:$0x1B0] =	vst v49  }
0x22: {  	v57 =	vld [tilespmem:$0x50];
	[tilespmem:$0x1C0] =	vst v50;
	v56 =	vadd.s32 $0x31000, v51  }
0x23: {  	v59 =	vld [tilespmem:$0x60];
	v58 =	vadd.s32 $0x31000, v52;
	[tilespmem:$0x1D0] =	vst v56  }
0x24: {  	v61 =	vld [tilespmem:$0x70];
	v60 =	vadd.s32 $0x31000, v53;
	[tilespmem:$0x1E0] =	vst v58  }
0x25: {  	v63 =	vld [tilespmem:$0x80];
	v62 =	vadd.s32 $0x31000, v54;
	[tilespmem:$0x1F0] =	vst v60  }
0x26: {  	v9 =	vld [tilespmem:$0x90];
	v8 =	vadd.s32 $0x31000, v55;
	[tilespmem:$0x200] =	vst v62  }
0x27: {  	v11 =	vld [tilespmem:$0xA0];
	v10 =	vadd.s32 $0x31000, v57;
	[tilespmem:$0x210] =	vst v8  }
0x28: {  	v13 =	vld [tilespmem:$0xB0];
	v12 =	vadd.s32 $0x31000, v59;
	[tilespmem:$0x220] =	vst v10  }
0x29: {  	v15 =	vld [tilespmem:$0xC0];
	v14 =	vadd.s32 $0x31000, v61;
	[tilespmem:$0x230] =	vst v12  }
0x2a: {  	v17 =	vld [tilespmem:$0x0];
	v16 =	vadd.s32 $0x31000, v63;
	[tilespmem:$0x240] =	vst v14  }
0x2b: {  	v19 =	vld [tilespmem:$0x10];
	v18 =	vadd.s32 $0x31000, v9;
	[tilespmem:$0x250] =	vst v16  }
0x2c: {  	v21 =	vld [tilespmem:$0x20];
	v20 =	vadd.s32 $0x31000, v11;
	[tilespmem:$0x260] =	vst v18  }
0x2d: {  	v23 =	vld [tilespmem:$0x30];
	v22 =	vadd.s32 $0x31000, v13;
	[tilespmem:$0x270] =	vst v20  }
0x2e: {  	v25 =	vld [tilespmem:$0x40];
	v24 =	vadd.s32 $0x31000, v15;
	[tilespmem:$0x280] =	vst v22  }
0x2f: {  	v27 =	vld [tilespmem:$0x50];
	v26 =	vadd.s32 $0x62000, v17;
	[tilespmem:$0x290] =	vst v24  }
0x30: {  	v29 =	vld [tilespmem:$0x60];
	v28 =	vadd.s32 $0x62000, v19;
	[tilespmem:$0x2A0] =	vst v26  }
0x31: {  	v31 =	vld [tilespmem:$0x70];
	v30 =	vadd.s32 $0x62000, v21;
	[tilespmem:$0x2B0] =	vst v28  }
0x32: {  	v33 =	vld [tilespmem:$0x80];
	v32 =	vadd.s32 $0x62000, v23;
	[tilespmem:$0x2C0] =	vst v30  }
0x33: {  	v35 =	vld [tilespmem:$0x90];
	v34 =	vadd.s32 $0x62000, v25;
	[tilespmem:$0x2D0] =	vst v32  }
0x34: {  	v37 =	vld [tilespmem:$0xA0];
	v36 =	vadd.s32 $0x62000, v27;
	[tilespmem:$0x2E0] =	vst v34  }
0x35: {  	v39 =	vld [tilespmem:$0xB0];
	v38 =	vadd.s32 $0x62000, v29;
	[tilespmem:$0x2F0] =	vst v36  }
0x36: {  	v41 =	vld [tilespmem:$0xC0];
	v40 =	vadd.s32 $0x62000, v31;
	[tilespmem:$0x300] =	vst v38  }
0x37: {  	v43 =	vld [tilespmem:$0x0];
	v42 =	vadd.s32 $0x62000, v33;
	[tilespmem:$0x310] =	vst v40  }
0x38: {  	v44 =	vadd.s32 $0x62000, v35;
	v45 =	vld [tilespmem:$0x10];
	[tilespmem:$0x320] =	vst v42  }
0x39: {  	v46 =	vadd.s32 $0x62000, v37;
	v47 =	vld [tilespmem:$0x20];
	[tilespmem:$0x330] =	vst v44  }
0x3a: {  	v48 =	vadd.s32 $0x62000, v39;
	v49 =	vld [tilespmem:$0x30];
	[tilespmem:$0x340] =	vst v46  }
0x3b: {  	v50 =	vadd.s32 $0x62000, v41;
	v51 =	vld [tilespmem:$0x40];
	[tilespmem:$0x350] =	vst v48  }
0x3c: {  	v52 =	vadd.s32 $0x93000, v43;
	v53 =	vld [tilespmem:$0x50];
	[tilespmem:$0x360] =	vst v50  }
0x3d: {  	v55 =	vld [tilespmem:$0x60];
	[tilespmem:$0x370] =	vst v52;
	v54 =	vadd.s32 $0x93000, v45  }
0x3e: {  	v57 =	vld [tilespmem:$0x70];
	v56 =	vadd.s32 $0x93000, v47;
	[tilespmem:$0x380] =	vst v54  }
0x3f: {  	v59 =	vld [tilespmem:$0x80];
	v58 =	vadd.s32 $0x93000, v49;
	[tilespmem:$0x390] =	vst v56  }
0x40: {  	v61 =	vld [tilespmem:$0x90];
	v60 =	vadd.s32 $0x93000, v51;
	[tilespmem:$0x3A0] =	vst v58  }
0x41: {  	v63 =	vld [tilespmem:$0xA0];
	v62 =	vadd.s32 $0x93000, v53;
	[tilespmem:$0x3B0] =	vst v60  }
0x42: {  	v9 =	vld [tilespmem:$0xB0];
	v8 =	vadd.s32 $0x93000, v55;
	[tilespmem:$0x3C0] =	vst v62  }
0x43: {  	v11 =	vld [tilespmem:$0xC0];
	v10 =	vadd.s32 $0x93000, v57;
	[tilespmem:$0x3D0] =	vst v8  }
0x44: {  	v13 =	vld [tilespmem:$0x0];
	v12 =	vadd.s32 $0x93000, v59;
	[tilespmem:$0x3E0] =	vst v10  }
0x45: {  	v15 =	vld [tilespmem:$0x10];
	v14 =	vadd.s32 $0x93000, v61;
	[tilespmem:$0x3F0] =	vst v12  }
0x46: {  	v17 =	vld [tilespmem:$0x20];
	v16 =	vadd.s32 $0x93000, v63;
	[tilespmem:$0x400] =	vst v14  }
0x47: {  	v19 =	vld [tilespmem:$0x30];
	v18 =	vadd.s32 $0x93000, v9;
	[tilespmem:$0x410] =	vst v16  }
0x48: {  	v21 =	vld [tilespmem:$0x40];
	v20 =	vadd.s32 $0x93000, v11;
	[tilespmem:$0x420] =	vst v18  }
0x49: {  	v23 =	vld [tilespmem:$0x50];
	v22 =	vadd.s32 $0xC4000, v13;
	[tilespmem:$0x430] =	vst v20  }
0x4a: {  	v25 =	vld [tilespmem:$0x60];
	v24 =	vadd.s32 $0xC4000, v15;
	[tilespmem:$0x440] =	vst v22  }
0x4b: {  	v27 =	vld [tilespmem:$0x70];
	v26 =	vadd.s32 $0xC4000, v17;
	[tilespmem:$0x450] =	vst v24  }
0x4c: {  	v29 =	vld [tilespmem:$0x80];
	v28 =	vadd.s32 $0xC4000, v19;
	[tilespmem:$0x460] =	vst v26  }
0x4d: {  	v31 =	vld [tilespmem:$0x90];
	v30 =	vadd.s32 $0xC4000, v21;
	[tilespmem:$0x470] =	vst v28  }
0x4e: {  	v33 =	vld [tilespmem:$0xA0];
	v32 =	vadd.s32 $0xC4000, v23;
	[tilespmem:$0x480] =	vst v30  }
0x4f: {  	v35 =	vld [tilespmem:$0xB0];
	v34 =	vadd.s32 $0xC4000, v25;
	[tilespmem:$0x490] =	vst v32  }
0x50: {  	v37 =	vld [tilespmem:$0xC0];
	v36 =	vadd.s32 $0xC4000, v27;
	[tilespmem:$0x4A0] =	vst v34  }
0x51: {  	v39 =	vld [tilespmem:$0x0];
	v38 =	vadd.s32 $0xC4000, v29;
	[tilespmem:$0x4B0] =	vst v36  }
0x52: {  	v41 =	vld [tilespmem:$0x10];
	v40 =	vadd.s32 $0xC4000, v31;
	[tilespmem:$0x4C0] =	vst v38  }
0x53: {  	v43 =	vld [tilespmem:$0x20];
	v42 =	vadd.s32 $0xC4000, v33;
	[tilespmem:$0x4D0] =	vst v40  }
0x54: {  	v44 =	vadd.s32 $0xC4000, v35;
	v45 =	vld [tilespmem:$0x30];
	[tilespmem:$0x4E0] =	vst v42  }
0x55: {  	v46 =	vadd.s32 $0xC4000, v37;
	v47 =	vld [tilespmem:$0x40];
	[tilespmem:$0x4F0] =	vst v44  }
0x56: {  	v48 =	vadd.s32 $0xF5000, v39;
	v49 =	vld [tilespmem:$0x50];
	[tilespmem:$0x500] =	vst v46  }
0x57: {  	v50 =	vadd.s32 $0xF5000, v41;
	v51 =	vld [tilespmem:$0x60];
	[tilespmem:$0x510] =	vst v48  }
0x58: {  	v52 =	vadd.s32 $0xF5000, v43;
	v53 =	vld [tilespmem:$0x70];
	[tilespmem:$0x520] =	vst v50  }
0x59: {  	v55 =	vld [tilespmem:$0x80];
	[tilespmem:$0x530] =	vst v52;
	v54 =	vadd.s32 $0xF5000, v45  }
0x5a: {  	v57 =	vld [tilespmem:$0x90];
	v56 =	vadd.s32 $0xF5000, v47;
	[tilespmem:$0x540] =	vst v54  }
0x5b: {  	v59 =	vld [tilespmem:$0xA0];
	v58 =	vadd.s32 $0xF5000, v49;
	[tilespmem:$0x550] =	vst v56  }
0x5c: {  	v61 =	vld [tilespmem:$0xB0];
	v60 =	vadd.s32 $0xF5000, v51;
	[tilespmem:$0x560] =	vst v58  }
0x5d: {  	v63 =	vld [tilespmem:$0xC0];
	v62 =	vadd.s32 $0xF5000, v53;
	[tilespmem:$0x570] =	vst v60  }
0x5e: {  	v8 =	vld [tilespmem:$0x0];
	v7 =	vadd.s32 $0xF5000, v55;
	[tilespmem:$0x580] =	vst v62  }
0x5f: {  	v10 =	vld [tilespmem:$0x10];
	v9 =	vadd.s32 $0xF5000, v57;
	[tilespmem:$0x590] =	vst v7  }
0x60: {  	v12 =	vld [tilespmem:$0x20];
	v11 =	vadd.s32 $0xF5000, v59;
	[tilespmem:$0x5A0] =	vst v9  }
0x61: {  	v14 =	vld [tilespmem:$0x30];
	v13 =	vadd.s32 $0xF5000, v61;
	[tilespmem:$0x5B0] =	vst v11  }
0x62: {  	v16 =	vld [tilespmem:$0x40];
	v15 =	vadd.s32 $0xF5000, v63;
	[tilespmem:$0x5C0] =	vst v13  }
0x63: {  	v18 =	vld [tilespmem:$0x50];
	[tilespmem:$0x5D0] =	vst v15;
	v17 =	vadd.s32 $0x126000, v8  }
0x64: {  	v20 =	vld [tilespmem:$0x60];
	v19 =	vadd.s32 $0x126000, v10;
	[tilespmem:$0x5E0] =	vst v17  }
0x65: {  	v22 =	vld [tilespmem:$0x70];
	v21 =	vadd.s32 $0x126000, v12;
	[tilespmem:$0x5F0] =	vst v19  }
0x66: {  	v24 =	vld [tilespmem:$0x80];
	v23 =	vadd.s32 $0x126000, v14;
	[tilespmem:$0x600] =	vst v21  }
0x67: {  	v26 =	vld [tilespmem:$0x90];
	v25 =	vadd.s32 $0x126000, v16;
	[tilespmem:$0x610] =	vst v23  }
0x68: {  	v28 =	vld [tilespmem:$0xA0];
	v27 =	vadd.s32 $0x126000, v18;
	[tilespmem:$0x620] =	vst v25  }
0x69: {  	v30 =	vld [tilespmem:$0xB0];
	v29 =	vadd.s32 $0x126000, v20;
	[tilespmem:$0x630] =	vst v27  }
0x6a: {  	v32 =	vld [tilespmem:$0xC0];
	v31 =	vadd.s32 $0x126000, v22;
	[tilespmem:$0x640] =	vst v29  }
0x6b: {  	v34 =	vld [tilespmem:$0x0];
	v33 =	vadd.s32 $0x126000, v24;
	[tilespmem:$0x650] =	vst v31  }
0x6c: {  	v36 =	vld [tilespmem:$0x10];
	v35 =	vadd.s32 $0x126000, v26;
	[tilespmem:$0x660] =	vst v33  }
0x6d: {  	v38 =	vld [tilespmem:$0x20];
	v37 =	vadd.s32 $0x126000, v28;
	[tilespmem:$0x670] =	vst v35  }
0x6e: {  	v40 =	vld [tilespmem:$0x30];
	v39 =	vadd.s32 $0x126000, v30;
	[tilespmem:$0x680] =	vst v37  }
0x6f: {  	v42 =	vld [tilespmem:$0x40];
	v41 =	vadd.s32 $0x126000, v32;
	[tilespmem:$0x690] =	vst v39  }
0x70: {  	v44 =	vld [tilespmem:$0x50];
	v43 =	vadd.s32 $0x157000, v34;
	[tilespmem:$0x6A0] =	vst v41  }
0x71: {  	v46 =	vld [tilespmem:$0x60];
	v45 =	vadd.s32 $0x157000, v36;
	[tilespmem:$0x6B0] =	vst v43  }
0x72: {  	v48 =	vld [tilespmem:$0x70];
	v47 =	vadd.s32 $0x157000, v38;
	[tilespmem:$0x6C0] =	vst v45  }
0x73: {  	v50 =	vld [tilespmem:$0x80];
	v49 =	vadd.s32 $0x157000, v40;
	[tilespmem:$0x6D0] =	vst v47  }
0x74: {  	v52 =	vld [tilespmem:$0x90];
	v51 =	vadd.s32 $0x157000, v42;
	[tilespmem:$0x6E0] =	vst v49  }
0x75: {  	v53 =	vadd.s32 $0x157000, v44;
	v54 =	vld [tilespmem:$0xA0];
	[tilespmem:$0x6F0] =	vst v51  }
0x76: {  	v55 =	vadd.s32 $0x157000, v46;
	v56 =	vld [tilespmem:$0xB0];
	[tilespmem:$0x700] =	vst v53  }
0x77: {  	v57 =	vadd.s32 $0x157000, v48;
	v58 =	vld [tilespmem:$0xC0];
	[tilespmem:$0x710] =	vst v55  }
0x78: {  	v59 =	vadd.s32 $0x157000, v50;
	v60 =	vld [tilespmem:$0x0];
	[tilespmem:$0x720] =	vst v57  }
0x79: {  	v61 =	vadd.s32 $0x157000, v52;
	v62 =	vld [tilespmem:$0x10];
	[tilespmem:$0x730] =	vst v59  }
0x7a: {  	v8 =	vld [tilespmem:$0x20];
	[tilespmem:$0x740] =	vst v61;
	v63 =	vadd.s32 $0x157000, v54  }
0x7b: {  	v10 =	vld [tilespmem:$0x30];
	v9 =	vadd.s32 $0x157000, v56;
	[tilespmem:$0x750] =	vst v63  }
0x7c: {  	v12 =	vld [tilespmem:$0x40];
	v11 =	vadd.s32 $0x157000, v58;
	[tilespmem:$0x760] =	vst v9  }
0x7d: {  	v14 =	vld [tilespmem:$0x50];
	v13 =	vadd.s32 $0x188000, v60;
	[tilespmem:$0x770] =	vst v11  }
0x7e: {  	v16 =	vld [tilespmem:$0x60];
	v15 =	vadd.s32 $0x188000, v62;
	[tilespmem:$0x780] =	vst v13  }
0x7f: {  	v18 =	vld [tilespmem:$0x70];
	v17 =	vadd.s32 $0x188000, v8;
	[tilespmem:$0x790] =	vst v15  }
0x80: {  	v20 =	vld [tilespmem:$0x80];
	v19 =	vadd.s32 $0x188000, v10;
	[tilespmem:$0x7A0] =	vst v17  }
0x81: {  	v22 =	vld [tilespmem:$0x90];
	v21 =	vadd.s32 $0x188000, v12;
	[tilespmem:$0x7B0] =	vst v19  }
0x82: {  	v24 =	vld [tilespmem:$0xA0];
	v23 =	vadd.s32 $0x188000, v14;
	[tilespmem:$0x7C0] =	vst v21  }
0x83: {  	v26 =	vld [tilespmem:$0xB0];
	v25 =	vadd.s32 $0x188000, v16;
	[tilespmem:$0x7D0] =	vst v23  }
0x84: {  	v28 =	vld [tilespmem:$0xC0];
	v27 =	vadd.s32 $0x188000, v18;
	[tilespmem:$0x7E0] =	vst v25  }
0x85: {  	v30 =	vld [tilespmem:$0x0];
	v29 =	vadd.s32 $0x188000, v20;
	[tilespmem:$0x7F0] =	vst v27  }
0x86: {  	v32 =	vld [tilespmem:$0x10];
	v31 =	vadd.s32 $0x188000, v22;
	[tilespmem:$0x800] =	vst v29  }
0x87: {  	v34 =	vld [tilespmem:$0x20];
	v33 =	vadd.s32 $0x188000, v24;
	[tilespmem:$0x810] =	vst v31  }
0x88: {  	v36 =	vld [tilespmem:$0x30];
	v35 =	vadd.s32 $0x188000, v26;
	[tilespmem:$0x820] =	vst v33  }
0x89: {  	v38 =	vld [tilespmem:$0x40];
	v37 =	vadd.s32 $0x188000, v28;
	[tilespmem:$0x830] =	vst v35  }
0x8a: {  	v40 =	vld [tilespmem:$0x50];
	v39 =	vadd.s32 $0x1B9000, v30;
	[tilespmem:$0x840] =	vst v37  }
0x8b: {  	v42 =	vld [tilespmem:$0x60];
	v41 =	vadd.s32 $0x1B9000, v32;
	[tilespmem:$0x850] =	vst v39  }
0x8c: {  	v44 =	vld [tilespmem:$0x70];
	v43 =	vadd.s32 $0x1B9000, v34;
	[tilespmem:$0x860] =	vst v41  }
0x8d: {  	v46 =	vld [tilespmem:$0x80];
	v45 =	vadd.s32 $0x1B9000, v36;
	[tilespmem:$0x870] =	vst v43  }
0x8e: {  	v48 =	vld [tilespmem:$0x90];
	v47 =	vadd.s32 $0x1B9000, v38;
	[tilespmem:$0x880] =	vst v45  }
0x8f: {  	v50 =	vld [tilespmem:$0xA0];
	v49 =	vadd.s32 $0x1B9000, v40;
	[tilespmem:$0x890] =	vst v47  }
0x90: {  	v52 =	vld [tilespmem:$0xB0];
	v51 =	vadd.s32 $0x1B9000, v42;
	[tilespmem:$0x8A0] =	vst v49  }
0x91: {  	v53 =	vadd.s32 $0x1B9000, v44;
	v54 =	vld [tilespmem:$0xC0];
	[tilespmem:$0x8B0] =	vst v51  }
0x92: {  	v55 =	vadd.s32 $0x1B9000, v46;
	[tilespmem:$0x8C0] =	vst v53  }
0x93: {  	v56 =	vadd.s32 $0x1B9000, v48;
	[tilespmem:$0x8D0] =	vst v55  }
0x94: {  	v57 =	vadd.s32 $0x1B9000, v50;
	[tilespmem:$0x8E0] =	vst v56  }
0x95: {  	v58 =	vadd.s32 $0x1B9000, v52;
	[tilespmem:$0x8F0] =	vst v57  }
0x96: {  	[tilespmem:$0x900] =	vst v58;
	v59 =	vadd.s32 $0x1B9000, v54  }
0x97: {  	[tilespmem:$0x910] =	vst v59  }
0x98: {  	[tilespmem:s10], [sflag:$0x1] =	stream.indirect.gather [hbm4b:s3+s8], $0x1, s9, s8, $0xb8;
	[tilespmem:$0x1150] =	vst v63  }
0x99: {  	_ = 	snop  }
0x9a: {  	[tilespmem:s12], [sflag:$0x1] =	stream.indirect.gather [hbm4b:s3+s8], $0x1, s11, s8, $0xb8;
	[tilespmem:$0x1150] =	vst v63  }
0x9b: {  	_ =	swait.ge [sflag:s13], $0x410  }
0x9c: {  	[sflag:s13] =	ssyncset.done $0x0  }
0x9d: {  	[sflag:s13] =	ssyncadd.s32 $0xFFFFFBF0  }
0x9e: {  	_ =	swait.ge [sflag:s13], $0x410  }
0x9f: {  	[sflag:s13] =	ssyncset.done $0x0  }
0xa0: {  	[sflag:s13] =	ssyncadd.s32 $0xFFFFFBF0  }
0xa1: {  	v60 =	vld [tilespmem:$0x920]  }
0xa2: {  	v61 =	vld [tilespmem:$0x930]  }
0xa3: {  	v2 =	vld [tilespmem:$0x940]  }
0xa4: {  	v3 =	vld [tilespmem:$0x950]  }
0xa5: {  	v4 =	vld [tilespmem:$0x960]  }
0xa6: {  	v5 =	vld [tilespmem:$0x970]  }
0xa7: {  	v6 =	vld [tilespmem:$0x980]  }
0xa8: {  	v7 =	vld [tilespmem:$0x990]  }
0xa9: {  	v8 =	vld [tilespmem:$0x9A0]  }
0xaa: {  	v9 =	vld [tilespmem:$0x9B0]  }
0xab: {  	v10 =	vld [tilespmem:$0x9C0]  }
0xac: {  	v11 =	vld [tilespmem:$0x9D0]  }
0xad: {  	v12 =	vld [tilespmem:$0x9E0]  }
0xae: {  	v13 =	vld [tilespmem:$0x9F0]  }
0xaf: {  	v14 =	vld [tilespmem:$0xA00]  }
0xb0: {  	v15 =	vld [tilespmem:$0xA10]  }
0xb1: {  	v16 =	vld [tilespmem:$0xA20]  }
0xb2: {  	v17 =	vld [tilespmem:$0xA30]  }
0xb3: {  	v18 =	vld [tilespmem:$0xA40]  }
0xb4: {  	v19 =	vld [tilespmem:$0xA50]  }
0xb5: {  	v20 =	vld [tilespmem:$0xA60]  }
0xb6: {  	v21 =	vld [tilespmem:$0xA70]  }
0xb7: {  	v22 =	vld [tilespmem:$0xA80]  }
0xb8: {  	v23 =	vld [tilespmem:$0xA90]  }
0xb9: {  	v24 =	vld [tilespmem:$0xAA0]  }
0xba: {  	v25 =	vld [tilespmem:$0xAB0]  }
0xbb: {  	v26 =	vld [tilespmem:$0xAC0]  }
0xbc: {  	v27 =	vld [tilespmem:$0xAD0]  }
0xbd: {  	v28 =	vld [tilespmem:$0xAE0]  }
0xbe: {  	v29 =	vld [tilespmem:$0xAF0]  }
0xbf: {  	v30 =	vld [tilespmem:$0xB00]  }
0xc0: {  	v31 =	vld [tilespmem:$0xB10]  }
0xc1: {  	v32 =	vld [tilespmem:$0xB20]  }
0xc2: {  	v33 =	vld [tilespmem:$0xB30]  }
0xc3: {  	v34 =	vld [tilespmem:$0xB40]  }
0xc4: {  	v35 =	vld [tilespmem:$0xB50]  }
0xc5: {  	v36 =	vld [tilespmem:$0xB60]  }
0xc6: {  	v37 =	vld [tilespmem:$0xB70]  }
0xc7: {  	v38 =	vld [tilespmem:$0xB80]  }
0xc8: {  	v39 =	vld [tilespmem:$0xB90]  }
0xc9: {  	v40 =	vld [tilespmem:$0xBA0]  }
0xca: {  	v41 =	vld [tilespmem:$0xBB0]  }
0xcb: {  	v42 =	vld [tilespmem:$0xBC0]  }
0xcc: {  	v43 =	vld [tilespmem:$0xBD0]  }
0xcd: {  	v44 =	vld [tilespmem:$0xBE0]  }
0xce: {  	v45 =	vld [tilespmem:$0xBF0]  }
0xcf: {  	v46 =	vld [tilespmem:$0xC00]  }
0xd0: {  	v47 =	vld [tilespmem:$0xC10]  }
0xd1: {  	v48 =	vld [tilespmem:$0xC20]  }
0xd2: {  	v49 =	vld [tilespmem:$0xC30]  }
0xd3: {  	v50 =	vld [tilespmem:$0xC40]  }
0xd4: {  	v51 =	vld [tilespmem:$0xC50]  }
0xd5: {  	v52 =	vld [tilespmem:$0xC60]  }
0xd6: {  	v53 =	vld [tilespmem:$0xC70]  }
0xd7: {  	v54 =	vld [tilespmem:$0xC80]  }
0xd8: {  	v55 =	vld [tilespmem:$0xC90]  }
0xd9: {  	v56 =	vld [tilespmem:$0xCA0]  }
0xda: {  	v57 =	vld [tilespmem:$0xCB0]  }
0xdb: {  	v58 =	vld [tilespmem:$0xCC0]  }
0xdc: {  	v59 =	vld [tilespmem:$0xCD0]  }
0xdd: {  	v0 =	vadd.f32 $0.0e+00, v60;
	v60 =	vld [tilespmem:$0xCE0]  }
0xde: {  	v1 =	vadd.f32 $0.0e+00, v61;
	v62 =	vnsel vm0, $0x0, v12;
	v12 =	vld [tilespmem:$0xD80]  }
0xdf: {  	v61 =	vld [tilespmem:$0xDA0]  }
0xe0: {  	v13 =	vadd.f32 $0.0e+00, v13;
	v1 =	vadd.f32 v3, v1;
	v3 =	vld [tilespmem:$0xCF0]  }
0xe1: {  	v0 =	vadd.f32 v2, v0;
	v2 =	vld [tilespmem:$0xD00]  }
0xe2: {  	v13 =	vadd.f32 v15, v13;
	v1 =	vadd.f32 v5, v1;
	v5 =	vld [tilespmem:$0xD10]  }
0xe3: {  	v0 =	vadd.f32 v4, v0;
	v4 =	vld [tilespmem:$0xD20]  }
0xe4: {  	v13 =	vadd.f32 v17, v13;
	v17 =	vld [tilespmem:$0xDE0]  }
0xe5: {  	v1 =	vadd.f32 v7, v1;
	v7 =	vld [tilespmem:$0xD30]  }
0xe6: {  	v0 =	vadd.f32 v6, v0;
	v6 =	vld [tilespmem:$0xD40]  }
0xe7: {  	v13 =	vadd.f32 v19, v13;
	v19 =	vld [tilespmem:$0xE00];
	v1 =	vadd.f32 v9, v1  }
0xe8: {  	v9 =	vld [tilespmem:$0xD50];
	v0 =	vadd.f32 v8, v0  }
0xe9: {  	v8 =	vld [tilespmem:$0xD60];
	v13 =	vadd.f32 v21, v13;
	v1 =	vadd.f32 v11, v1  }
0xea: {  	v21 =	vld [tilespmem:$0xE20];
	v0 =	vadd.f32 v10, v0;
	v10 =	vadd.f32 $0.0e+00, v14  }
0xeb: {  	v11 =	vld [tilespmem:$0xD70];
	v13 =	vadd.f32 v23, v13;
	v6 =	vadd.f32 $0.0e+00, v6  }
0xec: {  	v14 =	vld [tilespmem:$0xD90];
	v7 =	vadd.f32 $0.0e+00, v7;
	v1 =	vadd.f32 v62, v1  }
0xed: {  	v23 =	vld [tilespmem:$0xE50];
	v63 =	vadd.f32 v16, v10;
	v62 =	vadd.f32 $0.0e+00, v27  }
0xee: {  	v10 =	vld [tilespmem:$0xDB0];
	v7 =	vadd.f32 v9, v7;
	v0 =	vadd.f32 v1, v0  }
0xef: {  	v16 =	vld [tilespmem:$0xDC0];
	v1 =	vadd.f32 v18, v63;
	v63 =	vadd.f32 $0.0e+00, v26  }
0xf0: {  	v26 =	vld [tilespmem:$0xDD0];
	v15 =	vadd.f32 v29, v62;
	v7 =	vadd.f32 v11, v7  }
0xf1: {  	v62 =	vld [tilespmem:$0xE10];
	v1 =	vadd.f32 v20, v1;
	v18 =	vadd.f32 v28, v63  }
0xf2: {  	v29 =	vld [tilespmem:$0xE80];
	v15 =	vadd.f32 v31, v15;
	v7 =	vadd.f32 v14, v7  }
0xf3: {  	v11 =	vld [tilespmem:$0xF80];
	v1 =	vadd.f32 v22, v1;
	v18 =	vadd.f32 v30, v18  }
0xf4: {  	v20 =	vld [tilespmem:$0xDF0];
	v15 =	vadd.f32 v33, v15;
	v7 =	vadd.f32 v10, v7  }
0xf5: {  	v63 =	vld [tilespmem:$0xE30];
	v1 =	vadd.f32 v24, v1;
	v18 =	vadd.f32 v32, v18  }
0xf6: {  	v28 =	vld [tilespmem:$0xE60];
	v33 =	vnsel vm0, $0x0, v25;
	v15 =	vadd.f32 v35, v15;
	v7 =	vadd.f32 v26, v7  }
0xf7: {  	v31 =	vld [tilespmem:$0xE70];
	v1 =	vadd.f32 v33, v1;
	v18 =	vadd.f32 v34, v18  }
0xf8: {  	v25 =	vld [tilespmem:$0xE40];
	v15 =	vadd.f32 v37, v15;
	v37 =	vadd.f32 $0.0e+00, v40  }
0xf9: {  	v38 =	vnsel vm0, $0x0, v38;
	v30 =	vld [tilespmem:$0xE90];
	v40 =	vadd.f32 $0.0e+00, v39;
	v18 =	vadd.f32 v36, v18  }
0xfa: {  	v35 =	vld [tilespmem:$0xEC0];
	v15 =	vadd.f32 v38, v15;
	v27 =	vadd.f32 v42, v37  }
0xfb: {  	v33 =	vld [tilespmem:$0xEB0];
	v1 =	vadd.f32 v1, v13;
	v41 =	vadd.f32 v41, v40  }
0xfc: {  	v15 =	vadd.f32 v15, v18;
	v42 =	vadd.f32 v44, v27;
	v27 =	vld [tilespmem:$0xEA0]  }
0xfd: {  	v13 =	vadd.f32 v43, v41;
	v44 =	vadd.f32 $0.0e+00, v52;
	v52 =	vld [tilespmem:$0xF40]  }
0xfe: {  	v43 =	vadd.f32 $0.0e+00, v53;
	v53 =	vadd.f32 v8, v6;
	v6 =	vld [tilespmem:$0xF50]  }
0xff: {  	v18 =	vadd.f32 v46, v42;
	v13 =	vadd.f32 v45, v13;
	v45 =	vld [tilespmem:$0xED0]  }
0x100: {  	v32 =	vadd.f32 v55, v43;
	v34 =	vadd.f32 v54, v44;
	v46 =	vld [tilespmem:$0xEE0]  }
0x101: {  	v54 =	vld [tilespmem:$0xF60];
	v55 =	vadd.f32 v12, v53;
	v18 =	vadd.f32 v48, v18  }
0x102: {  	v43 =	vld [tilespmem:$0x1000];
	v13 =	vadd.f32 v47, v13;
	v32 =	vadd.f32 v57, v32  }
0x103: {  	v53 =	vld [tilespmem:$0x1070];
	v34 =	vadd.f32 v56, v34;
	v56 =	vadd.f32 v61, v55  }
0x104: {  	v47 =	vld [tilespmem:$0xEF0];
	v57 =	vadd.f32 $0.0e+00, v62;
	v18 =	vadd.f32 v50, v18  }
0x105: {  	v48 =	vld [tilespmem:$0xF00];
	v13 =	vadd.f32 v49, v13;
	v32 =	vadd.f32 v59, v32  }
0x106: {  	v62 =	vld [tilespmem:$0xFC0];
	v34 =	vadd.f32 v58, v34;
	v59 =	vadd.f32 $0.0e+00, v19  }
0x107: {  	v49 =	vnsel vm0, $0x0, v51;
	v50 =	vld [tilespmem:$0xF10];
	v61 =	vadd.f32 v63, v57;
	v37 =	vadd.f32 $0.0e+00, v46  }
0x108: {  	v51 =	vld [tilespmem:$0xF20];
	v44 =	vadd.f32 $0.0e+00, v45;
	v18 =	vadd.f32 v49, v18  }
0x109: {  	v58 =	vld [tilespmem:$0xFA0];
	v3 =	vadd.f32 v3, v32;
	v34 =	vadd.f32 v60, v34  }
0x10a: {  	v63 =	vld [tilespmem:$0xFD0];
	v14 =	vadd.f32 v21, v59;
	v10 =	vadd.f32 v23, v61  }
0x10b: {  	v26 =	vnsel vm0, $0x0, v20;
	v19 =	vld [tilespmem:$0xFE0];
	v20 =	vadd.f32 v48, v37;
	v22 =	vadd.f32 v47, v44  }
0x10c: {  	v32 =	vld [tilespmem:$0xF30];
	v3 =	vadd.f32 v5, v3;
	v2 =	vadd.f32 v2, v34  }
0x10d: {  	v60 =	vld [tilespmem:$0xFB0];
	v9 =	vadd.f32 v18, v13;
	v14 =	vadd.f32 v25, v14  }
0x10e: {  	v45 =	vld [tilespmem:$0x1010];
	v10 =	vadd.f32 v31, v10;
	v20 =	vadd.f32 v51, v20  }
0x10f: {  	v4 =	vnsel vm0, $0x0, v4;
	v46 =	vld [tilespmem:$0x1020];
	v22 =	vadd.f32 v50, v22;
	v58 =	vadd.f32 $0.0e+00, v58  }
0x110: {  	v59 =	vld [tilespmem:$0x10A0];
	v3 =	vadd.f32 v4, v3;
	v14 =	vadd.f32 v28, v14  }
0x111: {  	v61 =	vld [tilespmem:$0x10B0];
	v10 =	vadd.f32 v30, v10;
	v20 =	vadd.f32 v52, v20  }
0x112: {  	v47 =	vld [tilespmem:$0x1030];
	v52 =	vadd.f32 v32, v22;
	v55 =	vadd.f32 $0.0e+00, v60  }
0x113: {  	v5 =	vld [tilespmem:$0xF70];
	v62 =	vadd.f32 v62, v58;
	v22 =	vadd.f32 $0.0e+00, v53  }
0x114: {  	v34 =	vld [tilespmem:$0xFF0];
	v2 =	vadd.f32 v3, v2;
	v3 =	vadd.f32 v16, v56  }
0x115: {  	v4 =	vld [tilespmem:$0xF90];
	v14 =	vadd.f32 v29, v14;
	v10 =	vadd.f32 v33, v10  }
0x116: {  	v8 =	vadd.f32 v54, v20;
	v54 =	vld [tilespmem:$0x1080];
	v6 =	vadd.f32 v6, v52  }
0x117: {  	(xrf2) =	vadd.scan.msk.f32 $0xffff, v0;
	v49 =	vnsel vm0, $0x0, v35;
	v48 =	vld [tilespmem:$0x1040];
	v60 =	vadd.f32 v63, v55;
	v3 =	vadd.f32 v17, v3  }
0x118: {  	v31 =	vld [tilespmem:$0x1100];
	v14 =	vadd.f32 v27, v14;
	v10 =	vadd.f32 v49, v10  }
0x119: {  	(xrf2) =	vadd.scan.msk.f32 $0xffff, v1;
	v56 =	vld [tilespmem:$0x1090];
	v57 =	vadd.f32 v11, v8;
	v5 =	vadd.f32 v5, v6  }
0x11a: {  	v63 =	vld [tilespmem:$0x10C0];
	v17 =	vadd.f32 v34, v60;
	v3 =	vadd.f32 v26, v3  }
0x11b: {  	v50 =	vld [tilespmem:$0x1050];
	v4 =	vnsel vm0, $0x0, v4;
	v10 =	vadd.f32 v10, v14;
	v18 =	vadd.f32 $0.0e+00, v54  }
0x11c: {  	v29 =	vld [tilespmem:$0x10E0];
	v0 =	vadd.f32 v4, v57;
	v4 =	vadd.f32 v19, v62  }
0x11d: {  	(xrf2) =	vadd.scan.msk.f32 $0xffff, v15;
	v51 =	vld [tilespmem:$0x1060];
	v1 =	vadd.f32 v45, v17;
	v6 =	vadd.f32 v59, v18  }
0x11e: {  	v20 =	vld [tilespmem:$0x10D0];
	v13 =	vadd.f32 v56, v22;
	v3 =	vadd.f32 v3, v7  }
0x11f: {  	v30 =	vld [tilespmem:$0x10F0];
	(xrf2) =	vadd.scan.msk.f32 $0xffff, v9;
	v4 =	vadd.f32 v43, v4;
	v6 =	vadd.f32 v63, v6  }
0x120: {  	v33 =	vld [tilespmem:$0x1120];
	v1 =	vadd.f32 v47, v1;
	v7 =	vadd.f32 v61, v13  }
0x121: {  	v36, _, _ =	vpop (xrf2);
	v35 =	vld [tilespmem:$0x1130];
	(xrf2) =	vadd.scan.msk.f32 $0xffff, v2;
	v0 =	vadd.f32 v0, v5;
	v34 =	vadd.f32 v29, v6  }
0x122: {  	v38 =	vbroadcast v36, $0xF;
	v32 =	vld [tilespmem:$0x1110];
	v4 =	vadd.f32 v46, v4;
	v1 =	vadd.f32 v50, v1  }
0x123: {  	v40, _, _ =	vpop (xrf2);
	v37 =	vnsel vm0, $0x0, v51;
	(xrf2) =	vadd.scan.msk.f32 $0xffff, v3;
	v7 =	vadd.f32 v20, v7;
	v2 =	vadd.f32 v31, v34  }
0x124: {  	v41 =	vbroadcast v40, $0xF;
	v4 =	vadd.f32 v48, v4;
	v1 =	vadd.f32 v37, v1  }
0x125: {  	v3 =	vnsel vm1, $0x0, v38;
	(xrf2) =	vadd.scan.msk.f32 $0xffff, v10;
	v39 =	vadd.f32 v30, v7;
	v2 =	vadd.f32 v33, v2  }
0x126: {  	v44 =	vadd.f32 $0.0e+00, v3;
	v6 =	vnsel vm0, $0x0, v35;
	v1 =	vadd.f32 v1, v4  }
0x127: {  	v42, _, _ =	vpop (xrf2);
	(xrf2) =	vadd.scan.msk.f32 $0xffff, v0;
	v5 =	vadd.f32 v32, v39;
	v43 =	vadd.f32 v6, v2  }
0x128: {  	v45 =	vnsel vm2, $0x0, v41;
	v46 =	vbroadcast v42, $0xF  }
0x129: {  	v47, _, _ =	vpop (xrf2);
	(xrf2) =	vadd.scan.msk.f32 $0xffff, v1;
	v2 =	vadd.f32 v45, v44;
	v0 =	vadd.f32 v43, v5  }
0x12a: {  	v3 =	vbroadcast v47, $0xF;
	v48 =	vnsel vm3, $0x0, v46  }
0x12b: {  	v49, _, _ =	vpop (xrf2);
	v1 =	vadd.f32 v48, v2;
	(xrf2) =	vadd.scan.msk.f32 $0xffff, v0  }
0x12c: {  	v50 =	vnsel vm4, $0x0, v3;
	v2 =	vbroadcast v49, $0xF  }
0x12d: {  	v51, _, _ =	vpop (xrf2);
	v0 =	vadd.f32 v50, v1  }
0x12e: {  	v53 =	vbroadcast v51, $0xF;
	v52 =	vnsel vm5, $0x0, v2  }
0x12f: {  	v54, _, _ =	vpop (xrf2);
	v0 =	vadd.f32 v52, v0  }
0x130: {  	v56 =	vbroadcast v54, $0xF;
	v55 =	vnsel vm6, $0x0, v53  }
0x131: {  	v57, _, _ =	vpop (xrf2);
	v0 =	vadd.f32 v55, v0  }
0x132: {  	v59 =	vbroadcast v57, $0xF;
	v58 =	vnsel vm7, $0x0, v56  }
0x133: {  	v60, _, _ =	vpop (xrf2);
	v0 =	vadd.f32 v58, v0  }
0x134: {  	v61 =	vnsel vm8, $0x0, v59;
	v62 =	vbroadcast v60, $0xF  }
0x135: {  	v0 =	vadd.f32 v61, v0;
	v63, _, _ =	vpop (xrf2)  }
0x136: {  	v2 =	vnsel vm9, $0x0, v62;
	v1 =	vbroadcast v63, $0xF  }
0x137: {  	v0 =	vadd.f32 v2, v0  }
0x138: {  	v1 =	vnsel vm10, $0x0, v1  }
0x139: {  	v0 =	vadd.f32 v1, v0  }
0x13a: {  	p0 =	sne.s32 s6, $0x1  }
.Ltmp0:
0x13b: {  	[tilespmem:$0x1140] =	vst v0;
	(pc) =	sbr.rel @p0 .LBB2_1-.Ltmp0, $4  }
0x13c: {  	[hbm4b:s5+s2] =	stream.linear.scatter [tilespmem:s14], [sflag:$0x2], $0x10, $0x38;
	[tilespmem:$0x1150] =	vst v63  }
0x13d: {  	_ =	swait.ge [sflag:s7], $0x10  }
0x13e: {  	[sflag:s7] =	ssyncset.done $0x0  }
0x13f: {  	s6 =	sadd.s32 $0xFFFFFFFF, s6;
	[sflag:s7] =	ssyncadd.s32 $0xFFFFFFF0  }
0x140: {  	_ =	sfence.sel $0x180000  }
0x141: {  	[bflag:$0x0] =	sbarrier.arrive $0xFFFF  }
0x142: {  	p0 =	sne.s32 s1, $0x0;
	_ =	strace $0x90000047  }
0x143: {  	s0 =	sadd.s32 @!p0 $0x100000, s0;
	[bflag:$0x2] =	sbarrier.arrive $0xFFFF  }
0x144: {  	[sflag:s0] =	ssyncadd.tile.s32 @!p0 $0x1;
	_ =	shalt  }
.Lfunc_end2:
_tile_overlayer_lowered:
.L_overlay_start_2:
0x145: {  	(tag) =	ssettag $0x2  }
0x146: {  	s0 =	rddreg [dreg:$0x0];
	s2 =	stileid.u32  }
0x147: {  	s1 =	rddreg [dreg:$0x1];
	p0 =	sne.s32 s2, $0x0  }
0x148: {  	s3 =	rddreg [dreg:$0x2];
	[bflag:$0x3] =	sbarrier.arrive $0xFFFF;
	s2 =	simm.s32 @!p0 $0x1C02  }
0x149: {  	[timem:s3], [sflag:s2] =	dma.local @!p0 [hbm:s0], s1  }
0x14a: {  	s0 =	simm.s32 @!p0 $0x2  }
0x14b: {  	_ =	swait.ge @!p0 [sflag:s0], s1  }
0x14c: {  	s1 =	ssub.s32 @!p0 $0x0, s1;
	[sflag:s0] =	ssyncset.done @!p0 $0x0  }
0x14d: {  	[sflag:s0] =	ssyncadd.s32 @!p0 s1  }
0x14e: {  	[bflag:$0x3] =	sbarrier.arrive $0xFFFF  }
0x14f: {  	_ =	shalt  }

// kernel: kernel.9.cloned.1.call-start
scs
__scs_entry_jumppad:
0x0: {  	(pc) =	sbr.rel $0x88, $3  }
0x1: {  	(tag) =	ssettag $0x0;
	lr =	simm.s32 $0x1  }
0x2: {  	[smem:$0x3F9E] =	sst lr;
	_ =	strace $0xD0000000  }
0x3: {  	_ = 	snop  }
0x4: {  	_ = 	snop  }
0x5: {  	_ = 	snop  }
0x6: {  	_ = 	snop  }
0x7: {  	_ = 	snop  }
__scs_overlays_trampoline_lowered:
0x8: {  	[smem:$0x3FAD] =	sst s0  }
0x9: {  	[smem:$0x3FAE] =	sst s1  }
0xa: {  	[smem:$0x3FAF] =	sst s2  }
0xb: {  	[smem:$0x3FB0] =	sst s3  }
0xc: {  	[smem:$0x3FB1] =	sst s4  }
0xd: {  	[smem:$0x3FB2] =	sst s5  }
0xe: {  	[smem:$0x3FB3] =	sst s6  }
0xf: {  	[smem:$0x3FB4] =	sst s7  }
0x10: {  	[smem:$0x3FB5] =	sst s8  }
0x11: {  	[smem:$0x3FB6] =	sst s9;
	s0 =	simm.s32 @!p0 $0x0  }
0x12: {  	s1 =	sld [smem:$0x3F9C];
	s0 =	simm.s32 @p0 $0x1  }
0x13: {  	[smem:$0x3FB7] =	sst s0;
	s0 =	simm.s32 @!p1 $0x0  }
0x14: {  	s2 =	sld [smem:$0x3F9B];
	s0 =	simm.s32 @p1 $0x1  }
0x15: {  	[smem:$0x3FB8] =	sst s0;
	s0 =	simm.s32 @!p2 $0x0  }
0x16: {  	s3 =	sld [smem:$0x3FDB];
	s0 =	simm.s32 @p2 $0x1  }
0x17: {  	s4 =	simm.s32 $0x1BF5;
	[smem:$0x3FBA] =	sst s0  }
0x18: {  	s0 =	sld [smem:$0x3F9D];
	_ =	swait.ge [sflag:s4], $0x0  }
0x19: {  	s7 =	sld [smem:$0x3F9E]  }
0x1a: {  	s8 =	sadd.s32 $0xFFFFE003, lr  }
0x1b: {  	s9 =	sadd.s32 $0xFFFFFEF7, lr;
	s5 =	simm.s32 $0xFFFFFFFF;
	p2 =	slt.u32 s8, $0xFFFFF086  }
0x1c: {  	p1 =	slt.u32 s9, $0xF7A;
	s5 =	simm.s32 @!p2 $0x0  }
0x1d: {  	s5 =	simm.s32 @p1 $0x1;
	p0 =	seq.s32 s7, s2  }
0x1e: {  	s7 =	smul.u32 @!p0 $0xF7A, s2;
	p2 =	seq.s32 @!p0 s5, $0x0  }
0x1f: {  	s9 =	smul.u32 $0xF7A, s1;
	s8 =	simm.s32 @!p0 $0x1BF5;
	p2 =	por !p2, p0  }
0x20: {  	[sflag:s8] =	ssyncset.s32 @!p0 $0xFFFFF086;
	s6 =	sadd.s32 @!p0 s3, s7;
	s7 =	simm.s32 @!p0 $0x108  }
0x21: {  	s3 =	sadd.s32 s3, s9;
	s6 =	sadd.s32 @!p0 $0x88, s6;
	s7 =	simm.s32 @p2 $0x1082  }
0x22: {  	[simem:s7], [sflag:s8] =	dma.local @!p0 [hbm:s6], $0xF7A  }
0x23: {  	s9 =	sor.u32 $0xD0000000, s2;
	s6 =	simm.s32 $0x108;
	_ =	swait.ge @!p0 [sflag:s8], $0x0  }
0x24: {  	s3 =	sadd.s32 $0x88, s3;
	s6 =	simm.s32 @!p1 $0x1082;
	[sflag:s4] =	ssyncset.s32 $0xFFFFF086  }
0x25: {  	[simem:s6], [sflag:s4] =	dma.local [hbm:s3], $0xF7A  }
0x26: {  	[smem:$0x3F9E] =	sst s1;
	(tag) =	ssettag s2;
	_ =	strace s9  }
0x27: {  	s1 =	sld [smem:$0x3FAE]  }
0x28: {  	s2 =	sld [smem:$0x3FAF]  }
0x29: {  	s4 =	sld [smem:$0x3FB1]  }
0x2a: {  	p0 =	seq.s32 s5, $0x0;
	s5 =	sld [smem:$0x3FB2]  }
0x2b: {  	s6 =	sld [smem:$0x3FB3]  }
0x2c: {  	s7 =	sld [smem:$0x3FB4]  }
0x2d: {  	s3 =	simm.s32 $0x108;
	s8 =	sld [smem:$0x3FB5]  }
0x2e: {  	s3 =	simm.s32 @!p0 $0x1082;
	s9 =	sld [smem:$0x3FB6]  }
0x2f: {  	lr =	sadd.s32 s0, s3;
	s0 =	sld [smem:$0x3FAD]  }
0x30: {  	s3 =	sld [smem:$0x3FB0]  }
0x31: {  	[smem:$0x3FB9] =	sst s10  }
0x32: {  	s10 =	sld [smem:$0x3FB7];
	_ =	sdelay $0x3  }
0x33: {  	p0 =	seq.s32 s10, $0x1;
	s10 =	sld [smem:$0x3FB9];
	_ =	sdelay $0x3  }
0x34: {  	[smem:$0x3FB9] =	sst s10  }
0x35: {  	s10 =	sld [smem:$0x3FB8];
	_ =	sdelay $0x3  }
0x36: {  	p1 =	seq.s32 s10, $0x1;
	s10 =	sld [smem:$0x3FB9];
	_ =	sdelay $0x3  }
0x37: {  	[smem:$0x3FB9] =	sst s10  }
0x38: {  	s10 =	sld [smem:$0x3FBA]  }
0x39: {  	_ = 	snop;
	(pc) =	sbr.ind lr, $3  }
0x3a: {  	_ = 	snop  }
0x3b: {  	_ = 	snop  }
0x3c: {  	p2 =	seq.s32 s10, $0x1;
	s10 =	sld [smem:$0x3FB9]  }
0x3d: {  	_ =	shalt  }
0x3e: {  	_ =	shalt  }
0x3f: {  	_ =	shalt  }
0x40: {  	_ =	shalt  }
0x41: {  	_ =	shalt  }
0x42: {  	_ =	shalt  }
0x43: {  	_ =	shalt  }
0x44: {  	_ =	shalt  }
0x45: {  	_ =	shalt  }
0x46: {  	_ =	shalt  }
0x47: {  	_ =	shalt  }
0x48: {  	_ =	shalt  }
0x49: {  	_ =	shalt  }
0x4a: {  	_ =	shalt  }
0x4b: {  	_ =	shalt  }
0x4c: {  	_ =	shalt  }
0x4d: {  	_ =	shalt  }
0x4e: {  	_ =	shalt  }
0x4f: {  	_ =	shalt  }
0x50: {  	_ =	shalt  }
0x51: {  	_ =	shalt  }
0x52: {  	_ =	shalt  }
0x53: {  	_ =	shalt  }
0x54: {  	_ =	shalt  }
0x55: {  	_ =	shalt  }
0x56: {  	_ =	shalt  }
0x57: {  	_ =	shalt  }
0x58: {  	_ =	shalt  }
0x59: {  	_ =	shalt  }
0x5a: {  	_ =	shalt  }
0x5b: {  	_ =	shalt  }
0x5c: {  	_ =	shalt  }
0x5d: {  	_ =	shalt  }
0x5e: {  	_ =	shalt  }
0x5f: {  	_ =	shalt  }
0x60: {  	_ =	shalt  }
0x61: {  	_ =	shalt  }
0x62: {  	_ =	shalt  }
0x63: {  	_ =	shalt  }
0x64: {  	_ =	shalt  }
0x65: {  	_ =	shalt  }
0x66: {  	_ =	shalt  }
0x67: {  	_ =	shalt  }
0x68: {  	_ =	shalt  }
0x69: {  	_ =	shalt  }
0x6a: {  	_ =	shalt  }
0x6b: {  	_ =	shalt  }
0x6c: {  	_ =	shalt  }
0x6d: {  	_ =	shalt  }
0x6e: {  	_ =	shalt  }
0x6f: {  	_ =	shalt  }
0x70: {  	_ =	shalt  }
0x71: {  	_ =	shalt  }
0x72: {  	_ =	shalt  }
0x73: {  	_ =	shalt  }
0x74: {  	_ =	shalt  }
0x75: {  	_ =	shalt  }
0x76: {  	_ =	shalt  }
0x77: {  	_ =	shalt  }
0x78: {  	_ =	shalt  }
0x79: {  	_ =	shalt  }
0x7a: {  	_ =	shalt  }
0x7b: {  	_ =	shalt  }
0x7c: {  	_ =	shalt  }
0x7d: {  	_ =	shalt  }
0x7e: {  	_ =	shalt  }
0x7f: {  	_ =	shalt  }
0x80: {  	_ =	shalt  }
0x81: {  	_ =	shalt  }
0x82: {  	_ =	shalt  }
0x83: {  	_ =	shalt  }
0x84: {  	_ =	shalt  }
0x85: {  	_ =	shalt  }
0x86: {  	_ =	shalt  }
0x87: {  	_ =	shalt  }
.Lfunc_end0:
.L_simem_size_0:
called_computation.1_lowered:
.L_overlay_start_0:
0x88: {  	s2 =	sld [smem:$0x3FD9]  }
0x89: {  	s3 =	sld [smem:$0x3FFE];
	_ =	sdelay $0x1  }
0x8a: {  	s1 =	srdreg.scid  }
0x8b: {  	s0 =	sand.u32 $0x1, s1  }
0x8c: {  	s17 =	sshll.u32 s0, $0xA;
	s2 =	sadd.s32 s3, s2  }
0x8d: {  	s2 =	sadd.s32 s2, s17  }
0x8e: {  	[smem:$0x3FC5] =	sst s2  }
0x8f: {  	_ = 	snop  }
0x90: {  	s18 =	sld [smem:$0x3FD0];
	(tm) =	ssettm $0x1  }
0x91: {  	s19 =	sld [smem:$0x3FFB];
	_ =	sdelay $0x3  }
0x92: {  	_ =	strace s19  }
0x93: {  	s2 =	sld [smem:$0x3FFC];
	_ =	sdelay $0x3  }
0x94: {  	_ =	strace s2  }
0x95: {  	s2 =	sld [smem:$0x3FFD];
	_ =	sdelay $0x3  }
0x96: {  	_ =	strace s2  }
0x97: {  	_ =	strace $0x8FFFFFFF  }
0x98: {  	s20 =	sld [smem:$0x3FDB];
	_ =	sdelay $0x1  }
0x99: {  	s4 =	simm.s32 $_scs_section_size  }
0x9a: {  	s5 =	simm.s32 $_size__tile_overlayer_lowered;
	s6 =	simm.s32 $_tile_overlayer_lowered  }
0x9b: {  	s7 =	simm.s32 $0x1BFF;
	s21 =	sshll.u32 s6, $0x1;
	s4 =	sadd.s32 s4, s20  }
0x9c: {  	s22 =	simm.s32 $0x0;
	s5 =	sshll.u32 s5, $0x1;
	s6 =	sadd.s32 s21, s4  }
0x9d: {  	[timem:s22], [sflag:s7] =	dma.local [hbm:s6], s5  }
0x9e: {  	_ =	swait.ge [sflag:s7], s5  }
0x9f: {  	s5 =	ssub.s32 $0x0, s5;
	[sflag:s7] =	ssyncset.done $0x0  }
0xa0: {  	[sflag:s7] =	ssyncadd.s32 s5;
	_ =	sdelay $0x1  }
0xa1: {  	s23 =	simm.s32 $0x1B8B  }
0xa2: {  	_ =	swait.ge [sflag:s23], $0x1  }
0xa3: {  	[sflag:s23] =	ssyncset.done $0x0  }
0xa4: {  	[sflag:s23] =	ssyncadd.s32 $0xFFFFFFFF  }
0xa5: {  	s5 =	sld [smem:$0x0]  }
0xa6: {  	s6 =	sand.u32 $0xFFFFFFFE, s1  }
0xa7: {  	p0 =	sne.s32 s1, s6  }
0xa8: {  	s6 =	sshll.u32 @p0 s6, $0xE  }
0xa9: {  	s6 =	sadd.s32 @p0 $0x11B8D, s6;
	s7 =	sshll.u32 @p0 s5, $0x11  }
0xaa: {  	s6 =	sor.u32 @p0 s7, s6  }
0xab: {  	[sflag:s6] =	ssyncadd.remote.s32 @p0 $0x1;
	_ =	sdelay $0x1  }
0xac: {  	s6 =	simm.s32 @p0 $0x1B8D  }
0xad: {  	_ =	swait.eq @p0 [sflag:s6], $0x1  }
0xae: {  	[sflag:s6] =	ssyncadd.s32 @p0 $0xFFFFFFFF  }
0xaf: {  	s7 =	sshll.u32 @!p0 s1, $0xE  }
0xb0: {  	s7 =	sor.u32 @!p0 $0x4000, s7;
	s6 =	simm.s32 @!p0 $0x1B8D  }
0xb1: {  	s5 =	sshll.u32 @!p0 s5, $0x11;
	s7 =	sadd.s32 @!p0 $0x11B8D, s7;
	_ =	swait.eq @!p0 [sflag:s6], $0x1  }
0xb2: {  	s5 =	sor.u32 @!p0 s5, s7;
	[sflag:s6] =	ssyncadd.s32 @!p0 $0xFFFFFFFF  }
0xb3: {  	s25 =	simm.s32 $0x1B8E;
	s24 =	sld [smem:$0x3FFE];
	[sflag:s5] =	ssyncadd.remote.s32 @!p0 $0x1  }
0xb4: {  	s26 =	simm.s32 $execute0_lowered;
	[smem:$0x3FD2] =	sst s25  }
0xb5: {  	s6 =	sshll.u32 s26, $0x1;
	_ =	strace $0x80000049;
	[dreg:$0x1] =	wrdreg $0xFFFFFFFF  }
0xb6: {  	s28 =	simm.s32 $_size_execute0_lowered;
	s4 =	sadd.s32 s4, s6;
	[dreg:$0x0] =	wrdreg $0x0  }
0xb7: {  	s6 =	sshll.u32 s28, $0x1;
	[dreg:$0x2] =	wrdreg s4  }
0xb8: {  	[dreg:$0x3] =	wrdreg s6  }
0xb9: {  	[dreg:$0x4] =	wrdreg $0xC0  }
0xba: {  	_ =	task [dreg:s22], $0x5FFFF  }
0xbb: {  	[dreg:$0x1] =	wrdreg $0xFFFFFFFF  }
0xbc: {  	[dreg:$0x0] =	wrdreg $0x60  }
0xbd: {  	[dreg:$0x2] =	wrdreg s24  }
0xbe: {  	[dreg:$0x3] =	wrdreg s18  }
0xbf: {  	[dreg:$0x4] =	wrdreg $0xA  }
0xc0: {  	_ =	task.clear_ibuf [dreg:s22], $0x5FFFF;
	_ =	strace $0x90000049  }
0xc1: {  	s29 =	simm.s32 $0xA;
	_ =	strace $0x8000004B  }
0xc2: {  	_ =	swait.ge [sflag:s29], $0x1  }
0xc3: {  	[sflag:s29] =	ssyncadd.s32 $0xFFFFFFFF  }
0xc4: {  	_ =	strace $0x9000004B  }
0xc5: {  	_ =	sfence  }
0xc6: {  	s30 =	sld [smem:$0x0];
	_ =	sdelay $0x2  }
0xc7: {  	s31 =	sshll.u32 s1, $0xD;
	s1 =	sshrl.u32 s1, $0x2  }
0xc8: {  	s4 =	sand.u32 $0x4000, s31;
	s1 =	sadd.s32 s1, s30  }
0xc9: {  	s0 =	sor.u32 s4, s0;
	s1 =	sshll.u32 s1, $0x11  }
0xca: {  	s0 =	sor.u32 s1, s0  }
0xcb: {  	s0 =	sadd.s32 $0x8F2B, s0  }
0xcc: {  	[sflag:s0] =	ssyncadd.remote.s32 $0x1  }
0xcd: {  	_ =	sfence.sel $0xFFFF  }
0xce: {  	[dreg:$0x0] =	wrdreg $0xFFFFFFFF;
	(pc) =	sbr.abs _section_cstart, $3  }
0xcf: {  	[dreg:$0x1] =	wrdreg $0xFFFFFFFF  }
0xd0: {  	_ =	task.clear_ibuf [dreg:s22], $0x2FFFF;
	_ =	strace $0x9FFFFFFF  }
0xd1: {  	(tm) =	ssettm $0x7FFFFFFF  }
tec
execute0_lowered:
.L_overlay_start_1:
0x0: {  	(tag) =	ssettag $0x1  }
0x1: {  	s3 =	rddreg [dreg:$0x0];
	s1 =	srdreg.scid  }
0x2: {  	s0 =	stileid.u32;
	s5 =	rddreg [dreg:$0x1];
	s2 =	simm.s32 $0x0  }
0x3: {  	s9 =	simm.s32 $0x100;
	s10 =	simm.s32 $0x920;
	s11 =	simm.s32 $0x510  }
0x4: {  	s12 =	simm.s32 $0xD30;
	s13 =	simm.s32 $0x1;
	s14 =	simm.s32 $0x1140  }
0x5: {  	s4 =	sand.u32 $0x1, s1;
	s6 =	sshll.u32 s0, $0x1;
	s1 =	rddreg [dreg:$0x2]  }
0x6: {  	[smem:$0x7FF] =	sst s2;
	s6 =	sor.u32 s4, s6;
	s4 =	ssub.s32 $0x2, s4  }
0x7: {  	vm0 =	vmmov $0xf;
	vm1 =	vmmov $0x1;
	_ =	strace $0x8000004A;
	s7 =	sshll.u32 s6, $0x5;
	s8 =	sshrl.u32 s4, $0x1  }
0x8: {  	vm2 =	vcmask $0x704;
	vm3 =	vcmask $0xB08;
	vm4 =	vcmask $0xF0C;
	s6 =	sshll.u32 s6, $0x1;
	s7 =	sadd.s32 s7, s3;
	s3 =	sadd.s32 $0x800, s3  }
0x9: {  	vm5 =	vcmask $0x1310;
	vm6 =	vcmask $0x1714;
	vm7 =	vcmask $0x1B18;
	s8 =	ssub.s32 s4, s8;
	s5 =	sadd.s32 s5, s6;
	s4 =	sadd.s32 $0x3DE00, s7  }
0xa: {  	vm8 =	vcmask $0x1F1C;
	vm9 =	vcmask $0x2320;
	vm10 =	vcmask $0x2724;
	s6 =	smax.u32 s8, $0x1;
	s7 =	simm.s32 $0x2;
	s8 =	simm.s32 $0x410  }
.LBB2_1:
0xb: {  	[tilespmem:s2], [sflag:$0x2] =	stream.linear.gather [hbm4b:s4+s2], $0x100, $0x38;
	[tilespmem:$0x1150] =	vst v63  }
0xc: {  	_ =	swait.ge [sflag:s7], $0x100  }
0xd: {  	[sflag:s7] =	ssyncset.done $0x0  }
0xe: {  	[sflag:s7] =	ssyncadd.s32 $0xFFFFFF00  }
0xf: {  	v0 =	vld [tilespmem:$0x0]  }
0x10: {  	v1 =	vld [tilespmem:$0x10]  }
0x11: {  	v2 =	vld [tilespmem:$0x20]  }
0x12: {  	v3 =	vld [tilespmem:$0x30]  }
0x13: {  	v4 =	vld [tilespmem:$0x40]  }
0x14: {  	v5 =	vld [tilespmem:$0x50]  }
0x15: {  	v44 =	vld [tilespmem:$0x60];
	[tilespmem:$0x100] =	vst v0  }
0x16: {  	v45 =	vld [tilespmem:$0x70];
	[tilespmem:$0x110] =	vst v1  }
0x17: {  	v46 =	vld [tilespmem:$0x80];
	[tilespmem:$0x120] =	vst v2  }
0x18: {  	v47 =	vld [tilespmem:$0x90];
	[tilespmem:$0x130] =	vst v3  }
0x19: {  	v48 =	vld [tilespmem:$0xA0];
	[tilespmem:$0x140] =	vst v4  }
0x1a: {  	v49 =	vld [tilespmem:$0xB0];
	[tilespmem:$0x150] =	vst v5  }
0x1b: {  	v50 =	vld [tilespmem:$0xC0];
	[tilespmem:$0x160] =	vst v44  }
0x1c: {  	v51 =	vld [tilespmem:$0x0];
	[tilespmem:$0x170] =	vst v45  }
0x1d: {  	v52 =	vld [tilespmem:$0x10];
	[tilespmem:$0x180] =	vst v46  }
0x1e: {  	v53 =	vld [tilespmem:$0x20];
	[tilespmem:$0x190] =	vst v47  }
0x1f: {  	v54 =	vld [tilespmem:$0x30];
	[tilespmem:$0x1A0] =	vst v48  }
0x20: {  	v55 =	vld [tilespmem:$0x40];
	[tilespmem:$0x1B0] =	vst v49  }
0x21: {  	v57 =	vld [tilespmem:$0x50];
	[tilespmem:$0x1C0] =	vst v50;
	v56 =	vadd.s32 $0x31000, v51  }
0x22: {  	v59 =	vld [tilespmem:$0x60];
	v58 =	vadd.s32 $0x31000, v52;
	[tilespmem:$0x1D0] =	vst v56  }
0x23: {  	v61 =	vld [tilespmem:$0x70];
	v60 =	vadd.s32 $0x31000, v53;
	[tilespmem:$0x1E0] =	vst v58  }
0x24: {  	v63 =	vld [tilespmem:$0x80];
	v62 =	vadd.s32 $0x31000, v54;
	[tilespmem:$0x1F0] =	vst v60  }
0x25: {  	v9 =	vld [tilespmem:$0x90];
	v8 =	vadd.s32 $0x31000, v55;
	[tilespmem:$0x200] =	vst v62  }
0x26: {  	v11 =	vld [tilespmem:$0xA0];
	v10 =	vadd.s32 $0x31000, v57;
	[tilespmem:$0x210] =	vst v8  }
0x27: {  	v13 =	vld [tilespmem:$0xB0];
	v12 =	vadd.s32 $0x31000, v59;
	[tilespmem:$0x220] =	vst v10  }
0x28: {  	v15 =	vld [tilespmem:$0xC0];
	v14 =	vadd.s32 $0x31000, v61;
	[tilespmem:$0x230] =	vst v12  }
0x29: {  	v17 =	vld [tilespmem:$0x0];
	v16 =	vadd.s32 $0x31000, v63;
	[tilespmem:$0x240] =	vst v14  }
0x2a: {  	v19 =	vld [tilespmem:$0x10];
	v18 =	vadd.s32 $0x31000, v9;
	[tilespmem:$0x250] =	vst v16  }
0x2b: {  	v21 =	vld [tilespmem:$0x20];
	v20 =	vadd.s32 $0x31000, v11;
	[tilespmem:$0x260] =	vst v18  }
0x2c: {  	v23 =	vld [tilespmem:$0x30];
	v22 =	vadd.s32 $0x31000, v13;
	[tilespmem:$0x270] =	vst v20  }
0x2d: {  	v25 =	vld [tilespmem:$0x40];
	v24 =	vadd.s32 $0x31000, v15;
	[tilespmem:$0x280] =	vst v22  }
0x2e: {  	v27 =	vld [tilespmem:$0x50];
	v26 =	vadd.s32 $0x62000, v17;
	[tilespmem:$0x290] =	vst v24  }
0x2f: {  	v29 =	vld [tilespmem:$0x60];
	v28 =	vadd.s32 $0x62000, v19;
	[tilespmem:$0x2A0] =	vst v26  }
0x30: {  	v31 =	vld [tilespmem:$0x70];
	v30 =	vadd.s32 $0x62000, v21;
	[tilespmem:$0x2B0] =	vst v28  }
0x31: {  	v33 =	vld [tilespmem:$0x80];
	v32 =	vadd.s32 $0x62000, v23;
	[tilespmem:$0x2C0] =	vst v30  }
0x32: {  	v35 =	vld [tilespmem:$0x90];
	v34 =	vadd.s32 $0x62000, v25;
	[tilespmem:$0x2D0] =	vst v32  }
0x33: {  	v37 =	vld [tilespmem:$0xA0];
	v36 =	vadd.s32 $0x62000, v27;
	[tilespmem:$0x2E0] =	vst v34  }
0x34: {  	v39 =	vld [tilespmem:$0xB0];
	v38 =	vadd.s32 $0x62000, v29;
	[tilespmem:$0x2F0] =	vst v36  }
0x35: {  	v41 =	vld [tilespmem:$0xC0];
	v40 =	vadd.s32 $0x62000, v31;
	[tilespmem:$0x300] =	vst v38  }
0x36: {  	v43 =	vld [tilespmem:$0x0];
	v42 =	vadd.s32 $0x62000, v33;
	[tilespmem:$0x310] =	vst v40  }
0x37: {  	v44 =	vadd.s32 $0x62000, v35;
	v45 =	vld [tilespmem:$0x10];
	[tilespmem:$0x320] =	vst v42  }
0x38: {  	v46 =	vadd.s32 $0x62000, v37;
	v47 =	vld [tilespmem:$0x20];
	[tilespmem:$0x330] =	vst v44  }
0x39: {  	v48 =	vadd.s32 $0x62000, v39;
	v49 =	vld [tilespmem:$0x30];
	[tilespmem:$0x340] =	vst v46  }
0x3a: {  	v50 =	vadd.s32 $0x62000, v41;
	v51 =	vld [tilespmem:$0x40];
	[tilespmem:$0x350] =	vst v48  }
0x3b: {  	v52 =	vadd.s32 $0x93000, v43;
	v53 =	vld [tilespmem:$0x50];
	[tilespmem:$0x360] =	vst v50  }
0x3c: {  	v55 =	vld [tilespmem:$0x60];
	[tilespmem:$0x370] =	vst v52;
	v54 =	vadd.s32 $0x93000, v45  }
0x3d: {  	v57 =	vld [tilespmem:$0x70];
	v56 =	vadd.s32 $0x93000, v47;
	[tilespmem:$0x380] =	vst v54  }
0x3e: {  	v59 =	vld [tilespmem:$0x80];
	v58 =	vadd.s32 $0x93000, v49;
	[tilespmem:$0x390] =	vst v56  }
0x3f: {  	v61 =	vld [tilespmem:$0x90];
	v60 =	vadd.s32 $0x93000, v51;
	[tilespmem:$0x3A0] =	vst v58  }
0x40: {  	v63 =	vld [tilespmem:$0xA0];
	v62 =	vadd.s32 $0x93000, v53;
	[tilespmem:$0x3B0] =	vst v60  }
0x41: {  	v9 =	vld [tilespmem:$0xB0];
	v8 =	vadd.s32 $0x93000, v55;
	[tilespmem:$0x3C0] =	vst v62  }
0x42: {  	v11 =	vld [tilespmem:$0xC0];
	v10 =	vadd.s32 $0x93000, v57;
	[tilespmem:$0x3D0] =	vst v8  }
0x43: {  	v13 =	vld [tilespmem:$0x0];
	v12 =	vadd.s32 $0x93000, v59;
	[tilespmem:$0x3E0] =	vst v10  }
0x44: {  	v15 =	vld [tilespmem:$0x10];
	v14 =	vadd.s32 $0x93000, v61;
	[tilespmem:$0x3F0] =	vst v12  }
0x45: {  	v17 =	vld [tilespmem:$0x20];
	v16 =	vadd.s32 $0x93000, v63;
	[tilespmem:$0x400] =	vst v14  }
0x46: {  	v19 =	vld [tilespmem:$0x30];
	v18 =	vadd.s32 $0x93000, v9;
	[tilespmem:$0x410] =	vst v16  }
0x47: {  	v21 =	vld [tilespmem:$0x40];
	v20 =	vadd.s32 $0x93000, v11;
	[tilespmem:$0x420] =	vst v18  }
0x48: {  	v23 =	vld [tilespmem:$0x50];
	v22 =	vadd.s32 $0xC4000, v13;
	[tilespmem:$0x430] =	vst v20  }
0x49: {  	v25 =	vld [tilespmem:$0x60];
	v24 =	vadd.s32 $0xC4000, v15;
	[tilespmem:$0x440] =	vst v22  }
0x4a: {  	v27 =	vld [tilespmem:$0x70];
	v26 =	vadd.s32 $0xC4000, v17;
	[tilespmem:$0x450] =	vst v24  }
0x4b: {  	v29 =	vld [tilespmem:$0x80];
	v28 =	vadd.s32 $0xC4000, v19;
	[tilespmem:$0x460] =	vst v26  }
0x4c: {  	v31 =	vld [tilespmem:$0x90];
	v30 =	vadd.s32 $0xC4000, v21;
	[tilespmem:$0x470] =	vst v28  }
0x4d: {  	v33 =	vld [tilespmem:$0xA0];
	v32 =	vadd.s32 $0xC4000, v23;
	[tilespmem:$0x480] =	vst v30  }
0x4e: {  	v35 =	vld [tilespmem:$0xB0];
	v34 =	vadd.s32 $0xC4000, v25;
	[tilespmem:$0x490] =	vst v32  }
0x4f: {  	v37 =	vld [tilespmem:$0xC0];
	v36 =	vadd.s32 $0xC4000, v27;
	[tilespmem:$0x4A0] =	vst v34  }
0x50: {  	v39 =	vld [tilespmem:$0x0];
	v38 =	vadd.s32 $0xC4000, v29;
	[tilespmem:$0x4B0] =	vst v36  }
0x51: {  	v41 =	vld [tilespmem:$0x10];
	v40 =	vadd.s32 $0xC4000, v31;
	[tilespmem:$0x4C0] =	vst v38  }
0x52: {  	v43 =	vld [tilespmem:$0x20];
	v42 =	vadd.s32 $0xC4000, v33;
	[tilespmem:$0x4D0] =	vst v40  }
0x53: {  	v44 =	vadd.s32 $0xC4000, v35;
	v45 =	vld [tilespmem:$0x30];
	[tilespmem:$0x4E0] =	vst v42  }
0x54: {  	v46 =	vadd.s32 $0xC4000, v37;
	v47 =	vld [tilespmem:$0x40];
	[tilespmem:$0x4F0] =	vst v44  }
0x55: {  	v48 =	vadd.s32 $0xF5000, v39;
	v49 =	vld [tilespmem:$0x50];
	[tilespmem:$0x500] =	vst v46  }
0x56: {  	v50 =	vadd.s32 $0xF5000, v41;
	v51 =	vld [tilespmem:$0x60];
	[tilespmem:$0x510] =	vst v48  }
0x57: {  	v52 =	vadd.s32 $0xF5000, v43;
	v53 =	vld [tilespmem:$0x70];
	[tilespmem:$0x520] =	vst v50  }
0x58: {  	v55 =	vld [tilespmem:$0x80];
	[tilespmem:$0x530] =	vst v52;
	v54 =	vadd.s32 $0xF5000, v45  }
0x59: {  	v57 =	vld [tilespmem:$0x90];
	v56 =	vadd.s32 $0xF5000, v47;
	[tilespmem:$0x540] =	vst v54  }
0x5a: {  	v59 =	vld [tilespmem:$0xA0];
	v58 =	vadd.s32 $0xF5000, v49;
	[tilespmem:$0x550] =	vst v56  }
0x5b: {  	v61 =	vld [tilespmem:$0xB0];
	v60 =	vadd.s32 $0xF5000, v51;
	[tilespmem:$0x560] =	vst v58  }
0x5c: {  	v63 =	vld [tilespmem:$0xC0];
	v62 =	vadd.s32 $0xF5000, v53;
	[tilespmem:$0x570] =	vst v60  }
0x5d: {  	v8 =	vld [tilespmem:$0x0];
	v7 =	vadd.s32 $0xF5000, v55;
	[tilespmem:$0x580] =	vst v62  }
0x5e: {  	v10 =	vld [tilespmem:$0x10];
	v9 =	vadd.s32 $0xF5000, v57;
	[tilespmem:$0x590] =	vst v7  }
0x5f: {  	v12 =	vld [tilespmem:$0x20];
	v11 =	vadd.s32 $0xF5000, v59;
	[tilespmem:$0x5A0] =	vst v9  }
0x60: {  	v14 =	vld [tilespmem:$0x30];
	v13 =	vadd.s32 $0xF5000, v61;
	[tilespmem:$0x5B0] =	vst v11  }
0x61: {  	v16 =	vld [tilespmem:$0x40];
	v15 =	vadd.s32 $0xF5000, v63;
	[tilespmem:$0x5C0] =	vst v13  }
0x62: {  	v18 =	vld [tilespmem:$0x50];
	[tilespmem:$0x5D0] =	vst v15;
	v17 =	vadd.s32 $0x126000, v8  }
0x63: {  	v20 =	vld [tilespmem:$0x60];
	v19 =	vadd.s32 $0x126000, v10;
	[tilespmem:$0x5E0] =	vst v17  }
0x64: {  	v22 =	vld [tilespmem:$0x70];
	v21 =	vadd.s32 $0x126000, v12;
	[tilespmem:$0x5F0] =	vst v19  }
0x65: {  	v24 =	vld [tilespmem:$0x80];
	v23 =	vadd.s32 $0x126000, v14;
	[tilespmem:$0x600] =	vst v21  }
0x66: {  	v26 =	vld [tilespmem:$0x90];
	v25 =	vadd.s32 $0x126000, v16;
	[tilespmem:$0x610] =	vst v23  }
0x67: {  	v28 =	vld [tilespmem:$0xA0];
	v27 =	vadd.s32 $0x126000, v18;
	[tilespmem:$0x620] =	vst v25  }
0x68: {  	v30 =	vld [tilespmem:$0xB0];
	v29 =	vadd.s32 $0x126000, v20;
	[tilespmem:$0x630] =	vst v27  }
0x69: {  	v32 =	vld [tilespmem:$0xC0];
	v31 =	vadd.s32 $0x126000, v22;
	[tilespmem:$0x640] =	vst v29  }
0x6a: {  	v34 =	vld [tilespmem:$0x0];
	v33 =	vadd.s32 $0x126000, v24;
	[tilespmem:$0x650] =	vst v31  }
0x6b: {  	v36 =	vld [tilespmem:$0x10];
	v35 =	vadd.s32 $0x126000, v26;
	[tilespmem:$0x660] =	vst v33  }
0x6c: {  	v38 =	vld [tilespmem:$0x20];
	v37 =	vadd.s32 $0x126000, v28;
	[tilespmem:$0x670] =	vst v35  }
0x6d: {  	v40 =	vld [tilespmem:$0x30];
	v39 =	vadd.s32 $0x126000, v30;
	[tilespmem:$0x680] =	vst v37  }
0x6e: {  	v42 =	vld [tilespmem:$0x40];
	v41 =	vadd.s32 $0x126000, v32;
	[tilespmem:$0x690] =	vst v39  }
0x6f: {  	v44 =	vld [tilespmem:$0x50];
	v43 =	vadd.s32 $0x157000, v34;
	[tilespmem:$0x6A0] =	vst v41  }
0x70: {  	v46 =	vld [tilespmem:$0x60];
	v45 =	vadd.s32 $0x157000, v36;
	[tilespmem:$0x6B0] =	vst v43  }
0x71: {  	v48 =	vld [tilespmem:$0x70];
	v47 =	vadd.s32 $0x157000, v38;
	[tilespmem:$0x6C0] =	vst v45  }
0x72: {  	v50 =	vld [tilespmem:$0x80];
	v49 =	vadd.s32 $0x157000, v40;
	[tilespmem:$0x6D0] =	vst v47  }
0x73: {  	v52 =	vld [tilespmem:$0x90];
	v51 =	vadd.s32 $0x157000, v42;
	[tilespmem:$0x6E0] =	vst v49  }
0x74: {  	v53 =	vadd.s32 $0x157000, v44;
	v54 =	vld [tilespmem:$0xA0];
	[tilespmem:$0x6F0] =	vst v51  }
0x75: {  	v55 =	vadd.s32 $0x157000, v46;
	v56 =	vld [tilespmem:$0xB0];
	[tilespmem:$0x700] =	vst v53  }
0x76: {  	v57 =	vadd.s32 $0x157000, v48;
	v58 =	vld [tilespmem:$0xC0];
	[tilespmem:$0x710] =	vst v55  }
0x77: {  	v59 =	vadd.s32 $0x157000, v50;
	v60 =	vld [tilespmem:$0x0];
	[tilespmem:$0x720] =	vst v57  }
0x78: {  	v61 =	vadd.s32 $0x157000, v52;
	v62 =	vld [tilespmem:$0x10];
	[tilespmem:$0x730] =	vst v59  }
0x79: {  	v8 =	vld [tilespmem:$0x20];
	[tilespmem:$0x740] =	vst v61;
	v63 =	vadd.s32 $0x157000, v54  }
0x7a: {  	v10 =	vld [tilespmem:$0x30];
	v9 =	vadd.s32 $0x157000, v56;
	[tilespmem:$0x750] =	vst v63  }
0x7b: {  	v12 =	vld [tilespmem:$0x40];
	v11 =	vadd.s32 $0x157000, v58;
	[tilespmem:$0x760] =	vst v9  }
0x7c: {  	v14 =	vld [tilespmem:$0x50];
	v13 =	vadd.s32 $0x188000, v60;
	[tilespmem:$0x770] =	vst v11  }
0x7d: {  	v16 =	vld [tilespmem:$0x60];
	v15 =	vadd.s32 $0x188000, v62;
	[tilespmem:$0x780] =	vst v13  }
0x7e: {  	v18 =	vld [tilespmem:$0x70];
	v17 =	vadd.s32 $0x188000, v8;
	[tilespmem:$0x790] =	vst v15  }
0x7f: {  	v20 =	vld [tilespmem:$0x80];
	v19 =	vadd.s32 $0x188000, v10;
	[tilespmem:$0x7A0] =	vst v17  }
0x80: {  	v22 =	vld [tilespmem:$0x90];
	v21 =	vadd.s32 $0x188000, v12;
	[tilespmem:$0x7B0] =	vst v19  }
0x81: {  	v24 =	vld [tilespmem:$0xA0];
	v23 =	vadd.s32 $0x188000, v14;
	[tilespmem:$0x7C0] =	vst v21  }
0x82: {  	v26 =	vld [tilespmem:$0xB0];
	v25 =	vadd.s32 $0x188000, v16;
	[tilespmem:$0x7D0] =	vst v23  }
0x83: {  	v28 =	vld [tilespmem:$0xC0];
	v27 =	vadd.s32 $0x188000, v18;
	[tilespmem:$0x7E0] =	vst v25  }
0x84: {  	v30 =	vld [tilespmem:$0x0];
	v29 =	vadd.s32 $0x188000, v20;
	[tilespmem:$0x7F0] =	vst v27  }
0x85: {  	v32 =	vld [tilespmem:$0x10];
	v31 =	vadd.s32 $0x188000, v22;
	[tilespmem:$0x800] =	vst v29  }
0x86: {  	v34 =	vld [tilespmem:$0x20];
	v33 =	vadd.s32 $0x188000, v24;
	[tilespmem:$0x810] =	vst v31  }
0x87: {  	v36 =	vld [tilespmem:$0x30];
	v35 =	vadd.s32 $0x188000, v26;
	[tilespmem:$0x820] =	vst v33  }
0x88: {  	v38 =	vld [tilespmem:$0x40];
	v37 =	vadd.s32 $0x188000, v28;
	[tilespmem:$0x830] =	vst v35  }
0x89: {  	v40 =	vld [tilespmem:$0x50];
	v39 =	vadd.s32 $0x1B9000, v30;
	[tilespmem:$0x840] =	vst v37  }
0x8a: {  	v42 =	vld [tilespmem:$0x60];
	v41 =	vadd.s32 $0x1B9000, v32;
	[tilespmem:$0x850] =	vst v39  }
0x8b: {  	v44 =	vld [tilespmem:$0x70];
	v43 =	vadd.s32 $0x1B9000, v34;
	[tilespmem:$0x860] =	vst v41  }
0x8c: {  	v46 =	vld [tilespmem:$0x80];
	v45 =	vadd.s32 $0x1B9000, v36;
	[tilespmem:$0x870] =	vst v43  }
0x8d: {  	v48 =	vld [tilespmem:$0x90];
	v47 =	vadd.s32 $0x1B9000, v38;
	[tilespmem:$0x880] =	vst v45  }
0x8e: {  	v50 =	vld [tilespmem:$0xA0];
	v49 =	vadd.s32 $0x1B9000, v40;
	[tilespmem:$0x890] =	vst v47  }
0x8f: {  	v52 =	vld [tilespmem:$0xB0];
	v51 =	vadd.s32 $0x1B9000, v42;
	[tilespmem:$0x8A0] =	vst v49  }
0x90: {  	v53 =	vadd.s32 $0x1B9000, v44;
	v54 =	vld [tilespmem:$0xC0];
	[tilespmem:$0x8B0] =	vst v51  }
0x91: {  	v55 =	vadd.s32 $0x1B9000, v46;
	[tilespmem:$0x8C0] =	vst v53  }
0x92: {  	v56 =	vadd.s32 $0x1B9000, v48;
	[tilespmem:$0x8D0] =	vst v55  }
0x93: {  	v57 =	vadd.s32 $0x1B9000, v50;
	[tilespmem:$0x8E0] =	vst v56  }
0x94: {  	v58 =	vadd.s32 $0x1B9000, v52;
	[tilespmem:$0x8F0] =	vst v57  }
0x95: {  	[tilespmem:$0x900] =	vst v58;
	v59 =	vadd.s32 $0x1B9000, v54  }
0x96: {  	[tilespmem:$0x910] =	vst v59  }
0x97: {  	[tilespmem:s10], [sflag:$0x1] =	stream.indirect.gather [hbm4b:s3+s8], $0x1, s9, s8, $0xb8;
	[tilespmem:$0x1150] =	vst v63  }
0x98: {  	_ = 	snop  }
0x99: {  	[tilespmem:s12], [sflag:$0x1] =	stream.indirect.gather [hbm4b:s3+s8], $0x1, s11, s8, $0xb8;
	[tilespmem:$0x1150] =	vst v63  }
0x9a: {  	_ =	swait.ge [sflag:s13], $0x410  }
0x9b: {  	[sflag:s13] =	ssyncset.done $0x0  }
0x9c: {  	[sflag:s13] =	ssyncadd.s32 $0xFFFFFBF0  }
0x9d: {  	_ =	swait.ge [sflag:s13], $0x410  }
0x9e: {  	[sflag:s13] =	ssyncset.done $0x0  }
0x9f: {  	[sflag:s13] =	ssyncadd.s32 $0xFFFFFBF0  }
0xa0: {  	v60 =	vld [tilespmem:$0x920]  }
0xa1: {  	v61 =	vld [tilespmem:$0x930]  }
0xa2: {  	v2 =	vld [tilespmem:$0x940]  }
0xa3: {  	v3 =	vld [tilespmem:$0x950]  }
0xa4: {  	v4 =	vld [tilespmem:$0x960]  }
0xa5: {  	v5 =	vld [tilespmem:$0x970]  }
0xa6: {  	v6 =	vld [tilespmem:$0x980]  }
0xa7: {  	v7 =	vld [tilespmem:$0x990]  }
0xa8: {  	v8 =	vld [tilespmem:$0x9A0]  }
0xa9: {  	v9 =	vld [tilespmem:$0x9B0]  }
0xaa: {  	v10 =	vld [tilespmem:$0x9C0]  }
0xab: {  	v11 =	vld [tilespmem:$0x9D0]  }
0xac: {  	v12 =	vld [tilespmem:$0x9E0]  }
0xad: {  	v13 =	vld [tilespmem:$0x9F0]  }
0xae: {  	v14 =	vld [tilespmem:$0xA00]  }
0xaf: {  	v15 =	vld [tilespmem:$0xA10]  }
0xb0: {  	v16 =	vld [tilespmem:$0xA20]  }
0xb1: {  	v17 =	vld [tilespmem:$0xA30]  }
0xb2: {  	v18 =	vld [tilespmem:$0xA40]  }
0xb3: {  	v19 =	vld [tilespmem:$0xA50]  }
0xb4: {  	v20 =	vld [tilespmem:$0xA60]  }
0xb5: {  	v21 =	vld [tilespmem:$0xA70]  }
0xb6: {  	v22 =	vld [tilespmem:$0xA80]  }
0xb7: {  	v23 =	vld [tilespmem:$0xA90]  }
0xb8: {  	v24 =	vld [tilespmem:$0xAA0]  }
0xb9: {  	v25 =	vld [tilespmem:$0xAB0]  }
0xba: {  	v26 =	vld [tilespmem:$0xAC0]  }
0xbb: {  	v27 =	vld [tilespmem:$0xAD0]  }
0xbc: {  	v28 =	vld [tilespmem:$0xAE0]  }
0xbd: {  	v29 =	vld [tilespmem:$0xAF0]  }
0xbe: {  	v30 =	vld [tilespmem:$0xB00]  }
0xbf: {  	v31 =	vld [tilespmem:$0xB10]  }
0xc0: {  	v32 =	vld [tilespmem:$0xB20]  }
0xc1: {  	v33 =	vld [tilespmem:$0xB30]  }
0xc2: {  	v34 =	vld [tilespmem:$0xB40]  }
0xc3: {  	v35 =	vld [tilespmem:$0xB50]  }
0xc4: {  	v36 =	vld [tilespmem:$0xB60]  }
0xc5: {  	v37 =	vld [tilespmem:$0xB70]  }
0xc6: {  	v38 =	vld [tilespmem:$0xB80]  }
0xc7: {  	v39 =	vld [tilespmem:$0xB90]  }
0xc8: {  	v40 =	vld [tilespmem:$0xBA0]  }
0xc9: {  	v41 =	vld [tilespmem:$0xBB0]  }
0xca: {  	v42 =	vld [tilespmem:$0xBC0]  }
0xcb: {  	v43 =	vld [tilespmem:$0xBD0]  }
0xcc: {  	v44 =	vld [tilespmem:$0xBE0]  }
0xcd: {  	v45 =	vld [tilespmem:$0xBF0]  }
0xce: {  	v46 =	vld [tilespmem:$0xC00]  }
0xcf: {  	v47 =	vld [tilespmem:$0xC10]  }
0xd0: {  	v48 =	vld [tilespmem:$0xC20]  }
0xd1: {  	v49 =	vld [tilespmem:$0xC30]  }
0xd2: {  	v50 =	vld [tilespmem:$0xC40]  }
0xd3: {  	v51 =	vld [tilespmem:$0xC50]  }
0xd4: {  	v52 =	vld [tilespmem:$0xC60]  }
0xd5: {  	v53 =	vld [tilespmem:$0xC70]  }
0xd6: {  	v54 =	vld [tilespmem:$0xC80]  }
0xd7: {  	v55 =	vld [tilespmem:$0xC90]  }
0xd8: {  	v56 =	vld [tilespmem:$0xCA0]  }
0xd9: {  	v57 =	vld [tilespmem:$0xCB0]  }
0xda: {  	v58 =	vld [tilespmem:$0xCC0]  }
0xdb: {  	v59 =	vld [tilespmem:$0xCD0]  }
0xdc: {  	v0 =	vadd.f32 $0.0e+00, v60;
	v60 =	vld [tilespmem:$0xCE0]  }
0xdd: {  	v1 =	vadd.f32 $0.0e+00, v61;
	v62 =	vnsel vm0, $0x0, v12;
	v12 =	vld [tilespmem:$0xD80]  }
0xde: {  	v61 =	vld [tilespmem:$0xDA0]  }
0xdf: {  	v13 =	vadd.f32 $0.0e+00, v13;
	v1 =	vadd.f32 v3, v1;
	v3 =	vld [tilespmem:$0xCF0]  }
0xe0: {  	v0 =	vadd.f32 v2, v0;
	v2 =	vld [tilespmem:$0xD00]  }
0xe1: {  	v13 =	vadd.f32 v15, v13;
	v1 =	vadd.f32 v5, v1;
	v5 =	vld [tilespmem:$0xD10]  }
0xe2: {  	v0 =	vadd.f32 v4, v0;
	v4 =	vld [tilespmem:$0xD20]  }
0xe3: {  	v13 =	vadd.f32 v17, v13;
	v17 =	vld [tilespmem:$0xDE0]  }
0xe4: {  	v1 =	vadd.f32 v7, v1;
	v7 =	vld [tilespmem:$0xD30]  }
0xe5: {  	v0 =	vadd.f32 v6, v0;
	v6 =	vld [tilespmem:$0xD40]  }
0xe6: {  	v13 =	vadd.f32 v19, v13;
	v19 =	vld [tilespmem:$0xE00];
	v1 =	vadd.f32 v9, v1  }
0xe7: {  	v9 =	vld [tilespmem:$0xD50];
	v0 =	vadd.f32 v8, v0  }
0xe8: {  	v8 =	vld [tilespmem:$0xD60];
	v13 =	vadd.f32 v21, v13;
	v1 =	vadd.f32 v11, v1  }
0xe9: {  	v21 =	vld [tilespmem:$0xE20];
	v0 =	vadd.f32 v10, v0;
	v10 =	vadd.f32 $0.0e+00, v14  }
0xea: {  	v11 =	vld [tilespmem:$0xD70];
	v13 =	vadd.f32 v23, v13;
	v6 =	vadd.f32 $0.0e+00, v6  }
0xeb: {  	v14 =	vld [tilespmem:$0xD90];
	v7 =	vadd.f32 $0.0e+00, v7;
	v1 =	vadd.f32 v62, v1  }
0xec: {  	v23 =	vld [tilespmem:$0xE50];
	v63 =	vadd.f32 v16, v10;
	v62 =	vadd.f32 $0.0e+00, v27  }
0xed: {  	v10 =	vld [tilespmem:$0xDB0];
	v7 =	vadd.f32 v9, v7;
	v0 =	vadd.f32 v1, v0  }
0xee: {  	v16 =	vld [tilespmem:$0xDC0];
	v1 =	vadd.f32 v18, v63;
	v63 =	vadd.f32 $0.0e+00, v26  }
0xef: {  	v26 =	vld [tilespmem:$0xDD0];
	v15 =	vadd.f32 v29, v62;
	v7 =	vadd.f32 v11, v7  }
0xf0: {  	v62 =	vld [tilespmem:$0xE10];
	v1 =	vadd.f32 v20, v1;
	v18 =	vadd.f32 v28, v63  }
0xf1: {  	v29 =	vld [tilespmem:$0xE80];
	v15 =	vadd.f32 v31, v15;
	v7 =	vadd.f32 v14, v7  }
0xf2: {  	v11 =	vld [tilespmem:$0xF80];
	v1 =	vadd.f32 v22, v1;
	v18 =	vadd.f32 v30, v18  }
0xf3: {  	v20 =	vld [tilespmem:$0xDF0];
	v15 =	vadd.f32 v33, v15;
	v7 =	vadd.f32 v10, v7  }
0xf4: {  	v63 =	vld [tilespmem:$0xE30];
	v1 =	vadd.f32 v24, v1;
	v18 =	vadd.f32 v32, v18  }
0xf5: {  	v28 =	vld [tilespmem:$0xE60];
	v33 =	vnsel vm0, $0x0, v25;
	v15 =	vadd.f32 v35, v15;
	v7 =	vadd.f32 v26, v7  }
0xf6: {  	v31 =	vld [tilespmem:$0xE70];
	v1 =	vadd.f32 v33, v1;
	v18 =	vadd.f32 v34, v18  }
0xf7: {  	v25 =	vld [tilespmem:$0xE40];
	v15 =	vadd.f32 v37, v15;
	v37 =	vadd.f32 $0.0e+00, v40  }
0xf8: {  	v38 =	vnsel vm0, $0x0, v38;
	v30 =	vld [tilespmem:$0xE90];
	v40 =	vadd.f32 $0.0e+00, v39;
	v18 =	vadd.f32 v36, v18  }
0xf9: {  	v35 =	vld [tilespmem:$0xEC0];
	v15 =	vadd.f32 v38, v15;
	v27 =	vadd.f32 v42, v37  }
0xfa: {  	v33 =	vld [tilespmem:$0xEB0];
	v1 =	vadd.f32 v1, v13;
	v41 =	vadd.f32 v41, v40  }
0xfb: {  	v15 =	vadd.f32 v15, v18;
	v42 =	vadd.f32 v44, v27;
	v27 =	vld [tilespmem:$0xEA0]  }
0xfc: {  	v13 =	vadd.f32 v43, v41;
	v44 =	vadd.f32 $0.0e+00, v52;
	v52 =	vld [tilespmem:$0xF40]  }
0xfd: {  	v43 =	vadd.f32 $0.0e+00, v53;
	v53 =	vadd.f32 v8, v6;
	v6 =	vld [tilespmem:$0xF50]  }
0xfe: {  	v18 =	vadd.f32 v46, v42;
	v13 =	vadd.f32 v45, v13;
	v45 =	vld [tilespmem:$0xED0]  }
0xff: {  	v32 =	vadd.f32 v55, v43;
	v34 =	vadd.f32 v54, v44;
	v46 =	vld [tilespmem:$0xEE0]  }
0x100: {  	v54 =	vld [tilespmem:$0xF60];
	v55 =	vadd.f32 v12, v53;
	v18 =	vadd.f32 v48, v18  }
0x101: {  	v43 =	vld [tilespmem:$0x1000];
	v13 =	vadd.f32 v47, v13;
	v32 =	vadd.f32 v57, v32  }
0x102: {  	v53 =	vld [tilespmem:$0x1070];
	v34 =	vadd.f32 v56, v34;
	v56 =	vadd.f32 v61, v55  }
0x103: {  	v47 =	vld [tilespmem:$0xEF0];
	v57 =	vadd.f32 $0.0e+00, v62;
	v18 =	vadd.f32 v50, v18  }
0x104: {  	v48 =	vld [tilespmem:$0xF00];
	v13 =	vadd.f32 v49, v13;
	v32 =	vadd.f32 v59, v32  }
0x105: {  	v62 =	vld [tilespmem:$0xFC0];
	v34 =	vadd.f32 v58, v34;
	v59 =	vadd.f32 $0.0e+00, v19  }
0x106: {  	v49 =	vnsel vm0, $0x0, v51;
	v50 =	vld [tilespmem:$0xF10];
	v61 =	vadd.f32 v63, v57;
	v37 =	vadd.f32 $0.0e+00, v46  }
0x107: {  	v51 =	vld [tilespmem:$0xF20];
	v44 =	vadd.f32 $0.0e+00, v45;
	v18 =	vadd.f32 v49, v18  }
0x108: {  	v58 =	vld [tilespmem:$0xFA0];
	v3 =	vadd.f32 v3, v32;
	v34 =	vadd.f32 v60, v34  }
0x109: {  	v63 =	vld [tilespmem:$0xFD0];
	v14 =	vadd.f32 v21, v59;
	v10 =	vadd.f32 v23, v61  }
0x10a: {  	v26 =	vnsel vm0, $0x0, v20;
	v19 =	vld [tilespmem:$0xFE0];
	v20 =	vadd.f32 v48, v37;
	v22 =	vadd.f32 v47, v44  }
0x10b: {  	v32 =	vld [tilespmem:$0xF30];
	v3 =	vadd.f32 v5, v3;
	v2 =	vadd.f32 v2, v34  }
0x10c: {  	v60 =	vld [tilespmem:$0xFB0];
	v9 =	vadd.f32 v18, v13;
	v14 =	vadd.f32 v25, v14  }
0x10d: {  	v45 =	vld [tilespmem:$0x1010];
	v10 =	vadd.f32 v31, v10;
	v20 =	vadd.f32 v51, v20  }
0x10e: {  	v4 =	vnsel vm0, $0x0, v4;
	v46 =	vld [tilespmem:$0x1020];
	v22 =	vadd.f32 v50, v22;
	v58 =	vadd.f32 $0.0e+00, v58  }
0x10f: {  	v59 =	vld [tilespmem:$0x10A0];
	v3 =	vadd.f32 v4, v3;
	v14 =	vadd.f32 v28, v14  }
0x110: {  	v61 =	vld [tilespmem:$0x10B0];
	v10 =	vadd.f32 v30, v10;
	v20 =	vadd.f32 v52, v20  }
0x111: {  	v47 =	vld [tilespmem:$0x1030];
	v52 =	vadd.f32 v32, v22;
	v55 =	vadd.f32 $0.0e+00, v60  }
0x112: {  	v5 =	vld [tilespmem:$0xF70];
	v62 =	vadd.f32 v62, v58;
	v22 =	vadd.f32 $0.0e+00, v53  }
0x113: {  	v34 =	vld [tilespmem:$0xFF0];
	v2 =	vadd.f32 v3, v2;
	v3 =	vadd.f32 v16, v56  }
0x114: {  	v4 =	vld [tilespmem:$0xF90];
	v14 =	vadd.f32 v29, v14;
	v10 =	vadd.f32 v33, v10  }
0x115: {  	v8 =	vadd.f32 v54, v20;
	v54 =	vld [tilespmem:$0x1080];
	v6 =	vadd.f32 v6, v52  }
0x116: {  	(xrf2) =	vadd.scan.msk.f32 $0xffff, v0;
	v49 =	vnsel vm0, $0x0, v35;
	v48 =	vld [tilespmem:$0x1040];
	v60 =	vadd.f32 v63, v55;
	v3 =	vadd.f32 v17, v3  }
0x117: {  	v31 =	vld [tilespmem:$0x1100];
	v14 =	vadd.f32 v27, v14;
	v10 =	vadd.f32 v49, v10  }
0x118: {  	(xrf2) =	vadd.scan.msk.f32 $0xffff, v1;
	v56 =	vld [tilespmem:$0x1090];
	v57 =	vadd.f32 v11, v8;
	v5 =	vadd.f32 v5, v6  }
0x119: {  	v63 =	vld [tilespmem:$0x10C0];
	v17 =	vadd.f32 v34, v60;
	v3 =	vadd.f32 v26, v3  }
0x11a: {  	v50 =	vld [tilespmem:$0x1050];
	v4 =	vnsel vm0, $0x0, v4;
	v10 =	vadd.f32 v10, v14;
	v18 =	vadd.f32 $0.0e+00, v54  }
0x11b: {  	v29 =	vld [tilespmem:$0x10E0];
	v0 =	vadd.f32 v4, v57;
	v4 =	vadd.f32 v19, v62  }
0x11c: {  	(xrf2) =	vadd.scan.msk.f32 $0xffff, v15;
	v51 =	vld [tilespmem:$0x1060];
	v1 =	vadd.f32 v45, v17;
	v6 =	vadd.f32 v59, v18  }
0x11d: {  	v20 =	vld [tilespmem:$0x10D0];
	v13 =	vadd.f32 v56, v22;
	v3 =	vadd.f32 v3, v7  }
0x11e: {  	v30 =	vld [tilespmem:$0x10F0];
	(xrf2) =	vadd.scan.msk.f32 $0xffff, v9;
	v4 =	vadd.f32 v43, v4;
	v6 =	vadd.f32 v63, v6  }
0x11f: {  	v33 =	vld [tilespmem:$0x1120];
	v1 =	vadd.f32 v47, v1;
	v7 =	vadd.f32 v61, v13  }
0x120: {  	v36, _, _ =	vpop (xrf2);
	v35 =	vld [tilespmem:$0x1130];
	(xrf2) =	vadd.scan.msk.f32 $0xffff, v2;
	v0 =	vadd.f32 v0, v5;
	v34 =	vadd.f32 v29, v6  }
0x121: {  	v38 =	vbroadcast v36, $0xF;
	v32 =	vld [tilespmem:$0x1110];
	v4 =	vadd.f32 v46, v4;
	v1 =	vadd.f32 v50, v1  }
0x122: {  	v40, _, _ =	vpop (xrf2);
	v37 =	vnsel vm0, $0x0, v51;
	(xrf2) =	vadd.scan.msk.f32 $0xffff, v3;
	v7 =	vadd.f32 v20, v7;
	v2 =	vadd.f32 v31, v34  }
0x123: {  	v41 =	vbroadcast v40, $0xF;
	v4 =	vadd.f32 v48, v4;
	v1 =	vadd.f32 v37, v1  }
0x124: {  	v3 =	vnsel vm1, $0x0, v38;
	(xrf2) =	vadd.scan.msk.f32 $0xffff, v10;
	v39 =	vadd.f32 v30, v7;
	v2 =	vadd.f32 v33, v2  }
0x125: {  	v44 =	vadd.f32 $0.0e+00, v3;
	v6 =	vnsel vm0, $0x0, v35;
	v1 =	vadd.f32 v1, v4  }
0x126: {  	v42, _, _ =	vpop (xrf2);
	(xrf2) =	vadd.scan.msk.f32 $0xffff, v0;
	v5 =	vadd.f32 v32, v39;
	v43 =	vadd.f32 v6, v2  }
0x127: {  	v45 =	vnsel vm2, $0x0, v41;
	v46 =	vbroadcast v42, $0xF  }
0x128: {  	v47, _, _ =	vpop (xrf2);
	(xrf2) =	vadd.scan.msk.f32 $0xffff, v1;
	v2 =	vadd.f32 v45, v44;
	v0 =	vadd.f32 v43, v5  }
0x129: {  	v3 =	vbroadcast v47, $0xF;
	v48 =	vnsel vm3, $0x0, v46  }
0x12a: {  	v49, _, _ =	vpop (xrf2);
	v1 =	vadd.f32 v48, v2;
	(xrf2) =	vadd.scan.msk.f32 $0xffff, v0  }
0x12b: {  	v50 =	vnsel vm4, $0x0, v3;
	v2 =	vbroadcast v49, $0xF  }
0x12c: {  	v51, _, _ =	vpop (xrf2);
	v0 =	vadd.f32 v50, v1  }
0x12d: {  	v53 =	vbroadcast v51, $0xF;
	v52 =	vnsel vm5, $0x0, v2  }
0x12e: {  	v54, _, _ =	vpop (xrf2);
	v0 =	vadd.f32 v52, v0  }
0x12f: {  	v56 =	vbroadcast v54, $0xF;
	v55 =	vnsel vm6, $0x0, v53  }
0x130: {  	v57, _, _ =	vpop (xrf2);
	v0 =	vadd.f32 v55, v0  }
0x131: {  	v59 =	vbroadcast v57, $0xF;
	v58 =	vnsel vm7, $0x0, v56  }
0x132: {  	v60, _, _ =	vpop (xrf2);
	v0 =	vadd.f32 v58, v0  }
0x133: {  	v61 =	vnsel vm8, $0x0, v59;
	v62 =	vbroadcast v60, $0xF  }
0x134: {  	v0 =	vadd.f32 v61, v0;
	v63, _, _ =	vpop (xrf2)  }
0x135: {  	v2 =	vnsel vm9, $0x0, v62;
	v1 =	vbroadcast v63, $0xF  }
0x136: {  	v0 =	vadd.f32 v2, v0  }
0x137: {  	v1 =	vnsel vm10, $0x0, v1  }
0x138: {  	v0 =	vadd.f32 v1, v0  }
0x139: {  	p0 =	sne.s32 s6, $0x1  }
.Ltmp0:
0x13a: {  	[tilespmem:$0x1140] =	vst v0;
	(pc) =	sbr.rel @p0 .LBB2_1-.Ltmp0, $4  }
0x13b: {  	[hbm4b:s5+s2] =	stream.linear.scatter [tilespmem:s14], [sflag:$0x2], $0x10, $0x38;
	[tilespmem:$0x1150] =	vst v63  }
0x13c: {  	_ =	swait.ge [sflag:s7], $0x10  }
0x13d: {  	[sflag:s7] =	ssyncset.done $0x0  }
0x13e: {  	s6 =	sadd.s32 $0xFFFFFFFF, s6;
	[sflag:s7] =	ssyncadd.s32 $0xFFFFFFF0  }
0x13f: {  	_ =	sfence.sel $0x180000  }
0x140: {  	[bflag:$0x0] =	sbarrier.arrive $0xFFFF  }
0x141: {  	p0 =	sne.s32 s0, $0x0;
	_ =	strace $0x9000004A  }
0x142: {  	s0 =	sadd.s32 @!p0 $0x100000, s1;
	[bflag:$0x2] =	sbarrier.arrive $0xFFFF  }
0x143: {  	[sflag:s0] =	ssyncadd.tile.s32 @!p0 $0x1;
	_ =	shalt  }
.Lfunc_end2:
_tile_overlayer_lowered:
.L_overlay_start_2:
0x144: {  	(tag) =	ssettag $0x2  }
0x145: {  	s0 =	rddreg [dreg:$0x0];
	s2 =	stileid.u32  }
0x146: {  	s1 =	rddreg [dreg:$0x1];
	p0 =	sne.s32 s2, $0x0  }
0x147: {  	s3 =	rddreg [dreg:$0x2];
	[bflag:$0x3] =	sbarrier.arrive $0xFFFF;
	s2 =	simm.s32 @!p0 $0x1C02  }
0x148: {  	[timem:s3], [sflag:s2] =	dma.local @!p0 [hbm:s0], s1  }
0x149: {  	s0 =	simm.s32 @!p0 $0x2  }
0x14a: {  	_ =	swait.ge @!p0 [sflag:s0], s1  }
0x14b: {  	s1 =	ssub.s32 @!p0 $0x0, s1;
	[sflag:s0] =	ssyncset.done @!p0 $0x0  }
0x14c: {  	[sflag:s0] =	ssyncadd.s32 @!p0 s1  }
0x14d: {  	[bflag:$0x3] =	sbarrier.arrive $0xFFFF  }
0x14e: {  	_ =	shalt  }

</sc_bundles>
